<compile_context>
chip_gen: v7x
topology: tpu7x:2x2x1
jax: 0.10.2.dev20260603
libtpu: 0.0.44.dev20260713+nightly
codegen_flags: <defaults>
</compile_context>

<pallas_src>
import functools

import jax
import jax.numpy as jnp
import numpy as np
from jax import lax
from jax.experimental import pallas as pl
from jax.experimental.pallas import tpu as pltpu
from jax.experimental.pallas import tpu_sc as plsc

B = 16384
L = 200
V = 10000
D = 100
DPB = 128
RW = 64
N_OUT = 256

NC, NS = 2, 16
NW = NC * NS
ROWS_PER_W = B // NW
CB = 4
IDX_ROWS = 2 * CB
CHUNKS = ROWS_PER_W // CB
LANES = 16
I32_CH = RW // LANES
GRP = 10
NGRP = L // GRP

GROUP = 16
OUTER = CHUNKS // 2

_HI_MASK = np.int32(-65536)


def _widen_lo(v_i32):
    return plsc.bitcast(lax.shift_left(v_i32, 16), jnp.float32)


def _widen_hi(v_i32):
    return plsc.bitcast(lax.bitwise_and(v_i32, _HI_MASK), jnp.float32)


def _sc_bag(x_hbm, table_hbm, out_hbm, idx0a, idx0b, idx1a, idx1b,
            rows0, rows1, stage, gsem0, gsem1, isem):
    wid = lax.axis_index("s") * NC + lax.axis_index("c")
    obase0 = wid * ROWS_PER_W
    idx_b = ((idx0a, idx0b), (idx1a, idx1b))
    rows_b = (rows0, rows1)
    gsem_b = (gsem0, gsem1)
    SPLITS = ((0, 104), (104, 96))

    def fire_gathers(p):
        for rb in range(CB):
            for h in range(2):
                off, n = SPLITS[h]
                pltpu.async_copy(
                    table_hbm.at[idx_b[p][h].at[rb]],
                    rows_b[p].at[pl.ds(rb * L + off, n)],
                    gsem_b[p],
                )

    def wait_gathers(p):
        for rb in range(CB):
            for h in range(2):
                off, n = SPLITS[h]
                pltpu.make_async_copy(
                    table_hbm.at[idx_b[p][h].at[rb]],
                    rows_b[p].at[pl.ds(rb * L + off, n)],
                    gsem_b[p],
                ).wait()

    def _idx_copies(p, i):
        rowbase = obase0 + i * CB
        return [
            pltpu.make_async_copy(
                x_hbm.at[pl.ds(rowbase, CB), pl.ds(SPLITS[h][0], SPLITS[h][1])],
                idx_b[p][h], isem)
            for h in range(2)
        ]

    def fire_idx(p, i):
        for cp in _idx_copies(p, i):
            cp.start()

    def wait_idx(p, i):
        for cp in _idx_copies(p, i):
            cp.wait()

    fire_idx(0, 0)
    wait_idx(0, 0)
    fire_gathers(0)
    fire_idx(1, 1)

    def outer_body(go, _):
        for sub in range(2):
            i = 2 * go + sub
            p = sub
            q = 1 - sub
            wait_gathers(p)
            @pl.when(i < CHUNKS - 1)
            def _():
                wait_idx(q, i + 1)
                fire_gathers(q)

            @pl.when(i < CHUNKS - 2)
            def _():
                fire_idx(p, i + 2)

            srow = (i % GROUP) * CB
            for rb in range(CB):
                def grp_body(g, facc):
                    bacc = [jnp.zeros((2 * LANES,), jnp.bfloat16)
                            for _ in range(I32_CH)]
                    base = rb * L + g * GRP
                    for r in range(GRP):
                        for c in range(I32_CH):
                            v = rows_b[p][base + r, pl.ds(c * LANES, LANES)]
                            bacc[c] = bacc[c] + plsc.bitcast(v, jnp.bfloat16)
                    out = []
                    for c in range(I32_CH):
                        pv = plsc.bitcast(bacc[c], jnp.int32)
                        out.append(facc[2 * c] + _widen_lo(pv))
                        out.append(facc[2 * c + 1] + _widen_hi(pv))
                    return tuple(out)

                facc = lax.fori_loop(
                    0, NGRP, grp_body,
                    tuple(jnp.zeros((LANES,), jnp.float32)
                          for _ in range(2 * I32_CH)),
                )
                for c in range(2 * I32_CH):
                    stage[srow + rb, pl.ds(c * LANES, LANES)] = facc[c]
        @pl.when(go % (GROUP // 2) == (GROUP // 2) - 1)
        def _():
            grp = go // (GROUP // 2)
            pltpu.sync_copy(
                stage, out_hbm.at[pl.ds(obase0 + grp * (GROUP * CB),
                                        GROUP * CB)])
        return 0

    lax.fori_loop(0, OUTER, outer_body, 0)


def _pack_body(t_ref, o_ref):
    u = jax.lax.bitcast_convert_type(t_ref[...], jnp.uint32)
    lo = u[:, :64]
    hi = jnp.pad(u[:, 64:100], ((0, 0), (0, 28)))

    def _rne(v):
        return (v + jnp.uint32(0x7FFF) + ((v >> 16) & jnp.uint32(1))) >> 16

    w = _rne(lo) | (_rne(hi) << 16)
    o_ref[...] = jax.lax.bitcast_convert_type(w, jnp.int32)


def _mm_body(p_ref, w_ref, b_ref, o_ref):
    o_ref[...] = jnp.maximum(
        jnp.dot(p_ref[...], w_ref[...], preferred_element_type=jnp.float32)
        + b_ref[...],
        0.0,
    )


def _mk_perm():
    perm = np.zeros(DPB, np.int64)
    for c in range(DPB // 32):
        for k in range(16):
            j = 16 * c + k
            perm[32 * c + k] = j
            perm[32 * c + 16 + k] = j + 64 if j + 64 < D else 0
    return perm


_PERM = _mk_perm()


def kernel(x, table, W, b):
    PBM = 1000
    tpk = pl.pallas_call(
        _pack_body,
        grid=(V // PBM,),
        in_specs=[pl.BlockSpec((PBM, D), lambda i: (i, 0))],
        out_specs=pl.BlockSpec((PBM, RW), lambda i: (i, 0)),
        out_shape=jax.ShapeDtypeStruct((V, RW), jnp.int32),
    )(table)
    Wp = jnp.pad(W * (1.0 / L), ((0, DPB - D), (0, 0)))[_PERM, :]
    b2 = b.reshape(1, N_OUT)

    mesh = plsc.VectorSubcoreMesh(core_axis_name="c", subcore_axis_name="s")
    sc_fn = functools.partial(
        pl.kernel,
        mesh=mesh,
        compiler_params=pltpu.CompilerParams(use_tc_tiling_on_sc=False,
                                             needs_layout_passes=False),
        out_type=jax.ShapeDtypeStruct((B, DPB), jnp.float32),
        scratch_types=[
            pltpu.VMEM((CB, 104), jnp.int32),
            pltpu.VMEM((CB, 96), jnp.int32),
            pltpu.VMEM((CB, 104), jnp.int32),
            pltpu.VMEM((CB, 96), jnp.int32),
            pltpu.VMEM((CB * L, RW), jnp.int32),
            pltpu.VMEM((CB * L, RW), jnp.int32),
            pltpu.VMEM((GROUP * CB, DPB), jnp.float32),
            pltpu.SemaphoreType.DMA,
            pltpu.SemaphoreType.DMA,
            pltpu.SemaphoreType.DMA,
        ],
    )(_sc_bag)
    pooled = sc_fn(x, tpk)

    BM = 1024
    out = pl.pallas_call(
        _mm_body,
        grid=(B // BM,),
        in_specs=[
            pl.BlockSpec((BM, DPB), lambda i: (i, 0)),
            pl.BlockSpec((DPB, N_OUT), lambda i: (0, 0)),
            pl.BlockSpec((1, N_OUT), lambda i: (0, 0)),
        ],
        out_specs=pl.BlockSpec((BM, N_OUT), lambda i: (i, 0)),
        out_shape=jax.ShapeDtypeStruct((B, N_OUT), jnp.float32),
    )(pooled, Wp, b2)
    return out

# --- scband reference (transcript-rebuilt; emitter-appended) ---
"""Pipeline reference for scband-semantic-encoder-20237885898759 (READ-ONLY COPY).

The authoritative reference and input builder live on the scoring server;
editing this copy changes nothing except your own understanding.
"""

import jax, jax.numpy as jnp
import numpy as np

VOCAB = 10000
EMBED_DIM = 100
LATENT_DIM = 256

def setup_inputs(seed: int = 0) -> dict:
    key = jax.random.key(seed)
    k1, k2, k3, k4 = jax.random.split(key, 4)
    x = jax.random.randint(k1, (16384, 200), 0, VOCAB, dtype=jnp.int64 if jax.config.jax_enable_x64 else jnp.int32)
    table = jax.random.normal(k2, (VOCAB, EMBED_DIM), dtype=jnp.float32)
    W = jax.random.normal(k3, (EMBED_DIM, LATENT_DIM), dtype=jnp.float32) * (1.0 / np.sqrt(EMBED_DIM))
    b = jax.random.normal(k4, (LATENT_DIM,), dtype=jnp.float32) * 0.01
    return {"x": x, "table": table, "W": W, "b": b}

def reference(x, table, W, b):
    embedded = jnp.take(table, x, axis=0)            # [B, L, EMBED_DIM]
    embedded_avg = jnp.mean(embedded, axis=1)        # [B, EMBED_DIM]
    encoded = embedded_avg @ W + b                   # [B, LATENT_DIM]
    encoded = jax.nn.relu(encoded)
    return encoded

if __name__ == "__main__":
    import jax
    _d = setup_inputs()
    print(jax.jit(kernel)(*tuple(_d.values())))

</pallas_src>

<mosaic_0001>
#map = affine_map<(d0, d1) -> (0, 0)>
module attributes {stable_mosaic.version = 14 : i64} {
  func.func @_sc_bag(%arg0: i32, %arg1: i32, %arg2: memref<16384x200xi32, #tpu.memory_space<hbm>>, %arg3: memref<10000x64xi32, #tpu.memory_space<hbm>>, %arg4: memref<16384x128xf32, #tpu.memory_space<hbm>>, %arg5: memref<4x104xi32, #tpu.memory_space<vmem>>, %arg6: memref<4x96xi32, #tpu.memory_space<vmem>>, %arg7: memref<4x104xi32, #tpu.memory_space<vmem>>, %arg8: memref<4x96xi32, #tpu.memory_space<vmem>>, %arg9: memref<800x64xi32, #tpu.memory_space<vmem>>, %arg10: memref<800x64xi32, #tpu.memory_space<vmem>>, %arg11: memref<64x128xf32, #tpu.memory_space<vmem>>, %arg12: memref<!tpu.dma_semaphore, #tpu.memory_space<semaphore_mem>>, %arg13: memref<!tpu.dma_semaphore, #tpu.memory_space<semaphore_mem>>, %arg14: memref<!tpu.dma_semaphore, #tpu.memory_space<semaphore_mem>>) attributes {dimension_semantics = [#tpu.dimension_semantics<core_parallel>, #tpu.dimension_semantics<subcore_parallel>], iteration_bounds = array<i64: 2, 16>, scalar_prefetch = 0 : i64, scratch_operands = 10 : i64, tpu.core_type = #tpu.core_type<sc_vector_subcore>, window_params = [{transform_indices = #map}, {transform_indices = #map}, {transform_indices = #map}]} {
    %mul3A = arith.constant 2 : i32
    %mul3A_0 = arith.muli %arg1, %mul3A : i32
    %add3A = arith.addi %mul3A_0, %arg0 : i32
    %mul3A_1 = arith.constant 512 : i32
    %mul3A_2 = arith.muli %add3A, %mul3A_1 : i32
    %add3A_3 = arith.constant 0 : i32
    %add3A_4 = arith.addi %mul3A_2, %add3A_3 : i32
    %dma_start3A = arith.constant 0 : i32
    %dma_start3A_5 = tpu.memref_slice %arg2[%add3A_4, %dma_start3A] : memref<16384x200xi32, #tpu.memory_space<hbm>> -> memref<4x104xi32, #tpu.memory_space<hbm>>
    %dma_start3A_6 = arith.constant 0 : i32
    %dma_start3A_7 = tpu.memref_slice %arg2[%add3A_4, %dma_start3A_6] : memref<16384x200xi32, #tpu.memory_space<hbm>> -> memref<4x104xi32, #tpu.memory_space<hbm>>
    tpu.enqueue_dma source(%dma_start3A_7 : memref<4x104xi32, #tpu.memory_space<hbm>>) target(%arg5 : memref<4x104xi32, #tpu.memory_space<vmem>>) target_semaphore(%arg14 : memref<!tpu.dma_semaphore, #tpu.memory_space<semaphore_mem>>)
    %dma_start3A_8 = arith.constant 104 : i32
    %dma_start3A_9 = tpu.memref_slice %arg2[%add3A_4, %dma_start3A_8] : memref<16384x200xi32, #tpu.memory_space<hbm>> -> memref<4x96xi32, #tpu.memory_space<hbm>>
    %dma_start3A_10 = arith.constant 104 : i32
    %dma_start3A_11 = tpu.memref_slice %arg2[%add3A_4, %dma_start3A_10] : memref<16384x200xi32, #tpu.memory_space<hbm>> -> memref<4x96xi32, #tpu.memory_space<hbm>>
    tpu.enqueue_dma source(%dma_start3A_11 : memref<4x96xi32, #tpu.memory_space<hbm>>) target(%arg6 : memref<4x96xi32, #tpu.memory_space<vmem>>) target_semaphore(%arg14 : memref<!tpu.dma_semaphore, #tpu.memory_space<semaphore_mem>>)
    %add3A_12 = arith.constant 0 : i32
    %add3A_13 = arith.addi %mul3A_2, %add3A_12 : i32
    %dma_wait3A = arith.constant 0 : i32
    %dma_wait3A_14 = tpu.memref_slice %arg2[%add3A_13, %dma_wait3A] : memref<16384x200xi32, #tpu.memory_space<hbm>> -> memref<4x104xi32, #tpu.memory_space<hbm>>
    %dma_wait3A_15 = arith.constant 0 : i32
    %dma_wait3A_16 = tpu.memref_slice %arg2[%add3A_13, %dma_wait3A_15] : memref<16384x200xi32, #tpu.memory_space<hbm>> -> memref<4x104xi32, #tpu.memory_space<hbm>>
    tpu.wait_dma2 semaphore(%arg14 : memref<!tpu.dma_semaphore, #tpu.memory_space<semaphore_mem>>) src(%dma_wait3A_16 : memref<4x104xi32, #tpu.memory_space<hbm>>) dst(%arg5 : memref<4x104xi32, #tpu.memory_space<vmem>>)
    %dma_wait3A_17 = arith.constant 104 : i32
    %dma_wait3A_18 = tpu.memref_slice %arg2[%add3A_13, %dma_wait3A_17] : memref<16384x200xi32, #tpu.memory_space<hbm>> -> memref<4x96xi32, #tpu.memory_space<hbm>>
    %dma_wait3A_19 = arith.constant 104 : i32
    %dma_wait3A_20 = tpu.memref_slice %arg2[%add3A_13, %dma_wait3A_19] : memref<16384x200xi32, #tpu.memory_space<hbm>> -> memref<4x96xi32, #tpu.memory_space<hbm>>
    tpu.wait_dma2 semaphore(%arg14 : memref<!tpu.dma_semaphore, #tpu.memory_space<semaphore_mem>>) src(%dma_wait3A_20 : memref<4x96xi32, #tpu.memory_space<hbm>>) dst(%arg6 : memref<4x96xi32, #tpu.memory_space<vmem>>)
    %dma_start3A_21 = arith.constant 0 : i32
    %dma_start3A_22 = arith.constant 0 : i32
    %dma_start3A_23 = arith.constant 0 : i32
    %dma_start3A_24 = tpu.memref_slice %arg9[%dma_start3A_22, %dma_start3A_23] : memref<800x64xi32, #tpu.memory_space<vmem>> -> memref<104x64xi32, #tpu.memory_space<vmem>>
    %dma_start3A_25 = arith.constant 0 : i32
    %dma_start3A_26 = tpu.memref_slice %arg5[%dma_start3A_21, %dma_start3A_25] : memref<4x104xi32, #tpu.memory_space<vmem>> -> memref<1x104xi32, #tpu.memory_space<vmem>>
    %dma_start3A_27 = tpu.memref_squeeze %dma_start3A_26 : memref<1x104xi32, #tpu.memory_space<vmem>> -> memref<104xi32, #tpu.memory_space<vmem>>
    %dma_start3A_28 = arith.constant 0 : i32
    %dma_start3A_29 = arith.constant 0 : i32
    %dma_start3A_30 = tpu.memref_slice %arg3[%dma_start3A_28, %dma_start3A_29] : memref<10000x64xi32, #tpu.memory_space<hbm>> -> memref<10000x64xi32, #tpu.memory_space<hbm>>
    tpu.enqueue_indirect_dma source(%dma_start3A_30 : memref<10000x64xi32, #tpu.memory_space<hbm>>) target(%dma_start3A_24 : memref<104x64xi32, #tpu.memory_space<vmem>>) offsets(%dma_start3A_27 : memref<104xi32, #tpu.memory_space<vmem>>) semaphore(%arg12 : memref<!tpu.dma_semaphore, #tpu.memory_space<semaphore_mem>>)
    %dma_start3A_31 = arith.constant 0 : i32
    %dma_start3A_32 = arith.constant 104 : i32
    %dma_start3A_33 = arith.constant 0 : i32
    %dma_start3A_34 = tpu.memref_slice %arg9[%dma_start3A_32, %dma_start3A_33] : memref<800x64xi32, #tpu.memory_space<vmem>> -> memref<96x64xi32, #tpu.memory_space<vmem>>
    %dma_start3A_35 = arith.constant 0 : i32
    %dma_start3A_36 = tpu.memref_slice %arg6[%dma_start3A_31, %dma_start3A_35] : memref<4x96xi32, #tpu.memory_space<vmem>> -> memref<1x96xi32, #tpu.memory_space<vmem>>
    %dma_start3A_37 = tpu.memref_squeeze %dma_start3A_36 : memref<1x96xi32, #tpu.memory_space<vmem>> -> memref<96xi32, #tpu.memory_space<vmem>>
    %dma_start3A_38 = arith.constant 0 : i32
    %dma_start3A_39 = arith.constant 0 : i32
    %dma_start3A_40 = tpu.memref_slice %arg3[%dma_start3A_38, %dma_start3A_39] : memref<10000x64xi32, #tpu.memory_space<hbm>> -> memref<10000x64xi32, #tpu.memory_space<hbm>>
    tpu.enqueue_indirect_dma source(%dma_start3A_40 : memref<10000x64xi32, #tpu.memory_space<hbm>>) target(%dma_start3A_34 : memref<96x64xi32, #tpu.memory_space<vmem>>) offsets(%dma_start3A_37 : memref<96xi32, #tpu.memory_space<vmem>>) semaphore(%arg12 : memref<!tpu.dma_semaphore, #tpu.memory_space<semaphore_mem>>)
    %dma_start3A_41 = arith.constant 1 : i32
    %dma_start3A_42 = arith.constant 200 : i32
    %dma_start3A_43 = arith.constant 0 : i32
    %dma_start3A_44 = tpu.memref_slice %arg9[%dma_start3A_42, %dma_start3A_43] : memref<800x64xi32, #tpu.memory_space<vmem>> -> memref<104x64xi32, #tpu.memory_space<vmem>>
    %dma_start3A_45 = arith.constant 0 : i32
    %dma_start3A_46 = tpu.memref_slice %arg5[%dma_start3A_41, %dma_start3A_45] : memref<4x104xi32, #tpu.memory_space<vmem>> -> memref<1x104xi32, #tpu.memory_space<vmem>>
    %dma_start3A_47 = tpu.memref_squeeze %dma_start3A_46 : memref<1x104xi32, #tpu.memory_space<vmem>> -> memref<104xi32, #tpu.memory_space<vmem>>
    %dma_start3A_48 = arith.constant 0 : i32
    %dma_start3A_49 = arith.constant 0 : i32
    %dma_start3A_50 = tpu.memref_slice %arg3[%dma_start3A_48, %dma_start3A_49] : memref<10000x64xi32, #tpu.memory_space<hbm>> -> memref<10000x64xi32, #tpu.memory_space<hbm>>
    tpu.enqueue_indirect_dma source(%dma_start3A_50 : memref<10000x64xi32, #tpu.memory_space<hbm>>) target(%dma_start3A_44 : memref<104x64xi32, #tpu.memory_space<vmem>>) offsets(%dma_start3A_47 : memref<104xi32, #tpu.memory_space<vmem>>) semaphore(%arg12 : memref<!tpu.dma_semaphore, #tpu.memory_space<semaphore_mem>>)
    %dma_start3A_51 = arith.constant 1 : i32
    %dma_start3A_52 = arith.constant 304 : i32
    %dma_start3A_53 = arith.constant 0 : i32
    %dma_start3A_54 = tpu.memref_slice %arg9[%dma_start3A_52, %dma_start3A_53] : memref<800x64xi32, #tpu.memory_space<vmem>> -> memref<96x64xi32, #tpu.memory_space<vmem>>
    %dma_start3A_55 = arith.constant 0 : i32
    %dma_start3A_56 = tpu.memref_slice %arg6[%dma_start3A_51, %dma_start3A_55] : memref<4x96xi32, #tpu.memory_space<vmem>> -> memref<1x96xi32, #tpu.memory_space<vmem>>
    %dma_start3A_57 = tpu.memref_squeeze %dma_start3A_56 : memref<1x96xi32, #tpu.memory_space<vmem>> -> memref<96xi32, #tpu.memory_space<vmem>>
    %dma_start3A_58 = arith.constant 0 : i32
    %dma_start3A_59 = arith.constant 0 : i32
    %dma_start3A_60 = tpu.memref_slice %arg3[%dma_start3A_58, %dma_start3A_59] : memref<10000x64xi32, #tpu.memory_space<hbm>> -> memref<10000x64xi32, #tpu.memory_space<hbm>>
    tpu.enqueue_indirect_dma source(%dma_start3A_60 : memref<10000x64xi32, #tpu.memory_space<hbm>>) target(%dma_start3A_54 : memref<96x64xi32, #tpu.memory_space<vmem>>) offsets(%dma_start3A_57 : memref<96xi32, #tpu.memory_space<vmem>>) semaphore(%arg12 : memref<!tpu.dma_semaphore, #tpu.memory_space<semaphore_mem>>)
    %dma_start3A_61 = arith.constant 2 : i32
    %dma_start3A_62 = arith.constant 400 : i32
    %dma_start3A_63 = arith.constant 0 : i32
    %dma_start3A_64 = tpu.memref_slice %arg9[%dma_start3A_62, %dma_start3A_63] : memref<800x64xi32, #tpu.memory_space<vmem>> -> memref<104x64xi32, #tpu.memory_space<vmem>>
    %dma_start3A_65 = arith.constant 0 : i32
    %dma_start3A_66 = tpu.memref_slice %arg5[%dma_start3A_61, %dma_start3A_65] : memref<4x104xi32, #tpu.memory_space<vmem>> -> memref<1x104xi32, #tpu.memory_space<vmem>>
    %dma_start3A_67 = tpu.memref_squeeze %dma_start3A_66 : memref<1x104xi32, #tpu.memory_space<vmem>> -> memref<104xi32, #tpu.memory_space<vmem>>
    %dma_start3A_68 = arith.constant 0 : i32
    %dma_start3A_69 = arith.constant 0 : i32
    %dma_start3A_70 = tpu.memref_slice %arg3[%dma_start3A_68, %dma_start3A_69] : memref<10000x64xi32, #tpu.memory_space<hbm>> -> memref<10000x64xi32, #tpu.memory_space<hbm>>
    tpu.enqueue_indirect_dma source(%dma_start3A_70 : memref<10000x64xi32, #tpu.memory_space<hbm>>) target(%dma_start3A_64 : memref<104x64xi32, #tpu.memory_space<vmem>>) offsets(%dma_start3A_67 : memref<104xi32, #tpu.memory_space<vmem>>) semaphore(%arg12 : memref<!tpu.dma_semaphore, #tpu.memory_space<semaphore_mem>>)
    %dma_start3A_71 = arith.constant 2 : i32
    %dma_start3A_72 = arith.constant 504 : i32
    %dma_start3A_73 = arith.constant 0 : i32
    %dma_start3A_74 = tpu.memref_slice %arg9[%dma_start3A_72, %dma_start3A_73] : memref<800x64xi32, #tpu.memory_space<vmem>> -> memref<96x64xi32, #tpu.memory_space<vmem>>
    %dma_start3A_75 = arith.constant 0 : i32
    %dma_start3A_76 = tpu.memref_slice %arg6[%dma_start3A_71, %dma_start3A_75] : memref<4x96xi32, #tpu.memory_space<vmem>> -> memref<1x96xi32, #tpu.memory_space<vmem>>
    %dma_start3A_77 = tpu.memref_squeeze %dma_start3A_76 : memref<1x96xi32, #tpu.memory_space<vmem>> -> memref<96xi32, #tpu.memory_space<vmem>>
    %dma_start3A_78 = arith.constant 0 : i32
    %dma_start3A_79 = arith.constant 0 : i32
    %dma_start3A_80 = tpu.memref_slice %arg3[%dma_start3A_78, %dma_start3A_79] : memref<10000x64xi32, #tpu.memory_space<hbm>> -> memref<10000x64xi32, #tpu.memory_space<hbm>>
    tpu.enqueue_indirect_dma source(%dma_start3A_80 : memref<10000x64xi32, #tpu.memory_space<hbm>>) target(%dma_start3A_74 : memref<96x64xi32, #tpu.memory_space<vmem>>) offsets(%dma_start3A_77 : memref<96xi32, #tpu.memory_space<vmem>>) semaphore(%arg12 : memref<!tpu.dma_semaphore, #tpu.memory_space<semaphore_mem>>)
    %dma_start3A_81 = arith.constant 3 : i32
    %dma_start3A_82 = arith.constant 600 : i32
    %dma_start3A_83 = arith.constant 0 : i32
    %dma_start3A_84 = tpu.memref_slice %arg9[%dma_start3A_82, %dma_start3A_83] : memref<800x64xi32, #tpu.memory_space<vmem>> -> memref<104x64xi32, #tpu.memory_space<vmem>>
    %dma_start3A_85 = arith.constant 0 : i32
    %dma_start3A_86 = tpu.memref_slice %arg5[%dma_start3A_81, %dma_start3A_85] : memref<4x104xi32, #tpu.memory_space<vmem>> -> memref<1x104xi32, #tpu.memory_space<vmem>>
    %dma_start3A_87 = tpu.memref_squeeze %dma_start3A_86 : memref<1x104xi32, #tpu.memory_space<vmem>> -> memref<104xi32, #tpu.memory_space<vmem>>
    %dma_start3A_88 = arith.constant 0 : i32
    %dma_start3A_89 = arith.constant 0 : i32
    %dma_start3A_90 = tpu.memref_slice %arg3[%dma_start3A_88, %dma_start3A_89] : memref<10000x64xi32, #tpu.memory_space<hbm>> -> memref<10000x64xi32, #tpu.memory_space<hbm>>
    tpu.enqueue_indirect_dma source(%dma_start3A_90 : memref<10000x64xi32, #tpu.memory_space<hbm>>) target(%dma_start3A_84 : memref<104x64xi32, #tpu.memory_space<vmem>>) offsets(%dma_start3A_87 : memref<104xi32, #tpu.memory_space<vmem>>) semaphore(%arg12 : memref<!tpu.dma_semaphore, #tpu.memory_space<semaphore_mem>>)
    %dma_start3A_91 = arith.constant 3 : i32
    %dma_start3A_92 = arith.constant 704 : i32
    %dma_start3A_93 = arith.constant 0 : i32
    %dma_start3A_94 = tpu.memref_slice %arg9[%dma_start3A_92, %dma_start3A_93] : memref<800x64xi32, #tpu.memory_space<vmem>> -> memref<96x64xi32, #tpu.memory_space<vmem>>
    %dma_start3A_95 = arith.constant 0 : i32
    %dma_start3A_96 = tpu.memref_slice %arg6[%dma_start3A_91, %dma_start3A_95] : memref<4x96xi32, #tpu.memory_space<vmem>> -> memref<1x96xi32, #tpu.memory_space<vmem>>
    %dma_start3A_97 = tpu.memref_squeeze %dma_start3A_96 : memref<1x96xi32, #tpu.memory_space<vmem>> -> memref<96xi32, #tpu.memory_space<vmem>>
    %dma_start3A_98 = arith.constant 0 : i32
    %dma_start3A_99 = arith.constant 0 : i32
    %dma_start3A_100 = tpu.memref_slice %arg3[%dma_start3A_98, %dma_start3A_99] : memref<10000x64xi32, #tpu.memory_space<hbm>> -> memref<10000x64xi32, #tpu.memory_space<hbm>>
    tpu.enqueue_indirect_dma source(%dma_start3A_100 : memref<10000x64xi32, #tpu.memory_space<hbm>>) target(%dma_start3A_94 : memref<96x64xi32, #tpu.memory_space<vmem>>) offsets(%dma_start3A_97 : memref<96xi32, #tpu.memory_space<vmem>>) semaphore(%arg12 : memref<!tpu.dma_semaphore, #tpu.memory_space<semaphore_mem>>)
    %add3A_101 = arith.constant 4 : i32
    %add3A_102 = arith.addi %mul3A_2, %add3A_101 : i32
    %dma_start3A_103 = arith.constant 0 : i32
    %dma_start3A_104 = tpu.memref_slice %arg2[%add3A_102, %dma_start3A_103] : memref<16384x200xi32, #tpu.memory_space<hbm>> -> memref<4x104xi32, #tpu.memory_space<hbm>>
    %dma_start3A_105 = arith.constant 0 : i32
    %dma_start3A_106 = tpu.memref_slice %arg2[%add3A_102, %dma_start3A_105] : memref<16384x200xi32, #tpu.memory_space<hbm>> -> memref<4x104xi32, #tpu.memory_space<hbm>>
    tpu.enqueue_dma source(%dma_start3A_106 : memref<4x104xi32, #tpu.memory_space<hbm>>) target(%arg7 : memref<4x104xi32, #tpu.memory_space<vmem>>) target_semaphore(%arg14 : memref<!tpu.dma_semaphore, #tpu.memory_space<semaphore_mem>>)
    %dma_start3A_107 = arith.constant 104 : i32
    %dma_start3A_108 = tpu.memref_slice %arg2[%add3A_102, %dma_start3A_107] : memref<16384x200xi32, #tpu.memory_space<hbm>> -> memref<4x96xi32, #tpu.memory_space<hbm>>
    %dma_start3A_109 = arith.constant 104 : i32
    %dma_start3A_110 = tpu.memref_slice %arg2[%add3A_102, %dma_start3A_109] : memref<16384x200xi32, #tpu.memory_space<hbm>> -> memref<4x96xi32, #tpu.memory_space<hbm>>
    tpu.enqueue_dma source(%dma_start3A_110 : memref<4x96xi32, #tpu.memory_space<hbm>>) target(%arg8 : memref<4x96xi32, #tpu.memory_space<vmem>>) target_semaphore(%arg14 : memref<!tpu.dma_semaphore, #tpu.memory_space<semaphore_mem>>)
    %scan3A = arith.constant 0 : i32
    %scan3A_111 = arith.constant 0 : i32
    %scan3A_112 = arith.constant 64 : i32
    %scan3A_113 = arith.addi %scan3A_111, %scan3A_112 : i32
    %scan3A_114 = arith.constant 1 : i32
    %scan3A_115 = scf.for %scan3A_117 = %scan3A_111 to %scan3A_113 step %scan3A_114 iter_args(%scan3A_118 = %scan3A) -> (i32)  : i32 {
      %mul3A_119 = arith.constant 2 : i32
      %mul3A_120 = arith.muli %mul3A_119, %scan3A_117 : i32
      %add3A_121 = arith.constant 0 : i32
      %add3A_122 = arith.addi %mul3A_120, %add3A_121 : i32
      %dma_wait3A_123 = arith.constant 0 : i32
      %dma_wait3A_124 = arith.constant 0 : i32
      %dma_wait3A_125 = arith.constant 0 : i32
      %dma_wait3A_126 = tpu.memref_slice %arg9[%dma_wait3A_124, %dma_wait3A_125] : memref<800x64xi32, #tpu.memory_space<vmem>> -> memref<104x64xi32, #tpu.memory_space<vmem>>
      %dma_wait3A_127 = arith.constant 0 : i32
      %dma_wait3A_128 = tpu.memref_slice %arg5[%dma_wait3A_123, %dma_wait3A_127] : memref<4x104xi32, #tpu.memory_space<vmem>> -> memref<1x104xi32, #tpu.memory_space<vmem>>
      %dma_wait3A_129 = tpu.memref_squeeze %dma_wait3A_128 : memref<1x104xi32, #tpu.memory_space<vmem>> -> memref<104xi32, #tpu.memory_space<vmem>>
      %dma_wait3A_130 = arith.constant 0 : i32
      %dma_wait3A_131 = arith.constant 0 : i32
      %dma_wait3A_132 = tpu.memref_slice %arg3[%dma_wait3A_130, %dma_wait3A_131] : memref<10000x64xi32, #tpu.memory_space<hbm>> -> memref<10000x64xi32, #tpu.memory_space<hbm>>
      tpu.wait_indirect_dma semaphore(%arg12 : memref<!tpu.dma_semaphore, #tpu.memory_space<semaphore_mem>>) src(%dma_wait3A_132 : memref<10000x64xi32, #tpu.memory_space<hbm>>) dst(%dma_wait3A_126 : memref<104x64xi32, #tpu.memory_space<vmem>>)
      %dma_wait3A_133 = arith.constant 0 : i32
      %dma_wait3A_134 = arith.constant 104 : i32
      %dma_wait3A_135 = arith.constant 0 : i32
      %dma_wait3A_136 = tpu.memref_slice %arg9[%dma_wait3A_134, %dma_wait3A_135] : memref<800x64xi32, #tpu.memory_space<vmem>> -> memref<96x64xi32, #tpu.memory_space<vmem>>
      %dma_wait3A_137 = arith.constant 0 : i32
      %dma_wait3A_138 = tpu.memref_slice %arg6[%dma_wait3A_133, %dma_wait3A_137] : memref<4x96xi32, #tpu.memory_space<vmem>> -> memref<1x96xi32, #tpu.memory_space<vmem>>
      %dma_wait3A_139 = tpu.memref_squeeze %dma_wait3A_138 : memref<1x96xi32, #tpu.memory_space<vmem>> -> memref<96xi32, #tpu.memory_space<vmem>>
      %dma_wait3A_140 = arith.constant 0 : i32
      %dma_wait3A_141 = arith.constant 0 : i32
      %dma_wait3A_142 = tpu.memref_slice %arg3[%dma_wait3A_140, %dma_wait3A_141] : memref<10000x64xi32, #tpu.memory_space<hbm>> -> memref<10000x64xi32, #tpu.memory_space<hbm>>
      tpu.wait_indirect_dma semaphore(%arg12 : memref<!tpu.dma_semaphore, #tpu.memory_space<semaphore_mem>>) src(%dma_wait3A_142 : memref<10000x64xi32, #tpu.memory_space<hbm>>) dst(%dma_wait3A_136 : memref<96x64xi32, #tpu.memory_space<vmem>>)
      %dma_wait3A_143 = arith.constant 1 : i32
      %dma_wait3A_144 = arith.constant 200 : i32
      %dma_wait3A_145 = arith.constant 0 : i32
      %dma_wait3A_146 = tpu.memref_slice %arg9[%dma_wait3A_144, %dma_wait3A_145] : memref<800x64xi32, #tpu.memory_space<vmem>> -> memref<104x64xi32, #tpu.memory_space<vmem>>
      %dma_wait3A_147 = arith.constant 0 : i32
      %dma_wait3A_148 = tpu.memref_slice %arg5[%dma_wait3A_143, %dma_wait3A_147] : memref<4x104xi32, #tpu.memory_space<vmem>> -> memref<1x104xi32, #tpu.memory_space<vmem>>
      %dma_wait3A_149 = tpu.memref_squeeze %dma_wait3A_148 : memref<1x104xi32, #tpu.memory_space<vmem>> -> memref<104xi32, #tpu.memory_space<vmem>>
      %dma_wait3A_150 = arith.constant 0 : i32
      %dma_wait3A_151 = arith.constant 0 : i32
      %dma_wait3A_152 = tpu.memref_slice %arg3[%dma_wait3A_150, %dma_wait3A_151] : memref<10000x64xi32, #tpu.memory_space<hbm>> -> memref<10000x64xi32, #tpu.memory_space<hbm>>
      tpu.wait_indirect_dma semaphore(%arg12 : memref<!tpu.dma_semaphore, #tpu.memory_space<semaphore_mem>>) src(%dma_wait3A_152 : memref<10000x64xi32, #tpu.memory_space<hbm>>) dst(%dma_wait3A_146 : memref<104x64xi32, #tpu.memory_space<vmem>>)
      %dma_wait3A_153 = arith.constant 1 : i32
      %dma_wait3A_154 = arith.constant 304 : i32
      %dma_wait3A_155 = arith.constant 0 : i32
      %dma_wait3A_156 = tpu.memref_slice %arg9[%dma_wait3A_154, %dma_wait3A_155] : memref<800x64xi32, #tpu.memory_space<vmem>> -> memref<96x64xi32, #tpu.memory_space<vmem>>
      %dma_wait3A_157 = arith.constant 0 : i32
      %dma_wait3A_158 = tpu.memref_slice %arg6[%dma_wait3A_153, %dma_wait3A_157] : memref<4x96xi32, #tpu.memory_space<vmem>> -> memref<1x96xi32, #tpu.memory_space<vmem>>
      %dma_wait3A_159 = tpu.memref_squeeze %dma_wait3A_158 : memref<1x96xi32, #tpu.memory_space<vmem>> -> memref<96xi32, #tpu.memory_space<vmem>>
      %dma_wait3A_160 = arith.constant 0 : i32
      %dma_wait3A_161 = arith.constant 0 : i32
      %dma_wait3A_162 = tpu.memref_slice %arg3[%dma_wait3A_160, %dma_wait3A_161] : memref<10000x64xi32, #tpu.memory_space<hbm>> -> memref<10000x64xi32, #tpu.memory_space<hbm>>
      tpu.wait_indirect_dma semaphore(%arg12 : memref<!tpu.dma_semaphore, #tpu.memory_space<semaphore_mem>>) src(%dma_wait3A_162 : memref<10000x64xi32, #tpu.memory_space<hbm>>) dst(%dma_wait3A_156 : memref<96x64xi32, #tpu.memory_space<vmem>>)
      %dma_wait3A_163 = arith.constant 2 : i32
      %dma_wait3A_164 = arith.constant 400 : i32
      %dma_wait3A_165 = arith.constant 0 : i32
      %dma_wait3A_166 = tpu.memref_slice %arg9[%dma_wait3A_164, %dma_wait3A_165] : memref<800x64xi32, #tpu.memory_space<vmem>> -> memref<104x64xi32, #tpu.memory_space<vmem>>
      %dma_wait3A_167 = arith.constant 0 : i32
      %dma_wait3A_168 = tpu.memref_slice %arg5[%dma_wait3A_163, %dma_wait3A_167] : memref<4x104xi32, #tpu.memory_space<vmem>> -> memref<1x104xi32, #tpu.memory_space<vmem>>
      %dma_wait3A_169 = tpu.memref_squeeze %dma_wait3A_168 : memref<1x104xi32, #tpu.memory_space<vmem>> -> memref<104xi32, #tpu.memory_space<vmem>>
      %dma_wait3A_170 = arith.constant 0 : i32
      %dma_wait3A_171 = arith.constant 0 : i32
      %dma_wait3A_172 = tpu.memref_slice %arg3[%dma_wait3A_170, %dma_wait3A_171] : memref<10000x64xi32, #tpu.memory_space<hbm>> -> memref<10000x64xi32, #tpu.memory_space<hbm>>
      tpu.wait_indirect_dma semaphore(%arg12 : memref<!tpu.dma_semaphore, #tpu.memory_space<semaphore_mem>>) src(%dma_wait3A_172 : memref<10000x64xi32, #tpu.memory_space<hbm>>) dst(%dma_wait3A_166 : memref<104x64xi32, #tpu.memory_space<vmem>>)
      %dma_wait3A_173 = arith.constant 2 : i32
      %dma_wait3A_174 = arith.constant 504 : i32
      %dma_wait3A_175 = arith.constant 0 : i32
      %dma_wait3A_176 = tpu.memref_slice %arg9[%dma_wait3A_174, %dma_wait3A_175] : memref<800x64xi32, #tpu.memory_space<vmem>> -> memref<96x64xi32, #tpu.memory_space<vmem>>
      %dma_wait3A_177 = arith.constant 0 : i32
      %dma_wait3A_178 = tpu.memref_slice %arg6[%dma_wait3A_173, %dma_wait3A_177] : memref<4x96xi32, #tpu.memory_space<vmem>> -> memref<1x96xi32, #tpu.memory_space<vmem>>
      %dma_wait3A_179 = tpu.memref_squeeze %dma_wait3A_178 : memref<1x96xi32, #tpu.memory_space<vmem>> -> memref<96xi32, #tpu.memory_space<vmem>>
      %dma_wait3A_180 = arith.constant 0 : i32
      %dma_wait3A_181 = arith.constant 0 : i32
      %dma_wait3A_182 = tpu.memref_slice %arg3[%dma_wait3A_180, %dma_wait3A_181] : memref<10000x64xi32, #tpu.memory_space<hbm>> -> memref<10000x64xi32, #tpu.memory_space<hbm>>
      tpu.wait_indirect_dma semaphore(%arg12 : memref<!tpu.dma_semaphore, #tpu.memory_space<semaphore_mem>>) src(%dma_wait3A_182 : memref<10000x64xi32, #tpu.memory_space<hbm>>) dst(%dma_wait3A_176 : memref<96x64xi32, #tpu.memory_space<vmem>>)
      %dma_wait3A_183 = arith.constant 3 : i32
      %dma_wait3A_184 = arith.constant 600 : i32
      %dma_wait3A_185 = arith.constant 0 : i32
      %dma_wait3A_186 = tpu.memref_slice %arg9[%dma_wait3A_184, %dma_wait3A_185] : memref<800x64xi32, #tpu.memory_space<vmem>> -> memref<104x64xi32, #tpu.memory_space<vmem>>
      %dma_wait3A_187 = arith.constant 0 : i32
      %dma_wait3A_188 = tpu.memref_slice %arg5[%dma_wait3A_183, %dma_wait3A_187] : memref<4x104xi32, #tpu.memory_space<vmem>> -> memref<1x104xi32, #tpu.memory_space<vmem>>
      %dma_wait3A_189 = tpu.memref_squeeze %dma_wait3A_188 : memref<1x104xi32, #tpu.memory_space<vmem>> -> memref<104xi32, #tpu.memory_space<vmem>>
      %dma_wait3A_190 = arith.constant 0 : i32
      %dma_wait3A_191 = arith.constant 0 : i32
      %dma_wait3A_192 = tpu.memref_slice %arg3[%dma_wait3A_190, %dma_wait3A_191] : memref<10000x64xi32, #tpu.memory_space<hbm>> -> memref<10000x64xi32, #tpu.memory_space<hbm>>
      tpu.wait_indirect_dma semaphore(%arg12 : memref<!tpu.dma_semaphore, #tpu.memory_space<semaphore_mem>>) src(%dma_wait3A_192 : memref<10000x64xi32, #tpu.memory_space<hbm>>) dst(%dma_wait3A_186 : memref<104x64xi32, #tpu.memory_space<vmem>>)
      %dma_wait3A_193 = arith.constant 3 : i32
      %dma_wait3A_194 = arith.constant 704 : i32
      %dma_wait3A_195 = arith.constant 0 : i32
      %dma_wait3A_196 = tpu.memref_slice %arg9[%dma_wait3A_194, %dma_wait3A_195] : memref<800x64xi32, #tpu.memory_space<vmem>> -> memref<96x64xi32, #tpu.memory_space<vmem>>
      %dma_wait3A_197 = arith.constant 0 : i32
      %dma_wait3A_198 = tpu.memref_slice %arg6[%dma_wait3A_193, %dma_wait3A_197] : memref<4x96xi32, #tpu.memory_space<vmem>> -> memref<1x96xi32, #tpu.memory_space<vmem>>
      %dma_wait3A_199 = tpu.memref_squeeze %dma_wait3A_198 : memref<1x96xi32, #tpu.memory_space<vmem>> -> memref<96xi32, #tpu.memory_space<vmem>>
      %dma_wait3A_200 = arith.constant 0 : i32
      %dma_wait3A_201 = arith.constant 0 : i32
      %dma_wait3A_202 = tpu.memref_slice %arg3[%dma_wait3A_200, %dma_wait3A_201] : memref<10000x64xi32, #tpu.memory_space<hbm>> -> memref<10000x64xi32, #tpu.memory_space<hbm>>
      tpu.wait_indirect_dma semaphore(%arg12 : memref<!tpu.dma_semaphore, #tpu.memory_space<semaphore_mem>>) src(%dma_wait3A_202 : memref<10000x64xi32, #tpu.memory_space<hbm>>) dst(%dma_wait3A_196 : memref<96x64xi32, #tpu.memory_space<vmem>>)
      %lt3A = arith.constant 127 : i32
      %lt3A_203 = arith.cmpi slt, %add3A_122, %lt3A : i32
      %convert_element_type3A = arith.extui %lt3A_203 : i1 to i32
      %cond3A = arith.constant 0 : i32
      %cond3A_204 = arith.cmpi ne, %convert_element_type3A, %cond3A : i32
      scf.if %cond3A_204 {
        %add3A_850 = arith.constant 1 : i32
        %add3A_851 = arith.addi %add3A_122, %add3A_850 : i32
        %mul3A_852 = arith.constant 4 : i32
        %mul3A_853 = arith.muli %add3A_851, %mul3A_852 : i32
        %add3A_854 = arith.addi %mul3A_2, %mul3A_853 : i32
        %dma_wait3A_855 = arith.constant 0 : i32
        %dma_wait3A_856 = tpu.memref_slice %arg2[%add3A_854, %dma_wait3A_855] : memref<16384x200xi32, #tpu.memory_space<hbm>> -> memref<4x104xi32, #tpu.memory_space<hbm>>
        %dma_wait3A_857 = arith.constant 0 : i32
        %dma_wait3A_858 = tpu.memref_slice %arg2[%add3A_854, %dma_wait3A_857] : memref<16384x200xi32, #tpu.memory_space<hbm>> -> memref<4x104xi32, #tpu.memory_space<hbm>>
        tpu.wait_dma2 semaphore(%arg14 : memref<!tpu.dma_semaphore, #tpu.memory_space<semaphore_mem>>) src(%dma_wait3A_858 : memref<4x104xi32, #tpu.memory_space<hbm>>) dst(%arg7 : memref<4x104xi32, #tpu.memory_space<vmem>>)
        %dma_wait3A_859 = arith.constant 104 : i32
        %dma_wait3A_860 = tpu.memref_slice %arg2[%add3A_854, %dma_wait3A_859] : memref<16384x200xi32, #tpu.memory_space<hbm>> -> memref<4x96xi32, #tpu.memory_space<hbm>>
        %dma_wait3A_861 = arith.constant 104 : i32
        %dma_wait3A_862 = tpu.memref_slice %arg2[%add3A_854, %dma_wait3A_861] : memref<16384x200xi32, #tpu.memory_space<hbm>> -> memref<4x96xi32, #tpu.memory_space<hbm>>
        tpu.wait_dma2 semaphore(%arg14 : memref<!tpu.dma_semaphore, #tpu.memory_space<semaphore_mem>>) src(%dma_wait3A_862 : memref<4x96xi32, #tpu.memory_space<hbm>>) dst(%arg8 : memref<4x96xi32, #tpu.memory_space<vmem>>)
        %dma_start3A_863 = arith.constant 0 : i32
        %dma_start3A_864 = arith.constant 0 : i32
        %dma_start3A_865 = arith.constant 0 : i32
        %dma_start3A_866 = tpu.memref_slice %arg10[%dma_start3A_864, %dma_start3A_865] : memref<800x64xi32, #tpu.memory_space<vmem>> -> memref<104x64xi32, #tpu.memory_space<vmem>>
        %dma_start3A_867 = arith.constant 0 : i32
        %dma_start3A_868 = tpu.memref_slice %arg7[%dma_start3A_863, %dma_start3A_867] : memref<4x104xi32, #tpu.memory_space<vmem>> -> memref<1x104xi32, #tpu.memory_space<vmem>>
        %dma_start3A_869 = tpu.memref_squeeze %dma_start3A_868 : memref<1x104xi32, #tpu.memory_space<vmem>> -> memref<104xi32, #tpu.memory_space<vmem>>
        %dma_start3A_870 = arith.constant 0 : i32
        %dma_start3A_871 = arith.constant 0 : i32
        %dma_start3A_872 = tpu.memref_slice %arg3[%dma_start3A_870, %dma_start3A_871] : memref<10000x64xi32, #tpu.memory_space<hbm>> -> memref<10000x64xi32, #tpu.memory_space<hbm>>
        tpu.enqueue_indirect_dma source(%dma_start3A_872 : memref<10000x64xi32, #tpu.memory_space<hbm>>) target(%dma_start3A_866 : memref<104x64xi32, #tpu.memory_space<vmem>>) offsets(%dma_start3A_869 : memref<104xi32, #tpu.memory_space<vmem>>) semaphore(%arg13 : memref<!tpu.dma_semaphore, #tpu.memory_space<semaphore_mem>>)
        %dma_start3A_873 = arith.constant 0 : i32
        %dma_start3A_874 = arith.constant 104 : i32
        %dma_start3A_875 = arith.constant 0 : i32
        %dma_start3A_876 = tpu.memref_slice %arg10[%dma_start3A_874, %dma_start3A_875] : memref<800x64xi32, #tpu.memory_space<vmem>> -> memref<96x64xi32, #tpu.memory_space<vmem>>
        %dma_start3A_877 = arith.constant 0 : i32
        %dma_start3A_878 = tpu.memref_slice %arg8[%dma_start3A_873, %dma_start3A_877] : memref<4x96xi32, #tpu.memory_space<vmem>> -> memref<1x96xi32, #tpu.memory_space<vmem>>
        %dma_start3A_879 = tpu.memref_squeeze %dma_start3A_878 : memref<1x96xi32, #tpu.memory_space<vmem>> -> memref<96xi32, #tpu.memory_space<vmem>>
        %dma_start3A_880 = arith.constant 0 : i32
        %dma_start3A_881 = arith.constant 0 : i32
        %dma_start3A_882 = tpu.memref_slice %arg3[%dma_start3A_880, %dma_start3A_881] : memref<10000x64xi32, #tpu.memory_space<hbm>> -> memref<10000x64xi32, #tpu.memory_space<hbm>>
        tpu.enqueue_indirect_dma source(%dma_start3A_882 : memref<10000x64xi32, #tpu.memory_space<hbm>>) target(%dma_start3A_876 : memref<96x64xi32, #tpu.memory_space<vmem>>) offsets(%dma_start3A_879 : memref<96xi32, #tpu.memory_space<vmem>>) semaphore(%arg13 : memref<!tpu.dma_semaphore, #tpu.memory_space<semaphore_mem>>)
        %dma_start3A_883 = arith.constant 1 : i32
        %dma_start3A_884 = arith.constant 200 : i32
        %dma_start3A_885 = arith.constant 0 : i32
        %dma_start3A_886 = tpu.memref_slice %arg10[%dma_start3A_884, %dma_start3A_885] : memref<800x64xi32, #tpu.memory_space<vmem>> -> memref<104x64xi32, #tpu.memory_space<vmem>>
        %dma_start3A_887 = arith.constant 0 : i32
        %dma_start3A_888 = tpu.memref_slice %arg7[%dma_start3A_883, %dma_start3A_887] : memref<4x104xi32, #tpu.memory_space<vmem>> -> memref<1x104xi32, #tpu.memory_space<vmem>>
        %dma_start3A_889 = tpu.memref_squeeze %dma_start3A_888 : memref<1x104xi32, #tpu.memory_space<vmem>> -> memref<104xi32, #tpu.memory_space<vmem>>
        %dma_start3A_890 = arith.constant 0 : i32
        %dma_start3A_891 = arith.constant 0 : i32
        %dma_start3A_892 = tpu.memref_slice %arg3[%dma_start3A_890, %dma_start3A_891] : memref<10000x64xi32, #tpu.memory_space<hbm>> -> memref<10000x64xi32, #tpu.memory_space<hbm>>
        tpu.enqueue_indirect_dma source(%dma_start3A_892 : memref<10000x64xi32, #tpu.memory_space<hbm>>) target(%dma_start3A_886 : memref<104x64xi32, #tpu.memory_space<vmem>>) offsets(%dma_start3A_889 : memref<104xi32, #tpu.memory_space<vmem>>) semaphore(%arg13 : memref<!tpu.dma_semaphore, #tpu.memory_space<semaphore_mem>>)
        %dma_start3A_893 = arith.constant 1 : i32
        %dma_start3A_894 = arith.constant 304 : i32
        %dma_start3A_895 = arith.constant 0 : i32
        %dma_start3A_896 = tpu.memref_slice %arg10[%dma_start3A_894, %dma_start3A_895] : memref<800x64xi32, #tpu.memory_space<vmem>> -> memref<96x64xi32, #tpu.memory_space<vmem>>
        %dma_start3A_897 = arith.constant 0 : i32
        %dma_start3A_898 = tpu.memref_slice %arg8[%dma_start3A_893, %dma_start3A_897] : memref<4x96xi32, #tpu.memory_space<vmem>> -> memref<1x96xi32, #tpu.memory_space<vmem>>
        %dma_start3A_899 = tpu.memref_squeeze %dma_start3A_898 : memref<1x96xi32, #tpu.memory_space<vmem>> -> memref<96xi32, #tpu.memory_space<vmem>>
        %dma_start3A_900 = arith.constant 0 : i32
        %dma_start3A_901 = arith.constant 0 : i32
        %dma_start3A_902 = tpu.memref_slice %arg3[%dma_start3A_900, %dma_start3A_901] : memref<10000x64xi32, #tpu.memory_space<hbm>> -> memref<10000x64xi32, #tpu.memory_space<hbm>>
        tpu.enqueue_indirect_dma source(%dma_start3A_902 : memref<10000x64xi32, #tpu.memory_space<hbm>>) target(%dma_start3A_896 : memref<96x64xi32, #tpu.memory_space<vmem>>) offsets(%dma_start3A_899 : memref<96xi32, #tpu.memory_space<vmem>>) semaphore(%arg13 : memref<!tpu.dma_semaphore, #tpu.memory_space<semaphore_mem>>)
        %dma_start3A_903 = arith.constant 2 : i32
        %dma_start3A_904 = arith.constant 400 : i32
        %dma_start3A_905 = arith.constant 0 : i32
        %dma_start3A_906 = tpu.memref_slice %arg10[%dma_start3A_904, %dma_start3A_905] : memref<800x64xi32, #tpu.memory_space<vmem>> -> memref<104x64xi32, #tpu.memory_space<vmem>>
        %dma_start3A_907 = arith.constant 0 : i32
        %dma_start3A_908 = tpu.memref_slice %arg7[%dma_start3A_903, %dma_start3A_907] : memref<4x104xi32, #tpu.memory_space<vmem>> -> memref<1x104xi32, #tpu.memory_space<vmem>>
        %dma_start3A_909 = tpu.memref_squeeze %dma_start3A_908 : memref<1x104xi32, #tpu.memory_space<vmem>> -> memref<104xi32, #tpu.memory_space<vmem>>
        %dma_start3A_910 = arith.constant 0 : i32
        %dma_start3A_911 = arith.constant 0 : i32
        %dma_start3A_912 = tpu.memref_slice %arg3[%dma_start3A_910, %dma_start3A_911] : memref<10000x64xi32, #tpu.memory_space<hbm>> -> memref<10000x64xi32, #tpu.memory_space<hbm>>
        tpu.enqueue_indirect_dma source(%dma_start3A_912 : memref<10000x64xi32, #tpu.memory_space<hbm>>) target(%dma_start3A_906 : memref<104x64xi32, #tpu.memory_space<vmem>>) offsets(%dma_start3A_909 : memref<104xi32, #tpu.memory_space<vmem>>) semaphore(%arg13 : memref<!tpu.dma_semaphore, #tpu.memory_space<semaphore_mem>>)
        %dma_start3A_913 = arith.constant 2 : i32
        %dma_start3A_914 = arith.constant 504 : i32
        %dma_start3A_915 = arith.constant 0 : i32
        %dma_start3A_916 = tpu.memref_slice %arg10[%dma_start3A_914, %dma_start3A_915] : memref<800x64xi32, #tpu.memory_space<vmem>> -> memref<96x64xi32, #tpu.memory_space<vmem>>
        %dma_start3A_917 = arith.constant 0 : i32
        %dma_start3A_918 = tpu.memref_slice %arg8[%dma_start3A_913, %dma_start3A_917] : memref<4x96xi32, #tpu.memory_space<vmem>> -> memref<1x96xi32, #tpu.memory_space<vmem>>
        %dma_start3A_919 = tpu.memref_squeeze %dma_start3A_918 : memref<1x96xi32, #tpu.memory_space<vmem>> -> memref<96xi32, #tpu.memory_space<vmem>>
        %dma_start3A_920 = arith.constant 0 : i32
        %dma_start3A_921 = arith.constant 0 : i32
        %dma_start3A_922 = tpu.memref_slice %arg3[%dma_start3A_920, %dma_start3A_921] : memref<10000x64xi32, #tpu.memory_space<hbm>> -> memref<10000x64xi32, #tpu.memory_space<hbm>>
        tpu.enqueue_indirect_dma source(%dma_start3A_922 : memref<10000x64xi32, #tpu.memory_space<hbm>>) target(%dma_start3A_916 : memref<96x64xi32, #tpu.memory_space<vmem>>) offsets(%dma_start3A_919 : memref<96xi32, #tpu.memory_space<vmem>>) semaphore(%arg13 : memref<!tpu.dma_semaphore, #tpu.memory_space<semaphore_mem>>)
        %dma_start3A_923 = arith.constant 3 : i32
        %dma_start3A_924 = arith.constant 600 : i32
        %dma_start3A_925 = arith.constant 0 : i32
        %dma_start3A_926 = tpu.memref_slice %arg10[%dma_start3A_924, %dma_start3A_925] : memref<800x64xi32, #tpu.memory_space<vmem>> -> memref<104x64xi32, #tpu.memory_space<vmem>>
        %dma_start3A_927 = arith.constant 0 : i32
        %dma_start3A_928 = tpu.memref_slice %arg7[%dma_start3A_923, %dma_start3A_927] : memref<4x104xi32, #tpu.memory_space<vmem>> -> memref<1x104xi32, #tpu.memory_space<vmem>>
        %dma_start3A_929 = tpu.memref_squeeze %dma_start3A_928 : memref<1x104xi32, #tpu.memory_space<vmem>> -> memref<104xi32, #tpu.memory_space<vmem>>
        %dma_start3A_930 = arith.constant 0 : i32
        %dma_start3A_931 = arith.constant 0 : i32
        %dma_start3A_932 = tpu.memref_slice %arg3[%dma_start3A_930, %dma_start3A_931] : memref<10000x64xi32, #tpu.memory_space<hbm>> -> memref<10000x64xi32, #tpu.memory_space<hbm>>
        tpu.enqueue_indirect_dma source(%dma_start3A_932 : memref<10000x64xi32, #tpu.memory_space<hbm>>) target(%dma_start3A_926 : memref<104x64xi32, #tpu.memory_space<vmem>>) offsets(%dma_start3A_929 : memref<104xi32, #tpu.memory_space<vmem>>) semaphore(%arg13 : memref<!tpu.dma_semaphore, #tpu.memory_space<semaphore_mem>>)
        %dma_start3A_933 = arith.constant 3 : i32
        %dma_start3A_934 = arith.constant 704 : i32
        %dma_start3A_935 = arith.constant 0 : i32
        %dma_start3A_936 = tpu.memref_slice %arg10[%dma_start3A_934, %dma_start3A_935] : memref<800x64xi32, #tpu.memory_space<vmem>> -> memref<96x64xi32, #tpu.memory_space<vmem>>
        %dma_start3A_937 = arith.constant 0 : i32
        %dma_start3A_938 = tpu.memref_slice %arg8[%dma_start3A_933, %dma_start3A_937] : memref<4x96xi32, #tpu.memory_space<vmem>> -> memref<1x96xi32, #tpu.memory_space<vmem>>
        %dma_start3A_939 = tpu.memref_squeeze %dma_start3A_938 : memref<1x96xi32, #tpu.memory_space<vmem>> -> memref<96xi32, #tpu.memory_space<vmem>>
        %dma_start3A_940 = arith.constant 0 : i32
        %dma_start3A_941 = arith.constant 0 : i32
        %dma_start3A_942 = tpu.memref_slice %arg3[%dma_start3A_940, %dma_start3A_941] : memref<10000x64xi32, #tpu.memory_space<hbm>> -> memref<10000x64xi32, #tpu.memory_space<hbm>>
        tpu.enqueue_indirect_dma source(%dma_start3A_942 : memref<10000x64xi32, #tpu.memory_space<hbm>>) target(%dma_start3A_936 : memref<96x64xi32, #tpu.memory_space<vmem>>) offsets(%dma_start3A_939 : memref<96xi32, #tpu.memory_space<vmem>>) semaphore(%arg13 : memref<!tpu.dma_semaphore, #tpu.memory_space<semaphore_mem>>)
      } else {
      }
      %lt3A_205 = arith.constant 126 : i32
      %lt3A_206 = arith.cmpi slt, %add3A_122, %lt3A_205 : i32
      %convert_element_type3A_207 = arith.extui %lt3A_206 : i1 to i32
      %cond3A_208 = arith.constant 0 : i32
      %cond3A_209 = arith.cmpi ne, %convert_element_type3A_207, %cond3A_208 : i32
      scf.if %cond3A_209 {
        %add3A_850 = arith.constant 2 : i32
        %add3A_851 = arith.addi %add3A_122, %add3A_850 : i32
        %mul3A_852 = arith.constant 4 : i32
        %mul3A_853 = arith.muli %add3A_851, %mul3A_852 : i32
        %add3A_854 = arith.addi %mul3A_2, %mul3A_853 : i32
        %dma_start3A_855 = arith.constant 0 : i32
        %dma_start3A_856 = tpu.memref_slice %arg2[%add3A_854, %dma_start3A_855] : memref<16384x200xi32, #tpu.memory_space<hbm>> -> memref<4x104xi32, #tpu.memory_space<hbm>>
        %dma_start3A_857 = arith.constant 0 : i32
        %dma_start3A_858 = tpu.memref_slice %arg2[%add3A_854, %dma_start3A_857] : memref<16384x200xi32, #tpu.memory_space<hbm>> -> memref<4x104xi32, #tpu.memory_space<hbm>>
        tpu.enqueue_dma source(%dma_start3A_858 : memref<4x104xi32, #tpu.memory_space<hbm>>) target(%arg5 : memref<4x104xi32, #tpu.memory_space<vmem>>) target_semaphore(%arg14 : memref<!tpu.dma_semaphore, #tpu.memory_space<semaphore_mem>>)
        %dma_start3A_859 = arith.constant 104 : i32
        %dma_start3A_860 = tpu.memref_slice %arg2[%add3A_854, %dma_start3A_859] : memref<16384x200xi32, #tpu.memory_space<hbm>> -> memref<4x96xi32, #tpu.memory_space<hbm>>
        %dma_start3A_861 = arith.constant 104 : i32
        %dma_start3A_862 = tpu.memref_slice %arg2[%add3A_854, %dma_start3A_861] : memref<16384x200xi32, #tpu.memory_space<hbm>> -> memref<4x96xi32, #tpu.memory_space<hbm>>
        tpu.enqueue_dma source(%dma_start3A_862 : memref<4x96xi32, #tpu.memory_space<hbm>>) target(%arg6 : memref<4x96xi32, #tpu.memory_space<vmem>>) target_semaphore(%arg14 : memref<!tpu.dma_semaphore, #tpu.memory_space<semaphore_mem>>)
      } else {
      }
      %jit3A = arith.constant 16 : i32
      %eq3A = arith.constant 0 : i32
      %eq3A_210 = arith.cmpi eq, %jit3A, %eq3A : i32
      %jit3A_211 = arith.constant 1 : i32
      %select_n3A = arith.select %eq3A_210, %jit3A_211, %jit3A : i32
      %rem3A = arith.remsi %add3A_122, %select_n3A : i32
      %ne3A = arith.constant 0 : i32
      %ne3A_212 = arith.cmpi ne, %rem3A, %ne3A : i32
      %lt3A_213 = arith.constant 0 : i32
      %lt3A_214 = arith.cmpi slt, %rem3A, %lt3A_213 : i32
      %lt3A_215 = arith.constant 0 : i32
      %lt3A_216 = arith.cmpi slt, %select_n3A, %lt3A_215 : i32
      %ne3A_217 = arith.xori %lt3A_214, %lt3A_216 : i1
      %and3A = arith.andi %ne3A_217, %ne3A_212 : i1
      %add3A_218 = arith.addi %rem3A, %select_n3A : i32
      %select_n3A_219 = arith.select %and3A, %add3A_218, %rem3A : i32
      %mul3A_220 = arith.constant 4 : i32
      %mul3A_221 = arith.muli %select_n3A_219, %mul3A_220 : i32
      %broadcast_in_dim3A = arith.constant 0.000000e+00 : f32
      %broadcast_in_dim3A_222 = vector.broadcast %broadcast_in_dim3A : f32 to vector<16xf32>
      %broadcast_in_dim3A_223 = arith.constant 0.000000e+00 : f32
      %broadcast_in_dim3A_224 = vector.broadcast %broadcast_in_dim3A_223 : f32 to vector<16xf32>
      %broadcast_in_dim3A_225 = arith.constant 0.000000e+00 : f32
      %broadcast_in_dim3A_226 = vector.broadcast %broadcast_in_dim3A_225 : f32 to vector<16xf32>
      %broadcast_in_dim3A_227 = arith.constant 0.000000e+00 : f32
      %broadcast_in_dim3A_228 = vector.broadcast %broadcast_in_dim3A_227 : f32 to vector<16xf32>
      %broadcast_in_dim3A_229 = arith.constant 0.000000e+00 : f32
      %broadcast_in_dim3A_230 = vector.broadcast %broadcast_in_dim3A_229 : f32 to vector<16xf32>
      %broadcast_in_dim3A_231 = arith.constant 0.000000e+00 : f32
      %broadcast_in_dim3A_232 = vector.broadcast %broadcast_in_dim3A_231 : f32 to vector<16xf32>
      %broadcast_in_dim3A_233 = arith.constant 0.000000e+00 : f32
      %broadcast_in_dim3A_234 = vector.broadcast %broadcast_in_dim3A_233 : f32 to vector<16xf32>
      %broadcast_in_dim3A_235 = arith.constant 0.000000e+00 : f32
      %broadcast_in_dim3A_236 = vector.broadcast %broadcast_in_dim3A_235 : f32 to vector<16xf32>
      %scan3A_237 = arith.constant 0 : i32
      %scan3A_238 = arith.constant 20 : i32
      %scan3A_239 = arith.addi %scan3A_237, %scan3A_238 : i32
      %scan3A_240 = arith.constant 1 : i32
      %scan3A_241:8 = scf.for %scan3A_850 = %scan3A_237 to %scan3A_239 step %scan3A_240 iter_args(%scan3A_851 = %broadcast_in_dim3A_222, %scan3A_852 = %broadcast_in_dim3A_224, %scan3A_853 = %broadcast_in_dim3A_226, %scan3A_854 = %broadcast_in_dim3A_228, %scan3A_855 = %broadcast_in_dim3A_230, %scan3A_856 = %broadcast_in_dim3A_232, %scan3A_857 = %broadcast_in_dim3A_234, %scan3A_858 = %broadcast_in_dim3A_236) -> (vector<16xf32>, vector<16xf32>, vector<16xf32>, vector<16xf32>, vector<16xf32>, vector<16xf32>, vector<16xf32>, vector<16xf32>)  : i32 {
        %broadcast_in_dim3A_859 = arith.constant 0.000000e+00 : bf16
        %broadcast_in_dim3A_860 = vector.broadcast %broadcast_in_dim3A_859 : bf16 to vector<32xbf16>
        %broadcast_in_dim3A_861 = arith.constant 0.000000e+00 : bf16
        %broadcast_in_dim3A_862 = vector.broadcast %broadcast_in_dim3A_861 : bf16 to vector<32xbf16>
        %broadcast_in_dim3A_863 = arith.constant 0.000000e+00 : bf16
        %broadcast_in_dim3A_864 = vector.broadcast %broadcast_in_dim3A_863 : bf16 to vector<32xbf16>
        %broadcast_in_dim3A_865 = arith.constant 0.000000e+00 : bf16
        %broadcast_in_dim3A_866 = vector.broadcast %broadcast_in_dim3A_865 : bf16 to vector<32xbf16>
        %mul3A_867 = arith.constant 10 : i32
        %mul3A_868 = arith.muli %scan3A_850, %mul3A_867 : i32
        %add3A_869 = arith.constant 0 : i32
        %add3A_870 = arith.addi %add3A_869, %mul3A_868 : i32
        %add3A_871 = arith.constant 0 : i32
        %add3A_872 = arith.addi %add3A_870, %add3A_871 : i32
        %get3A = arith.index_cast %add3A_872 : i32 to index
        %get3A_873 = arith.constant 0 : index
        %get3A_874 = tpu.vector_load %arg9[%get3A, %get3A_873] {strides = array<i32>} : memref<800x64xi32, #tpu.memory_space<vmem>>, vector<16xi32>,
        %bitcast3A = vector.bitcast %get3A_874 : vector<16xi32> to vector<32xbf16>
        %add3A_875 = arith.addf %broadcast_in_dim3A_860, %bitcast3A : vector<32xbf16>
        %add3A_876 = arith.constant 0 : i32
        %add3A_877 = arith.addi %add3A_870, %add3A_876 : i32
        %get3A_878 = arith.index_cast %add3A_877 : i32 to index
        %get3A_879 = arith.constant 16 : index
        %get3A_880 = tpu.vector_load %arg9[%get3A_878, %get3A_879] {strides = array<i32>} : memref<800x64xi32, #tpu.memory_space<vmem>>, vector<16xi32>,
        %bitcast3A_881 = vector.bitcast %get3A_880 : vector<16xi32> to vector<32xbf16>
        %add3A_882 = arith.addf %broadcast_in_dim3A_862, %bitcast3A_881 : vector<32xbf16>
        %add3A_883 = arith.constant 0 : i32
        %add3A_884 = arith.addi %add3A_870, %add3A_883 : i32
        %get3A_885 = arith.index_cast %add3A_884 : i32 to index
        %get3A_886 = arith.constant 32 : index
        %get3A_887 = tpu.vector_load %arg9[%get3A_885, %get3A_886] {strides = array<i32>} : memref<800x64xi32, #tpu.memory_space<vmem>>, vector<16xi32>,
        %bitcast3A_888 = vector.bitcast %get3A_887 : vector<16xi32> to vector<32xbf16>
        %add3A_889 = arith.addf %broadcast_in_dim3A_864, %bitcast3A_888 : vector<32xbf16>
        %add3A_890 = arith.constant 0 : i32
        %add3A_891 = arith.addi %add3A_870, %add3A_890 : i32
        %get3A_892 = arith.index_cast %add3A_891 : i32 to index
        %get3A_893 = arith.constant 48 : index
        %get3A_894 = tpu.vector_load %arg9[%get3A_892, %get3A_893] {strides = array<i32>} : memref<800x64xi32, #tpu.memory_space<vmem>>, vector<16xi32>,
        %bitcast3A_895 = vector.bitcast %get3A_894 : vector<16xi32> to vector<32xbf16>
        %add3A_896 = arith.addf %broadcast_in_dim3A_866, %bitcast3A_895 : vector<32xbf16>
        %add3A_897 = arith.constant 1 : i32
        %add3A_898 = arith.addi %add3A_870, %add3A_897 : i32
        %get3A_899 = arith.index_cast %add3A_898 : i32 to index
        %get3A_900 = arith.constant 0 : index
        %get3A_901 = tpu.vector_load %arg9[%get3A_899, %get3A_900] {strides = array<i32>} : memref<800x64xi32, #tpu.memory_space<vmem>>, vector<16xi32>,
        %bitcast3A_902 = vector.bitcast %get3A_901 : vector<16xi32> to vector<32xbf16>
        %add3A_903 = arith.addf %add3A_875, %bitcast3A_902 : vector<32xbf16>
        %add3A_904 = arith.constant 1 : i32
        %add3A_905 = arith.addi %add3A_870, %add3A_904 : i32
        %get3A_906 = arith.index_cast %add3A_905 : i32 to index
        %get3A_907 = arith.constant 16 : index
        %get3A_908 = tpu.vector_load %arg9[%get3A_906, %get3A_907] {strides = array<i32>} : memref<800x64xi32, #tpu.memory_space<vmem>>, vector<16xi32>,
        %bitcast3A_909 = vector.bitcast %get3A_908 : vector<16xi32> to vector<32xbf16>
        %add3A_910 = arith.addf %add3A_882, %bitcast3A_909 : vector<32xbf16>
        %add3A_911 = arith.constant 1 : i32
        %add3A_912 = arith.addi %add3A_870, %add3A_911 : i32
        %get3A_913 = arith.index_cast %add3A_912 : i32 to index
        %get3A_914 = arith.constant 32 : index
        %get3A_915 = tpu.vector_load %arg9[%get3A_913, %get3A_914] {strides = array<i32>} : memref<800x64xi32, #tpu.memory_space<vmem>>, vector<16xi32>,
        %bitcast3A_916 = vector.bitcast %get3A_915 : vector<16xi32> to vector<32xbf16>
        %add3A_917 = arith.addf %add3A_889, %bitcast3A_916 : vector<32xbf16>
        %add3A_918 = arith.constant 1 : i32
        %add3A_919 = arith.addi %add3A_870, %add3A_918 : i32
        %get3A_920 = arith.index_cast %add3A_919 : i32 to index
        %get3A_921 = arith.constant 48 : index
        %get3A_922 = tpu.vector_load %arg9[%get3A_920, %get3A_921] {strides = array<i32>} : memref<800x64xi32, #tpu.memory_space<vmem>>, vector<16xi32>,
        %bitcast3A_923 = vector.bitcast %get3A_922 : vector<16xi32> to vector<32xbf16>
        %add3A_924 = arith.addf %add3A_896, %bitcast3A_923 : vector<32xbf16>
        %add3A_925 = arith.constant 2 : i32
        %add3A_926 = arith.addi %add3A_870, %add3A_925 : i32
        %get3A_927 = arith.index_cast %add3A_926 : i32 to index
        %get3A_928 = arith.constant 0 : index
        %get3A_929 = tpu.vector_load %arg9[%get3A_927, %get3A_928] {strides = array<i32>} : memref<800x64xi32, #tpu.memory_space<vmem>>, vector<16xi32>,
        %bitcast3A_930 = vector.bitcast %get3A_929 : vector<16xi32> to vector<32xbf16>
        %add3A_931 = arith.addf %add3A_903, %bitcast3A_930 : vector<32xbf16>
        %add3A_932 = arith.constant 2 : i32
        %add3A_933 = arith.addi %add3A_870, %add3A_932 : i32
        %get3A_934 = arith.index_cast %add3A_933 : i32 to index
        %get3A_935 = arith.constant 16 : index
        %get3A_936 = tpu.vector_load %arg9[%get3A_934, %get3A_935] {strides = array<i32>} : memref<800x64xi32, #tpu.memory_space<vmem>>, vector<16xi32>,
        %bitcast3A_937 = vector.bitcast %get3A_936 : vector<16xi32> to vector<32xbf16>
        %add3A_938 = arith.addf %add3A_910, %bitcast3A_937 : vector<32xbf16>
        %add3A_939 = arith.constant 2 : i32
        %add3A_940 = arith.addi %add3A_870, %add3A_939 : i32
        %get3A_941 = arith.index_cast %add3A_940 : i32 to index
        %get3A_942 = arith.constant 32 : index
        %get3A_943 = tpu.vector_load %arg9[%get3A_941, %get3A_942] {strides = array<i32>} : memref<800x64xi32, #tpu.memory_space<vmem>>, vector<16xi32>,
        %bitcast3A_944 = vector.bitcast %get3A_943 : vector<16xi32> to vector<32xbf16>
        %add3A_945 = arith.addf %add3A_917, %bitcast3A_944 : vector<32xbf16>
        %add3A_946 = arith.constant 2 : i32
        %add3A_947 = arith.addi %add3A_870, %add3A_946 : i32
        %get3A_948 = arith.index_cast %add3A_947 : i32 to index
        %get3A_949 = arith.constant 48 : index
        %get3A_950 = tpu.vector_load %arg9[%get3A_948, %get3A_949] {strides = array<i32>} : memref<800x64xi32, #tpu.memory_space<vmem>>, vector<16xi32>,
        %bitcast3A_951 = vector.bitcast %get3A_950 : vector<16xi32> to vector<32xbf16>
        %add3A_952 = arith.addf %add3A_924, %bitcast3A_951 : vector<32xbf16>
        %add3A_953 = arith.constant 3 : i32
        %add3A_954 = arith.addi %add3A_870, %add3A_953 : i32
        %get3A_955 = arith.index_cast %add3A_954 : i32 to index
        %get3A_956 = arith.constant 0 : index
        %get3A_957 = tpu.vector_load %arg9[%get3A_955, %get3A_956] {strides = array<i32>} : memref<800x64xi32, #tpu.memory_space<vmem>>, vector<16xi32>,
        %bitcast3A_958 = vector.bitcast %get3A_957 : vector<16xi32> to vector<32xbf16>
        %add3A_959 = arith.addf %add3A_931, %bitcast3A_958 : vector<32xbf16>
        %add3A_960 = arith.constant 3 : i32
        %add3A_961 = arith.addi %add3A_870, %add3A_960 : i32
        %get3A_962 = arith.index_cast %add3A_961 : i32 to index
        %get3A_963 = arith.constant 16 : index
        %get3A_964 = tpu.vector_load %arg9[%get3A_962, %get3A_963] {strides = array<i32>} : memref<800x64xi32, #tpu.memory_space<vmem>>, vector<16xi32>,
        %bitcast3A_965 = vector.bitcast %get3A_964 : vector<16xi32> to vector<32xbf16>
        %add3A_966 = arith.addf %add3A_938, %bitcast3A_965 : vector<32xbf16>
        %add3A_967 = arith.constant 3 : i32
        %add3A_968 = arith.addi %add3A_870, %add3A_967 : i32
        %get3A_969 = arith.index_cast %add3A_968 : i32 to index
        %get3A_970 = arith.constant 32 : index
        %get3A_971 = tpu.vector_load %arg9[%get3A_969, %get3A_970] {strides = array<i32>} : memref<800x64xi32, #tpu.memory_space<vmem>>, vector<16xi32>,
        %bitcast3A_972 = vector.bitcast %get3A_971 : vector<16xi32> to vector<32xbf16>
        %add3A_973 = arith.addf %add3A_945, %bitcast3A_972 : vector<32xbf16>
        %add3A_974 = arith.constant 3 : i32
        %add3A_975 = arith.addi %add3A_870, %add3A_974 : i32
        %get3A_976 = arith.index_cast %add3A_975 : i32 to index
        %get3A_977 = arith.constant 48 : index
        %get3A_978 = tpu.vector_load %arg9[%get3A_976, %get3A_977] {strides = array<i32>} : memref<800x64xi32, #tpu.memory_space<vmem>>, vector<16xi32>,
        %bitcast3A_979 = vector.bitcast %get3A_978 : vector<16xi32> to vector<32xbf16>
        %add3A_980 = arith.addf %add3A_952, %bitcast3A_979 : vector<32xbf16>
        %add3A_981 = arith.constant 4 : i32
        %add3A_982 = arith.addi %add3A_870, %add3A_981 : i32
        %get3A_983 = arith.index_cast %add3A_982 : i32 to index
        %get3A_984 = arith.constant 0 : index
        %get3A_985 = tpu.vector_load %arg9[%get3A_983, %get3A_984] {strides = array<i32>} : memref<800x64xi32, #tpu.memory_space<vmem>>, vector<16xi32>,
        %bitcast3A_986 = vector.bitcast %get3A_985 : vector<16xi32> to vector<32xbf16>
        %add3A_987 = arith.addf %add3A_959, %bitcast3A_986 : vector<32xbf16>
        %add3A_988 = arith.constant 4 : i32
        %add3A_989 = arith.addi %add3A_870, %add3A_988 : i32
        %get3A_990 = arith.index_cast %add3A_989 : i32 to index
        %get3A_991 = arith.constant 16 : index
        %get3A_992 = tpu.vector_load %arg9[%get3A_990, %get3A_991] {strides = array<i32>} : memref<800x64xi32, #tpu.memory_space<vmem>>, vector<16xi32>,
        %bitcast3A_993 = vector.bitcast %get3A_992 : vector<16xi32> to vector<32xbf16>
        %add3A_994 = arith.addf %add3A_966, %bitcast3A_993 : vector<32xbf16>
        %add3A_995 = arith.constant 4 : i32
        %add3A_996 = arith.addi %add3A_870, %add3A_995 : i32
        %get3A_997 = arith.index_cast %add3A_996 : i32 to index
        %get3A_998 = arith.constant 32 : index
        %get3A_999 = tpu.vector_load %arg9[%get3A_997, %get3A_998] {strides = array<i32>} : memref<800x64xi32, #tpu.memory_space<vmem>>, vector<16xi32>,
        %bitcast3A_1000 = vector.bitcast %get3A_999 : vector<16xi32> to vector<32xbf16>
        %add3A_1001 = arith.addf %add3A_973, %bitcast3A_1000 : vector<32xbf16>
        %add3A_1002 = arith.constant 4 : i32
        %add3A_1003 = arith.addi %add3A_870, %add3A_1002 : i32
        %get3A_1004 = arith.index_cast %add3A_1003 : i32 to index
        %get3A_1005 = arith.constant 48 : index
        %get3A_1006 = tpu.vector_load %arg9[%get3A_1004, %get3A_1005] {strides = array<i32>} : memref<800x64xi32, #tpu.memory_space<vmem>>, vector<16xi32>,
        %bitcast3A_1007 = vector.bitcast %get3A_1006 : vector<16xi32> to vector<32xbf16>
        %add3A_1008 = arith.addf %add3A_980, %bitcast3A_1007 : vector<32xbf16>
        %add3A_1009 = arith.constant 5 : i32
        %add3A_1010 = arith.addi %add3A_870, %add3A_1009 : i32
        %get3A_1011 = arith.index_cast %add3A_1010 : i32 to index
        %get3A_1012 = arith.constant 0 : index
        %get3A_1013 = tpu.vector_load %arg9[%get3A_1011, %get3A_1012] {strides = array<i32>} : memref<800x64xi32, #tpu.memory_space<vmem>>, vector<16xi32>,
        %bitcast3A_1014 = vector.bitcast %get3A_1013 : vector<16xi32> to vector<32xbf16>
        %add3A_1015 = arith.addf %add3A_987, %bitcast3A_1014 : vector<32xbf16>
        %add3A_1016 = arith.constant 5 : i32
        %add3A_1017 = arith.addi %add3A_870, %add3A_1016 : i32
        %get3A_1018 = arith.index_cast %add3A_1017 : i32 to index
        %get3A_1019 = arith.constant 16 : index
        %get3A_1020 = tpu.vector_load %arg9[%get3A_1018, %get3A_1019] {strides = array<i32>} : memref<800x64xi32, #tpu.memory_space<vmem>>, vector<16xi32>,
        %bitcast3A_1021 = vector.bitcast %get3A_1020 : vector<16xi32> to vector<32xbf16>
        %add3A_1022 = arith.addf %add3A_994, %bitcast3A_1021 : vector<32xbf16>
        %add3A_1023 = arith.constant 5 : i32
        %add3A_1024 = arith.addi %add3A_870, %add3A_1023 : i32
        %get3A_1025 = arith.index_cast %add3A_1024 : i32 to index
        %get3A_1026 = arith.constant 32 : index
        %get3A_1027 = tpu.vector_load %arg9[%get3A_1025, %get3A_1026] {strides = array<i32>} : memref<800x64xi32, #tpu.memory_space<vmem>>, vector<16xi32>,
        %bitcast3A_1028 = vector.bitcast %get3A_1027 : vector<16xi32> to vector<32xbf16>
        %add3A_1029 = arith.addf %add3A_1001, %bitcast3A_1028 : vector<32xbf16>
        %add3A_1030 = arith.constant 5 : i32
        %add3A_1031 = arith.addi %add3A_870, %add3A_1030 : i32
        %get3A_1032 = arith.index_cast %add3A_1031 : i32 to index
        %get3A_1033 = arith.constant 48 : index
        %get3A_1034 = tpu.vector_load %arg9[%get3A_1032, %get3A_1033] {strides = array<i32>} : memref<800x64xi32, #tpu.memory_space<vmem>>, vector<16xi32>,
        %bitcast3A_1035 = vector.bitcast %get3A_1034 : vector<16xi32> to vector<32xbf16>
        %add3A_1036 = arith.addf %add3A_1008, %bitcast3A_1035 : vector<32xbf16>
        %add3A_1037 = arith.constant 6 : i32
        %add3A_1038 = arith.addi %add3A_870, %add3A_1037 : i32
        %get3A_1039 = arith.index_cast %add3A_1038 : i32 to index
        %get3A_1040 = arith.constant 0 : index
        %get3A_1041 = tpu.vector_load %arg9[%get3A_1039, %get3A_1040] {strides = array<i32>} : memref<800x64xi32, #tpu.memory_space<vmem>>, vector<16xi32>,
        %bitcast3A_1042 = vector.bitcast %get3A_1041 : vector<16xi32> to vector<32xbf16>
        %add3A_1043 = arith.addf %add3A_1015, %bitcast3A_1042 : vector<32xbf16>
        %add3A_1044 = arith.constant 6 : i32
        %add3A_1045 = arith.addi %add3A_870, %add3A_1044 : i32
        %get3A_1046 = arith.index_cast %add3A_1045 : i32 to index
        %get3A_1047 = arith.constant 16 : index
        %get3A_1048 = tpu.vector_load %arg9[%get3A_1046, %get3A_1047] {strides = array<i32>} : memref<800x64xi32, #tpu.memory_space<vmem>>, vector<16xi32>,
        %bitcast3A_1049 = vector.bitcast %get3A_1048 : vector<16xi32> to vector<32xbf16>
        %add3A_1050 = arith.addf %add3A_1022, %bitcast3A_1049 : vector<32xbf16>
        %add3A_1051 = arith.constant 6 : i32
        %add3A_1052 = arith.addi %add3A_870, %add3A_1051 : i32
        %get3A_1053 = arith.index_cast %add3A_1052 : i32 to index
        %get3A_1054 = arith.constant 32 : index
        %get3A_1055 = tpu.vector_load %arg9[%get3A_1053, %get3A_1054] {strides = array<i32>} : memref<800x64xi32, #tpu.memory_space<vmem>>, vector<16xi32>,
        %bitcast3A_1056 = vector.bitcast %get3A_1055 : vector<16xi32> to vector<32xbf16>
        %add3A_1057 = arith.addf %add3A_1029, %bitcast3A_1056 : vector<32xbf16>
        %add3A_1058 = arith.constant 6 : i32
        %add3A_1059 = arith.addi %add3A_870, %add3A_1058 : i32
        %get3A_1060 = arith.index_cast %add3A_1059 : i32 to index
        %get3A_1061 = arith.constant 48 : index
        %get3A_1062 = tpu.vector_load %arg9[%get3A_1060, %get3A_1061] {strides = array<i32>} : memref<800x64xi32, #tpu.memory_space<vmem>>, vector<16xi32>,
        %bitcast3A_1063 = vector.bitcast %get3A_1062 : vector<16xi32> to vector<32xbf16>
        %add3A_1064 = arith.addf %add3A_1036, %bitcast3A_1063 : vector<32xbf16>
        %add3A_1065 = arith.constant 7 : i32
        %add3A_1066 = arith.addi %add3A_870, %add3A_1065 : i32
        %get3A_1067 = arith.index_cast %add3A_1066 : i32 to index
        %get3A_1068 = arith.constant 0 : index
        %get3A_1069 = tpu.vector_load %arg9[%get3A_1067, %get3A_1068] {strides = array<i32>} : memref<800x64xi32, #tpu.memory_space<vmem>>, vector<16xi32>,
        %bitcast3A_1070 = vector.bitcast %get3A_1069 : vector<16xi32> to vector<32xbf16>
        %add3A_1071 = arith.addf %add3A_1043, %bitcast3A_1070 : vector<32xbf16>
        %add3A_1072 = arith.constant 7 : i32
        %add3A_1073 = arith.addi %add3A_870, %add3A_1072 : i32
        %get3A_1074 = arith.index_cast %add3A_1073 : i32 to index
        %get3A_1075 = arith.constant 16 : index
        %get3A_1076 = tpu.vector_load %arg9[%get3A_1074, %get3A_1075] {strides = array<i32>} : memref<800x64xi32, #tpu.memory_space<vmem>>, vector<16xi32>,
        %bitcast3A_1077 = vector.bitcast %get3A_1076 : vector<16xi32> to vector<32xbf16>
        %add3A_1078 = arith.addf %add3A_1050, %bitcast3A_1077 : vector<32xbf16>
        %add3A_1079 = arith.constant 7 : i32
        %add3A_1080 = arith.addi %add3A_870, %add3A_1079 : i32
        %get3A_1081 = arith.index_cast %add3A_1080 : i32 to index
        %get3A_1082 = arith.constant 32 : index
        %get3A_1083 = tpu.vector_load %arg9[%get3A_1081, %get3A_1082] {strides = array<i32>} : memref<800x64xi32, #tpu.memory_space<vmem>>, vector<16xi32>,
        %bitcast3A_1084 = vector.bitcast %get3A_1083 : vector<16xi32> to vector<32xbf16>
        %add3A_1085 = arith.addf %add3A_1057, %bitcast3A_1084 : vector<32xbf16>
        %add3A_1086 = arith.constant 7 : i32
        %add3A_1087 = arith.addi %add3A_870, %add3A_1086 : i32
        %get3A_1088 = arith.index_cast %add3A_1087 : i32 to index
        %get3A_1089 = arith.constant 48 : index
        %get3A_1090 = tpu.vector_load %arg9[%get3A_1088, %get3A_1089] {strides = array<i32>} : memref<800x64xi32, #tpu.memory_space<vmem>>, vector<16xi32>,
        %bitcast3A_1091 = vector.bitcast %get3A_1090 : vector<16xi32> to vector<32xbf16>
        %add3A_1092 = arith.addf %add3A_1064, %bitcast3A_1091 : vector<32xbf16>
        %add3A_1093 = arith.constant 8 : i32
        %add3A_1094 = arith.addi %add3A_870, %add3A_1093 : i32
        %get3A_1095 = arith.index_cast %add3A_1094 : i32 to index
        %get3A_1096 = arith.constant 0 : index
        %get3A_1097 = tpu.vector_load %arg9[%get3A_1095, %get3A_1096] {strides = array<i32>} : memref<800x64xi32, #tpu.memory_space<vmem>>, vector<16xi32>,
        %bitcast3A_1098 = vector.bitcast %get3A_1097 : vector<16xi32> to vector<32xbf16>
        %add3A_1099 = arith.addf %add3A_1071, %bitcast3A_1098 : vector<32xbf16>
        %add3A_1100 = arith.constant 8 : i32
        %add3A_1101 = arith.addi %add3A_870, %add3A_1100 : i32
        %get3A_1102 = arith.index_cast %add3A_1101 : i32 to index
        %get3A_1103 = arith.constant 16 : index
        %get3A_1104 = tpu.vector_load %arg9[%get3A_1102, %get3A_1103] {strides = array<i32>} : memref<800x64xi32, #tpu.memory_space<vmem>>, vector<16xi32>,
        %bitcast3A_1105 = vector.bitcast %get3A_1104 : vector<16xi32> to vector<32xbf16>
        %add3A_1106 = arith.addf %add3A_1078, %bitcast3A_1105 : vector<32xbf16>
        %add3A_1107 = arith.constant 8 : i32
        %add3A_1108 = arith.addi %add3A_870, %add3A_1107 : i32
        %get3A_1109 = arith.index_cast %add3A_1108 : i32 to index
        %get3A_1110 = arith.constant 32 : index
        %get3A_1111 = tpu.vector_load %arg9[%get3A_1109, %get3A_1110] {strides = array<i32>} : memref<800x64xi32, #tpu.memory_space<vmem>>, vector<16xi32>,
        %bitcast3A_1112 = vector.bitcast %get3A_1111 : vector<16xi32> to vector<32xbf16>
        %add3A_1113 = arith.addf %add3A_1085, %bitcast3A_1112 : vector<32xbf16>
        %add3A_1114 = arith.constant 8 : i32
        %add3A_1115 = arith.addi %add3A_870, %add3A_1114 : i32
        %get3A_1116 = arith.index_cast %add3A_1115 : i32 to index
        %get3A_1117 = arith.constant 48 : index
        %get3A_1118 = tpu.vector_load %arg9[%get3A_1116, %get3A_1117] {strides = array<i32>} : memref<800x64xi32, #tpu.memory_space<vmem>>, vector<16xi32>,
        %bitcast3A_1119 = vector.bitcast %get3A_1118 : vector<16xi32> to vector<32xbf16>
        %add3A_1120 = arith.addf %add3A_1092, %bitcast3A_1119 : vector<32xbf16>
        %add3A_1121 = arith.constant 9 : i32
        %add3A_1122 = arith.addi %add3A_870, %add3A_1121 : i32
        %get3A_1123 = arith.index_cast %add3A_1122 : i32 to index
        %get3A_1124 = arith.constant 0 : index
        %get3A_1125 = tpu.vector_load %arg9[%get3A_1123, %get3A_1124] {strides = array<i32>} : memref<800x64xi32, #tpu.memory_space<vmem>>, vector<16xi32>,
        %bitcast3A_1126 = vector.bitcast %get3A_1125 : vector<16xi32> to vector<32xbf16>
        %add3A_1127 = arith.addf %add3A_1099, %bitcast3A_1126 : vector<32xbf16>
        %add3A_1128 = arith.constant 9 : i32
        %add3A_1129 = arith.addi %add3A_870, %add3A_1128 : i32
        %get3A_1130 = arith.index_cast %add3A_1129 : i32 to index
        %get3A_1131 = arith.constant 16 : index
        %get3A_1132 = tpu.vector_load %arg9[%get3A_1130, %get3A_1131] {strides = array<i32>} : memref<800x64xi32, #tpu.memory_space<vmem>>, vector<16xi32>,
        %bitcast3A_1133 = vector.bitcast %get3A_1132 : vector<16xi32> to vector<32xbf16>
        %add3A_1134 = arith.addf %add3A_1106, %bitcast3A_1133 : vector<32xbf16>
        %add3A_1135 = arith.constant 9 : i32
        %add3A_1136 = arith.addi %add3A_870, %add3A_1135 : i32
        %get3A_1137 = arith.index_cast %add3A_1136 : i32 to index
        %get3A_1138 = arith.constant 32 : index
        %get3A_1139 = tpu.vector_load %arg9[%get3A_1137, %get3A_1138] {strides = array<i32>} : memref<800x64xi32, #tpu.memory_space<vmem>>, vector<16xi32>,
        %bitcast3A_1140 = vector.bitcast %get3A_1139 : vector<16xi32> to vector<32xbf16>
        %add3A_1141 = arith.addf %add3A_1113, %bitcast3A_1140 : vector<32xbf16>
        %add3A_1142 = arith.constant 9 : i32
        %add3A_1143 = arith.addi %add3A_870, %add3A_1142 : i32
        %get3A_1144 = arith.index_cast %add3A_1143 : i32 to index
        %get3A_1145 = arith.constant 48 : index
        %get3A_1146 = tpu.vector_load %arg9[%get3A_1144, %get3A_1145] {strides = array<i32>} : memref<800x64xi32, #tpu.memory_space<vmem>>, vector<16xi32>,
        %bitcast3A_1147 = vector.bitcast %get3A_1146 : vector<16xi32> to vector<32xbf16>
        %add3A_1148 = arith.addf %add3A_1120, %bitcast3A_1147 : vector<32xbf16>
        %bitcast3A_1149 = vector.bitcast %add3A_1127 : vector<32xbf16> to vector<16xi32>
        %shift_left3A = arith.constant 16 : i32
        %shift_left3A_1150 = vector.broadcast %shift_left3A : i32 to vector<16xi32>
        %shift_left3A_1151 = arith.shli %bitcast3A_1149, %shift_left3A_1150 : vector<16xi32>
        %bitcast3A_1152 = vector.bitcast %shift_left3A_1151 : vector<16xi32> to vector<16xf32>
        %add3A_1153 = arith.addf %scan3A_851, %bitcast3A_1152 : vector<16xf32>
        %and3A_1154 = arith.constant -65536 : i32
        %and3A_1155 = vector.broadcast %and3A_1154 : i32 to vector<16xi32>
        %and3A_1156 = arith.andi %bitcast3A_1149, %and3A_1155 : vector<16xi32>
        %bitcast3A_1157 = vector.bitcast %and3A_1156 : vector<16xi32> to vector<16xf32>
        %add3A_1158 = arith.addf %scan3A_852, %bitcast3A_1157 : vector<16xf32>
        %bitcast3A_1159 = vector.bitcast %add3A_1134 : vector<32xbf16> to vector<16xi32>
        %shift_left3A_1160 = arith.constant 16 : i32
        %shift_left3A_1161 = vector.broadcast %shift_left3A_1160 : i32 to vector<16xi32>
        %shift_left3A_1162 = arith.shli %bitcast3A_1159, %shift_left3A_1161 : vector<16xi32>
        %bitcast3A_1163 = vector.bitcast %shift_left3A_1162 : vector<16xi32> to vector<16xf32>
        %add3A_1164 = arith.addf %scan3A_853, %bitcast3A_1163 : vector<16xf32>
        %and3A_1165 = arith.constant -65536 : i32
        %and3A_1166 = vector.broadcast %and3A_1165 : i32 to vector<16xi32>
        %and3A_1167 = arith.andi %bitcast3A_1159, %and3A_1166 : vector<16xi32>
        %bitcast3A_1168 = vector.bitcast %and3A_1167 : vector<16xi32> to vector<16xf32>
        %add3A_1169 = arith.addf %scan3A_854, %bitcast3A_1168 : vector<16xf32>
        %bitcast3A_1170 = vector.bitcast %add3A_1141 : vector<32xbf16> to vector<16xi32>
        %shift_left3A_1171 = arith.constant 16 : i32
        %shift_left3A_1172 = vector.broadcast %shift_left3A_1171 : i32 to vector<16xi32>
        %shift_left3A_1173 = arith.shli %bitcast3A_1170, %shift_left3A_1172 : vector<16xi32>
        %bitcast3A_1174 = vector.bitcast %shift_left3A_1173 : vector<16xi32> to vector<16xf32>
        %add3A_1175 = arith.addf %scan3A_855, %bitcast3A_1174 : vector<16xf32>
        %and3A_1176 = arith.constant -65536 : i32
        %and3A_1177 = vector.broadcast %and3A_1176 : i32 to vector<16xi32>
        %and3A_1178 = arith.andi %bitcast3A_1170, %and3A_1177 : vector<16xi32>
        %bitcast3A_1179 = vector.bitcast %and3A_1178 : vector<16xi32> to vector<16xf32>
        %add3A_1180 = arith.addf %scan3A_856, %bitcast3A_1179 : vector<16xf32>
        %bitcast3A_1181 = vector.bitcast %add3A_1148 : vector<32xbf16> to vector<16xi32>
        %shift_left3A_1182 = arith.constant 16 : i32
        %shift_left3A_1183 = vector.broadcast %shift_left3A_1182 : i32 to vector<16xi32>
        %shift_left3A_1184 = arith.shli %bitcast3A_1181, %shift_left3A_1183 : vector<16xi32>
        %bitcast3A_1185 = vector.bitcast %shift_left3A_1184 : vector<16xi32> to vector<16xf32>
        %add3A_1186 = arith.addf %scan3A_857, %bitcast3A_1185 : vector<16xf32>
        %and3A_1187 = arith.constant -65536 : i32
        %and3A_1188 = vector.broadcast %and3A_1187 : i32 to vector<16xi32>
        %and3A_1189 = arith.andi %bitcast3A_1181, %and3A_1188 : vector<16xi32>
        %bitcast3A_1190 = vector.bitcast %and3A_1189 : vector<16xi32> to vector<16xf32>
        %add3A_1191 = arith.addf %scan3A_858, %bitcast3A_1190 : vector<16xf32>
        scf.yield %add3A_1153, %add3A_1158, %add3A_1164, %add3A_1169, %add3A_1175, %add3A_1180, %add3A_1186, %add3A_1191 : vector<16xf32>, vector<16xf32>, vector<16xf32>, vector<16xf32>, vector<16xf32>, vector<16xf32>, vector<16xf32>, vector<16xf32>
      }
      %scan3A_242 = arith.constant 20 : i32
      %add3A_243 = arith.constant 0 : i32
      %add3A_244 = arith.addi %mul3A_221, %add3A_243 : i32
      %swap3A = arith.index_cast %add3A_244 : i32 to index
      %swap3A_245 = arith.constant 0 : index
      %swap3A_246 = tpu.vector_load %arg11[%swap3A, %swap3A_245] {strides = array<i32>} : memref<64x128xf32, #tpu.memory_space<vmem>>, vector<16xf32>,
      tpu.vector_store %arg11[%swap3A, %swap3A_245], %scan3A_241#0 {strides = array<i32>} : memref<64x128xf32, #tpu.memory_space<vmem>>, vector<16xf32>,
      %add3A_247 = arith.constant 0 : i32
      %add3A_248 = arith.addi %mul3A_221, %add3A_247 : i32
      %swap3A_249 = arith.index_cast %add3A_248 : i32 to index
      %swap3A_250 = arith.constant 16 : index
      %swap3A_251 = tpu.vector_load %arg11[%swap3A_249, %swap3A_250] {strides = array<i32>} : memref<64x128xf32, #tpu.memory_space<vmem>>, vector<16xf32>,
      tpu.vector_store %arg11[%swap3A_249, %swap3A_250], %scan3A_241#1 {strides = array<i32>} : memref<64x128xf32, #tpu.memory_space<vmem>>, vector<16xf32>,
      %add3A_252 = arith.constant 0 : i32
      %add3A_253 = arith.addi %mul3A_221, %add3A_252 : i32
      %swap3A_254 = arith.index_cast %add3A_253 : i32 to index
      %swap3A_255 = arith.constant 32 : index
      %swap3A_256 = tpu.vector_load %arg11[%swap3A_254, %swap3A_255] {strides = array<i32>} : memref<64x128xf32, #tpu.memory_space<vmem>>, vector<16xf32>,
      tpu.vector_store %arg11[%swap3A_254, %swap3A_255], %scan3A_241#2 {strides = array<i32>} : memref<64x128xf32, #tpu.memory_space<vmem>>, vector<16xf32>,
      %add3A_257 = arith.constant 0 : i32
      %add3A_258 = arith.addi %mul3A_221, %add3A_257 : i32
      %swap3A_259 = arith.index_cast %add3A_258 : i32 to index
      %swap3A_260 = arith.constant 48 : index
      %swap3A_261 = tpu.vector_load %arg11[%swap3A_259, %swap3A_260] {strides = array<i32>} : memref<64x128xf32, #tpu.memory_space<vmem>>, vector<16xf32>,
      tpu.vector_store %arg11[%swap3A_259, %swap3A_260], %scan3A_241#3 {strides = array<i32>} : memref<64x128xf32, #tpu.memory_space<vmem>>, vector<16xf32>,
      %add3A_262 = arith.constant 0 : i32
      %add3A_263 = arith.addi %mul3A_221, %add3A_262 : i32
      %swap3A_264 = arith.index_cast %add3A_263 : i32 to index
      %swap3A_265 = arith.constant 64 : index
      %swap3A_266 = tpu.vector_load %arg11[%swap3A_264, %swap3A_265] {strides = array<i32>} : memref<64x128xf32, #tpu.memory_space<vmem>>, vector<16xf32>,
      tpu.vector_store %arg11[%swap3A_264, %swap3A_265], %scan3A_241#4 {strides = array<i32>} : memref<64x128xf32, #tpu.memory_space<vmem>>, vector<16xf32>,
      %add3A_267 = arith.constant 0 : i32
      %add3A_268 = arith.addi %mul3A_221, %add3A_267 : i32
      %swap3A_269 = arith.index_cast %add3A_268 : i32 to index
      %swap3A_270 = arith.constant 80 : index
      %swap3A_271 = tpu.vector_load %arg11[%swap3A_269, %swap3A_270] {strides = array<i32>} : memref<64x128xf32, #tpu.memory_space<vmem>>, vector<16xf32>,
      tpu.vector_store %arg11[%swap3A_269, %swap3A_270], %scan3A_241#5 {strides = array<i32>} : memref<64x128xf32, #tpu.memory_space<vmem>>, vector<16xf32>,
      %add3A_272 = arith.constant 0 : i32
      %add3A_273 = arith.addi %mul3A_221, %add3A_272 : i32
      %swap3A_274 = arith.index_cast %add3A_273 : i32 to index
      %swap3A_275 = arith.constant 96 : index
      %swap3A_276 = tpu.vector_load %arg11[%swap3A_274, %swap3A_275] {strides = array<i32>} : memref<64x128xf32, #tpu.memory_space<vmem>>, vector<16xf32>,
      tpu.vector_store %arg11[%swap3A_274, %swap3A_275], %scan3A_241#6 {strides = array<i32>} : memref<64x128xf32, #tpu.memory_space<vmem>>, vector<16xf32>,
      %add3A_277 = arith.constant 0 : i32
      %add3A_278 = arith.addi %mul3A_221, %add3A_277 : i32
      %swap3A_279 = arith.index_cast %add3A_278 : i32 to index
      %swap3A_280 = arith.constant 112 : index
      %swap3A_281 = tpu.vector_load %arg11[%swap3A_279, %swap3A_280] {strides = array<i32>} : memref<64x128xf32, #tpu.memory_space<vmem>>, vector<16xf32>,
      tpu.vector_store %arg11[%swap3A_279, %swap3A_280], %scan3A_241#7 {strides = array<i32>} : memref<64x128xf32, #tpu.memory_space<vmem>>, vector<16xf32>,
      %broadcast_in_dim3A_282 = arith.constant 0.000000e+00 : f32
      %broadcast_in_dim3A_283 = vector.broadcast %broadcast_in_dim3A_282 : f32 to vector<16xf32>
      %broadcast_in_dim3A_284 = arith.constant 0.000000e+00 : f32
      %broadcast_in_dim3A_285 = vector.broadcast %broadcast_in_dim3A_284 : f32 to vector<16xf32>
      %broadcast_in_dim3A_286 = arith.constant 0.000000e+00 : f32
      %broadcast_in_dim3A_287 = vector.broadcast %broadcast_in_dim3A_286 : f32 to vector<16xf32>
      %broadcast_in_dim3A_288 = arith.constant 0.000000e+00 : f32
      %broadcast_in_dim3A_289 = vector.broadcast %broadcast_in_dim3A_288 : f32 to vector<16xf32>
      %broadcast_in_dim3A_290 = arith.constant 0.000000e+00 : f32
      %broadcast_in_dim3A_291 = vector.broadcast %broadcast_in_dim3A_290 : f32 to vector<16xf32>
      %broadcast_in_dim3A_292 = arith.constant 0.000000e+00 : f32
      %broadcast_in_dim3A_293 = vector.broadcast %broadcast_in_dim3A_292 : f32 to vector<16xf32>
      %broadcast_in_dim3A_294 = arith.constant 0.000000e+00 : f32
      %broadcast_in_dim3A_295 = vector.broadcast %broadcast_in_dim3A_294 : f32 to vector<16xf32>
      %broadcast_in_dim3A_296 = arith.constant 0.000000e+00 : f32
      %broadcast_in_dim3A_297 = vector.broadcast %broadcast_in_dim3A_296 : f32 to vector<16xf32>
      %scan3A_298 = arith.constant 0 : i32
      %scan3A_299 = arith.constant 20 : i32
      %scan3A_300 = arith.addi %scan3A_298, %scan3A_299 : i32
      %scan3A_301 = arith.constant 1 : i32
      %scan3A_302:8 = scf.for %scan3A_850 = %scan3A_298 to %scan3A_300 step %scan3A_301 iter_args(%scan3A_851 = %broadcast_in_dim3A_283, %scan3A_852 = %broadcast_in_dim3A_285, %scan3A_853 = %broadcast_in_dim3A_287, %scan3A_854 = %broadcast_in_dim3A_289, %scan3A_855 = %broadcast_in_dim3A_291, %scan3A_856 = %broadcast_in_dim3A_293, %scan3A_857 = %broadcast_in_dim3A_295, %scan3A_858 = %broadcast_in_dim3A_297) -> (vector<16xf32>, vector<16xf32>, vector<16xf32>, vector<16xf32>, vector<16xf32>, vector<16xf32>, vector<16xf32>, vector<16xf32>)  : i32 {
        %broadcast_in_dim3A_859 = arith.constant 0.000000e+00 : bf16
        %broadcast_in_dim3A_860 = vector.broadcast %broadcast_in_dim3A_859 : bf16 to vector<32xbf16>
        %broadcast_in_dim3A_861 = arith.constant 0.000000e+00 : bf16
        %broadcast_in_dim3A_862 = vector.broadcast %broadcast_in_dim3A_861 : bf16 to vector<32xbf16>
        %broadcast_in_dim3A_863 = arith.constant 0.000000e+00 : bf16
        %broadcast_in_dim3A_864 = vector.broadcast %broadcast_in_dim3A_863 : bf16 to vector<32xbf16>
        %broadcast_in_dim3A_865 = arith.constant 0.000000e+00 : bf16
        %broadcast_in_dim3A_866 = vector.broadcast %broadcast_in_dim3A_865 : bf16 to vector<32xbf16>
        %mul3A_867 = arith.constant 10 : i32
        %mul3A_868 = arith.muli %scan3A_850, %mul3A_867 : i32
        %add3A_869 = arith.constant 200 : i32
        %add3A_870 = arith.addi %add3A_869, %mul3A_868 : i32
        %add3A_871 = arith.constant 0 : i32
        %add3A_872 = arith.addi %add3A_870, %add3A_871 : i32
        %get3A = arith.index_cast %add3A_872 : i32 to index
        %get3A_873 = arith.constant 0 : index
        %get3A_874 = tpu.vector_load %arg9[%get3A, %get3A_873] {strides = array<i32>} : memref<800x64xi32, #tpu.memory_space<vmem>>, vector<16xi32>,
        %bitcast3A = vector.bitcast %get3A_874 : vector<16xi32> to vector<32xbf16>
        %add3A_875 = arith.addf %broadcast_in_dim3A_860, %bitcast3A : vector<32xbf16>
        %add3A_876 = arith.constant 0 : i32
        %add3A_877 = arith.addi %add3A_870, %add3A_876 : i32
        %get3A_878 = arith.index_cast %add3A_877 : i32 to index
        %get3A_879 = arith.constant 16 : index
        %get3A_880 = tpu.vector_load %arg9[%get3A_878, %get3A_879] {strides = array<i32>} : memref<800x64xi32, #tpu.memory_space<vmem>>, vector<16xi32>,
        %bitcast3A_881 = vector.bitcast %get3A_880 : vector<16xi32> to vector<32xbf16>
        %add3A_882 = arith.addf %broadcast_in_dim3A_862, %bitcast3A_881 : vector<32xbf16>
        %add3A_883 = arith.constant 0 : i32
        %add3A_884 = arith.addi %add3A_870, %add3A_883 : i32
        %get3A_885 = arith.index_cast %add3A_884 : i32 to index
        %get3A_886 = arith.constant 32 : index
        %get3A_887 = tpu.vector_load %arg9[%get3A_885, %get3A_886] {strides = array<i32>} : memref<800x64xi32, #tpu.memory_space<vmem>>, vector<16xi32>,
        %bitcast3A_888 = vector.bitcast %get3A_887 : vector<16xi32> to vector<32xbf16>
        %add3A_889 = arith.addf %broadcast_in_dim3A_864, %bitcast3A_888 : vector<32xbf16>
        %add3A_890 = arith.constant 0 : i32
        %add3A_891 = arith.addi %add3A_870, %add3A_890 : i32
        %get3A_892 = arith.index_cast %add3A_891 : i32 to index
        %get3A_893 = arith.constant 48 : index
        %get3A_894 = tpu.vector_load %arg9[%get3A_892, %get3A_893] {strides = array<i32>} : memref<800x64xi32, #tpu.memory_space<vmem>>, vector<16xi32>,
        %bitcast3A_895 = vector.bitcast %get3A_894 : vector<16xi32> to vector<32xbf16>
        %add3A_896 = arith.addf %broadcast_in_dim3A_866, %bitcast3A_895 : vector<32xbf16>
        %add3A_897 = arith.constant 1 : i32
        %add3A_898 = arith.addi %add3A_870, %add3A_897 : i32
        %get3A_899 = arith.index_cast %add3A_898 : i32 to index
        %get3A_900 = arith.constant 0 : index
        %get3A_901 = tpu.vector_load %arg9[%get3A_899, %get3A_900] {strides = array<i32>} : memref<800x64xi32, #tpu.memory_space<vmem>>, vector<16xi32>,
        %bitcast3A_902 = vector.bitcast %get3A_901 : vector<16xi32> to vector<32xbf16>
        %add3A_903 = arith.addf %add3A_875, %bitcast3A_902 : vector<32xbf16>
        %add3A_904 = arith.constant 1 : i32
        %add3A_905 = arith.addi %add3A_870, %add3A_904 : i32
        %get3A_906 = arith.index_cast %add3A_905 : i32 to index
        %get3A_907 = arith.constant 16 : index
        %get3A_908 = tpu.vector_load %arg9[%get3A_906, %get3A_907] {strides = array<i32>} : memref<800x64xi32, #tpu.memory_space<vmem>>, vector<16xi32>,
        %bitcast3A_909 = vector.bitcast %get3A_908 : vector<16xi32> to vector<32xbf16>
        %add3A_910 = arith.addf %add3A_882, %bitcast3A_909 : vector<32xbf16>
        %add3A_911 = arith.constant 1 : i32
        %add3A_912 = arith.addi %add3A_870, %add3A_911 : i32
        %get3A_913 = arith.index_cast %add3A_912 : i32 to index
        %get3A_914 = arith.constant 32 : index
        %get3A_915 = tpu.vector_load %arg9[%get3A_913, %get3A_914] {strides = array<i32>} : memref<800x64xi32, #tpu.memory_space<vmem>>, vector<16xi32>,
        %bitcast3A_916 = vector.bitcast %get3A_915 : vector<16xi32> to vector<32xbf16>
        %add3A_917 = arith.addf %add3A_889, %bitcast3A_916 : vector<32xbf16>
        %add3A_918 = arith.constant 1 : i32
        %add3A_919 = arith.addi %add3A_870, %add3A_918 : i32
        %get3A_920 = arith.index_cast %add3A_919 : i32 to index
        %get3A_921 = arith.constant 48 : index
        %get3A_922 = tpu.vector_load %arg9[%get3A_920, %get3A_921] {strides = array<i32>} : memref<800x64xi32, #tpu.memory_space<vmem>>, vector<16xi32>,
        %bitcast3A_923 = vector.bitcast %get3A_922 : vector<16xi32> to vector<32xbf16>
        %add3A_924 = arith.addf %add3A_896, %bitcast3A_923 : vector<32xbf16>
        %add3A_925 = arith.constant 2 : i32
        %add3A_926 = arith.addi %add3A_870, %add3A_925 : i32
        %get3A_927 = arith.index_cast %add3A_926 : i32 to index
        %get3A_928 = arith.constant 0 : index
        %get3A_929 = tpu.vector_load %arg9[%get3A_927, %get3A_928] {strides = array<i32>} : memref<800x64xi32, #tpu.memory_space<vmem>>, vector<16xi32>,
        %bitcast3A_930 = vector.bitcast %get3A_929 : vector<16xi32> to vector<32xbf16>
        %add3A_931 = arith.addf %add3A_903, %bitcast3A_930 : vector<32xbf16>
        %add3A_932 = arith.constant 2 : i32
        %add3A_933 = arith.addi %add3A_870, %add3A_932 : i32
        %get3A_934 = arith.index_cast %add3A_933 : i32 to index
        %get3A_935 = arith.constant 16 : index
        %get3A_936 = tpu.vector_load %arg9[%get3A_934, %get3A_935] {strides = array<i32>} : memref<800x64xi32, #tpu.memory_space<vmem>>, vector<16xi32>,
        %bitcast3A_937 = vector.bitcast %get3A_936 : vector<16xi32> to vector<32xbf16>
        %add3A_938 = arith.addf %add3A_910, %bitcast3A_937 : vector<32xbf16>
        %add3A_939 = arith.constant 2 : i32
        %add3A_940 = arith.addi %add3A_870, %add3A_939 : i32
        %get3A_941 = arith.index_cast %add3A_940 : i32 to index
        %get3A_942 = arith.constant 32 : index
        %get3A_943 = tpu.vector_load %arg9[%get3A_941, %get3A_942] {strides = array<i32>} : memref<800x64xi32, #tpu.memory_space<vmem>>, vector<16xi32>,
        %bitcast3A_944 = vector.bitcast %get3A_943 : vector<16xi32> to vector<32xbf16>
        %add3A_945 = arith.addf %add3A_917, %bitcast3A_944 : vector<32xbf16>
        %add3A_946 = arith.constant 2 : i32
        %add3A_947 = arith.addi %add3A_870, %add3A_946 : i32
        %get3A_948 = arith.index_cast %add3A_947 : i32 to index
        %get3A_949 = arith.constant 48 : index
        %get3A_950 = tpu.vector_load %arg9[%get3A_948, %get3A_949] {strides = array<i32>} : memref<800x64xi32, #tpu.memory_space<vmem>>, vector<16xi32>,
        %bitcast3A_951 = vector.bitcast %get3A_950 : vector<16xi32> to vector<32xbf16>
        %add3A_952 = arith.addf %add3A_924, %bitcast3A_951 : vector<32xbf16>
        %add3A_953 = arith.constant 3 : i32
        %add3A_954 = arith.addi %add3A_870, %add3A_953 : i32
        %get3A_955 = arith.index_cast %add3A_954 : i32 to index
        %get3A_956 = arith.constant 0 : index
        %get3A_957 = tpu.vector_load %arg9[%get3A_955, %get3A_956] {strides = array<i32>} : memref<800x64xi32, #tpu.memory_space<vmem>>, vector<16xi32>,
        %bitcast3A_958 = vector.bitcast %get3A_957 : vector<16xi32> to vector<32xbf16>
        %add3A_959 = arith.addf %add3A_931, %bitcast3A_958 : vector<32xbf16>
        %add3A_960 = arith.constant 3 : i32
        %add3A_961 = arith.addi %add3A_870, %add3A_960 : i32
        %get3A_962 = arith.index_cast %add3A_961 : i32 to index
        %get3A_963 = arith.constant 16 : index
        %get3A_964 = tpu.vector_load %arg9[%get3A_962, %get3A_963] {strides = array<i32>} : memref<800x64xi32, #tpu.memory_space<vmem>>, vector<16xi32>,
        %bitcast3A_965 = vector.bitcast %get3A_964 : vector<16xi32> to vector<32xbf16>
        %add3A_966 = arith.addf %add3A_938, %bitcast3A_965 : vector<32xbf16>
        %add3A_967 = arith.constant 3 : i32
        %add3A_968 = arith.addi %add3A_870, %add3A_967 : i32
        %get3A_969 = arith.index_cast %add3A_968 : i32 to index
        %get3A_970 = arith.constant 32 : index
        %get3A_971 = tpu.vector_load %arg9[%get3A_969, %get3A_970] {strides = array<i32>} : memref<800x64xi32, #tpu.memory_space<vmem>>, vector<16xi32>,
        %bitcast3A_972 = vector.bitcast %get3A_971 : vector<16xi32> to vector<32xbf16>
        %add3A_973 = arith.addf %add3A_945, %bitcast3A_972 : vector<32xbf16>
        %add3A_974 = arith.constant 3 : i32
        %add3A_975 = arith.addi %add3A_870, %add3A_974 : i32
        %get3A_976 = arith.index_cast %add3A_975 : i32 to index
        %get3A_977 = arith.constant 48 : index
        %get3A_978 = tpu.vector_load %arg9[%get3A_976, %get3A_977] {strides = array<i32>} : memref<800x64xi32, #tpu.memory_space<vmem>>, vector<16xi32>,
        %bitcast3A_979 = vector.bitcast %get3A_978 : vector<16xi32> to vector<32xbf16>
        %add3A_980 = arith.addf %add3A_952, %bitcast3A_979 : vector<32xbf16>
        %add3A_981 = arith.constant 4 : i32
        %add3A_982 = arith.addi %add3A_870, %add3A_981 : i32
        %get3A_983 = arith.index_cast %add3A_982 : i32 to index
        %get3A_984 = arith.constant 0 : index
        %get3A_985 = tpu.vector_load %arg9[%get3A_983, %get3A_984] {strides = array<i32>} : memref<800x64xi32, #tpu.memory_space<vmem>>, vector<16xi32>,
        %bitcast3A_986 = vector.bitcast %get3A_985 : vector<16xi32> to vector<32xbf16>
        %add3A_987 = arith.addf %add3A_959, %bitcast3A_986 : vector<32xbf16>
        %add3A_988 = arith.constant 4 : i32
        %add3A_989 = arith.addi %add3A_870, %add3A_988 : i32
        %get3A_990 = arith.index_cast %add3A_989 : i32 to index
        %get3A_991 = arith.constant 16 : index
        %get3A_992 = tpu.vector_load %arg9[%get3A_990, %get3A_991] {strides = array<i32>} : memref<800x64xi32, #tpu.memory_space<vmem>>, vector<16xi32>,
        %bitcast3A_993 = vector.bitcast %get3A_992 : vector<16xi32> to vector<32xbf16>
        %add3A_994 = arith.addf %add3A_966, %bitcast3A_993 : vector<32xbf16>
        %add3A_995 = arith.constant 4 : i32
        %add3A_996 = arith.addi %add3A_870, %add3A_995 : i32
        %get3A_997 = arith.index_cast %add3A_996 : i32 to index
        %get3A_998 = arith.constant 32 : index
        %get3A_999 = tpu.vector_load %arg9[%get3A_997, %get3A_998] {strides = array<i32>} : memref<800x64xi32, #tpu.memory_space<vmem>>, vector<16xi32>,
        %bitcast3A_1000 = vector.bitcast %get3A_999 : vector<16xi32> to vector<32xbf16>
        %add3A_1001 = arith.addf %add3A_973, %bitcast3A_1000 : vector<32xbf16>
        %add3A_1002 = arith.constant 4 : i32
        %add3A_1003 = arith.addi %add3A_870, %add3A_1002 : i32
        %get3A_1004 = arith.index_cast %add3A_1003 : i32 to index
        %get3A_1005 = arith.constant 48 : index
        %get3A_1006 = tpu.vector_load %arg9[%get3A_1004, %get3A_1005] {strides = array<i32>} : memref<800x64xi32, #tpu.memory_space<vmem>>, vector<16xi32>,
        %bitcast3A_1007 = vector.bitcast %get3A_1006 : vector<16xi32> to vector<32xbf16>
        %add3A_1008 = arith.addf %add3A_980, %bitcast3A_1007 : vector<32xbf16>
        %add3A_1009 = arith.constant 5 : i32
        %add3A_1010 = arith.addi %add3A_870, %add3A_1009 : i32
        %get3A_1011 = arith.index_cast %add3A_1010 : i32 to index
        %get3A_1012 = arith.constant 0 : index
        %get3A_1013 = tpu.vector_load %arg9[%get3A_1011, %get3A_1012] {strides = array<i32>} : memref<800x64xi32, #tpu.memory_space<vmem>>, vector<16xi32>,
        %bitcast3A_1014 = vector.bitcast %get3A_1013 : vector<16xi32> to vector<32xbf16>
        %add3A_1015 = arith.addf %add3A_987, %bitcast3A_1014 : vector<32xbf16>
        %add3A_1016 = arith.constant 5 : i32
        %add3A_1017 = arith.addi %add3A_870, %add3A_1016 : i32
        %get3A_1018 = arith.index_cast %add3A_1017 : i32 to index
        %get3A_1019 = arith.constant 16 : index
        %get3A_1020 = tpu.vector_load %arg9[%get3A_1018, %get3A_1019] {strides = array<i32>} : memref<800x64xi32, #tpu.memory_space<vmem>>, vector<16xi32>,
        %bitcast3A_1021 = vector.bitcast %get3A_1020 : vector<16xi32> to vector<32xbf16>
        %add3A_1022 = arith.addf %add3A_994, %bitcast3A_1021 : vector<32xbf16>
        %add3A_1023 = arith.constant 5 : i32
        %add3A_1024 = arith.addi %add3A_870, %add3A_1023 : i32
        %get3A_1025 = arith.index_cast %add3A_1024 : i32 to index
        %get3A_1026 = arith.constant 32 : index
        %get3A_1027 = tpu.vector_load %arg9[%get3A_1025, %get3A_1026] {strides = array<i32>} : memref<800x64xi32, #tpu.memory_space<vmem>>, vector<16xi32>,
        %bitcast3A_1028 = vector.bitcast %get3A_1027 : vector<16xi32> to vector<32xbf16>
        %add3A_1029 = arith.addf %add3A_1001, %bitcast3A_1028 : vector<32xbf16>
        %add3A_1030 = arith.constant 5 : i32
        %add3A_1031 = arith.addi %add3A_870, %add3A_1030 : i32
        %get3A_1032 = arith.index_cast %add3A_1031 : i32 to index
        %get3A_1033 = arith.constant 48 : index
        %get3A_1034 = tpu.vector_load %arg9[%get3A_1032, %get3A_1033] {strides = array<i32>} : memref<800x64xi32, #tpu.memory_space<vmem>>, vector<16xi32>,
        %bitcast3A_1035 = vector.bitcast %get3A_1034 : vector<16xi32> to vector<32xbf16>
        %add3A_1036 = arith.addf %add3A_1008, %bitcast3A_1035 : vector<32xbf16>
        %add3A_1037 = arith.constant 6 : i32
        %add3A_1038 = arith.addi %add3A_870, %add3A_1037 : i32
        %get3A_1039 = arith.index_cast %add3A_1038 : i32 to index
        %get3A_1040 = arith.constant 0 : index
        %get3A_1041 = tpu.vector_load %arg9[%get3A_1039, %get3A_1040] {strides = array<i32>} : memref<800x64xi32, #tpu.memory_space<vmem>>, vector<16xi32>,
        %bitcast3A_1042 = vector.bitcast %get3A_1041 : vector<16xi32> to vector<32xbf16>
        %add3A_1043 = arith.addf %add3A_1015, %bitcast3A_1042 : vector<32xbf16>
        %add3A_1044 = arith.constant 6 : i32
        %add3A_1045 = arith.addi %add3A_870, %add3A_1044 : i32
        %get3A_1046 = arith.index_cast %add3A_1045 : i32 to index
        %get3A_1047 = arith.constant 16 : index
        %get3A_1048 = tpu.vector_load %arg9[%get3A_1046, %get3A_1047] {strides = array<i32>} : memref<800x64xi32, #tpu.memory_space<vmem>>, vector<16xi32>,
        %bitcast3A_1049 = vector.bitcast %get3A_1048 : vector<16xi32> to vector<32xbf16>
        %add3A_1050 = arith.addf %add3A_1022, %bitcast3A_1049 : vector<32xbf16>
        %add3A_1051 = arith.constant 6 : i32
        %add3A_1052 = arith.addi %add3A_870, %add3A_1051 : i32
        %get3A_1053 = arith.index_cast %add3A_1052 : i32 to index
        %get3A_1054 = arith.constant 32 : index
        %get3A_1055 = tpu.vector_load %arg9[%get3A_1053, %get3A_1054] {strides = array<i32>} : memref<800x64xi32, #tpu.memory_space<vmem>>, vector<16xi32>,
        %bitcast3A_1056 = vector.bitcast %get3A_1055 : vector<16xi32> to vector<32xbf16>
        %add3A_1057 = arith.addf %add3A_1029, %bitcast3A_1056 : vector<32xbf16>
        %add3A_1058 = arith.constant 6 : i32
        %add3A_1059 = arith.addi %add3A_870, %add3A_1058 : i32
        %get3A_1060 = arith.index_cast %add3A_1059 : i32 to index
        %get3A_1061 = arith.constant 48 : index
        %get3A_1062 = tpu.vector_load %arg9[%get3A_1060, %get3A_1061] {strides = array<i32>} : memref<800x64xi32, #tpu.memory_space<vmem>>, vector<16xi32>,
        %bitcast3A_1063 = vector.bitcast %get3A_1062 : vector<16xi32> to vector<32xbf16>
        %add3A_1064 = arith.addf %add3A_1036, %bitcast3A_1063 : vector<32xbf16>
        %add3A_1065 = arith.constant 7 : i32
        %add3A_1066 = arith.addi %add3A_870, %add3A_1065 : i32
        %get3A_1067 = arith.index_cast %add3A_1066 : i32 to index
        %get3A_1068 = arith.constant 0 : index
        %get3A_1069 = tpu.vector_load %arg9[%get3A_1067, %get3A_1068] {strides = array<i32>} : memref<800x64xi32, #tpu.memory_space<vmem>>, vector<16xi32>,
        %bitcast3A_1070 = vector.bitcast %get3A_1069 : vector<16xi32> to vector<32xbf16>
        %add3A_1071 = arith.addf %add3A_1043, %bitcast3A_1070 : vector<32xbf16>
        %add3A_1072 = arith.constant 7 : i32
        %add3A_1073 = arith.addi %add3A_870, %add3A_1072 : i32
        %get3A_1074 = arith.index_cast %add3A_1073 : i32 to index
        %get3A_1075 = arith.constant 16 : index
        %get3A_1076 = tpu.vector_load %arg9[%get3A_1074, %get3A_1075] {strides = array<i32>} : memref<800x64xi32, #tpu.memory_space<vmem>>, vector<16xi32>,
        %bitcast3A_1077 = vector.bitcast %get3A_1076 : vector<16xi32> to vector<32xbf16>
        %add3A_1078 = arith.addf %add3A_1050, %bitcast3A_1077 : vector<32xbf16>
        %add3A_1079 = arith.constant 7 : i32
        %add3A_1080 = arith.addi %add3A_870, %add3A_1079 : i32
        %get3A_1081 = arith.index_cast %add3A_1080 : i32 to index
        %get3A_1082 = arith.constant 32 : index
        %get3A_1083 = tpu.vector_load %arg9[%get3A_1081, %get3A_1082] {strides = array<i32>} : memref<800x64xi32, #tpu.memory_space<vmem>>, vector<16xi32>,
        %bitcast3A_1084 = vector.bitcast %get3A_1083 : vector<16xi32> to vector<32xbf16>
        %add3A_1085 = arith.addf %add3A_1057, %bitcast3A_1084 : vector<32xbf16>
        %add3A_1086 = arith.constant 7 : i32
        %add3A_1087 = arith.addi %add3A_870, %add3A_1086 : i32
        %get3A_1088 = arith.index_cast %add3A_1087 : i32 to index
        %get3A_1089 = arith.constant 48 : index
        %get3A_1090 = tpu.vector_load %arg9[%get3A_1088, %get3A_1089] {strides = array<i32>} : memref<800x64xi32, #tpu.memory_space<vmem>>, vector<16xi32>,
        %bitcast3A_1091 = vector.bitcast %get3A_1090 : vector<16xi32> to vector<32xbf16>
        %add3A_1092 = arith.addf %add3A_1064, %bitcast3A_1091 : vector<32xbf16>
        %add3A_1093 = arith.constant 8 : i32
        %add3A_1094 = arith.addi %add3A_870, %add3A_1093 : i32
        %get3A_1095 = arith.index_cast %add3A_1094 : i32 to index
        %get3A_1096 = arith.constant 0 : index
        %get3A_1097 = tpu.vector_load %arg9[%get3A_1095, %get3A_1096] {strides = array<i32>} : memref<800x64xi32, #tpu.memory_space<vmem>>, vector<16xi32>,
        %bitcast3A_1098 = vector.bitcast %get3A_1097 : vector<16xi32> to vector<32xbf16>
        %add3A_1099 = arith.addf %add3A_1071, %bitcast3A_1098 : vector<32xbf16>
        %add3A_1100 = arith.constant 8 : i32
        %add3A_1101 = arith.addi %add3A_870, %add3A_1100 : i32
        %get3A_1102 = arith.index_cast %add3A_1101 : i32 to index
        %get3A_1103 = arith.constant 16 : index
        %get3A_1104 = tpu.vector_load %arg9[%get3A_1102, %get3A_1103] {strides = array<i32>} : memref<800x64xi32, #tpu.memory_space<vmem>>, vector<16xi32>,
        %bitcast3A_1105 = vector.bitcast %get3A_1104 : vector<16xi32> to vector<32xbf16>
        %add3A_1106 = arith.addf %add3A_1078, %bitcast3A_1105 : vector<32xbf16>
        %add3A_1107 = arith.constant 8 : i32
        %add3A_1108 = arith.addi %add3A_870, %add3A_1107 : i32
        %get3A_1109 = arith.index_cast %add3A_1108 : i32 to index
        %get3A_1110 = arith.constant 32 : index
        %get3A_1111 = tpu.vector_load %arg9[%get3A_1109, %get3A_1110] {strides = array<i32>} : memref<800x64xi32, #tpu.memory_space<vmem>>, vector<16xi32>,
        %bitcast3A_1112 = vector.bitcast %get3A_1111 : vector<16xi32> to vector<32xbf16>
        %add3A_1113 = arith.addf %add3A_1085, %bitcast3A_1112 : vector<32xbf16>
        %add3A_1114 = arith.constant 8 : i32
        %add3A_1115 = arith.addi %add3A_870, %add3A_1114 : i32
        %get3A_1116 = arith.index_cast %add3A_1115 : i32 to index
        %get3A_1117 = arith.constant 48 : index
        %get3A_1118 = tpu.vector_load %arg9[%get3A_1116, %get3A_1117] {strides = array<i32>} : memref<800x64xi32, #tpu.memory_space<vmem>>, vector<16xi32>,
        %bitcast3A_1119 = vector.bitcast %get3A_1118 : vector<16xi32> to vector<32xbf16>
        %add3A_1120 = arith.addf %add3A_1092, %bitcast3A_1119 : vector<32xbf16>
        %add3A_1121 = arith.constant 9 : i32
        %add3A_1122 = arith.addi %add3A_870, %add3A_1121 : i32
        %get3A_1123 = arith.index_cast %add3A_1122 : i32 to index
        %get3A_1124 = arith.constant 0 : index
        %get3A_1125 = tpu.vector_load %arg9[%get3A_1123, %get3A_1124] {strides = array<i32>} : memref<800x64xi32, #tpu.memory_space<vmem>>, vector<16xi32>,
        %bitcast3A_1126 = vector.bitcast %get3A_1125 : vector<16xi32> to vector<32xbf16>
        %add3A_1127 = arith.addf %add3A_1099, %bitcast3A_1126 : vector<32xbf16>
        %add3A_1128 = arith.constant 9 : i32
        %add3A_1129 = arith.addi %add3A_870, %add3A_1128 : i32
        %get3A_1130 = arith.index_cast %add3A_1129 : i32 to index
        %get3A_1131 = arith.constant 16 : index
        %get3A_1132 = tpu.vector_load %arg9[%get3A_1130, %get3A_1131] {strides = array<i32>} : memref<800x64xi32, #tpu.memory_space<vmem>>, vector<16xi32>,
        %bitcast3A_1133 = vector.bitcast %get3A_1132 : vector<16xi32> to vector<32xbf16>
        %add3A_1134 = arith.addf %add3A_1106, %bitcast3A_1133 : vector<32xbf16>
        %add3A_1135 = arith.constant 9 : i32
        %add3A_1136 = arith.addi %add3A_870, %add3A_1135 : i32
        %get3A_1137 = arith.index_cast %add3A_1136 : i32 to index
        %get3A_1138 = arith.constant 32 : index
        %get3A_1139 = tpu.vector_load %arg9[%get3A_1137, %get3A_1138] {strides = array<i32>} : memref<800x64xi32, #tpu.memory_space<vmem>>, vector<16xi32>,
        %bitcast3A_1140 = vector.bitcast %get3A_1139 : vector<16xi32> to vector<32xbf16>
        %add3A_1141 = arith.addf %add3A_1113, %bitcast3A_1140 : vector<32xbf16>
        %add3A_1142 = arith.constant 9 : i32
        %add3A_1143 = arith.addi %add3A_870, %add3A_1142 : i32
        %get3A_1144 = arith.index_cast %add3A_1143 : i32 to index
        %get3A_1145 = arith.constant 48 : index
        %get3A_1146 = tpu.vector_load %arg9[%get3A_1144, %get3A_1145] {strides = array<i32>} : memref<800x64xi32, #tpu.memory_space<vmem>>, vector<16xi32>,
        %bitcast3A_1147 = vector.bitcast %get3A_1146 : vector<16xi32> to vector<32xbf16>
        %add3A_1148 = arith.addf %add3A_1120, %bitcast3A_1147 : vector<32xbf16>
        %bitcast3A_1149 = vector.bitcast %add3A_1127 : vector<32xbf16> to vector<16xi32>
        %shift_left3A = arith.constant 16 : i32
        %shift_left3A_1150 = vector.broadcast %shift_left3A : i32 to vector<16xi32>
        %shift_left3A_1151 = arith.shli %bitcast3A_1149, %shift_left3A_1150 : vector<16xi32>
        %bitcast3A_1152 = vector.bitcast %shift_left3A_1151 : vector<16xi32> to vector<16xf32>
        %add3A_1153 = arith.addf %scan3A_851, %bitcast3A_1152 : vector<16xf32>
        %and3A_1154 = arith.constant -65536 : i32
        %and3A_1155 = vector.broadcast %and3A_1154 : i32 to vector<16xi32>
        %and3A_1156 = arith.andi %bitcast3A_1149, %and3A_1155 : vector<16xi32>
        %bitcast3A_1157 = vector.bitcast %and3A_1156 : vector<16xi32> to vector<16xf32>
        %add3A_1158 = arith.addf %scan3A_852, %bitcast3A_1157 : vector<16xf32>
        %bitcast3A_1159 = vector.bitcast %add3A_1134 : vector<32xbf16> to vector<16xi32>
        %shift_left3A_1160 = arith.constant 16 : i32
        %shift_left3A_1161 = vector.broadcast %shift_left3A_1160 : i32 to vector<16xi32>
        %shift_left3A_1162 = arith.shli %bitcast3A_1159, %shift_left3A_1161 : vector<16xi32>
        %bitcast3A_1163 = vector.bitcast %shift_left3A_1162 : vector<16xi32> to vector<16xf32>
        %add3A_1164 = arith.addf %scan3A_853, %bitcast3A_1163 : vector<16xf32>
        %and3A_1165 = arith.constant -65536 : i32
        %and3A_1166 = vector.broadcast %and3A_1165 : i32 to vector<16xi32>
        %and3A_1167 = arith.andi %bitcast3A_1159, %and3A_1166 : vector<16xi32>
        %bitcast3A_1168 = vector.bitcast %and3A_1167 : vector<16xi32> to vector<16xf32>
        %add3A_1169 = arith.addf %scan3A_854, %bitcast3A_1168 : vector<16xf32>
        %bitcast3A_1170 = vector.bitcast %add3A_1141 : vector<32xbf16> to vector<16xi32>
        %shift_left3A_1171 = arith.constant 16 : i32
        %shift_left3A_1172 = vector.broadcast %shift_left3A_1171 : i32 to vector<16xi32>
        %shift_left3A_1173 = arith.shli %bitcast3A_1170, %shift_left3A_1172 : vector<16xi32>
        %bitcast3A_1174 = vector.bitcast %shift_left3A_1173 : vector<16xi32> to vector<16xf32>
        %add3A_1175 = arith.addf %scan3A_855, %bitcast3A_1174 : vector<16xf32>
        %and3A_1176 = arith.constant -65536 : i32
        %and3A_1177 = vector.broadcast %and3A_1176 : i32 to vector<16xi32>
        %and3A_1178 = arith.andi %bitcast3A_1170, %and3A_1177 : vector<16xi32>
        %bitcast3A_1179 = vector.bitcast %and3A_1178 : vector<16xi32> to vector<16xf32>
        %add3A_1180 = arith.addf %scan3A_856, %bitcast3A_1179 : vector<16xf32>
        %bitcast3A_1181 = vector.bitcast %add3A_1148 : vector<32xbf16> to vector<16xi32>
        %shift_left3A_1182 = arith.constant 16 : i32
        %shift_left3A_1183 = vector.broadcast %shift_left3A_1182 : i32 to vector<16xi32>
        %shift_left3A_1184 = arith.shli %bitcast3A_1181, %shift_left3A_1183 : vector<16xi32>
        %bitcast3A_1185 = vector.bitcast %shift_left3A_1184 : vector<16xi32> to vector<16xf32>
        %add3A_1186 = arith.addf %scan3A_857, %bitcast3A_1185 : vector<16xf32>
        %and3A_1187 = arith.constant -65536 : i32
        %and3A_1188 = vector.broadcast %and3A_1187 : i32 to vector<16xi32>
        %and3A_1189 = arith.andi %bitcast3A_1181, %and3A_1188 : vector<16xi32>
        %bitcast3A_1190 = vector.bitcast %and3A_1189 : vector<16xi32> to vector<16xf32>
        %add3A_1191 = arith.addf %scan3A_858, %bitcast3A_1190 : vector<16xf32>
        scf.yield %add3A_1153, %add3A_1158, %add3A_1164, %add3A_1169, %add3A_1175, %add3A_1180, %add3A_1186, %add3A_1191 : vector<16xf32>, vector<16xf32>, vector<16xf32>, vector<16xf32>, vector<16xf32>, vector<16xf32>, vector<16xf32>, vector<16xf32>
      }
      %scan3A_303 = arith.constant 20 : i32
      %add3A_304 = arith.constant 1 : i32
      %add3A_305 = arith.addi %mul3A_221, %add3A_304 : i32
      %swap3A_306 = arith.index_cast %add3A_305 : i32 to index
      %swap3A_307 = arith.constant 0 : index
      %swap3A_308 = tpu.vector_load %arg11[%swap3A_306, %swap3A_307] {strides = array<i32>} : memref<64x128xf32, #tpu.memory_space<vmem>>, vector<16xf32>,
      tpu.vector_store %arg11[%swap3A_306, %swap3A_307], %scan3A_302#0 {strides = array<i32>} : memref<64x128xf32, #tpu.memory_space<vmem>>, vector<16xf32>,
      %add3A_309 = arith.constant 1 : i32
      %add3A_310 = arith.addi %mul3A_221, %add3A_309 : i32
      %swap3A_311 = arith.index_cast %add3A_310 : i32 to index
      %swap3A_312 = arith.constant 16 : index
      %swap3A_313 = tpu.vector_load %arg11[%swap3A_311, %swap3A_312] {strides = array<i32>} : memref<64x128xf32, #tpu.memory_space<vmem>>, vector<16xf32>,
      tpu.vector_store %arg11[%swap3A_311, %swap3A_312], %scan3A_302#1 {strides = array<i32>} : memref<64x128xf32, #tpu.memory_space<vmem>>, vector<16xf32>,
      %add3A_314 = arith.constant 1 : i32
      %add3A_315 = arith.addi %mul3A_221, %add3A_314 : i32
      %swap3A_316 = arith.index_cast %add3A_315 : i32 to index
      %swap3A_317 = arith.constant 32 : index
      %swap3A_318 = tpu.vector_load %arg11[%swap3A_316, %swap3A_317] {strides = array<i32>} : memref<64x128xf32, #tpu.memory_space<vmem>>, vector<16xf32>,
      tpu.vector_store %arg11[%swap3A_316, %swap3A_317], %scan3A_302#2 {strides = array<i32>} : memref<64x128xf32, #tpu.memory_space<vmem>>, vector<16xf32>,
      %add3A_319 = arith.constant 1 : i32
      %add3A_320 = arith.addi %mul3A_221, %add3A_319 : i32
      %swap3A_321 = arith.index_cast %add3A_320 : i32 to index
      %swap3A_322 = arith.constant 48 : index
      %swap3A_323 = tpu.vector_load %arg11[%swap3A_321, %swap3A_322] {strides = array<i32>} : memref<64x128xf32, #tpu.memory_space<vmem>>, vector<16xf32>,
      tpu.vector_store %arg11[%swap3A_321, %swap3A_322], %scan3A_302#3 {strides = array<i32>} : memref<64x128xf32, #tpu.memory_space<vmem>>, vector<16xf32>,
      %add3A_324 = arith.constant 1 : i32
      %add3A_325 = arith.addi %mul3A_221, %add3A_324 : i32
      %swap3A_326 = arith.index_cast %add3A_325 : i32 to index
      %swap3A_327 = arith.constant 64 : index
      %swap3A_328 = tpu.vector_load %arg11[%swap3A_326, %swap3A_327] {strides = array<i32>} : memref<64x128xf32, #tpu.memory_space<vmem>>, vector<16xf32>,
      tpu.vector_store %arg11[%swap3A_326, %swap3A_327], %scan3A_302#4 {strides = array<i32>} : memref<64x128xf32, #tpu.memory_space<vmem>>, vector<16xf32>,
      %add3A_329 = arith.constant 1 : i32
      %add3A_330 = arith.addi %mul3A_221, %add3A_329 : i32
      %swap3A_331 = arith.index_cast %add3A_330 : i32 to index
      %swap3A_332 = arith.constant 80 : index
      %swap3A_333 = tpu.vector_load %arg11[%swap3A_331, %swap3A_332] {strides = array<i32>} : memref<64x128xf32, #tpu.memory_space<vmem>>, vector<16xf32>,
      tpu.vector_store %arg11[%swap3A_331, %swap3A_332], %scan3A_302#5 {strides = array<i32>} : memref<64x128xf32, #tpu.memory_space<vmem>>, vector<16xf32>,
      %add3A_334 = arith.constant 1 : i32
      %add3A_335 = arith.addi %mul3A_221, %add3A_334 : i32
      %swap3A_336 = arith.index_cast %add3A_335 : i32 to index
      %swap3A_337 = arith.constant 96 : index
      %swap3A_338 = tpu.vector_load %arg11[%swap3A_336, %swap3A_337] {strides = array<i32>} : memref<64x128xf32, #tpu.memory_space<vmem>>, vector<16xf32>,
      tpu.vector_store %arg11[%swap3A_336, %swap3A_337], %scan3A_302#6 {strides = array<i32>} : memref<64x128xf32, #tpu.memory_space<vmem>>, vector<16xf32>,
      %add3A_339 = arith.constant 1 : i32
      %add3A_340 = arith.addi %mul3A_221, %add3A_339 : i32
      %swap3A_341 = arith.index_cast %add3A_340 : i32 to index
      %swap3A_342 = arith.constant 112 : index
      %swap3A_343 = tpu.vector_load %arg11[%swap3A_341, %swap3A_342] {strides = array<i32>} : memref<64x128xf32, #tpu.memory_space<vmem>>, vector<16xf32>,
      tpu.vector_store %arg11[%swap3A_341, %swap3A_342], %scan3A_302#7 {strides = array<i32>} : memref<64x128xf32, #tpu.memory_space<vmem>>, vector<16xf32>,
      %broadcast_in_dim3A_344 = arith.constant 0.000000e+00 : f32
      %broadcast_in_dim3A_345 = vector.broadcast %broadcast_in_dim3A_344 : f32 to vector<16xf32>
      %broadcast_in_dim3A_346 = arith.constant 0.000000e+00 : f32
      %broadcast_in_dim3A_347 = vector.broadcast %broadcast_in_dim3A_346 : f32 to vector<16xf32>
      %broadcast_in_dim3A_348 = arith.constant 0.000000e+00 : f32
      %broadcast_in_dim3A_349 = vector.broadcast %broadcast_in_dim3A_348 : f32 to vector<16xf32>
      %broadcast_in_dim3A_350 = arith.constant 0.000000e+00 : f32
      %broadcast_in_dim3A_351 = vector.broadcast %broadcast_in_dim3A_350 : f32 to vector<16xf32>
      %broadcast_in_dim3A_352 = arith.constant 0.000000e+00 : f32
      %broadcast_in_dim3A_353 = vector.broadcast %broadcast_in_dim3A_352 : f32 to vector<16xf32>
      %broadcast_in_dim3A_354 = arith.constant 0.000000e+00 : f32
      %broadcast_in_dim3A_355 = vector.broadcast %broadcast_in_dim3A_354 : f32 to vector<16xf32>
      %broadcast_in_dim3A_356 = arith.constant 0.000000e+00 : f32
      %broadcast_in_dim3A_357 = vector.broadcast %broadcast_in_dim3A_356 : f32 to vector<16xf32>
      %broadcast_in_dim3A_358 = arith.constant 0.000000e+00 : f32
      %broadcast_in_dim3A_359 = vector.broadcast %broadcast_in_dim3A_358 : f32 to vector<16xf32>
      %scan3A_360 = arith.constant 0 : i32
      %scan3A_361 = arith.constant 20 : i32
      %scan3A_362 = arith.addi %scan3A_360, %scan3A_361 : i32
      %scan3A_363 = arith.constant 1 : i32
      %scan3A_364:8 = scf.for %scan3A_850 = %scan3A_360 to %scan3A_362 step %scan3A_363 iter_args(%scan3A_851 = %broadcast_in_dim3A_345, %scan3A_852 = %broadcast_in_dim3A_347, %scan3A_853 = %broadcast_in_dim3A_349, %scan3A_854 = %broadcast_in_dim3A_351, %scan3A_855 = %broadcast_in_dim3A_353, %scan3A_856 = %broadcast_in_dim3A_355, %scan3A_857 = %broadcast_in_dim3A_357, %scan3A_858 = %broadcast_in_dim3A_359) -> (vector<16xf32>, vector<16xf32>, vector<16xf32>, vector<16xf32>, vector<16xf32>, vector<16xf32>, vector<16xf32>, vector<16xf32>)  : i32 {
        %broadcast_in_dim3A_859 = arith.constant 0.000000e+00 : bf16
        %broadcast_in_dim3A_860 = vector.broadcast %broadcast_in_dim3A_859 : bf16 to vector<32xbf16>
        %broadcast_in_dim3A_861 = arith.constant 0.000000e+00 : bf16
        %broadcast_in_dim3A_862 = vector.broadcast %broadcast_in_dim3A_861 : bf16 to vector<32xbf16>
        %broadcast_in_dim3A_863 = arith.constant 0.000000e+00 : bf16
        %broadcast_in_dim3A_864 = vector.broadcast %broadcast_in_dim3A_863 : bf16 to vector<32xbf16>
        %broadcast_in_dim3A_865 = arith.constant 0.000000e+00 : bf16
        %broadcast_in_dim3A_866 = vector.broadcast %broadcast_in_dim3A_865 : bf16 to vector<32xbf16>
        %mul3A_867 = arith.constant 10 : i32
        %mul3A_868 = arith.muli %scan3A_850, %mul3A_867 : i32
        %add3A_869 = arith.constant 400 : i32
        %add3A_870 = arith.addi %add3A_869, %mul3A_868 : i32
        %add3A_871 = arith.constant 0 : i32
        %add3A_872 = arith.addi %add3A_870, %add3A_871 : i32
        %get3A = arith.index_cast %add3A_872 : i32 to index
        %get3A_873 = arith.constant 0 : index
        %get3A_874 = tpu.vector_load %arg9[%get3A, %get3A_873] {strides = array<i32>} : memref<800x64xi32, #tpu.memory_space<vmem>>, vector<16xi32>,
        %bitcast3A = vector.bitcast %get3A_874 : vector<16xi32> to vector<32xbf16>
        %add3A_875 = arith.addf %broadcast_in_dim3A_860, %bitcast3A : vector<32xbf16>
        %add3A_876 = arith.constant 0 : i32
        %add3A_877 = arith.addi %add3A_870, %add3A_876 : i32
        %get3A_878 = arith.index_cast %add3A_877 : i32 to index
        %get3A_879 = arith.constant 16 : index
        %get3A_880 = tpu.vector_load %arg9[%get3A_878, %get3A_879] {strides = array<i32>} : memref<800x64xi32, #tpu.memory_space<vmem>>, vector<16xi32>,
        %bitcast3A_881 = vector.bitcast %get3A_880 : vector<16xi32> to vector<32xbf16>
        %add3A_882 = arith.addf %broadcast_in_dim3A_862, %bitcast3A_881 : vector<32xbf16>
        %add3A_883 = arith.constant 0 : i32
        %add3A_884 = arith.addi %add3A_870, %add3A_883 : i32
        %get3A_885 = arith.index_cast %add3A_884 : i32 to index
        %get3A_886 = arith.constant 32 : index
        %get3A_887 = tpu.vector_load %arg9[%get3A_885, %get3A_886] {strides = array<i32>} : memref<800x64xi32, #tpu.memory_space<vmem>>, vector<16xi32>,
        %bitcast3A_888 = vector.bitcast %get3A_887 : vector<16xi32> to vector<32xbf16>
        %add3A_889 = arith.addf %broadcast_in_dim3A_864, %bitcast3A_888 : vector<32xbf16>
        %add3A_890 = arith.constant 0 : i32
        %add3A_891 = arith.addi %add3A_870, %add3A_890 : i32
        %get3A_892 = arith.index_cast %add3A_891 : i32 to index
        %get3A_893 = arith.constant 48 : index
        %get3A_894 = tpu.vector_load %arg9[%get3A_892, %get3A_893] {strides = array<i32>} : memref<800x64xi32, #tpu.memory_space<vmem>>, vector<16xi32>,
        %bitcast3A_895 = vector.bitcast %get3A_894 : vector<16xi32> to vector<32xbf16>
        %add3A_896 = arith.addf %broadcast_in_dim3A_866, %bitcast3A_895 : vector<32xbf16>
        %add3A_897 = arith.constant 1 : i32
        %add3A_898 = arith.addi %add3A_870, %add3A_897 : i32
        %get3A_899 = arith.index_cast %add3A_898 : i32 to index
        %get3A_900 = arith.constant 0 : index
        %get3A_901 = tpu.vector_load %arg9[%get3A_899, %get3A_900] {strides = array<i32>} : memref<800x64xi32, #tpu.memory_space<vmem>>, vector<16xi32>,
        %bitcast3A_902 = vector.bitcast %get3A_901 : vector<16xi32> to vector<32xbf16>
        %add3A_903 = arith.addf %add3A_875, %bitcast3A_902 : vector<32xbf16>
        %add3A_904 = arith.constant 1 : i32
        %add3A_905 = arith.addi %add3A_870, %add3A_904 : i32
        %get3A_906 = arith.index_cast %add3A_905 : i32 to index
        %get3A_907 = arith.constant 16 : index
        %get3A_908 = tpu.vector_load %arg9[%get3A_906, %get3A_907] {strides = array<i32>} : memref<800x64xi32, #tpu.memory_space<vmem>>, vector<16xi32>,
        %bitcast3A_909 = vector.bitcast %get3A_908 : vector<16xi32> to vector<32xbf16>
        %add3A_910 = arith.addf %add3A_882, %bitcast3A_909 : vector<32xbf16>
        %add3A_911 = arith.constant 1 : i32
        %add3A_912 = arith.addi %add3A_870, %add3A_911 : i32
        %get3A_913 = arith.index_cast %add3A_912 : i32 to index
        %get3A_914 = arith.constant 32 : index
        %get3A_915 = tpu.vector_load %arg9[%get3A_913, %get3A_914] {strides = array<i32>} : memref<800x64xi32, #tpu.memory_space<vmem>>, vector<16xi32>,
        %bitcast3A_916 = vector.bitcast %get3A_915 : vector<16xi32> to vector<32xbf16>
        %add3A_917 = arith.addf %add3A_889, %bitcast3A_916 : vector<32xbf16>
        %add3A_918 = arith.constant 1 : i32
        %add3A_919 = arith.addi %add3A_870, %add3A_918 : i32
        %get3A_920 = arith.index_cast %add3A_919 : i32 to index
        %get3A_921 = arith.constant 48 : index
        %get3A_922 = tpu.vector_load %arg9[%get3A_920, %get3A_921] {strides = array<i32>} : memref<800x64xi32, #tpu.memory_space<vmem>>, vector<16xi32>,
        %bitcast3A_923 = vector.bitcast %get3A_922 : vector<16xi32> to vector<32xbf16>
        %add3A_924 = arith.addf %add3A_896, %bitcast3A_923 : vector<32xbf16>
        %add3A_925 = arith.constant 2 : i32
        %add3A_926 = arith.addi %add3A_870, %add3A_925 : i32
        %get3A_927 = arith.index_cast %add3A_926 : i32 to index
        %get3A_928 = arith.constant 0 : index
        %get3A_929 = tpu.vector_load %arg9[%get3A_927, %get3A_928] {strides = array<i32>} : memref<800x64xi32, #tpu.memory_space<vmem>>, vector<16xi32>,
        %bitcast3A_930 = vector.bitcast %get3A_929 : vector<16xi32> to vector<32xbf16>
        %add3A_931 = arith.addf %add3A_903, %bitcast3A_930 : vector<32xbf16>
        %add3A_932 = arith.constant 2 : i32
        %add3A_933 = arith.addi %add3A_870, %add3A_932 : i32
        %get3A_934 = arith.index_cast %add3A_933 : i32 to index
        %get3A_935 = arith.constant 16 : index
        %get3A_936 = tpu.vector_load %arg9[%get3A_934, %get3A_935] {strides = array<i32>} : memref<800x64xi32, #tpu.memory_space<vmem>>, vector<16xi32>,
        %bitcast3A_937 = vector.bitcast %get3A_936 : vector<16xi32> to vector<32xbf16>
        %add3A_938 = arith.addf %add3A_910, %bitcast3A_937 : vector<32xbf16>
        %add3A_939 = arith.constant 2 : i32
        %add3A_940 = arith.addi %add3A_870, %add3A_939 : i32
        %get3A_941 = arith.index_cast %add3A_940 : i32 to index
        %get3A_942 = arith.constant 32 : index
        %get3A_943 = tpu.vector_load %arg9[%get3A_941, %get3A_942] {strides = array<i32>} : memref<800x64xi32, #tpu.memory_space<vmem>>, vector<16xi32>,
        %bitcast3A_944 = vector.bitcast %get3A_943 : vector<16xi32> to vector<32xbf16>
        %add3A_945 = arith.addf %add3A_917, %bitcast3A_944 : vector<32xbf16>
        %add3A_946 = arith.constant 2 : i32
        %add3A_947 = arith.addi %add3A_870, %add3A_946 : i32
        %get3A_948 = arith.index_cast %add3A_947 : i32 to index
        %get3A_949 = arith.constant 48 : index
        %get3A_950 = tpu.vector_load %arg9[%get3A_948, %get3A_949] {strides = array<i32>} : memref<800x64xi32, #tpu.memory_space<vmem>>, vector<16xi32>,
        %bitcast3A_951 = vector.bitcast %get3A_950 : vector<16xi32> to vector<32xbf16>
        %add3A_952 = arith.addf %add3A_924, %bitcast3A_951 : vector<32xbf16>
        %add3A_953 = arith.constant 3 : i32
        %add3A_954 = arith.addi %add3A_870, %add3A_953 : i32
        %get3A_955 = arith.index_cast %add3A_954 : i32 to index
        %get3A_956 = arith.constant 0 : index
        %get3A_957 = tpu.vector_load %arg9[%get3A_955, %get3A_956] {strides = array<i32>} : memref<800x64xi32, #tpu.memory_space<vmem>>, vector<16xi32>,
        %bitcast3A_958 = vector.bitcast %get3A_957 : vector<16xi32> to vector<32xbf16>
        %add3A_959 = arith.addf %add3A_931, %bitcast3A_958 : vector<32xbf16>
        %add3A_960 = arith.constant 3 : i32
        %add3A_961 = arith.addi %add3A_870, %add3A_960 : i32
        %get3A_962 = arith.index_cast %add3A_961 : i32 to index
        %get3A_963 = arith.constant 16 : index
        %get3A_964 = tpu.vector_load %arg9[%get3A_962, %get3A_963] {strides = array<i32>} : memref<800x64xi32, #tpu.memory_space<vmem>>, vector<16xi32>,
        %bitcast3A_965 = vector.bitcast %get3A_964 : vector<16xi32> to vector<32xbf16>
        %add3A_966 = arith.addf %add3A_938, %bitcast3A_965 : vector<32xbf16>
        %add3A_967 = arith.constant 3 : i32
        %add3A_968 = arith.addi %add3A_870, %add3A_967 : i32
        %get3A_969 = arith.index_cast %add3A_968 : i32 to index
        %get3A_970 = arith.constant 32 : index
        %get3A_971 = tpu.vector_load %arg9[%get3A_969, %get3A_970] {strides = array<i32>} : memref<800x64xi32, #tpu.memory_space<vmem>>, vector<16xi32>,
        %bitcast3A_972 = vector.bitcast %get3A_971 : vector<16xi32> to vector<32xbf16>
        %add3A_973 = arith.addf %add3A_945, %bitcast3A_972 : vector<32xbf16>
        %add3A_974 = arith.constant 3 : i32
        %add3A_975 = arith.addi %add3A_870, %add3A_974 : i32
        %get3A_976 = arith.index_cast %add3A_975 : i32 to index
        %get3A_977 = arith.constant 48 : index
        %get3A_978 = tpu.vector_load %arg9[%get3A_976, %get3A_977] {strides = array<i32>} : memref<800x64xi32, #tpu.memory_space<vmem>>, vector<16xi32>,
        %bitcast3A_979 = vector.bitcast %get3A_978 : vector<16xi32> to vector<32xbf16>
        %add3A_980 = arith.addf %add3A_952, %bitcast3A_979 : vector<32xbf16>
        %add3A_981 = arith.constant 4 : i32
        %add3A_982 = arith.addi %add3A_870, %add3A_981 : i32
        %get3A_983 = arith.index_cast %add3A_982 : i32 to index
        %get3A_984 = arith.constant 0 : index
        %get3A_985 = tpu.vector_load %arg9[%get3A_983, %get3A_984] {strides = array<i32>} : memref<800x64xi32, #tpu.memory_space<vmem>>, vector<16xi32>,
        %bitcast3A_986 = vector.bitcast %get3A_985 : vector<16xi32> to vector<32xbf16>
        %add3A_987 = arith.addf %add3A_959, %bitcast3A_986 : vector<32xbf16>
        %add3A_988 = arith.constant 4 : i32
        %add3A_989 = arith.addi %add3A_870, %add3A_988 : i32
        %get3A_990 = arith.index_cast %add3A_989 : i32 to index
        %get3A_991 = arith.constant 16 : index
        %get3A_992 = tpu.vector_load %arg9[%get3A_990, %get3A_991] {strides = array<i32>} : memref<800x64xi32, #tpu.memory_space<vmem>>, vector<16xi32>,
        %bitcast3A_993 = vector.bitcast %get3A_992 : vector<16xi32> to vector<32xbf16>
        %add3A_994 = arith.addf %add3A_966, %bitcast3A_993 : vector<32xbf16>
        %add3A_995 = arith.constant 4 : i32
        %add3A_996 = arith.addi %add3A_870, %add3A_995 : i32
        %get3A_997 = arith.index_cast %add3A_996 : i32 to index
        %get3A_998 = arith.constant 32 : index
        %get3A_999 = tpu.vector_load %arg9[%get3A_997, %get3A_998] {strides = array<i32>} : memref<800x64xi32, #tpu.memory_space<vmem>>, vector<16xi32>,
        %bitcast3A_1000 = vector.bitcast %get3A_999 : vector<16xi32> to vector<32xbf16>
        %add3A_1001 = arith.addf %add3A_973, %bitcast3A_1000 : vector<32xbf16>
        %add3A_1002 = arith.constant 4 : i32
        %add3A_1003 = arith.addi %add3A_870, %add3A_1002 : i32
        %get3A_1004 = arith.index_cast %add3A_1003 : i32 to index
        %get3A_1005 = arith.constant 48 : index
        %get3A_1006 = tpu.vector_load %arg9[%get3A_1004, %get3A_1005] {strides = array<i32>} : memref<800x64xi32, #tpu.memory_space<vmem>>, vector<16xi32>,
        %bitcast3A_1007 = vector.bitcast %get3A_1006 : vector<16xi32> to vector<32xbf16>
        %add3A_1008 = arith.addf %add3A_980, %bitcast3A_1007 : vector<32xbf16>
        %add3A_1009 = arith.constant 5 : i32
        %add3A_1010 = arith.addi %add3A_870, %add3A_1009 : i32
        %get3A_1011 = arith.index_cast %add3A_1010 : i32 to index
        %get3A_1012 = arith.constant 0 : index
        %get3A_1013 = tpu.vector_load %arg9[%get3A_1011, %get3A_1012] {strides = array<i32>} : memref<800x64xi32, #tpu.memory_space<vmem>>, vector<16xi32>,
        %bitcast3A_1014 = vector.bitcast %get3A_1013 : vector<16xi32> to vector<32xbf16>
        %add3A_1015 = arith.addf %add3A_987, %bitcast3A_1014 : vector<32xbf16>
        %add3A_1016 = arith.constant 5 : i32
        %add3A_1017 = arith.addi %add3A_870, %add3A_1016 : i32
        %get3A_1018 = arith.index_cast %add3A_1017 : i32 to index
        %get3A_1019 = arith.constant 16 : index
        %get3A_1020 = tpu.vector_load %arg9[%get3A_1018, %get3A_1019] {strides = array<i32>} : memref<800x64xi32, #tpu.memory_space<vmem>>, vector<16xi32>,
        %bitcast3A_1021 = vector.bitcast %get3A_1020 : vector<16xi32> to vector<32xbf16>
        %add3A_1022 = arith.addf %add3A_994, %bitcast3A_1021 : vector<32xbf16>
        %add3A_1023 = arith.constant 5 : i32
        %add3A_1024 = arith.addi %add3A_870, %add3A_1023 : i32
        %get3A_1025 = arith.index_cast %add3A_1024 : i32 to index
        %get3A_1026 = arith.constant 32 : index
        %get3A_1027 = tpu.vector_load %arg9[%get3A_1025, %get3A_1026] {strides = array<i32>} : memref<800x64xi32, #tpu.memory_space<vmem>>, vector<16xi32>,
        %bitcast3A_1028 = vector.bitcast %get3A_1027 : vector<16xi32> to vector<32xbf16>
        %add3A_1029 = arith.addf %add3A_1001, %bitcast3A_1028 : vector<32xbf16>
        %add3A_1030 = arith.constant 5 : i32
        %add3A_1031 = arith.addi %add3A_870, %add3A_1030 : i32
        %get3A_1032 = arith.index_cast %add3A_1031 : i32 to index
        %get3A_1033 = arith.constant 48 : index
        %get3A_1034 = tpu.vector_load %arg9[%get3A_1032, %get3A_1033] {strides = array<i32>} : memref<800x64xi32, #tpu.memory_space<vmem>>, vector<16xi32>,
        %bitcast3A_1035 = vector.bitcast %get3A_1034 : vector<16xi32> to vector<32xbf16>
        %add3A_1036 = arith.addf %add3A_1008, %bitcast3A_1035 : vector<32xbf16>
        %add3A_1037 = arith.constant 6 : i32
        %add3A_1038 = arith.addi %add3A_870, %add3A_1037 : i32
        %get3A_1039 = arith.index_cast %add3A_1038 : i32 to index
        %get3A_1040 = arith.constant 0 : index
        %get3A_1041 = tpu.vector_load %arg9[%get3A_1039, %get3A_1040] {strides = array<i32>} : memref<800x64xi32, #tpu.memory_space<vmem>>, vector<16xi32>,
        %bitcast3A_1042 = vector.bitcast %get3A_1041 : vector<16xi32> to vector<32xbf16>
        %add3A_1043 = arith.addf %add3A_1015, %bitcast3A_1042 : vector<32xbf16>
        %add3A_1044 = arith.constant 6 : i32
        %add3A_1045 = arith.addi %add3A_870, %add3A_1044 : i32
        %get3A_1046 = arith.index_cast %add3A_1045 : i32 to index
        %get3A_1047 = arith.constant 16 : index
        %get3A_1048 = tpu.vector_load %arg9[%get3A_1046, %get3A_1047] {strides = array<i32>} : memref<800x64xi32, #tpu.memory_space<vmem>>, vector<16xi32>,
        %bitcast3A_1049 = vector.bitcast %get3A_1048 : vector<16xi32> to vector<32xbf16>
        %add3A_1050 = arith.addf %add3A_1022, %bitcast3A_1049 : vector<32xbf16>
        %add3A_1051 = arith.constant 6 : i32
        %add3A_1052 = arith.addi %add3A_870, %add3A_1051 : i32
        %get3A_1053 = arith.index_cast %add3A_1052 : i32 to index
        %get3A_1054 = arith.constant 32 : index
        %get3A_1055 = tpu.vector_load %arg9[%get3A_1053, %get3A_1054] {strides = array<i32>} : memref<800x64xi32, #tpu.memory_space<vmem>>, vector<16xi32>,
        %bitcast3A_1056 = vector.bitcast %get3A_1055 : vector<16xi32> to vector<32xbf16>
        %add3A_1057 = arith.addf %add3A_1029, %bitcast3A_1056 : vector<32xbf16>
        %add3A_1058 = arith.constant 6 : i32
        %add3A_1059 = arith.addi %add3A_870, %add3A_1058 : i32
        %get3A_1060 = arith.index_cast %add3A_1059 : i32 to index
        %get3A_1061 = arith.constant 48 : index
        %get3A_1062 = tpu.vector_load %arg9[%get3A_1060, %get3A_1061] {strides = array<i32>} : memref<800x64xi32, #tpu.memory_space<vmem>>, vector<16xi32>,
        %bitcast3A_1063 = vector.bitcast %get3A_1062 : vector<16xi32> to vector<32xbf16>
        %add3A_1064 = arith.addf %add3A_1036, %bitcast3A_1063 : vector<32xbf16>
        %add3A_1065 = arith.constant 7 : i32
        %add3A_1066 = arith.addi %add3A_870, %add3A_1065 : i32
        %get3A_1067 = arith.index_cast %add3A_1066 : i32 to index
        %get3A_1068 = arith.constant 0 : index
        %get3A_1069 = tpu.vector_load %arg9[%get3A_1067, %get3A_1068] {strides = array<i32>} : memref<800x64xi32, #tpu.memory_space<vmem>>, vector<16xi32>,
        %bitcast3A_1070 = vector.bitcast %get3A_1069 : vector<16xi32> to vector<32xbf16>
        %add3A_1071 = arith.addf %add3A_1043, %bitcast3A_1070 : vector<32xbf16>
        %add3A_1072 = arith.constant 7 : i32
        %add3A_1073 = arith.addi %add3A_870, %add3A_1072 : i32
        %get3A_1074 = arith.index_cast %add3A_1073 : i32 to index
        %get3A_1075 = arith.constant 16 : index
        %get3A_1076 = tpu.vector_load %arg9[%get3A_1074, %get3A_1075] {strides = array<i32>} : memref<800x64xi32, #tpu.memory_space<vmem>>, vector<16xi32>,
        %bitcast3A_1077 = vector.bitcast %get3A_1076 : vector<16xi32> to vector<32xbf16>
        %add3A_1078 = arith.addf %add3A_1050, %bitcast3A_1077 : vector<32xbf16>
        %add3A_1079 = arith.constant 7 : i32
        %add3A_1080 = arith.addi %add3A_870, %add3A_1079 : i32
        %get3A_1081 = arith.index_cast %add3A_1080 : i32 to index
        %get3A_1082 = arith.constant 32 : index
        %get3A_1083 = tpu.vector_load %arg9[%get3A_1081, %get3A_1082] {strides = array<i32>} : memref<800x64xi32, #tpu.memory_space<vmem>>, vector<16xi32>,
        %bitcast3A_1084 = vector.bitcast %get3A_1083 : vector<16xi32> to vector<32xbf16>
        %add3A_1085 = arith.addf %add3A_1057, %bitcast3A_1084 : vector<32xbf16>
        %add3A_1086 = arith.constant 7 : i32
        %add3A_1087 = arith.addi %add3A_870, %add3A_1086 : i32
        %get3A_1088 = arith.index_cast %add3A_1087 : i32 to index
        %get3A_1089 = arith.constant 48 : index
        %get3A_1090 = tpu.vector_load %arg9[%get3A_1088, %get3A_1089] {strides = array<i32>} : memref<800x64xi32, #tpu.memory_space<vmem>>, vector<16xi32>,
        %bitcast3A_1091 = vector.bitcast %get3A_1090 : vector<16xi32> to vector<32xbf16>
        %add3A_1092 = arith.addf %add3A_1064, %bitcast3A_1091 : vector<32xbf16>
        %add3A_1093 = arith.constant 8 : i32
        %add3A_1094 = arith.addi %add3A_870, %add3A_1093 : i32
        %get3A_1095 = arith.index_cast %add3A_1094 : i32 to index
        %get3A_1096 = arith.constant 0 : index
        %get3A_1097 = tpu.vector_load %arg9[%get3A_1095, %get3A_1096] {strides = array<i32>} : memref<800x64xi32, #tpu.memory_space<vmem>>, vector<16xi32>,
        %bitcast3A_1098 = vector.bitcast %get3A_1097 : vector<16xi32> to vector<32xbf16>
        %add3A_1099 = arith.addf %add3A_1071, %bitcast3A_1098 : vector<32xbf16>
        %add3A_1100 = arith.constant 8 : i32
        %add3A_1101 = arith.addi %add3A_870, %add3A_1100 : i32
        %get3A_1102 = arith.index_cast %add3A_1101 : i32 to index
        %get3A_1103 = arith.constant 16 : index
        %get3A_1104 = tpu.vector_load %arg9[%get3A_1102, %get3A_1103] {strides = array<i32>} : memref<800x64xi32, #tpu.memory_space<vmem>>, vector<16xi32>,
        %bitcast3A_1105 = vector.bitcast %get3A_1104 : vector<16xi32> to vector<32xbf16>
        %add3A_1106 = arith.addf %add3A_1078, %bitcast3A_1105 : vector<32xbf16>
        %add3A_1107 = arith.constant 8 : i32
        %add3A_1108 = arith.addi %add3A_870, %add3A_1107 : i32
        %get3A_1109 = arith.index_cast %add3A_1108 : i32 to index
        %get3A_1110 = arith.constant 32 : index
        %get3A_1111 = tpu.vector_load %arg9[%get3A_1109, %get3A_1110] {strides = array<i32>} : memref<800x64xi32, #tpu.memory_space<vmem>>, vector<16xi32>,
        %bitcast3A_1112 = vector.bitcast %get3A_1111 : vector<16xi32> to vector<32xbf16>
        %add3A_1113 = arith.addf %add3A_1085, %bitcast3A_1112 : vector<32xbf16>
        %add3A_1114 = arith.constant 8 : i32
        %add3A_1115 = arith.addi %add3A_870, %add3A_1114 : i32
        %get3A_1116 = arith.index_cast %add3A_1115 : i32 to index
        %get3A_1117 = arith.constant 48 : index
        %get3A_1118 = tpu.vector_load %arg9[%get3A_1116, %get3A_1117] {strides = array<i32>} : memref<800x64xi32, #tpu.memory_space<vmem>>, vector<16xi32>,
        %bitcast3A_1119 = vector.bitcast %get3A_1118 : vector<16xi32> to vector<32xbf16>
        %add3A_1120 = arith.addf %add3A_1092, %bitcast3A_1119 : vector<32xbf16>
        %add3A_1121 = arith.constant 9 : i32
        %add3A_1122 = arith.addi %add3A_870, %add3A_1121 : i32
        %get3A_1123 = arith.index_cast %add3A_1122 : i32 to index
        %get3A_1124 = arith.constant 0 : index
        %get3A_1125 = tpu.vector_load %arg9[%get3A_1123, %get3A_1124] {strides = array<i32>} : memref<800x64xi32, #tpu.memory_space<vmem>>, vector<16xi32>,
        %bitcast3A_1126 = vector.bitcast %get3A_1125 : vector<16xi32> to vector<32xbf16>
        %add3A_1127 = arith.addf %add3A_1099, %bitcast3A_1126 : vector<32xbf16>
        %add3A_1128 = arith.constant 9 : i32
        %add3A_1129 = arith.addi %add3A_870, %add3A_1128 : i32
        %get3A_1130 = arith.index_cast %add3A_1129 : i32 to index
        %get3A_1131 = arith.constant 16 : index
        %get3A_1132 = tpu.vector_load %arg9[%get3A_1130, %get3A_1131] {strides = array<i32>} : memref<800x64xi32, #tpu.memory_space<vmem>>, vector<16xi32>,
        %bitcast3A_1133 = vector.bitcast %get3A_1132 : vector<16xi32> to vector<32xbf16>
        %add3A_1134 = arith.addf %add3A_1106, %bitcast3A_1133 : vector<32xbf16>
        %add3A_1135 = arith.constant 9 : i32
        %add3A_1136 = arith.addi %add3A_870, %add3A_1135 : i32
        %get3A_1137 = arith.index_cast %add3A_1136 : i32 to index
        %get3A_1138 = arith.constant 32 : index
        %get3A_1139 = tpu.vector_load %arg9[%get3A_1137, %get3A_1138] {strides = array<i32>} : memref<800x64xi32, #tpu.memory_space<vmem>>, vector<16xi32>,
        %bitcast3A_1140 = vector.bitcast %get3A_1139 : vector<16xi32> to vector<32xbf16>
        %add3A_1141 = arith.addf %add3A_1113, %bitcast3A_1140 : vector<32xbf16>
        %add3A_1142 = arith.constant 9 : i32
        %add3A_1143 = arith.addi %add3A_870, %add3A_1142 : i32
        %get3A_1144 = arith.index_cast %add3A_1143 : i32 to index
        %get3A_1145 = arith.constant 48 : index
        %get3A_1146 = tpu.vector_load %arg9[%get3A_1144, %get3A_1145] {strides = array<i32>} : memref<800x64xi32, #tpu.memory_space<vmem>>, vector<16xi32>,
        %bitcast3A_1147 = vector.bitcast %get3A_1146 : vector<16xi32> to vector<32xbf16>
        %add3A_1148 = arith.addf %add3A_1120, %bitcast3A_1147 : vector<32xbf16>
        %bitcast3A_1149 = vector.bitcast %add3A_1127 : vector<32xbf16> to vector<16xi32>
        %shift_left3A = arith.constant 16 : i32
        %shift_left3A_1150 = vector.broadcast %shift_left3A : i32 to vector<16xi32>
        %shift_left3A_1151 = arith.shli %bitcast3A_1149, %shift_left3A_1150 : vector<16xi32>
        %bitcast3A_1152 = vector.bitcast %shift_left3A_1151 : vector<16xi32> to vector<16xf32>
        %add3A_1153 = arith.addf %scan3A_851, %bitcast3A_1152 : vector<16xf32>
        %and3A_1154 = arith.constant -65536 : i32
        %and3A_1155 = vector.broadcast %and3A_1154 : i32 to vector<16xi32>
        %and3A_1156 = arith.andi %bitcast3A_1149, %and3A_1155 : vector<16xi32>
        %bitcast3A_1157 = vector.bitcast %and3A_1156 : vector<16xi32> to vector<16xf32>
        %add3A_1158 = arith.addf %scan3A_852, %bitcast3A_1157 : vector<16xf32>
        %bitcast3A_1159 = vector.bitcast %add3A_1134 : vector<32xbf16> to vector<16xi32>
        %shift_left3A_1160 = arith.constant 16 : i32
        %shift_left3A_1161 = vector.broadcast %shift_left3A_1160 : i32 to vector<16xi32>
        %shift_left3A_1162 = arith.shli %bitcast3A_1159, %shift_left3A_1161 : vector<16xi32>
        %bitcast3A_1163 = vector.bitcast %shift_left3A_1162 : vector<16xi32> to vector<16xf32>
        %add3A_1164 = arith.addf %scan3A_853, %bitcast3A_1163 : vector<16xf32>
        %and3A_1165 = arith.constant -65536 : i32
        %and3A_1166 = vector.broadcast %and3A_1165 : i32 to vector<16xi32>
        %and3A_1167 = arith.andi %bitcast3A_1159, %and3A_1166 : vector<16xi32>
        %bitcast3A_1168 = vector.bitcast %and3A_1167 : vector<16xi32> to vector<16xf32>
        %add3A_1169 = arith.addf %scan3A_854, %bitcast3A_1168 : vector<16xf32>
        %bitcast3A_1170 = vector.bitcast %add3A_1141 : vector<32xbf16> to vector<16xi32>
        %shift_left3A_1171 = arith.constant 16 : i32
        %shift_left3A_1172 = vector.broadcast %shift_left3A_1171 : i32 to vector<16xi32>
        %shift_left3A_1173 = arith.shli %bitcast3A_1170, %shift_left3A_1172 : vector<16xi32>
        %bitcast3A_1174 = vector.bitcast %shift_left3A_1173 : vector<16xi32> to vector<16xf32>
        %add3A_1175 = arith.addf %scan3A_855, %bitcast3A_1174 : vector<16xf32>
        %and3A_1176 = arith.constant -65536 : i32
        %and3A_1177 = vector.broadcast %and3A_1176 : i32 to vector<16xi32>
        %and3A_1178 = arith.andi %bitcast3A_1170, %and3A_1177 : vector<16xi32>
        %bitcast3A_1179 = vector.bitcast %and3A_1178 : vector<16xi32> to vector<16xf32>
        %add3A_1180 = arith.addf %scan3A_856, %bitcast3A_1179 : vector<16xf32>
        %bitcast3A_1181 = vector.bitcast %add3A_1148 : vector<32xbf16> to vector<16xi32>
        %shift_left3A_1182 = arith.constant 16 : i32
        %shift_left3A_1183 = vector.broadcast %shift_left3A_1182 : i32 to vector<16xi32>
        %shift_left3A_1184 = arith.shli %bitcast3A_1181, %shift_left3A_1183 : vector<16xi32>
        %bitcast3A_1185 = vector.bitcast %shift_left3A_1184 : vector<16xi32> to vector<16xf32>
        %add3A_1186 = arith.addf %scan3A_857, %bitcast3A_1185 : vector<16xf32>
        %and3A_1187 = arith.constant -65536 : i32
        %and3A_1188 = vector.broadcast %and3A_1187 : i32 to vector<16xi32>
        %and3A_1189 = arith.andi %bitcast3A_1181, %and3A_1188 : vector<16xi32>
        %bitcast3A_1190 = vector.bitcast %and3A_1189 : vector<16xi32> to vector<16xf32>
        %add3A_1191 = arith.addf %scan3A_858, %bitcast3A_1190 : vector<16xf32>
        scf.yield %add3A_1153, %add3A_1158, %add3A_1164, %add3A_1169, %add3A_1175, %add3A_1180, %add3A_1186, %add3A_1191 : vector<16xf32>, vector<16xf32>, vector<16xf32>, vector<16xf32>, vector<16xf32>, vector<16xf32>, vector<16xf32>, vector<16xf32>
      }
      %scan3A_365 = arith.constant 20 : i32
      %add3A_366 = arith.constant 2 : i32
      %add3A_367 = arith.addi %mul3A_221, %add3A_366 : i32
      %swap3A_368 = arith.index_cast %add3A_367 : i32 to index
      %swap3A_369 = arith.constant 0 : index
      %swap3A_370 = tpu.vector_load %arg11[%swap3A_368, %swap3A_369] {strides = array<i32>} : memref<64x128xf32, #tpu.memory_space<vmem>>, vector<16xf32>,
      tpu.vector_store %arg11[%swap3A_368, %swap3A_369], %scan3A_364#0 {strides = array<i32>} : memref<64x128xf32, #tpu.memory_space<vmem>>, vector<16xf32>,
      %add3A_371 = arith.constant 2 : i32
      %add3A_372 = arith.addi %mul3A_221, %add3A_371 : i32
      %swap3A_373 = arith.index_cast %add3A_372 : i32 to index
      %swap3A_374 = arith.constant 16 : index
      %swap3A_375 = tpu.vector_load %arg11[%swap3A_373, %swap3A_374] {strides = array<i32>} : memref<64x128xf32, #tpu.memory_space<vmem>>, vector<16xf32>,
      tpu.vector_store %arg11[%swap3A_373, %swap3A_374], %scan3A_364#1 {strides = array<i32>} : memref<64x128xf32, #tpu.memory_space<vmem>>, vector<16xf32>,
      %add3A_376 = arith.constant 2 : i32
      %add3A_377 = arith.addi %mul3A_221, %add3A_376 : i32
      %swap3A_378 = arith.index_cast %add3A_377 : i32 to index
      %swap3A_379 = arith.constant 32 : index
      %swap3A_380 = tpu.vector_load %arg11[%swap3A_378, %swap3A_379] {strides = array<i32>} : memref<64x128xf32, #tpu.memory_space<vmem>>, vector<16xf32>,
      tpu.vector_store %arg11[%swap3A_378, %swap3A_379], %scan3A_364#2 {strides = array<i32>} : memref<64x128xf32, #tpu.memory_space<vmem>>, vector<16xf32>,
      %add3A_381 = arith.constant 2 : i32
      %add3A_382 = arith.addi %mul3A_221, %add3A_381 : i32
      %swap3A_383 = arith.index_cast %add3A_382 : i32 to index
      %swap3A_384 = arith.constant 48 : index
      %swap3A_385 = tpu.vector_load %arg11[%swap3A_383, %swap3A_384] {strides = array<i32>} : memref<64x128xf32, #tpu.memory_space<vmem>>, vector<16xf32>,
      tpu.vector_store %arg11[%swap3A_383, %swap3A_384], %scan3A_364#3 {strides = array<i32>} : memref<64x128xf32, #tpu.memory_space<vmem>>, vector<16xf32>,
      %add3A_386 = arith.constant 2 : i32
      %add3A_387 = arith.addi %mul3A_221, %add3A_386 : i32
      %swap3A_388 = arith.index_cast %add3A_387 : i32 to index
      %swap3A_389 = arith.constant 64 : index
      %swap3A_390 = tpu.vector_load %arg11[%swap3A_388, %swap3A_389] {strides = array<i32>} : memref<64x128xf32, #tpu.memory_space<vmem>>, vector<16xf32>,
      tpu.vector_store %arg11[%swap3A_388, %swap3A_389], %scan3A_364#4 {strides = array<i32>} : memref<64x128xf32, #tpu.memory_space<vmem>>, vector<16xf32>,
      %add3A_391 = arith.constant 2 : i32
      %add3A_392 = arith.addi %mul3A_221, %add3A_391 : i32
      %swap3A_393 = arith.index_cast %add3A_392 : i32 to index
      %swap3A_394 = arith.constant 80 : index
      %swap3A_395 = tpu.vector_load %arg11[%swap3A_393, %swap3A_394] {strides = array<i32>} : memref<64x128xf32, #tpu.memory_space<vmem>>, vector<16xf32>,
      tpu.vector_store %arg11[%swap3A_393, %swap3A_394], %scan3A_364#5 {strides = array<i32>} : memref<64x128xf32, #tpu.memory_space<vmem>>, vector<16xf32>,
      %add3A_396 = arith.constant 2 : i32
      %add3A_397 = arith.addi %mul3A_221, %add3A_396 : i32
      %swap3A_398 = arith.index_cast %add3A_397 : i32 to index
      %swap3A_399 = arith.constant 96 : index
      %swap3A_400 = tpu.vector_load %arg11[%swap3A_398, %swap3A_399] {strides = array<i32>} : memref<64x128xf32, #tpu.memory_space<vmem>>, vector<16xf32>,
      tpu.vector_store %arg11[%swap3A_398, %swap3A_399], %scan3A_364#6 {strides = array<i32>} : memref<64x128xf32, #tpu.memory_space<vmem>>, vector<16xf32>,
      %add3A_401 = arith.constant 2 : i32
      %add3A_402 = arith.addi %mul3A_221, %add3A_401 : i32
      %swap3A_403 = arith.index_cast %add3A_402 : i32 to index
      %swap3A_404 = arith.constant 112 : index
      %swap3A_405 = tpu.vector_load %arg11[%swap3A_403, %swap3A_404] {strides = array<i32>} : memref<64x128xf32, #tpu.memory_space<vmem>>, vector<16xf32>,
      tpu.vector_store %arg11[%swap3A_403, %swap3A_404], %scan3A_364#7 {strides = array<i32>} : memref<64x128xf32, #tpu.memory_space<vmem>>, vector<16xf32>,
      %broadcast_in_dim3A_406 = arith.constant 0.000000e+00 : f32
      %broadcast_in_dim3A_407 = vector.broadcast %broadcast_in_dim3A_406 : f32 to vector<16xf32>
      %broadcast_in_dim3A_408 = arith.constant 0.000000e+00 : f32
      %broadcast_in_dim3A_409 = vector.broadcast %broadcast_in_dim3A_408 : f32 to vector<16xf32>
      %broadcast_in_dim3A_410 = arith.constant 0.000000e+00 : f32
      %broadcast_in_dim3A_411 = vector.broadcast %broadcast_in_dim3A_410 : f32 to vector<16xf32>
      %broadcast_in_dim3A_412 = arith.constant 0.000000e+00 : f32
      %broadcast_in_dim3A_413 = vector.broadcast %broadcast_in_dim3A_412 : f32 to vector<16xf32>
      %broadcast_in_dim3A_414 = arith.constant 0.000000e+00 : f32
      %broadcast_in_dim3A_415 = vector.broadcast %broadcast_in_dim3A_414 : f32 to vector<16xf32>
      %broadcast_in_dim3A_416 = arith.constant 0.000000e+00 : f32
      %broadcast_in_dim3A_417 = vector.broadcast %broadcast_in_dim3A_416 : f32 to vector<16xf32>
      %broadcast_in_dim3A_418 = arith.constant 0.000000e+00 : f32
      %broadcast_in_dim3A_419 = vector.broadcast %broadcast_in_dim3A_418 : f32 to vector<16xf32>
      %broadcast_in_dim3A_420 = arith.constant 0.000000e+00 : f32
      %broadcast_in_dim3A_421 = vector.broadcast %broadcast_in_dim3A_420 : f32 to vector<16xf32>
      %scan3A_422 = arith.constant 0 : i32
      %scan3A_423 = arith.constant 20 : i32
      %scan3A_424 = arith.addi %scan3A_422, %scan3A_423 : i32
      %scan3A_425 = arith.constant 1 : i32
      %scan3A_426:8 = scf.for %scan3A_850 = %scan3A_422 to %scan3A_424 step %scan3A_425 iter_args(%scan3A_851 = %broadcast_in_dim3A_407, %scan3A_852 = %broadcast_in_dim3A_409, %scan3A_853 = %broadcast_in_dim3A_411, %scan3A_854 = %broadcast_in_dim3A_413, %scan3A_855 = %broadcast_in_dim3A_415, %scan3A_856 = %broadcast_in_dim3A_417, %scan3A_857 = %broadcast_in_dim3A_419, %scan3A_858 = %broadcast_in_dim3A_421) -> (vector<16xf32>, vector<16xf32>, vector<16xf32>, vector<16xf32>, vector<16xf32>, vector<16xf32>, vector<16xf32>, vector<16xf32>)  : i32 {
        %broadcast_in_dim3A_859 = arith.constant 0.000000e+00 : bf16
        %broadcast_in_dim3A_860 = vector.broadcast %broadcast_in_dim3A_859 : bf16 to vector<32xbf16>
        %broadcast_in_dim3A_861 = arith.constant 0.000000e+00 : bf16
        %broadcast_in_dim3A_862 = vector.broadcast %broadcast_in_dim3A_861 : bf16 to vector<32xbf16>
        %broadcast_in_dim3A_863 = arith.constant 0.000000e+00 : bf16
        %broadcast_in_dim3A_864 = vector.broadcast %broadcast_in_dim3A_863 : bf16 to vector<32xbf16>
        %broadcast_in_dim3A_865 = arith.constant 0.000000e+00 : bf16
        %broadcast_in_dim3A_866 = vector.broadcast %broadcast_in_dim3A_865 : bf16 to vector<32xbf16>
        %mul3A_867 = arith.constant 10 : i32
        %mul3A_868 = arith.muli %scan3A_850, %mul3A_867 : i32
        %add3A_869 = arith.constant 600 : i32
        %add3A_870 = arith.addi %add3A_869, %mul3A_868 : i32
        %add3A_871 = arith.constant 0 : i32
        %add3A_872 = arith.addi %add3A_870, %add3A_871 : i32
        %get3A = arith.index_cast %add3A_872 : i32 to index
        %get3A_873 = arith.constant 0 : index
        %get3A_874 = tpu.vector_load %arg9[%get3A, %get3A_873] {strides = array<i32>} : memref<800x64xi32, #tpu.memory_space<vmem>>, vector<16xi32>,
        %bitcast3A = vector.bitcast %get3A_874 : vector<16xi32> to vector<32xbf16>
        %add3A_875 = arith.addf %broadcast_in_dim3A_860, %bitcast3A : vector<32xbf16>
        %add3A_876 = arith.constant 0 : i32
        %add3A_877 = arith.addi %add3A_870, %add3A_876 : i32
        %get3A_878 = arith.index_cast %add3A_877 : i32 to index
        %get3A_879 = arith.constant 16 : index
        %get3A_880 = tpu.vector_load %arg9[%get3A_878, %get3A_879] {strides = array<i32>} : memref<800x64xi32, #tpu.memory_space<vmem>>, vector<16xi32>,
        %bitcast3A_881 = vector.bitcast %get3A_880 : vector<16xi32> to vector<32xbf16>
        %add3A_882 = arith.addf %broadcast_in_dim3A_862, %bitcast3A_881 : vector<32xbf16>
        %add3A_883 = arith.constant 0 : i32
        %add3A_884 = arith.addi %add3A_870, %add3A_883 : i32
        %get3A_885 = arith.index_cast %add3A_884 : i32 to index
        %get3A_886 = arith.constant 32 : index
        %get3A_887 = tpu.vector_load %arg9[%get3A_885, %get3A_886] {strides = array<i32>} : memref<800x64xi32, #tpu.memory_space<vmem>>, vector<16xi32>,
        %bitcast3A_888 = vector.bitcast %get3A_887 : vector<16xi32> to vector<32xbf16>
        %add3A_889 = arith.addf %broadcast_in_dim3A_864, %bitcast3A_888 : vector<32xbf16>
        %add3A_890 = arith.constant 0 : i32
        %add3A_891 = arith.addi %add3A_870, %add3A_890 : i32
        %get3A_892 = arith.index_cast %add3A_891 : i32 to index
        %get3A_893 = arith.constant 48 : index
        %get3A_894 = tpu.vector_load %arg9[%get3A_892, %get3A_893] {strides = array<i32>} : memref<800x64xi32, #tpu.memory_space<vmem>>, vector<16xi32>,
        %bitcast3A_895 = vector.bitcast %get3A_894 : vector<16xi32> to vector<32xbf16>
        %add3A_896 = arith.addf %broadcast_in_dim3A_866, %bitcast3A_895 : vector<32xbf16>
        %add3A_897 = arith.constant 1 : i32
        %add3A_898 = arith.addi %add3A_870, %add3A_897 : i32
        %get3A_899 = arith.index_cast %add3A_898 : i32 to index
        %get3A_900 = arith.constant 0 : index
        %get3A_901 = tpu.vector_load %arg9[%get3A_899, %get3A_900] {strides = array<i32>} : memref<800x64xi32, #tpu.memory_space<vmem>>, vector<16xi32>,
        %bitcast3A_902 = vector.bitcast %get3A_901 : vector<16xi32> to vector<32xbf16>
        %add3A_903 = arith.addf %add3A_875, %bitcast3A_902 : vector<32xbf16>
        %add3A_904 = arith.constant 1 : i32
        %add3A_905 = arith.addi %add3A_870, %add3A_904 : i32
        %get3A_906 = arith.index_cast %add3A_905 : i32 to index
        %get3A_907 = arith.constant 16 : index
        %get3A_908 = tpu.vector_load %arg9[%get3A_906, %get3A_907] {strides = array<i32>} : memref<800x64xi32, #tpu.memory_space<vmem>>, vector<16xi32>,
        %bitcast3A_909 = vector.bitcast %get3A_908 : vector<16xi32> to vector<32xbf16>
        %add3A_910 = arith.addf %add3A_882, %bitcast3A_909 : vector<32xbf16>
        %add3A_911 = arith.constant 1 : i32
        %add3A_912 = arith.addi %add3A_870, %add3A_911 : i32
        %get3A_913 = arith.index_cast %add3A_912 : i32 to index
        %get3A_914 = arith.constant 32 : index
        %get3A_915 = tpu.vector_load %arg9[%get3A_913, %get3A_914] {strides = array<i32>} : memref<800x64xi32, #tpu.memory_space<vmem>>, vector<16xi32>,
        %bitcast3A_916 = vector.bitcast %get3A_915 : vector<16xi32> to vector<32xbf16>
        %add3A_917 = arith.addf %add3A_889, %bitcast3A_916 : vector<32xbf16>
        %add3A_918 = arith.constant 1 : i32
        %add3A_919 = arith.addi %add3A_870, %add3A_918 : i32
        %get3A_920 = arith.index_cast %add3A_919 : i32 to index
        %get3A_921 = arith.constant 48 : index
        %get3A_922 = tpu.vector_load %arg9[%get3A_920, %get3A_921] {strides = array<i32>} : memref<800x64xi32, #tpu.memory_space<vmem>>, vector<16xi32>,
        %bitcast3A_923 = vector.bitcast %get3A_922 : vector<16xi32> to vector<32xbf16>
        %add3A_924 = arith.addf %add3A_896, %bitcast3A_923 : vector<32xbf16>
        %add3A_925 = arith.constant 2 : i32
        %add3A_926 = arith.addi %add3A_870, %add3A_925 : i32
        %get3A_927 = arith.index_cast %add3A_926 : i32 to index
        %get3A_928 = arith.constant 0 : index
        %get3A_929 = tpu.vector_load %arg9[%get3A_927, %get3A_928] {strides = array<i32>} : memref<800x64xi32, #tpu.memory_space<vmem>>, vector<16xi32>,
        %bitcast3A_930 = vector.bitcast %get3A_929 : vector<16xi32> to vector<32xbf16>
        %add3A_931 = arith.addf %add3A_903, %bitcast3A_930 : vector<32xbf16>
        %add3A_932 = arith.constant 2 : i32
        %add3A_933 = arith.addi %add3A_870, %add3A_932 : i32
        %get3A_934 = arith.index_cast %add3A_933 : i32 to index
        %get3A_935 = arith.constant 16 : index
        %get3A_936 = tpu.vector_load %arg9[%get3A_934, %get3A_935] {strides = array<i32>} : memref<800x64xi32, #tpu.memory_space<vmem>>, vector<16xi32>,
        %bitcast3A_937 = vector.bitcast %get3A_936 : vector<16xi32> to vector<32xbf16>
        %add3A_938 = arith.addf %add3A_910, %bitcast3A_937 : vector<32xbf16>
        %add3A_939 = arith.constant 2 : i32
        %add3A_940 = arith.addi %add3A_870, %add3A_939 : i32
        %get3A_941 = arith.index_cast %add3A_940 : i32 to index
        %get3A_942 = arith.constant 32 : index
        %get3A_943 = tpu.vector_load %arg9[%get3A_941, %get3A_942] {strides = array<i32>} : memref<800x64xi32, #tpu.memory_space<vmem>>, vector<16xi32>,
        %bitcast3A_944 = vector.bitcast %get3A_943 : vector<16xi32> to vector<32xbf16>
        %add3A_945 = arith.addf %add3A_917, %bitcast3A_944 : vector<32xbf16>
        %add3A_946 = arith.constant 2 : i32
        %add3A_947 = arith.addi %add3A_870, %add3A_946 : i32
        %get3A_948 = arith.index_cast %add3A_947 : i32 to index
        %get3A_949 = arith.constant 48 : index
        %get3A_950 = tpu.vector_load %arg9[%get3A_948, %get3A_949] {strides = array<i32>} : memref<800x64xi32, #tpu.memory_space<vmem>>, vector<16xi32>,
        %bitcast3A_951 = vector.bitcast %get3A_950 : vector<16xi32> to vector<32xbf16>
        %add3A_952 = arith.addf %add3A_924, %bitcast3A_951 : vector<32xbf16>
        %add3A_953 = arith.constant 3 : i32
        %add3A_954 = arith.addi %add3A_870, %add3A_953 : i32
        %get3A_955 = arith.index_cast %add3A_954 : i32 to index
        %get3A_956 = arith.constant 0 : index
        %get3A_957 = tpu.vector_load %arg9[%get3A_955, %get3A_956] {strides = array<i32>} : memref<800x64xi32, #tpu.memory_space<vmem>>, vector<16xi32>,
        %bitcast3A_958 = vector.bitcast %get3A_957 : vector<16xi32> to vector<32xbf16>
        %add3A_959 = arith.addf %add3A_931, %bitcast3A_958 : vector<32xbf16>
        %add3A_960 = arith.constant 3 : i32
        %add3A_961 = arith.addi %add3A_870, %add3A_960 : i32
        %get3A_962 = arith.index_cast %add3A_961 : i32 to index
        %get3A_963 = arith.constant 16 : index
        %get3A_964 = tpu.vector_load %arg9[%get3A_962, %get3A_963] {strides = array<i32>} : memref<800x64xi32, #tpu.memory_space<vmem>>, vector<16xi32>,
        %bitcast3A_965 = vector.bitcast %get3A_964 : vector<16xi32> to vector<32xbf16>
        %add3A_966 = arith.addf %add3A_938, %bitcast3A_965 : vector<32xbf16>
        %add3A_967 = arith.constant 3 : i32
        %add3A_968 = arith.addi %add3A_870, %add3A_967 : i32
        %get3A_969 = arith.index_cast %add3A_968 : i32 to index
        %get3A_970 = arith.constant 32 : index
        %get3A_971 = tpu.vector_load %arg9[%get3A_969, %get3A_970] {strides = array<i32>} : memref<800x64xi32, #tpu.memory_space<vmem>>, vector<16xi32>,
        %bitcast3A_972 = vector.bitcast %get3A_971 : vector<16xi32> to vector<32xbf16>
        %add3A_973 = arith.addf %add3A_945, %bitcast3A_972 : vector<32xbf16>
        %add3A_974 = arith.constant 3 : i32
        %add3A_975 = arith.addi %add3A_870, %add3A_974 : i32
        %get3A_976 = arith.index_cast %add3A_975 : i32 to index
        %get3A_977 = arith.constant 48 : index
        %get3A_978 = tpu.vector_load %arg9[%get3A_976, %get3A_977] {strides = array<i32>} : memref<800x64xi32, #tpu.memory_space<vmem>>, vector<16xi32>,
        %bitcast3A_979 = vector.bitcast %get3A_978 : vector<16xi32> to vector<32xbf16>
        %add3A_980 = arith.addf %add3A_952, %bitcast3A_979 : vector<32xbf16>
        %add3A_981 = arith.constant 4 : i32
        %add3A_982 = arith.addi %add3A_870, %add3A_981 : i32
        %get3A_983 = arith.index_cast %add3A_982 : i32 to index
        %get3A_984 = arith.constant 0 : index
        %get3A_985 = tpu.vector_load %arg9[%get3A_983, %get3A_984] {strides = array<i32>} : memref<800x64xi32, #tpu.memory_space<vmem>>, vector<16xi32>,
        %bitcast3A_986 = vector.bitcast %get3A_985 : vector<16xi32> to vector<32xbf16>
        %add3A_987 = arith.addf %add3A_959, %bitcast3A_986 : vector<32xbf16>
        %add3A_988 = arith.constant 4 : i32
        %add3A_989 = arith.addi %add3A_870, %add3A_988 : i32
        %get3A_990 = arith.index_cast %add3A_989 : i32 to index
        %get3A_991 = arith.constant 16 : index
        %get3A_992 = tpu.vector_load %arg9[%get3A_990, %get3A_991] {strides = array<i32>} : memref<800x64xi32, #tpu.memory_space<vmem>>, vector<16xi32>,
        %bitcast3A_993 = vector.bitcast %get3A_992 : vector<16xi32> to vector<32xbf16>
        %add3A_994 = arith.addf %add3A_966, %bitcast3A_993 : vector<32xbf16>
        %add3A_995 = arith.constant 4 : i32
        %add3A_996 = arith.addi %add3A_870, %add3A_995 : i32
        %get3A_997 = arith.index_cast %add3A_996 : i32 to index
        %get3A_998 = arith.constant 32 : index
        %get3A_999 = tpu.vector_load %arg9[%get3A_997, %get3A_998] {strides = array<i32>} : memref<800x64xi32, #tpu.memory_space<vmem>>, vector<16xi32>,
        %bitcast3A_1000 = vector.bitcast %get3A_999 : vector<16xi32> to vector<32xbf16>
        %add3A_1001 = arith.addf %add3A_973, %bitcast3A_1000 : vector<32xbf16>
        %add3A_1002 = arith.constant 4 : i32
        %add3A_1003 = arith.addi %add3A_870, %add3A_1002 : i32
        %get3A_1004 = arith.index_cast %add3A_1003 : i32 to index
        %get3A_1005 = arith.constant 48 : index
        %get3A_1006 = tpu.vector_load %arg9[%get3A_1004, %get3A_1005] {strides = array<i32>} : memref<800x64xi32, #tpu.memory_space<vmem>>, vector<16xi32>,
        %bitcast3A_1007 = vector.bitcast %get3A_1006 : vector<16xi32> to vector<32xbf16>
        %add3A_1008 = arith.addf %add3A_980, %bitcast3A_1007 : vector<32xbf16>
        %add3A_1009 = arith.constant 5 : i32
        %add3A_1010 = arith.addi %add3A_870, %add3A_1009 : i32
        %get3A_1011 = arith.index_cast %add3A_1010 : i32 to index
        %get3A_1012 = arith.constant 0 : index
        %get3A_1013 = tpu.vector_load %arg9[%get3A_1011, %get3A_1012] {strides = array<i32>} : memref<800x64xi32, #tpu.memory_space<vmem>>, vector<16xi32>,
        %bitcast3A_1014 = vector.bitcast %get3A_1013 : vector<16xi32> to vector<32xbf16>
        %add3A_1015 = arith.addf %add3A_987, %bitcast3A_1014 : vector<32xbf16>
        %add3A_1016 = arith.constant 5 : i32
        %add3A_1017 = arith.addi %add3A_870, %add3A_1016 : i32
        %get3A_1018 = arith.index_cast %add3A_1017 : i32 to index
        %get3A_1019 = arith.constant 16 : index
        %get3A_1020 = tpu.vector_load %arg9[%get3A_1018, %get3A_1019] {strides = array<i32>} : memref<800x64xi32, #tpu.memory_space<vmem>>, vector<16xi32>,
        %bitcast3A_1021 = vector.bitcast %get3A_1020 : vector<16xi32> to vector<32xbf16>
        %add3A_1022 = arith.addf %add3A_994, %bitcast3A_1021 : vector<32xbf16>
        %add3A_1023 = arith.constant 5 : i32
        %add3A_1024 = arith.addi %add3A_870, %add3A_1023 : i32
        %get3A_1025 = arith.index_cast %add3A_1024 : i32 to index
        %get3A_1026 = arith.constant 32 : index
        %get3A_1027 = tpu.vector_load %arg9[%get3A_1025, %get3A_1026] {strides = array<i32>} : memref<800x64xi32, #tpu.memory_space<vmem>>, vector<16xi32>,
        %bitcast3A_1028 = vector.bitcast %get3A_1027 : vector<16xi32> to vector<32xbf16>
        %add3A_1029 = arith.addf %add3A_1001, %bitcast3A_1028 : vector<32xbf16>
        %add3A_1030 = arith.constant 5 : i32
        %add3A_1031 = arith.addi %add3A_870, %add3A_1030 : i32
        %get3A_1032 = arith.index_cast %add3A_1031 : i32 to index
        %get3A_1033 = arith.constant 48 : index
        %get3A_1034 = tpu.vector_load %arg9[%get3A_1032, %get3A_1033] {strides = array<i32>} : memref<800x64xi32, #tpu.memory_space<vmem>>, vector<16xi32>,
        %bitcast3A_1035 = vector.bitcast %get3A_1034 : vector<16xi32> to vector<32xbf16>
        %add3A_1036 = arith.addf %add3A_1008, %bitcast3A_1035 : vector<32xbf16>
        %add3A_1037 = arith.constant 6 : i32
        %add3A_1038 = arith.addi %add3A_870, %add3A_1037 : i32
        %get3A_1039 = arith.index_cast %add3A_1038 : i32 to index
        %get3A_1040 = arith.constant 0 : index
        %get3A_1041 = tpu.vector_load %arg9[%get3A_1039, %get3A_1040] {strides = array<i32>} : memref<800x64xi32, #tpu.memory_space<vmem>>, vector<16xi32>,
        %bitcast3A_1042 = vector.bitcast %get3A_1041 : vector<16xi32> to vector<32xbf16>
        %add3A_1043 = arith.addf %add3A_1015, %bitcast3A_1042 : vector<32xbf16>
        %add3A_1044 = arith.constant 6 : i32
        %add3A_1045 = arith.addi %add3A_870, %add3A_1044 : i32
        %get3A_1046 = arith.index_cast %add3A_1045 : i32 to index
        %get3A_1047 = arith.constant 16 : index
        %get3A_1048 = tpu.vector_load %arg9[%get3A_1046, %get3A_1047] {strides = array<i32>} : memref<800x64xi32, #tpu.memory_space<vmem>>, vector<16xi32>,
        %bitcast3A_1049 = vector.bitcast %get3A_1048 : vector<16xi32> to vector<32xbf16>
        %add3A_1050 = arith.addf %add3A_1022, %bitcast3A_1049 : vector<32xbf16>
        %add3A_1051 = arith.constant 6 : i32
        %add3A_1052 = arith.addi %add3A_870, %add3A_1051 : i32
        %get3A_1053 = arith.index_cast %add3A_1052 : i32 to index
        %get3A_1054 = arith.constant 32 : index
        %get3A_1055 = tpu.vector_load %arg9[%get3A_1053, %get3A_1054] {strides = array<i32>} : memref<800x64xi32, #tpu.memory_space<vmem>>, vector<16xi32>,
        %bitcast3A_1056 = vector.bitcast %get3A_1055 : vector<16xi32> to vector<32xbf16>
        %add3A_1057 = arith.addf %add3A_1029, %bitcast3A_1056 : vector<32xbf16>
        %add3A_1058 = arith.constant 6 : i32
        %add3A_1059 = arith.addi %add3A_870, %add3A_1058 : i32
        %get3A_1060 = arith.index_cast %add3A_1059 : i32 to index
        %get3A_1061 = arith.constant 48 : index
        %get3A_1062 = tpu.vector_load %arg9[%get3A_1060, %get3A_1061] {strides = array<i32>} : memref<800x64xi32, #tpu.memory_space<vmem>>, vector<16xi32>,
        %bitcast3A_1063 = vector.bitcast %get3A_1062 : vector<16xi32> to vector<32xbf16>
        %add3A_1064 = arith.addf %add3A_1036, %bitcast3A_1063 : vector<32xbf16>
        %add3A_1065 = arith.constant 7 : i32
        %add3A_1066 = arith.addi %add3A_870, %add3A_1065 : i32
        %get3A_1067 = arith.index_cast %add3A_1066 : i32 to index
        %get3A_1068 = arith.constant 0 : index
        %get3A_1069 = tpu.vector_load %arg9[%get3A_1067, %get3A_1068] {strides = array<i32>} : memref<800x64xi32, #tpu.memory_space<vmem>>, vector<16xi32>,
        %bitcast3A_1070 = vector.bitcast %get3A_1069 : vector<16xi32> to vector<32xbf16>
        %add3A_1071 = arith.addf %add3A_1043, %bitcast3A_1070 : vector<32xbf16>
        %add3A_1072 = arith.constant 7 : i32
        %add3A_1073 = arith.addi %add3A_870, %add3A_1072 : i32
        %get3A_1074 = arith.index_cast %add3A_1073 : i32 to index
        %get3A_1075 = arith.constant 16 : index
        %get3A_1076 = tpu.vector_load %arg9[%get3A_1074, %get3A_1075] {strides = array<i32>} : memref<800x64xi32, #tpu.memory_space<vmem>>, vector<16xi32>,
        %bitcast3A_1077 = vector.bitcast %get3A_1076 : vector<16xi32> to vector<32xbf16>
        %add3A_1078 = arith.addf %add3A_1050, %bitcast3A_1077 : vector<32xbf16>
        %add3A_1079 = arith.constant 7 : i32
        %add3A_1080 = arith.addi %add3A_870, %add3A_1079 : i32
        %get3A_1081 = arith.index_cast %add3A_1080 : i32 to index
        %get3A_1082 = arith.constant 32 : index
        %get3A_1083 = tpu.vector_load %arg9[%get3A_1081, %get3A_1082] {strides = array<i32>} : memref<800x64xi32, #tpu.memory_space<vmem>>, vector<16xi32>,
        %bitcast3A_1084 = vector.bitcast %get3A_1083 : vector<16xi32> to vector<32xbf16>
        %add3A_1085 = arith.addf %add3A_1057, %bitcast3A_1084 : vector<32xbf16>
        %add3A_1086 = arith.constant 7 : i32
        %add3A_1087 = arith.addi %add3A_870, %add3A_1086 : i32
        %get3A_1088 = arith.index_cast %add3A_1087 : i32 to index
        %get3A_1089 = arith.constant 48 : index
        %get3A_1090 = tpu.vector_load %arg9[%get3A_1088, %get3A_1089] {strides = array<i32>} : memref<800x64xi32, #tpu.memory_space<vmem>>, vector<16xi32>,
        %bitcast3A_1091 = vector.bitcast %get3A_1090 : vector<16xi32> to vector<32xbf16>
        %add3A_1092 = arith.addf %add3A_1064, %bitcast3A_1091 : vector<32xbf16>
        %add3A_1093 = arith.constant 8 : i32
        %add3A_1094 = arith.addi %add3A_870, %add3A_1093 : i32
        %get3A_1095 = arith.index_cast %add3A_1094 : i32 to index
        %get3A_1096 = arith.constant 0 : index
        %get3A_1097 = tpu.vector_load %arg9[%get3A_1095, %get3A_1096] {strides = array<i32>} : memref<800x64xi32, #tpu.memory_space<vmem>>, vector<16xi32>,
        %bitcast3A_1098 = vector.bitcast %get3A_1097 : vector<16xi32> to vector<32xbf16>
        %add3A_1099 = arith.addf %add3A_1071, %bitcast3A_1098 : vector<32xbf16>
        %add3A_1100 = arith.constant 8 : i32
        %add3A_1101 = arith.addi %add3A_870, %add3A_1100 : i32
        %get3A_1102 = arith.index_cast %add3A_1101 : i32 to index
        %get3A_1103 = arith.constant 16 : index
        %get3A_1104 = tpu.vector_load %arg9[%get3A_1102, %get3A_1103] {strides = array<i32>} : memref<800x64xi32, #tpu.memory_space<vmem>>, vector<16xi32>,
        %bitcast3A_1105 = vector.bitcast %get3A_1104 : vector<16xi32> to vector<32xbf16>
        %add3A_1106 = arith.addf %add3A_1078, %bitcast3A_1105 : vector<32xbf16>
        %add3A_1107 = arith.constant 8 : i32
        %add3A_1108 = arith.addi %add3A_870, %add3A_1107 : i32
        %get3A_1109 = arith.index_cast %add3A_1108 : i32 to index
        %get3A_1110 = arith.constant 32 : index
        %get3A_1111 = tpu.vector_load %arg9[%get3A_1109, %get3A_1110] {strides = array<i32>} : memref<800x64xi32, #tpu.memory_space<vmem>>, vector<16xi32>,
        %bitcast3A_1112 = vector.bitcast %get3A_1111 : vector<16xi32> to vector<32xbf16>
        %add3A_1113 = arith.addf %add3A_1085, %bitcast3A_1112 : vector<32xbf16>
        %add3A_1114 = arith.constant 8 : i32
        %add3A_1115 = arith.addi %add3A_870, %add3A_1114 : i32
        %get3A_1116 = arith.index_cast %add3A_1115 : i32 to index
        %get3A_1117 = arith.constant 48 : index
        %get3A_1118 = tpu.vector_load %arg9[%get3A_1116, %get3A_1117] {strides = array<i32>} : memref<800x64xi32, #tpu.memory_space<vmem>>, vector<16xi32>,
        %bitcast3A_1119 = vector.bitcast %get3A_1118 : vector<16xi32> to vector<32xbf16>
        %add3A_1120 = arith.addf %add3A_1092, %bitcast3A_1119 : vector<32xbf16>
        %add3A_1121 = arith.constant 9 : i32
        %add3A_1122 = arith.addi %add3A_870, %add3A_1121 : i32
        %get3A_1123 = arith.index_cast %add3A_1122 : i32 to index
        %get3A_1124 = arith.constant 0 : index
        %get3A_1125 = tpu.vector_load %arg9[%get3A_1123, %get3A_1124] {strides = array<i32>} : memref<800x64xi32, #tpu.memory_space<vmem>>, vector<16xi32>,
        %bitcast3A_1126 = vector.bitcast %get3A_1125 : vector<16xi32> to vector<32xbf16>
        %add3A_1127 = arith.addf %add3A_1099, %bitcast3A_1126 : vector<32xbf16>
        %add3A_1128 = arith.constant 9 : i32
        %add3A_1129 = arith.addi %add3A_870, %add3A_1128 : i32
        %get3A_1130 = arith.index_cast %add3A_1129 : i32 to index
        %get3A_1131 = arith.constant 16 : index
        %get3A_1132 = tpu.vector_load %arg9[%get3A_1130, %get3A_1131] {strides = array<i32>} : memref<800x64xi32, #tpu.memory_space<vmem>>, vector<16xi32>,
        %bitcast3A_1133 = vector.bitcast %get3A_1132 : vector<16xi32> to vector<32xbf16>
        %add3A_1134 = arith.addf %add3A_1106, %bitcast3A_1133 : vector<32xbf16>
        %add3A_1135 = arith.constant 9 : i32
        %add3A_1136 = arith.addi %add3A_870, %add3A_1135 : i32
        %get3A_1137 = arith.index_cast %add3A_1136 : i32 to index
        %get3A_1138 = arith.constant 32 : index
        %get3A_1139 = tpu.vector_load %arg9[%get3A_1137, %get3A_1138] {strides = array<i32>} : memref<800x64xi32, #tpu.memory_space<vmem>>, vector<16xi32>,
        %bitcast3A_1140 = vector.bitcast %get3A_1139 : vector<16xi32> to vector<32xbf16>
        %add3A_1141 = arith.addf %add3A_1113, %bitcast3A_1140 : vector<32xbf16>
        %add3A_1142 = arith.constant 9 : i32
        %add3A_1143 = arith.addi %add3A_870, %add3A_1142 : i32
        %get3A_1144 = arith.index_cast %add3A_1143 : i32 to index
        %get3A_1145 = arith.constant 48 : index
        %get3A_1146 = tpu.vector_load %arg9[%get3A_1144, %get3A_1145] {strides = array<i32>} : memref<800x64xi32, #tpu.memory_space<vmem>>, vector<16xi32>,
        %bitcast3A_1147 = vector.bitcast %get3A_1146 : vector<16xi32> to vector<32xbf16>
        %add3A_1148 = arith.addf %add3A_1120, %bitcast3A_1147 : vector<32xbf16>
        %bitcast3A_1149 = vector.bitcast %add3A_1127 : vector<32xbf16> to vector<16xi32>
        %shift_left3A = arith.constant 16 : i32
        %shift_left3A_1150 = vector.broadcast %shift_left3A : i32 to vector<16xi32>
        %shift_left3A_1151 = arith.shli %bitcast3A_1149, %shift_left3A_1150 : vector<16xi32>
        %bitcast3A_1152 = vector.bitcast %shift_left3A_1151 : vector<16xi32> to vector<16xf32>
        %add3A_1153 = arith.addf %scan3A_851, %bitcast3A_1152 : vector<16xf32>
        %and3A_1154 = arith.constant -65536 : i32
        %and3A_1155 = vector.broadcast %and3A_1154 : i32 to vector<16xi32>
        %and3A_1156 = arith.andi %bitcast3A_1149, %and3A_1155 : vector<16xi32>
        %bitcast3A_1157 = vector.bitcast %and3A_1156 : vector<16xi32> to vector<16xf32>
        %add3A_1158 = arith.addf %scan3A_852, %bitcast3A_1157 : vector<16xf32>
        %bitcast3A_1159 = vector.bitcast %add3A_1134 : vector<32xbf16> to vector<16xi32>
        %shift_left3A_1160 = arith.constant 16 : i32
        %shift_left3A_1161 = vector.broadcast %shift_left3A_1160 : i32 to vector<16xi32>
        %shift_left3A_1162 = arith.shli %bitcast3A_1159, %shift_left3A_1161 : vector<16xi32>
        %bitcast3A_1163 = vector.bitcast %shift_left3A_1162 : vector<16xi32> to vector<16xf32>
        %add3A_1164 = arith.addf %scan3A_853, %bitcast3A_1163 : vector<16xf32>
        %and3A_1165 = arith.constant -65536 : i32
        %and3A_1166 = vector.broadcast %and3A_1165 : i32 to vector<16xi32>
        %and3A_1167 = arith.andi %bitcast3A_1159, %and3A_1166 : vector<16xi32>
        %bitcast3A_1168 = vector.bitcast %and3A_1167 : vector<16xi32> to vector<16xf32>
        %add3A_1169 = arith.addf %scan3A_854, %bitcast3A_1168 : vector<16xf32>
        %bitcast3A_1170 = vector.bitcast %add3A_1141 : vector<32xbf16> to vector<16xi32>
        %shift_left3A_1171 = arith.constant 16 : i32
        %shift_left3A_1172 = vector.broadcast %shift_left3A_1171 : i32 to vector<16xi32>
        %shift_left3A_1173 = arith.shli %bitcast3A_1170, %shift_left3A_1172 : vector<16xi32>
        %bitcast3A_1174 = vector.bitcast %shift_left3A_1173 : vector<16xi32> to vector<16xf32>
        %add3A_1175 = arith.addf %scan3A_855, %bitcast3A_1174 : vector<16xf32>
        %and3A_1176 = arith.constant -65536 : i32
        %and3A_1177 = vector.broadcast %and3A_1176 : i32 to vector<16xi32>
        %and3A_1178 = arith.andi %bitcast3A_1170, %and3A_1177 : vector<16xi32>
        %bitcast3A_1179 = vector.bitcast %and3A_1178 : vector<16xi32> to vector<16xf32>
        %add3A_1180 = arith.addf %scan3A_856, %bitcast3A_1179 : vector<16xf32>
        %bitcast3A_1181 = vector.bitcast %add3A_1148 : vector<32xbf16> to vector<16xi32>
        %shift_left3A_1182 = arith.constant 16 : i32
        %shift_left3A_1183 = vector.broadcast %shift_left3A_1182 : i32 to vector<16xi32>
        %shift_left3A_1184 = arith.shli %bitcast3A_1181, %shift_left3A_1183 : vector<16xi32>
        %bitcast3A_1185 = vector.bitcast %shift_left3A_1184 : vector<16xi32> to vector<16xf32>
        %add3A_1186 = arith.addf %scan3A_857, %bitcast3A_1185 : vector<16xf32>
        %and3A_1187 = arith.constant -65536 : i32
        %and3A_1188 = vector.broadcast %and3A_1187 : i32 to vector<16xi32>
        %and3A_1189 = arith.andi %bitcast3A_1181, %and3A_1188 : vector<16xi32>
        %bitcast3A_1190 = vector.bitcast %and3A_1189 : vector<16xi32> to vector<16xf32>
        %add3A_1191 = arith.addf %scan3A_858, %bitcast3A_1190 : vector<16xf32>
        scf.yield %add3A_1153, %add3A_1158, %add3A_1164, %add3A_1169, %add3A_1175, %add3A_1180, %add3A_1186, %add3A_1191 : vector<16xf32>, vector<16xf32>, vector<16xf32>, vector<16xf32>, vector<16xf32>, vector<16xf32>, vector<16xf32>, vector<16xf32>
      }
      %scan3A_427 = arith.constant 20 : i32
      %add3A_428 = arith.constant 3 : i32
      %add3A_429 = arith.addi %mul3A_221, %add3A_428 : i32
      %swap3A_430 = arith.index_cast %add3A_429 : i32 to index
      %swap3A_431 = arith.constant 0 : index
      %swap3A_432 = tpu.vector_load %arg11[%swap3A_430, %swap3A_431] {strides = array<i32>} : memref<64x128xf32, #tpu.memory_space<vmem>>, vector<16xf32>,
      tpu.vector_store %arg11[%swap3A_430, %swap3A_431], %scan3A_426#0 {strides = array<i32>} : memref<64x128xf32, #tpu.memory_space<vmem>>, vector<16xf32>,
      %add3A_433 = arith.constant 3 : i32
      %add3A_434 = arith.addi %mul3A_221, %add3A_433 : i32
      %swap3A_435 = arith.index_cast %add3A_434 : i32 to index
      %swap3A_436 = arith.constant 16 : index
      %swap3A_437 = tpu.vector_load %arg11[%swap3A_435, %swap3A_436] {strides = array<i32>} : memref<64x128xf32, #tpu.memory_space<vmem>>, vector<16xf32>,
      tpu.vector_store %arg11[%swap3A_435, %swap3A_436], %scan3A_426#1 {strides = array<i32>} : memref<64x128xf32, #tpu.memory_space<vmem>>, vector<16xf32>,
      %add3A_438 = arith.constant 3 : i32
      %add3A_439 = arith.addi %mul3A_221, %add3A_438 : i32
      %swap3A_440 = arith.index_cast %add3A_439 : i32 to index
      %swap3A_441 = arith.constant 32 : index
      %swap3A_442 = tpu.vector_load %arg11[%swap3A_440, %swap3A_441] {strides = array<i32>} : memref<64x128xf32, #tpu.memory_space<vmem>>, vector<16xf32>,
      tpu.vector_store %arg11[%swap3A_440, %swap3A_441], %scan3A_426#2 {strides = array<i32>} : memref<64x128xf32, #tpu.memory_space<vmem>>, vector<16xf32>,
      %add3A_443 = arith.constant 3 : i32
      %add3A_444 = arith.addi %mul3A_221, %add3A_443 : i32
      %swap3A_445 = arith.index_cast %add3A_444 : i32 to index
      %swap3A_446 = arith.constant 48 : index
      %swap3A_447 = tpu.vector_load %arg11[%swap3A_445, %swap3A_446] {strides = array<i32>} : memref<64x128xf32, #tpu.memory_space<vmem>>, vector<16xf32>,
      tpu.vector_store %arg11[%swap3A_445, %swap3A_446], %scan3A_426#3 {strides = array<i32>} : memref<64x128xf32, #tpu.memory_space<vmem>>, vector<16xf32>,
      %add3A_448 = arith.constant 3 : i32
      %add3A_449 = arith.addi %mul3A_221, %add3A_448 : i32
      %swap3A_450 = arith.index_cast %add3A_449 : i32 to index
      %swap3A_451 = arith.constant 64 : index
      %swap3A_452 = tpu.vector_load %arg11[%swap3A_450, %swap3A_451] {strides = array<i32>} : memref<64x128xf32, #tpu.memory_space<vmem>>, vector<16xf32>,
      tpu.vector_store %arg11[%swap3A_450, %swap3A_451], %scan3A_426#4 {strides = array<i32>} : memref<64x128xf32, #tpu.memory_space<vmem>>, vector<16xf32>,
      %add3A_453 = arith.constant 3 : i32
      %add3A_454 = arith.addi %mul3A_221, %add3A_453 : i32
      %swap3A_455 = arith.index_cast %add3A_454 : i32 to index
      %swap3A_456 = arith.constant 80 : index
      %swap3A_457 = tpu.vector_load %arg11[%swap3A_455, %swap3A_456] {strides = array<i32>} : memref<64x128xf32, #tpu.memory_space<vmem>>, vector<16xf32>,
      tpu.vector_store %arg11[%swap3A_455, %swap3A_456], %scan3A_426#5 {strides = array<i32>} : memref<64x128xf32, #tpu.memory_space<vmem>>, vector<16xf32>,
      %add3A_458 = arith.constant 3 : i32
      %add3A_459 = arith.addi %mul3A_221, %add3A_458 : i32
      %swap3A_460 = arith.index_cast %add3A_459 : i32 to index
      %swap3A_461 = arith.constant 96 : index
      %swap3A_462 = tpu.vector_load %arg11[%swap3A_460, %swap3A_461] {strides = array<i32>} : memref<64x128xf32, #tpu.memory_space<vmem>>, vector<16xf32>,
      tpu.vector_store %arg11[%swap3A_460, %swap3A_461], %scan3A_426#6 {strides = array<i32>} : memref<64x128xf32, #tpu.memory_space<vmem>>, vector<16xf32>,
      %add3A_463 = arith.constant 3 : i32
      %add3A_464 = arith.addi %mul3A_221, %add3A_463 : i32
      %swap3A_465 = arith.index_cast %add3A_464 : i32 to index
      %swap3A_466 = arith.constant 112 : index
      %swap3A_467 = tpu.vector_load %arg11[%swap3A_465, %swap3A_466] {strides = array<i32>} : memref<64x128xf32, #tpu.memory_space<vmem>>, vector<16xf32>,
      tpu.vector_store %arg11[%swap3A_465, %swap3A_466], %scan3A_426#7 {strides = array<i32>} : memref<64x128xf32, #tpu.memory_space<vmem>>, vector<16xf32>,
      %mul3A_468 = arith.constant 2 : i32
      %mul3A_469 = arith.muli %mul3A_468, %scan3A_117 : i32
      %add3A_470 = arith.constant 1 : i32
      %add3A_471 = arith.addi %mul3A_469, %add3A_470 : i32
      %dma_wait3A_472 = arith.constant 0 : i32
      %dma_wait3A_473 = arith.constant 0 : i32
      %dma_wait3A_474 = arith.constant 0 : i32
      %dma_wait3A_475 = tpu.memref_slice %arg10[%dma_wait3A_473, %dma_wait3A_474] : memref<800x64xi32, #tpu.memory_space<vmem>> -> memref<104x64xi32, #tpu.memory_space<vmem>>
      %dma_wait3A_476 = arith.constant 0 : i32
      %dma_wait3A_477 = tpu.memref_slice %arg7[%dma_wait3A_472, %dma_wait3A_476] : memref<4x104xi32, #tpu.memory_space<vmem>> -> memref<1x104xi32, #tpu.memory_space<vmem>>
      %dma_wait3A_478 = tpu.memref_squeeze %dma_wait3A_477 : memref<1x104xi32, #tpu.memory_space<vmem>> -> memref<104xi32, #tpu.memory_space<vmem>>
      %dma_wait3A_479 = arith.constant 0 : i32
      %dma_wait3A_480 = arith.constant 0 : i32
      %dma_wait3A_481 = tpu.memref_slice %arg3[%dma_wait3A_479, %dma_wait3A_480] : memref<10000x64xi32, #tpu.memory_space<hbm>> -> memref<10000x64xi32, #tpu.memory_space<hbm>>
      tpu.wait_indirect_dma semaphore(%arg13 : memref<!tpu.dma_semaphore, #tpu.memory_space<semaphore_mem>>) src(%dma_wait3A_481 : memref<10000x64xi32, #tpu.memory_space<hbm>>) dst(%dma_wait3A_475 : memref<104x64xi32, #tpu.memory_space<vmem>>)
      %dma_wait3A_482 = arith.constant 0 : i32
      %dma_wait3A_483 = arith.constant 104 : i32
      %dma_wait3A_484 = arith.constant 0 : i32
      %dma_wait3A_485 = tpu.memref_slice %arg10[%dma_wait3A_483, %dma_wait3A_484] : memref<800x64xi32, #tpu.memory_space<vmem>> -> memref<96x64xi32, #tpu.memory_space<vmem>>
      %dma_wait3A_486 = arith.constant 0 : i32
      %dma_wait3A_487 = tpu.memref_slice %arg8[%dma_wait3A_482, %dma_wait3A_486] : memref<4x96xi32, #tpu.memory_space<vmem>> -> memref<1x96xi32, #tpu.memory_space<vmem>>
      %dma_wait3A_488 = tpu.memref_squeeze %dma_wait3A_487 : memref<1x96xi32, #tpu.memory_space<vmem>> -> memref<96xi32, #tpu.memory_space<vmem>>
      %dma_wait3A_489 = arith.constant 0 : i32
      %dma_wait3A_490 = arith.constant 0 : i32
      %dma_wait3A_491 = tpu.memref_slice %arg3[%dma_wait3A_489, %dma_wait3A_490] : memref<10000x64xi32, #tpu.memory_space<hbm>> -> memref<10000x64xi32, #tpu.memory_space<hbm>>
      tpu.wait_indirect_dma semaphore(%arg13 : memref<!tpu.dma_semaphore, #tpu.memory_space<semaphore_mem>>) src(%dma_wait3A_491 : memref<10000x64xi32, #tpu.memory_space<hbm>>) dst(%dma_wait3A_485 : memref<96x64xi32, #tpu.memory_space<vmem>>)
      %dma_wait3A_492 = arith.constant 1 : i32
      %dma_wait3A_493 = arith.constant 200 : i32
      %dma_wait3A_494 = arith.constant 0 : i32
      %dma_wait3A_495 = tpu.memref_slice %arg10[%dma_wait3A_493, %dma_wait3A_494] : memref<800x64xi32, #tpu.memory_space<vmem>> -> memref<104x64xi32, #tpu.memory_space<vmem>>
      %dma_wait3A_496 = arith.constant 0 : i32
      %dma_wait3A_497 = tpu.memref_slice %arg7[%dma_wait3A_492, %dma_wait3A_496] : memref<4x104xi32, #tpu.memory_space<vmem>> -> memref<1x104xi32, #tpu.memory_space<vmem>>
      %dma_wait3A_498 = tpu.memref_squeeze %dma_wait3A_497 : memref<1x104xi32, #tpu.memory_space<vmem>> -> memref<104xi32, #tpu.memory_space<vmem>>
      %dma_wait3A_499 = arith.constant 0 : i32
      %dma_wait3A_500 = arith.constant 0 : i32
      %dma_wait3A_501 = tpu.memref_slice %arg3[%dma_wait3A_499, %dma_wait3A_500] : memref<10000x64xi32, #tpu.memory_space<hbm>> -> memref<10000x64xi32, #tpu.memory_space<hbm>>
      tpu.wait_indirect_dma semaphore(%arg13 : memref<!tpu.dma_semaphore, #tpu.memory_space<semaphore_mem>>) src(%dma_wait3A_501 : memref<10000x64xi32, #tpu.memory_space<hbm>>) dst(%dma_wait3A_495 : memref<104x64xi32, #tpu.memory_space<vmem>>)
      %dma_wait3A_502 = arith.constant 1 : i32
      %dma_wait3A_503 = arith.constant 304 : i32
      %dma_wait3A_504 = arith.constant 0 : i32
      %dma_wait3A_505 = tpu.memref_slice %arg10[%dma_wait3A_503, %dma_wait3A_504] : memref<800x64xi32, #tpu.memory_space<vmem>> -> memref<96x64xi32, #tpu.memory_space<vmem>>
      %dma_wait3A_506 = arith.constant 0 : i32
      %dma_wait3A_507 = tpu.memref_slice %arg8[%dma_wait3A_502, %dma_wait3A_506] : memref<4x96xi32, #tpu.memory_space<vmem>> -> memref<1x96xi32, #tpu.memory_space<vmem>>
      %dma_wait3A_508 = tpu.memref_squeeze %dma_wait3A_507 : memref<1x96xi32, #tpu.memory_space<vmem>> -> memref<96xi32, #tpu.memory_space<vmem>>
      %dma_wait3A_509 = arith.constant 0 : i32
      %dma_wait3A_510 = arith.constant 0 : i32
      %dma_wait3A_511 = tpu.memref_slice %arg3[%dma_wait3A_509, %dma_wait3A_510] : memref<10000x64xi32, #tpu.memory_space<hbm>> -> memref<10000x64xi32, #tpu.memory_space<hbm>>
      tpu.wait_indirect_dma semaphore(%arg13 : memref<!tpu.dma_semaphore, #tpu.memory_space<semaphore_mem>>) src(%dma_wait3A_511 : memref<10000x64xi32, #tpu.memory_space<hbm>>) dst(%dma_wait3A_505 : memref<96x64xi32, #tpu.memory_space<vmem>>)
      %dma_wait3A_512 = arith.constant 2 : i32
      %dma_wait3A_513 = arith.constant 400 : i32
      %dma_wait3A_514 = arith.constant 0 : i32
      %dma_wait3A_515 = tpu.memref_slice %arg10[%dma_wait3A_513, %dma_wait3A_514] : memref<800x64xi32, #tpu.memory_space<vmem>> -> memref<104x64xi32, #tpu.memory_space<vmem>>
      %dma_wait3A_516 = arith.constant 0 : i32
      %dma_wait3A_517 = tpu.memref_slice %arg7[%dma_wait3A_512, %dma_wait3A_516] : memref<4x104xi32, #tpu.memory_space<vmem>> -> memref<1x104xi32, #tpu.memory_space<vmem>>
      %dma_wait3A_518 = tpu.memref_squeeze %dma_wait3A_517 : memref<1x104xi32, #tpu.memory_space<vmem>> -> memref<104xi32, #tpu.memory_space<vmem>>
      %dma_wait3A_519 = arith.constant 0 : i32
      %dma_wait3A_520 = arith.constant 0 : i32
      %dma_wait3A_521 = tpu.memref_slice %arg3[%dma_wait3A_519, %dma_wait3A_520] : memref<10000x64xi32, #tpu.memory_space<hbm>> -> memref<10000x64xi32, #tpu.memory_space<hbm>>
      tpu.wait_indirect_dma semaphore(%arg13 : memref<!tpu.dma_semaphore, #tpu.memory_space<semaphore_mem>>) src(%dma_wait3A_521 : memref<10000x64xi32, #tpu.memory_space<hbm>>) dst(%dma_wait3A_515 : memref<104x64xi32, #tpu.memory_space<vmem>>)
      %dma_wait3A_522 = arith.constant 2 : i32
      %dma_wait3A_523 = arith.constant 504 : i32
      %dma_wait3A_524 = arith.constant 0 : i32
      %dma_wait3A_525 = tpu.memref_slice %arg10[%dma_wait3A_523, %dma_wait3A_524] : memref<800x64xi32, #tpu.memory_space<vmem>> -> memref<96x64xi32, #tpu.memory_space<vmem>>
      %dma_wait3A_526 = arith.constant 0 : i32
      %dma_wait3A_527 = tpu.memref_slice %arg8[%dma_wait3A_522, %dma_wait3A_526] : memref<4x96xi32, #tpu.memory_space<vmem>> -> memref<1x96xi32, #tpu.memory_space<vmem>>
      %dma_wait3A_528 = tpu.memref_squeeze %dma_wait3A_527 : memref<1x96xi32, #tpu.memory_space<vmem>> -> memref<96xi32, #tpu.memory_space<vmem>>
      %dma_wait3A_529 = arith.constant 0 : i32
      %dma_wait3A_530 = arith.constant 0 : i32
      %dma_wait3A_531 = tpu.memref_slice %arg3[%dma_wait3A_529, %dma_wait3A_530] : memref<10000x64xi32, #tpu.memory_space<hbm>> -> memref<10000x64xi32, #tpu.memory_space<hbm>>
      tpu.wait_indirect_dma semaphore(%arg13 : memref<!tpu.dma_semaphore, #tpu.memory_space<semaphore_mem>>) src(%dma_wait3A_531 : memref<10000x64xi32, #tpu.memory_space<hbm>>) dst(%dma_wait3A_525 : memref<96x64xi32, #tpu.memory_space<vmem>>)
      %dma_wait3A_532 = arith.constant 3 : i32
      %dma_wait3A_533 = arith.constant 600 : i32
      %dma_wait3A_534 = arith.constant 0 : i32
      %dma_wait3A_535 = tpu.memref_slice %arg10[%dma_wait3A_533, %dma_wait3A_534] : memref<800x64xi32, #tpu.memory_space<vmem>> -> memref<104x64xi32, #tpu.memory_space<vmem>>
      %dma_wait3A_536 = arith.constant 0 : i32
      %dma_wait3A_537 = tpu.memref_slice %arg7[%dma_wait3A_532, %dma_wait3A_536] : memref<4x104xi32, #tpu.memory_space<vmem>> -> memref<1x104xi32, #tpu.memory_space<vmem>>
      %dma_wait3A_538 = tpu.memref_squeeze %dma_wait3A_537 : memref<1x104xi32, #tpu.memory_space<vmem>> -> memref<104xi32, #tpu.memory_space<vmem>>
      %dma_wait3A_539 = arith.constant 0 : i32
      %dma_wait3A_540 = arith.constant 0 : i32
      %dma_wait3A_541 = tpu.memref_slice %arg3[%dma_wait3A_539, %dma_wait3A_540] : memref<10000x64xi32, #tpu.memory_space<hbm>> -> memref<10000x64xi32, #tpu.memory_space<hbm>>
      tpu.wait_indirect_dma semaphore(%arg13 : memref<!tpu.dma_semaphore, #tpu.memory_space<semaphore_mem>>) src(%dma_wait3A_541 : memref<10000x64xi32, #tpu.memory_space<hbm>>) dst(%dma_wait3A_535 : memref<104x64xi32, #tpu.memory_space<vmem>>)
      %dma_wait3A_542 = arith.constant 3 : i32
      %dma_wait3A_543 = arith.constant 704 : i32
      %dma_wait3A_544 = arith.constant 0 : i32
      %dma_wait3A_545 = tpu.memref_slice %arg10[%dma_wait3A_543, %dma_wait3A_544] : memref<800x64xi32, #tpu.memory_space<vmem>> -> memref<96x64xi32, #tpu.memory_space<vmem>>
      %dma_wait3A_546 = arith.constant 0 : i32
      %dma_wait3A_547 = tpu.memref_slice %arg8[%dma_wait3A_542, %dma_wait3A_546] : memref<4x96xi32, #tpu.memory_space<vmem>> -> memref<1x96xi32, #tpu.memory_space<vmem>>
      %dma_wait3A_548 = tpu.memref_squeeze %dma_wait3A_547 : memref<1x96xi32, #tpu.memory_space<vmem>> -> memref<96xi32, #tpu.memory_space<vmem>>
      %dma_wait3A_549 = arith.constant 0 : i32
      %dma_wait3A_550 = arith.constant 0 : i32
      %dma_wait3A_551 = tpu.memref_slice %arg3[%dma_wait3A_549, %dma_wait3A_550] : memref<10000x64xi32, #tpu.memory_space<hbm>> -> memref<10000x64xi32, #tpu.memory_space<hbm>>
      tpu.wait_indirect_dma semaphore(%arg13 : memref<!tpu.dma_semaphore, #tpu.memory_space<semaphore_mem>>) src(%dma_wait3A_551 : memref<10000x64xi32, #tpu.memory_space<hbm>>) dst(%dma_wait3A_545 : memref<96x64xi32, #tpu.memory_space<vmem>>)
      %lt3A_552 = arith.constant 127 : i32
      %lt3A_553 = arith.cmpi slt, %add3A_471, %lt3A_552 : i32
      %convert_element_type3A_554 = arith.extui %lt3A_553 : i1 to i32
      %cond3A_555 = arith.constant 0 : i32
      %cond3A_556 = arith.cmpi ne, %convert_element_type3A_554, %cond3A_555 : i32
      scf.if %cond3A_556 {
        %add3A_850 = arith.constant 1 : i32
        %add3A_851 = arith.addi %add3A_471, %add3A_850 : i32
        %mul3A_852 = arith.constant 4 : i32
        %mul3A_853 = arith.muli %add3A_851, %mul3A_852 : i32
        %add3A_854 = arith.addi %mul3A_2, %mul3A_853 : i32
        %dma_wait3A_855 = arith.constant 0 : i32
        %dma_wait3A_856 = tpu.memref_slice %arg2[%add3A_854, %dma_wait3A_855] : memref<16384x200xi32, #tpu.memory_space<hbm>> -> memref<4x104xi32, #tpu.memory_space<hbm>>
        %dma_wait3A_857 = arith.constant 0 : i32
        %dma_wait3A_858 = tpu.memref_slice %arg2[%add3A_854, %dma_wait3A_857] : memref<16384x200xi32, #tpu.memory_space<hbm>> -> memref<4x104xi32, #tpu.memory_space<hbm>>
        tpu.wait_dma2 semaphore(%arg14 : memref<!tpu.dma_semaphore, #tpu.memory_space<semaphore_mem>>) src(%dma_wait3A_858 : memref<4x104xi32, #tpu.memory_space<hbm>>) dst(%arg5 : memref<4x104xi32, #tpu.memory_space<vmem>>)
        %dma_wait3A_859 = arith.constant 104 : i32
        %dma_wait3A_860 = tpu.memref_slice %arg2[%add3A_854, %dma_wait3A_859] : memref<16384x200xi32, #tpu.memory_space<hbm>> -> memref<4x96xi32, #tpu.memory_space<hbm>>
        %dma_wait3A_861 = arith.constant 104 : i32
        %dma_wait3A_862 = tpu.memref_slice %arg2[%add3A_854, %dma_wait3A_861] : memref<16384x200xi32, #tpu.memory_space<hbm>> -> memref<4x96xi32, #tpu.memory_space<hbm>>
        tpu.wait_dma2 semaphore(%arg14 : memref<!tpu.dma_semaphore, #tpu.memory_space<semaphore_mem>>) src(%dma_wait3A_862 : memref<4x96xi32, #tpu.memory_space<hbm>>) dst(%arg6 : memref<4x96xi32, #tpu.memory_space<vmem>>)
        %dma_start3A_863 = arith.constant 0 : i32
        %dma_start3A_864 = arith.constant 0 : i32
        %dma_start3A_865 = arith.constant 0 : i32
        %dma_start3A_866 = tpu.memref_slice %arg9[%dma_start3A_864, %dma_start3A_865] : memref<800x64xi32, #tpu.memory_space<vmem>> -> memref<104x64xi32, #tpu.memory_space<vmem>>
        %dma_start3A_867 = arith.constant 0 : i32
        %dma_start3A_868 = tpu.memref_slice %arg5[%dma_start3A_863, %dma_start3A_867] : memref<4x104xi32, #tpu.memory_space<vmem>> -> memref<1x104xi32, #tpu.memory_space<vmem>>
        %dma_start3A_869 = tpu.memref_squeeze %dma_start3A_868 : memref<1x104xi32, #tpu.memory_space<vmem>> -> memref<104xi32, #tpu.memory_space<vmem>>
        %dma_start3A_870 = arith.constant 0 : i32
        %dma_start3A_871 = arith.constant 0 : i32
        %dma_start3A_872 = tpu.memref_slice %arg3[%dma_start3A_870, %dma_start3A_871] : memref<10000x64xi32, #tpu.memory_space<hbm>> -> memref<10000x64xi32, #tpu.memory_space<hbm>>
        tpu.enqueue_indirect_dma source(%dma_start3A_872 : memref<10000x64xi32, #tpu.memory_space<hbm>>) target(%dma_start3A_866 : memref<104x64xi32, #tpu.memory_space<vmem>>) offsets(%dma_start3A_869 : memref<104xi32, #tpu.memory_space<vmem>>) semaphore(%arg12 : memref<!tpu.dma_semaphore, #tpu.memory_space<semaphore_mem>>)
        %dma_start3A_873 = arith.constant 0 : i32
        %dma_start3A_874 = arith.constant 104 : i32
        %dma_start3A_875 = arith.constant 0 : i32
        %dma_start3A_876 = tpu.memref_slice %arg9[%dma_start3A_874, %dma_start3A_875] : memref<800x64xi32, #tpu.memory_space<vmem>> -> memref<96x64xi32, #tpu.memory_space<vmem>>
        %dma_start3A_877 = arith.constant 0 : i32
        %dma_start3A_878 = tpu.memref_slice %arg6[%dma_start3A_873, %dma_start3A_877] : memref<4x96xi32, #tpu.memory_space<vmem>> -> memref<1x96xi32, #tpu.memory_space<vmem>>
        %dma_start3A_879 = tpu.memref_squeeze %dma_start3A_878 : memref<1x96xi32, #tpu.memory_space<vmem>> -> memref<96xi32, #tpu.memory_space<vmem>>
        %dma_start3A_880 = arith.constant 0 : i32
        %dma_start3A_881 = arith.constant 0 : i32
        %dma_start3A_882 = tpu.memref_slice %arg3[%dma_start3A_880, %dma_start3A_881] : memref<10000x64xi32, #tpu.memory_space<hbm>> -> memref<10000x64xi32, #tpu.memory_space<hbm>>
        tpu.enqueue_indirect_dma source(%dma_start3A_882 : memref<10000x64xi32, #tpu.memory_space<hbm>>) target(%dma_start3A_876 : memref<96x64xi32, #tpu.memory_space<vmem>>) offsets(%dma_start3A_879 : memref<96xi32, #tpu.memory_space<vmem>>) semaphore(%arg12 : memref<!tpu.dma_semaphore, #tpu.memory_space<semaphore_mem>>)
        %dma_start3A_883 = arith.constant 1 : i32
        %dma_start3A_884 = arith.constant 200 : i32
        %dma_start3A_885 = arith.constant 0 : i32
        %dma_start3A_886 = tpu.memref_slice %arg9[%dma_start3A_884, %dma_start3A_885] : memref<800x64xi32, #tpu.memory_space<vmem>> -> memref<104x64xi32, #tpu.memory_space<vmem>>
        %dma_start3A_887 = arith.constant 0 : i32
        %dma_start3A_888 = tpu.memref_slice %arg5[%dma_start3A_883, %dma_start3A_887] : memref<4x104xi32, #tpu.memory_space<vmem>> -> memref<1x104xi32, #tpu.memory_space<vmem>>
        %dma_start3A_889 = tpu.memref_squeeze %dma_start3A_888 : memref<1x104xi32, #tpu.memory_space<vmem>> -> memref<104xi32, #tpu.memory_space<vmem>>
        %dma_start3A_890 = arith.constant 0 : i32
        %dma_start3A_891 = arith.constant 0 : i32
        %dma_start3A_892 = tpu.memref_slice %arg3[%dma_start3A_890, %dma_start3A_891] : memref<10000x64xi32, #tpu.memory_space<hbm>> -> memref<10000x64xi32, #tpu.memory_space<hbm>>
        tpu.enqueue_indirect_dma source(%dma_start3A_892 : memref<10000x64xi32, #tpu.memory_space<hbm>>) target(%dma_start3A_886 : memref<104x64xi32, #tpu.memory_space<vmem>>) offsets(%dma_start3A_889 : memref<104xi32, #tpu.memory_space<vmem>>) semaphore(%arg12 : memref<!tpu.dma_semaphore, #tpu.memory_space<semaphore_mem>>)
        %dma_start3A_893 = arith.constant 1 : i32
        %dma_start3A_894 = arith.constant 304 : i32
        %dma_start3A_895 = arith.constant 0 : i32
        %dma_start3A_896 = tpu.memref_slice %arg9[%dma_start3A_894, %dma_start3A_895] : memref<800x64xi32, #tpu.memory_space<vmem>> -> memref<96x64xi32, #tpu.memory_space<vmem>>
        %dma_start3A_897 = arith.constant 0 : i32
        %dma_start3A_898 = tpu.memref_slice %arg6[%dma_start3A_893, %dma_start3A_897] : memref<4x96xi32, #tpu.memory_space<vmem>> -> memref<1x96xi32, #tpu.memory_space<vmem>>
        %dma_start3A_899 = tpu.memref_squeeze %dma_start3A_898 : memref<1x96xi32, #tpu.memory_space<vmem>> -> memref<96xi32, #tpu.memory_space<vmem>>
        %dma_start3A_900 = arith.constant 0 : i32
        %dma_start3A_901 = arith.constant 0 : i32
        %dma_start3A_902 = tpu.memref_slice %arg3[%dma_start3A_900, %dma_start3A_901] : memref<10000x64xi32, #tpu.memory_space<hbm>> -> memref<10000x64xi32, #tpu.memory_space<hbm>>
        tpu.enqueue_indirect_dma source(%dma_start3A_902 : memref<10000x64xi32, #tpu.memory_space<hbm>>) target(%dma_start3A_896 : memref<96x64xi32, #tpu.memory_space<vmem>>) offsets(%dma_start3A_899 : memref<96xi32, #tpu.memory_space<vmem>>) semaphore(%arg12 : memref<!tpu.dma_semaphore, #tpu.memory_space<semaphore_mem>>)
        %dma_start3A_903 = arith.constant 2 : i32
        %dma_start3A_904 = arith.constant 400 : i32
        %dma_start3A_905 = arith.constant 0 : i32
        %dma_start3A_906 = tpu.memref_slice %arg9[%dma_start3A_904, %dma_start3A_905] : memref<800x64xi32, #tpu.memory_space<vmem>> -> memref<104x64xi32, #tpu.memory_space<vmem>>
        %dma_start3A_907 = arith.constant 0 : i32
        %dma_start3A_908 = tpu.memref_slice %arg5[%dma_start3A_903, %dma_start3A_907] : memref<4x104xi32, #tpu.memory_space<vmem>> -> memref<1x104xi32, #tpu.memory_space<vmem>>
        %dma_start3A_909 = tpu.memref_squeeze %dma_start3A_908 : memref<1x104xi32, #tpu.memory_space<vmem>> -> memref<104xi32, #tpu.memory_space<vmem>>
        %dma_start3A_910 = arith.constant 0 : i32
        %dma_start3A_911 = arith.constant 0 : i32
        %dma_start3A_912 = tpu.memref_slice %arg3[%dma_start3A_910, %dma_start3A_911] : memref<10000x64xi32, #tpu.memory_space<hbm>> -> memref<10000x64xi32, #tpu.memory_space<hbm>>
        tpu.enqueue_indirect_dma source(%dma_start3A_912 : memref<10000x64xi32, #tpu.memory_space<hbm>>) target(%dma_start3A_906 : memref<104x64xi32, #tpu.memory_space<vmem>>) offsets(%dma_start3A_909 : memref<104xi32, #tpu.memory_space<vmem>>) semaphore(%arg12 : memref<!tpu.dma_semaphore, #tpu.memory_space<semaphore_mem>>)
        %dma_start3A_913 = arith.constant 2 : i32
        %dma_start3A_914 = arith.constant 504 : i32
        %dma_start3A_915 = arith.constant 0 : i32
        %dma_start3A_916 = tpu.memref_slice %arg9[%dma_start3A_914, %dma_start3A_915] : memref<800x64xi32, #tpu.memory_space<vmem>> -> memref<96x64xi32, #tpu.memory_space<vmem>>
        %dma_start3A_917 = arith.constant 0 : i32
        %dma_start3A_918 = tpu.memref_slice %arg6[%dma_start3A_913, %dma_start3A_917] : memref<4x96xi32, #tpu.memory_space<vmem>> -> memref<1x96xi32, #tpu.memory_space<vmem>>
        %dma_start3A_919 = tpu.memref_squeeze %dma_start3A_918 : memref<1x96xi32, #tpu.memory_space<vmem>> -> memref<96xi32, #tpu.memory_space<vmem>>
        %dma_start3A_920 = arith.constant 0 : i32
        %dma_start3A_921 = arith.constant 0 : i32
        %dma_start3A_922 = tpu.memref_slice %arg3[%dma_start3A_920, %dma_start3A_921] : memref<10000x64xi32, #tpu.memory_space<hbm>> -> memref<10000x64xi32, #tpu.memory_space<hbm>>
        tpu.enqueue_indirect_dma source(%dma_start3A_922 : memref<10000x64xi32, #tpu.memory_space<hbm>>) target(%dma_start3A_916 : memref<96x64xi32, #tpu.memory_space<vmem>>) offsets(%dma_start3A_919 : memref<96xi32, #tpu.memory_space<vmem>>) semaphore(%arg12 : memref<!tpu.dma_semaphore, #tpu.memory_space<semaphore_mem>>)
        %dma_start3A_923 = arith.constant 3 : i32
        %dma_start3A_924 = arith.constant 600 : i32
        %dma_start3A_925 = arith.constant 0 : i32
        %dma_start3A_926 = tpu.memref_slice %arg9[%dma_start3A_924, %dma_start3A_925] : memref<800x64xi32, #tpu.memory_space<vmem>> -> memref<104x64xi32, #tpu.memory_space<vmem>>
        %dma_start3A_927 = arith.constant 0 : i32
        %dma_start3A_928 = tpu.memref_slice %arg5[%dma_start3A_923, %dma_start3A_927] : memref<4x104xi32, #tpu.memory_space<vmem>> -> memref<1x104xi32, #tpu.memory_space<vmem>>
        %dma_start3A_929 = tpu.memref_squeeze %dma_start3A_928 : memref<1x104xi32, #tpu.memory_space<vmem>> -> memref<104xi32, #tpu.memory_space<vmem>>
        %dma_start3A_930 = arith.constant 0 : i32
        %dma_start3A_931 = arith.constant 0 : i32
        %dma_start3A_932 = tpu.memref_slice %arg3[%dma_start3A_930, %dma_start3A_931] : memref<10000x64xi32, #tpu.memory_space<hbm>> -> memref<10000x64xi32, #tpu.memory_space<hbm>>
        tpu.enqueue_indirect_dma source(%dma_start3A_932 : memref<10000x64xi32, #tpu.memory_space<hbm>>) target(%dma_start3A_926 : memref<104x64xi32, #tpu.memory_space<vmem>>) offsets(%dma_start3A_929 : memref<104xi32, #tpu.memory_space<vmem>>) semaphore(%arg12 : memref<!tpu.dma_semaphore, #tpu.memory_space<semaphore_mem>>)
        %dma_start3A_933 = arith.constant 3 : i32
        %dma_start3A_934 = arith.constant 704 : i32
        %dma_start3A_935 = arith.constant 0 : i32
        %dma_start3A_936 = tpu.memref_slice %arg9[%dma_start3A_934, %dma_start3A_935] : memref<800x64xi32, #tpu.memory_space<vmem>> -> memref<96x64xi32, #tpu.memory_space<vmem>>
        %dma_start3A_937 = arith.constant 0 : i32
        %dma_start3A_938 = tpu.memref_slice %arg6[%dma_start3A_933, %dma_start3A_937] : memref<4x96xi32, #tpu.memory_space<vmem>> -> memref<1x96xi32, #tpu.memory_space<vmem>>
        %dma_start3A_939 = tpu.memref_squeeze %dma_start3A_938 : memref<1x96xi32, #tpu.memory_space<vmem>> -> memref<96xi32, #tpu.memory_space<vmem>>
        %dma_start3A_940 = arith.constant 0 : i32
        %dma_start3A_941 = arith.constant 0 : i32
        %dma_start3A_942 = tpu.memref_slice %arg3[%dma_start3A_940, %dma_start3A_941] : memref<10000x64xi32, #tpu.memory_space<hbm>> -> memref<10000x64xi32, #tpu.memory_space<hbm>>
        tpu.enqueue_indirect_dma source(%dma_start3A_942 : memref<10000x64xi32, #tpu.memory_space<hbm>>) target(%dma_start3A_936 : memref<96x64xi32, #tpu.memory_space<vmem>>) offsets(%dma_start3A_939 : memref<96xi32, #tpu.memory_space<vmem>>) semaphore(%arg12 : memref<!tpu.dma_semaphore, #tpu.memory_space<semaphore_mem>>)
      } else {
      }
      %lt3A_557 = arith.constant 126 : i32
      %lt3A_558 = arith.cmpi slt, %add3A_471, %lt3A_557 : i32
      %convert_element_type3A_559 = arith.extui %lt3A_558 : i1 to i32
      %cond3A_560 = arith.constant 0 : i32
      %cond3A_561 = arith.cmpi ne, %convert_element_type3A_559, %cond3A_560 : i32
      scf.if %cond3A_561 {
        %add3A_850 = arith.constant 2 : i32
        %add3A_851 = arith.addi %add3A_471, %add3A_850 : i32
        %mul3A_852 = arith.constant 4 : i32
        %mul3A_853 = arith.muli %add3A_851, %mul3A_852 : i32
        %add3A_854 = arith.addi %mul3A_2, %mul3A_853 : i32
        %dma_start3A_855 = arith.constant 0 : i32
        %dma_start3A_856 = tpu.memref_slice %arg2[%add3A_854, %dma_start3A_855] : memref<16384x200xi32, #tpu.memory_space<hbm>> -> memref<4x104xi32, #tpu.memory_space<hbm>>
        %dma_start3A_857 = arith.constant 0 : i32
        %dma_start3A_858 = tpu.memref_slice %arg2[%add3A_854, %dma_start3A_857] : memref<16384x200xi32, #tpu.memory_space<hbm>> -> memref<4x104xi32, #tpu.memory_space<hbm>>
        tpu.enqueue_dma source(%dma_start3A_858 : memref<4x104xi32, #tpu.memory_space<hbm>>) target(%arg7 : memref<4x104xi32, #tpu.memory_space<vmem>>) target_semaphore(%arg14 : memref<!tpu.dma_semaphore, #tpu.memory_space<semaphore_mem>>)
        %dma_start3A_859 = arith.constant 104 : i32
        %dma_start3A_860 = tpu.memref_slice %arg2[%add3A_854, %dma_start3A_859] : memref<16384x200xi32, #tpu.memory_space<hbm>> -> memref<4x96xi32, #tpu.memory_space<hbm>>
        %dma_start3A_861 = arith.constant 104 : i32
        %dma_start3A_862 = tpu.memref_slice %arg2[%add3A_854, %dma_start3A_861] : memref<16384x200xi32, #tpu.memory_space<hbm>> -> memref<4x96xi32, #tpu.memory_space<hbm>>
        tpu.enqueue_dma source(%dma_start3A_862 : memref<4x96xi32, #tpu.memory_space<hbm>>) target(%arg8 : memref<4x96xi32, #tpu.memory_space<vmem>>) target_semaphore(%arg14 : memref<!tpu.dma_semaphore, #tpu.memory_space<semaphore_mem>>)
      } else {
      }
      %jit3A_562 = arith.constant 16 : i32
      %eq3A_563 = arith.constant 0 : i32
      %eq3A_564 = arith.cmpi eq, %jit3A_562, %eq3A_563 : i32
      %jit3A_565 = arith.constant 1 : i32
      %select_n3A_566 = arith.select %eq3A_564, %jit3A_565, %jit3A_562 : i32
      %rem3A_567 = arith.remsi %add3A_471, %select_n3A_566 : i32
      %ne3A_568 = arith.constant 0 : i32
      %ne3A_569 = arith.cmpi ne, %rem3A_567, %ne3A_568 : i32
      %lt3A_570 = arith.constant 0 : i32
      %lt3A_571 = arith.cmpi slt, %rem3A_567, %lt3A_570 : i32
      %lt3A_572 = arith.constant 0 : i32
      %lt3A_573 = arith.cmpi slt, %select_n3A_566, %lt3A_572 : i32
      %ne3A_574 = arith.xori %lt3A_571, %lt3A_573 : i1
      %and3A_575 = arith.andi %ne3A_574, %ne3A_569 : i1
      %add3A_576 = arith.addi %rem3A_567, %select_n3A_566 : i32
      %select_n3A_577 = arith.select %and3A_575, %add3A_576, %rem3A_567 : i32
      %mul3A_578 = arith.constant 4 : i32
      %mul3A_579 = arith.muli %select_n3A_577, %mul3A_578 : i32
      %broadcast_in_dim3A_580 = arith.constant 0.000000e+00 : f32
      %broadcast_in_dim3A_581 = vector.broadcast %broadcast_in_dim3A_580 : f32 to vector<16xf32>
      %broadcast_in_dim3A_582 = arith.constant 0.000000e+00 : f32
      %broadcast_in_dim3A_583 = vector.broadcast %broadcast_in_dim3A_582 : f32 to vector<16xf32>
      %broadcast_in_dim3A_584 = arith.constant 0.000000e+00 : f32
      %broadcast_in_dim3A_585 = vector.broadcast %broadcast_in_dim3A_584 : f32 to vector<16xf32>
      %broadcast_in_dim3A_586 = arith.constant 0.000000e+00 : f32
      %broadcast_in_dim3A_587 = vector.broadcast %broadcast_in_dim3A_586 : f32 to vector<16xf32>
      %broadcast_in_dim3A_588 = arith.constant 0.000000e+00 : f32
      %broadcast_in_dim3A_589 = vector.broadcast %broadcast_in_dim3A_588 : f32 to vector<16xf32>
      %broadcast_in_dim3A_590 = arith.constant 0.000000e+00 : f32
      %broadcast_in_dim3A_591 = vector.broadcast %broadcast_in_dim3A_590 : f32 to vector<16xf32>
      %broadcast_in_dim3A_592 = arith.constant 0.000000e+00 : f32
      %broadcast_in_dim3A_593 = vector.broadcast %broadcast_in_dim3A_592 : f32 to vector<16xf32>
      %broadcast_in_dim3A_594 = arith.constant 0.000000e+00 : f32
      %broadcast_in_dim3A_595 = vector.broadcast %broadcast_in_dim3A_594 : f32 to vector<16xf32>
      %scan3A_596 = arith.constant 0 : i32
      %scan3A_597 = arith.constant 20 : i32
      %scan3A_598 = arith.addi %scan3A_596, %scan3A_597 : i32
      %scan3A_599 = arith.constant 1 : i32
      %scan3A_600:8 = scf.for %scan3A_850 = %scan3A_596 to %scan3A_598 step %scan3A_599 iter_args(%scan3A_851 = %broadcast_in_dim3A_581, %scan3A_852 = %broadcast_in_dim3A_583, %scan3A_853 = %broadcast_in_dim3A_585, %scan3A_854 = %broadcast_in_dim3A_587, %scan3A_855 = %broadcast_in_dim3A_589, %scan3A_856 = %broadcast_in_dim3A_591, %scan3A_857 = %broadcast_in_dim3A_593, %scan3A_858 = %broadcast_in_dim3A_595) -> (vector<16xf32>, vector<16xf32>, vector<16xf32>, vector<16xf32>, vector<16xf32>, vector<16xf32>, vector<16xf32>, vector<16xf32>)  : i32 {
        %broadcast_in_dim3A_859 = arith.constant 0.000000e+00 : bf16
        %broadcast_in_dim3A_860 = vector.broadcast %broadcast_in_dim3A_859 : bf16 to vector<32xbf16>
        %broadcast_in_dim3A_861 = arith.constant 0.000000e+00 : bf16
        %broadcast_in_dim3A_862 = vector.broadcast %broadcast_in_dim3A_861 : bf16 to vector<32xbf16>
        %broadcast_in_dim3A_863 = arith.constant 0.000000e+00 : bf16
        %broadcast_in_dim3A_864 = vector.broadcast %broadcast_in_dim3A_863 : bf16 to vector<32xbf16>
        %broadcast_in_dim3A_865 = arith.constant 0.000000e+00 : bf16
        %broadcast_in_dim3A_866 = vector.broadcast %broadcast_in_dim3A_865 : bf16 to vector<32xbf16>
        %mul3A_867 = arith.constant 10 : i32
        %mul3A_868 = arith.muli %scan3A_850, %mul3A_867 : i32
        %add3A_869 = arith.constant 0 : i32
        %add3A_870 = arith.addi %add3A_869, %mul3A_868 : i32
        %add3A_871 = arith.constant 0 : i32
        %add3A_872 = arith.addi %add3A_870, %add3A_871 : i32
        %get3A = arith.index_cast %add3A_872 : i32 to index
        %get3A_873 = arith.constant 0 : index
        %get3A_874 = tpu.vector_load %arg10[%get3A, %get3A_873] {strides = array<i32>} : memref<800x64xi32, #tpu.memory_space<vmem>>, vector<16xi32>,
        %bitcast3A = vector.bitcast %get3A_874 : vector<16xi32> to vector<32xbf16>
        %add3A_875 = arith.addf %broadcast_in_dim3A_860, %bitcast3A : vector<32xbf16>
        %add3A_876 = arith.constant 0 : i32
        %add3A_877 = arith.addi %add3A_870, %add3A_876 : i32
        %get3A_878 = arith.index_cast %add3A_877 : i32 to index
        %get3A_879 = arith.constant 16 : index
        %get3A_880 = tpu.vector_load %arg10[%get3A_878, %get3A_879] {strides = array<i32>} : memref<800x64xi32, #tpu.memory_space<vmem>>, vector<16xi32>,
        %bitcast3A_881 = vector.bitcast %get3A_880 : vector<16xi32> to vector<32xbf16>
        %add3A_882 = arith.addf %broadcast_in_dim3A_862, %bitcast3A_881 : vector<32xbf16>
        %add3A_883 = arith.constant 0 : i32
        %add3A_884 = arith.addi %add3A_870, %add3A_883 : i32
        %get3A_885 = arith.index_cast %add3A_884 : i32 to index
        %get3A_886 = arith.constant 32 : index
        %get3A_887 = tpu.vector_load %arg10[%get3A_885, %get3A_886] {strides = array<i32>} : memref<800x64xi32, #tpu.memory_space<vmem>>, vector<16xi32>,
        %bitcast3A_888 = vector.bitcast %get3A_887 : vector<16xi32> to vector<32xbf16>
        %add3A_889 = arith.addf %broadcast_in_dim3A_864, %bitcast3A_888 : vector<32xbf16>
        %add3A_890 = arith.constant 0 : i32
        %add3A_891 = arith.addi %add3A_870, %add3A_890 : i32
        %get3A_892 = arith.index_cast %add3A_891 : i32 to index
        %get3A_893 = arith.constant 48 : index
        %get3A_894 = tpu.vector_load %arg10[%get3A_892, %get3A_893] {strides = array<i32>} : memref<800x64xi32, #tpu.memory_space<vmem>>, vector<16xi32>,
        %bitcast3A_895 = vector.bitcast %get3A_894 : vector<16xi32> to vector<32xbf16>
        %add3A_896 = arith.addf %broadcast_in_dim3A_866, %bitcast3A_895 : vector<32xbf16>
        %add3A_897 = arith.constant 1 : i32
        %add3A_898 = arith.addi %add3A_870, %add3A_897 : i32
        %get3A_899 = arith.index_cast %add3A_898 : i32 to index
        %get3A_900 = arith.constant 0 : index
        %get3A_901 = tpu.vector_load %arg10[%get3A_899, %get3A_900] {strides = array<i32>} : memref<800x64xi32, #tpu.memory_space<vmem>>, vector<16xi32>,
        %bitcast3A_902 = vector.bitcast %get3A_901 : vector<16xi32> to vector<32xbf16>
        %add3A_903 = arith.addf %add3A_875, %bitcast3A_902 : vector<32xbf16>
        %add3A_904 = arith.constant 1 : i32
        %add3A_905 = arith.addi %add3A_870, %add3A_904 : i32
        %get3A_906 = arith.index_cast %add3A_905 : i32 to index
        %get3A_907 = arith.constant 16 : index
        %get3A_908 = tpu.vector_load %arg10[%get3A_906, %get3A_907] {strides = array<i32>} : memref<800x64xi32, #tpu.memory_space<vmem>>, vector<16xi32>,
        %bitcast3A_909 = vector.bitcast %get3A_908 : vector<16xi32> to vector<32xbf16>
        %add3A_910 = arith.addf %add3A_882, %bitcast3A_909 : vector<32xbf16>
        %add3A_911 = arith.constant 1 : i32
        %add3A_912 = arith.addi %add3A_870, %add3A_911 : i32
        %get3A_913 = arith.index_cast %add3A_912 : i32 to index
        %get3A_914 = arith.constant 32 : index
        %get3A_915 = tpu.vector_load %arg10[%get3A_913, %get3A_914] {strides = array<i32>} : memref<800x64xi32, #tpu.memory_space<vmem>>, vector<16xi32>,
        %bitcast3A_916 = vector.bitcast %get3A_915 : vector<16xi32> to vector<32xbf16>
        %add3A_917 = arith.addf %add3A_889, %bitcast3A_916 : vector<32xbf16>
        %add3A_918 = arith.constant 1 : i32
        %add3A_919 = arith.addi %add3A_870, %add3A_918 : i32
        %get3A_920 = arith.index_cast %add3A_919 : i32 to index
        %get3A_921 = arith.constant 48 : index
        %get3A_922 = tpu.vector_load %arg10[%get3A_920, %get3A_921] {strides = array<i32>} : memref<800x64xi32, #tpu.memory_space<vmem>>, vector<16xi32>,
        %bitcast3A_923 = vector.bitcast %get3A_922 : vector<16xi32> to vector<32xbf16>
        %add3A_924 = arith.addf %add3A_896, %bitcast3A_923 : vector<32xbf16>
        %add3A_925 = arith.constant 2 : i32
        %add3A_926 = arith.addi %add3A_870, %add3A_925 : i32
        %get3A_927 = arith.index_cast %add3A_926 : i32 to index
        %get3A_928 = arith.constant 0 : index
        %get3A_929 = tpu.vector_load %arg10[%get3A_927, %get3A_928] {strides = array<i32>} : memref<800x64xi32, #tpu.memory_space<vmem>>, vector<16xi32>,
        %bitcast3A_930 = vector.bitcast %get3A_929 : vector<16xi32> to vector<32xbf16>
        %add3A_931 = arith.addf %add3A_903, %bitcast3A_930 : vector<32xbf16>
        %add3A_932 = arith.constant 2 : i32
        %add3A_933 = arith.addi %add3A_870, %add3A_932 : i32
        %get3A_934 = arith.index_cast %add3A_933 : i32 to index
        %get3A_935 = arith.constant 16 : index
        %get3A_936 = tpu.vector_load %arg10[%get3A_934, %get3A_935] {strides = array<i32>} : memref<800x64xi32, #tpu.memory_space<vmem>>, vector<16xi32>,
        %bitcast3A_937 = vector.bitcast %get3A_936 : vector<16xi32> to vector<32xbf16>
        %add3A_938 = arith.addf %add3A_910, %bitcast3A_937 : vector<32xbf16>
        %add3A_939 = arith.constant 2 : i32
        %add3A_940 = arith.addi %add3A_870, %add3A_939 : i32
        %get3A_941 = arith.index_cast %add3A_940 : i32 to index
        %get3A_942 = arith.constant 32 : index
        %get3A_943 = tpu.vector_load %arg10[%get3A_941, %get3A_942] {strides = array<i32>} : memref<800x64xi32, #tpu.memory_space<vmem>>, vector<16xi32>,
        %bitcast3A_944 = vector.bitcast %get3A_943 : vector<16xi32> to vector<32xbf16>
        %add3A_945 = arith.addf %add3A_917, %bitcast3A_944 : vector<32xbf16>
        %add3A_946 = arith.constant 2 : i32
        %add3A_947 = arith.addi %add3A_870, %add3A_946 : i32
        %get3A_948 = arith.index_cast %add3A_947 : i32 to index
        %get3A_949 = arith.constant 48 : index
        %get3A_950 = tpu.vector_load %arg10[%get3A_948, %get3A_949] {strides = array<i32>} : memref<800x64xi32, #tpu.memory_space<vmem>>, vector<16xi32>,
        %bitcast3A_951 = vector.bitcast %get3A_950 : vector<16xi32> to vector<32xbf16>
        %add3A_952 = arith.addf %add3A_924, %bitcast3A_951 : vector<32xbf16>
        %add3A_953 = arith.constant 3 : i32
        %add3A_954 = arith.addi %add3A_870, %add3A_953 : i32
        %get3A_955 = arith.index_cast %add3A_954 : i32 to index
        %get3A_956 = arith.constant 0 : index
        %get3A_957 = tpu.vector_load %arg10[%get3A_955, %get3A_956] {strides = array<i32>} : memref<800x64xi32, #tpu.memory_space<vmem>>, vector<16xi32>,
        %bitcast3A_958 = vector.bitcast %get3A_957 : vector<16xi32> to vector<32xbf16>
        %add3A_959 = arith.addf %add3A_931, %bitcast3A_958 : vector<32xbf16>
        %add3A_960 = arith.constant 3 : i32
        %add3A_961 = arith.addi %add3A_870, %add3A_960 : i32
        %get3A_962 = arith.index_cast %add3A_961 : i32 to index
        %get3A_963 = arith.constant 16 : index
        %get3A_964 = tpu.vector_load %arg10[%get3A_962, %get3A_963] {strides = array<i32>} : memref<800x64xi32, #tpu.memory_space<vmem>>, vector<16xi32>,
        %bitcast3A_965 = vector.bitcast %get3A_964 : vector<16xi32> to vector<32xbf16>
        %add3A_966 = arith.addf %add3A_938, %bitcast3A_965 : vector<32xbf16>
        %add3A_967 = arith.constant 3 : i32
        %add3A_968 = arith.addi %add3A_870, %add3A_967 : i32
        %get3A_969 = arith.index_cast %add3A_968 : i32 to index
        %get3A_970 = arith.constant 32 : index
        %get3A_971 = tpu.vector_load %arg10[%get3A_969, %get3A_970] {strides = array<i32>} : memref<800x64xi32, #tpu.memory_space<vmem>>, vector<16xi32>,
        %bitcast3A_972 = vector.bitcast %get3A_971 : vector<16xi32> to vector<32xbf16>
        %add3A_973 = arith.addf %add3A_945, %bitcast3A_972 : vector<32xbf16>
        %add3A_974 = arith.constant 3 : i32
        %add3A_975 = arith.addi %add3A_870, %add3A_974 : i32
        %get3A_976 = arith.index_cast %add3A_975 : i32 to index
        %get3A_977 = arith.constant 48 : index
        %get3A_978 = tpu.vector_load %arg10[%get3A_976, %get3A_977] {strides = array<i32>} : memref<800x64xi32, #tpu.memory_space<vmem>>, vector<16xi32>,
        %bitcast3A_979 = vector.bitcast %get3A_978 : vector<16xi32> to vector<32xbf16>
        %add3A_980 = arith.addf %add3A_952, %bitcast3A_979 : vector<32xbf16>
        %add3A_981 = arith.constant 4 : i32
        %add3A_982 = arith.addi %add3A_870, %add3A_981 : i32
        %get3A_983 = arith.index_cast %add3A_982 : i32 to index
        %get3A_984 = arith.constant 0 : index
        %get3A_985 = tpu.vector_load %arg10[%get3A_983, %get3A_984] {strides = array<i32>} : memref<800x64xi32, #tpu.memory_space<vmem>>, vector<16xi32>,
        %bitcast3A_986 = vector.bitcast %get3A_985 : vector<16xi32> to vector<32xbf16>
        %add3A_987 = arith.addf %add3A_959, %bitcast3A_986 : vector<32xbf16>
        %add3A_988 = arith.constant 4 : i32
        %add3A_989 = arith.addi %add3A_870, %add3A_988 : i32
        %get3A_990 = arith.index_cast %add3A_989 : i32 to index
        %get3A_991 = arith.constant 16 : index
        %get3A_992 = tpu.vector_load %arg10[%get3A_990, %get3A_991] {strides = array<i32>} : memref<800x64xi32, #tpu.memory_space<vmem>>, vector<16xi32>,
        %bitcast3A_993 = vector.bitcast %get3A_992 : vector<16xi32> to vector<32xbf16>
        %add3A_994 = arith.addf %add3A_966, %bitcast3A_993 : vector<32xbf16>
        %add3A_995 = arith.constant 4 : i32
        %add3A_996 = arith.addi %add3A_870, %add3A_995 : i32
        %get3A_997 = arith.index_cast %add3A_996 : i32 to index
        %get3A_998 = arith.constant 32 : index
        %get3A_999 = tpu.vector_load %arg10[%get3A_997, %get3A_998] {strides = array<i32>} : memref<800x64xi32, #tpu.memory_space<vmem>>, vector<16xi32>,
        %bitcast3A_1000 = vector.bitcast %get3A_999 : vector<16xi32> to vector<32xbf16>
        %add3A_1001 = arith.addf %add3A_973, %bitcast3A_1000 : vector<32xbf16>
        %add3A_1002 = arith.constant 4 : i32
        %add3A_1003 = arith.addi %add3A_870, %add3A_1002 : i32
        %get3A_1004 = arith.index_cast %add3A_1003 : i32 to index
        %get3A_1005 = arith.constant 48 : index
        %get3A_1006 = tpu.vector_load %arg10[%get3A_1004, %get3A_1005] {strides = array<i32>} : memref<800x64xi32, #tpu.memory_space<vmem>>, vector<16xi32>,
        %bitcast3A_1007 = vector.bitcast %get3A_1006 : vector<16xi32> to vector<32xbf16>
        %add3A_1008 = arith.addf %add3A_980, %bitcast3A_1007 : vector<32xbf16>
        %add3A_1009 = arith.constant 5 : i32
        %add3A_1010 = arith.addi %add3A_870, %add3A_1009 : i32
        %get3A_1011 = arith.index_cast %add3A_1010 : i32 to index
        %get3A_1012 = arith.constant 0 : index
        %get3A_1013 = tpu.vector_load %arg10[%get3A_1011, %get3A_1012] {strides = array<i32>} : memref<800x64xi32, #tpu.memory_space<vmem>>, vector<16xi32>,
        %bitcast3A_1014 = vector.bitcast %get3A_1013 : vector<16xi32> to vector<32xbf16>
        %add3A_1015 = arith.addf %add3A_987, %bitcast3A_1014 : vector<32xbf16>
        %add3A_1016 = arith.constant 5 : i32
        %add3A_1017 = arith.addi %add3A_870, %add3A_1016 : i32
        %get3A_1018 = arith.index_cast %add3A_1017 : i32 to index
        %get3A_1019 = arith.constant 16 : index
        %get3A_1020 = tpu.vector_load %arg10[%get3A_1018, %get3A_1019] {strides = array<i32>} : memref<800x64xi32, #tpu.memory_space<vmem>>, vector<16xi32>,
        %bitcast3A_1021 = vector.bitcast %get3A_1020 : vector<16xi32> to vector<32xbf16>
        %add3A_1022 = arith.addf %add3A_994, %bitcast3A_1021 : vector<32xbf16>
        %add3A_1023 = arith.constant 5 : i32
        %add3A_1024 = arith.addi %add3A_870, %add3A_1023 : i32
        %get3A_1025 = arith.index_cast %add3A_1024 : i32 to index
        %get3A_1026 = arith.constant 32 : index
        %get3A_1027 = tpu.vector_load %arg10[%get3A_1025, %get3A_1026] {strides = array<i32>} : memref<800x64xi32, #tpu.memory_space<vmem>>, vector<16xi32>,
        %bitcast3A_1028 = vector.bitcast %get3A_1027 : vector<16xi32> to vector<32xbf16>
        %add3A_1029 = arith.addf %add3A_1001, %bitcast3A_1028 : vector<32xbf16>
        %add3A_1030 = arith.constant 5 : i32
        %add3A_1031 = arith.addi %add3A_870, %add3A_1030 : i32
        %get3A_1032 = arith.index_cast %add3A_1031 : i32 to index
        %get3A_1033 = arith.constant 48 : index
        %get3A_1034 = tpu.vector_load %arg10[%get3A_1032, %get3A_1033] {strides = array<i32>} : memref<800x64xi32, #tpu.memory_space<vmem>>, vector<16xi32>,
        %bitcast3A_1035 = vector.bitcast %get3A_1034 : vector<16xi32> to vector<32xbf16>
        %add3A_1036 = arith.addf %add3A_1008, %bitcast3A_1035 : vector<32xbf16>
        %add3A_1037 = arith.constant 6 : i32
        %add3A_1038 = arith.addi %add3A_870, %add3A_1037 : i32
        %get3A_1039 = arith.index_cast %add3A_1038 : i32 to index
        %get3A_1040 = arith.constant 0 : index
        %get3A_1041 = tpu.vector_load %arg10[%get3A_1039, %get3A_1040] {strides = array<i32>} : memref<800x64xi32, #tpu.memory_space<vmem>>, vector<16xi32>,
        %bitcast3A_1042 = vector.bitcast %get3A_1041 : vector<16xi32> to vector<32xbf16>
        %add3A_1043 = arith.addf %add3A_1015, %bitcast3A_1042 : vector<32xbf16>
        %add3A_1044 = arith.constant 6 : i32
        %add3A_1045 = arith.addi %add3A_870, %add3A_1044 : i32
        %get3A_1046 = arith.index_cast %add3A_1045 : i32 to index
        %get3A_1047 = arith.constant 16 : index
        %get3A_1048 = tpu.vector_load %arg10[%get3A_1046, %get3A_1047] {strides = array<i32>} : memref<800x64xi32, #tpu.memory_space<vmem>>, vector<16xi32>,
        %bitcast3A_1049 = vector.bitcast %get3A_1048 : vector<16xi32> to vector<32xbf16>
        %add3A_1050 = arith.addf %add3A_1022, %bitcast3A_1049 : vector<32xbf16>
        %add3A_1051 = arith.constant 6 : i32
        %add3A_1052 = arith.addi %add3A_870, %add3A_1051 : i32
        %get3A_1053 = arith.index_cast %add3A_1052 : i32 to index
        %get3A_1054 = arith.constant 32 : index
        %get3A_1055 = tpu.vector_load %arg10[%get3A_1053, %get3A_1054] {strides = array<i32>} : memref<800x64xi32, #tpu.memory_space<vmem>>, vector<16xi32>,
        %bitcast3A_1056 = vector.bitcast %get3A_1055 : vector<16xi32> to vector<32xbf16>
        %add3A_1057 = arith.addf %add3A_1029, %bitcast3A_1056 : vector<32xbf16>
        %add3A_1058 = arith.constant 6 : i32
        %add3A_1059 = arith.addi %add3A_870, %add3A_1058 : i32
        %get3A_1060 = arith.index_cast %add3A_1059 : i32 to index
        %get3A_1061 = arith.constant 48 : index
        %get3A_1062 = tpu.vector_load %arg10[%get3A_1060, %get3A_1061] {strides = array<i32>} : memref<800x64xi32, #tpu.memory_space<vmem>>, vector<16xi32>,
        %bitcast3A_1063 = vector.bitcast %get3A_1062 : vector<16xi32> to vector<32xbf16>
        %add3A_1064 = arith.addf %add3A_1036, %bitcast3A_1063 : vector<32xbf16>
        %add3A_1065 = arith.constant 7 : i32
        %add3A_1066 = arith.addi %add3A_870, %add3A_1065 : i32
        %get3A_1067 = arith.index_cast %add3A_1066 : i32 to index
        %get3A_1068 = arith.constant 0 : index
        %get3A_1069 = tpu.vector_load %arg10[%get3A_1067, %get3A_1068] {strides = array<i32>} : memref<800x64xi32, #tpu.memory_space<vmem>>, vector<16xi32>,
        %bitcast3A_1070 = vector.bitcast %get3A_1069 : vector<16xi32> to vector<32xbf16>
        %add3A_1071 = arith.addf %add3A_1043, %bitcast3A_1070 : vector<32xbf16>
        %add3A_1072 = arith.constant 7 : i32
        %add3A_1073 = arith.addi %add3A_870, %add3A_1072 : i32
        %get3A_1074 = arith.index_cast %add3A_1073 : i32 to index
        %get3A_1075 = arith.constant 16 : index
        %get3A_1076 = tpu.vector_load %arg10[%get3A_1074, %get3A_1075] {strides = array<i32>} : memref<800x64xi32, #tpu.memory_space<vmem>>, vector<16xi32>,
        %bitcast3A_1077 = vector.bitcast %get3A_1076 : vector<16xi32> to vector<32xbf16>
        %add3A_1078 = arith.addf %add3A_1050, %bitcast3A_1077 : vector<32xbf16>
        %add3A_1079 = arith.constant 7 : i32
        %add3A_1080 = arith.addi %add3A_870, %add3A_1079 : i32
        %get3A_1081 = arith.index_cast %add3A_1080 : i32 to index
        %get3A_1082 = arith.constant 32 : index
        %get3A_1083 = tpu.vector_load %arg10[%get3A_1081, %get3A_1082] {strides = array<i32>} : memref<800x64xi32, #tpu.memory_space<vmem>>, vector<16xi32>,
        %bitcast3A_1084 = vector.bitcast %get3A_1083 : vector<16xi32> to vector<32xbf16>
        %add3A_1085 = arith.addf %add3A_1057, %bitcast3A_1084 : vector<32xbf16>
        %add3A_1086 = arith.constant 7 : i32
        %add3A_1087 = arith.addi %add3A_870, %add3A_1086 : i32
        %get3A_1088 = arith.index_cast %add3A_1087 : i32 to index
        %get3A_1089 = arith.constant 48 : index
        %get3A_1090 = tpu.vector_load %arg10[%get3A_1088, %get3A_1089] {strides = array<i32>} : memref<800x64xi32, #tpu.memory_space<vmem>>, vector<16xi32>,
        %bitcast3A_1091 = vector.bitcast %get3A_1090 : vector<16xi32> to vector<32xbf16>
        %add3A_1092 = arith.addf %add3A_1064, %bitcast3A_1091 : vector<32xbf16>
        %add3A_1093 = arith.constant 8 : i32
        %add3A_1094 = arith.addi %add3A_870, %add3A_1093 : i32
        %get3A_1095 = arith.index_cast %add3A_1094 : i32 to index
        %get3A_1096 = arith.constant 0 : index
        %get3A_1097 = tpu.vector_load %arg10[%get3A_1095, %get3A_1096] {strides = array<i32>} : memref<800x64xi32, #tpu.memory_space<vmem>>, vector<16xi32>,
        %bitcast3A_1098 = vector.bitcast %get3A_1097 : vector<16xi32> to vector<32xbf16>
        %add3A_1099 = arith.addf %add3A_1071, %bitcast3A_1098 : vector<32xbf16>
        %add3A_1100 = arith.constant 8 : i32
        %add3A_1101 = arith.addi %add3A_870, %add3A_1100 : i32
        %get3A_1102 = arith.index_cast %add3A_1101 : i32 to index
        %get3A_1103 = arith.constant 16 : index
        %get3A_1104 = tpu.vector_load %arg10[%get3A_1102, %get3A_1103] {strides = array<i32>} : memref<800x64xi32, #tpu.memory_space<vmem>>, vector<16xi32>,
        %bitcast3A_1105 = vector.bitcast %get3A_1104 : vector<16xi32> to vector<32xbf16>
        %add3A_1106 = arith.addf %add3A_1078, %bitcast3A_1105 : vector<32xbf16>
        %add3A_1107 = arith.constant 8 : i32
        %add3A_1108 = arith.addi %add3A_870, %add3A_1107 : i32
        %get3A_1109 = arith.index_cast %add3A_1108 : i32 to index
        %get3A_1110 = arith.constant 32 : index
        %get3A_1111 = tpu.vector_load %arg10[%get3A_1109, %get3A_1110] {strides = array<i32>} : memref<800x64xi32, #tpu.memory_space<vmem>>, vector<16xi32>,
        %bitcast3A_1112 = vector.bitcast %get3A_1111 : vector<16xi32> to vector<32xbf16>
        %add3A_1113 = arith.addf %add3A_1085, %bitcast3A_1112 : vector<32xbf16>
        %add3A_1114 = arith.constant 8 : i32
        %add3A_1115 = arith.addi %add3A_870, %add3A_1114 : i32
        %get3A_1116 = arith.index_cast %add3A_1115 : i32 to index
        %get3A_1117 = arith.constant 48 : index
        %get3A_1118 = tpu.vector_load %arg10[%get3A_1116, %get3A_1117] {strides = array<i32>} : memref<800x64xi32, #tpu.memory_space<vmem>>, vector<16xi32>,
        %bitcast3A_1119 = vector.bitcast %get3A_1118 : vector<16xi32> to vector<32xbf16>
        %add3A_1120 = arith.addf %add3A_1092, %bitcast3A_1119 : vector<32xbf16>
        %add3A_1121 = arith.constant 9 : i32
        %add3A_1122 = arith.addi %add3A_870, %add3A_1121 : i32
        %get3A_1123 = arith.index_cast %add3A_1122 : i32 to index
        %get3A_1124 = arith.constant 0 : index
        %get3A_1125 = tpu.vector_load %arg10[%get3A_1123, %get3A_1124] {strides = array<i32>} : memref<800x64xi32, #tpu.memory_space<vmem>>, vector<16xi32>,
        %bitcast3A_1126 = vector.bitcast %get3A_1125 : vector<16xi32> to vector<32xbf16>
        %add3A_1127 = arith.addf %add3A_1099, %bitcast3A_1126 : vector<32xbf16>
        %add3A_1128 = arith.constant 9 : i32
        %add3A_1129 = arith.addi %add3A_870, %add3A_1128 : i32
        %get3A_1130 = arith.index_cast %add3A_1129 : i32 to index
        %get3A_1131 = arith.constant 16 : index
        %get3A_1132 = tpu.vector_load %arg10[%get3A_1130, %get3A_1131] {strides = array<i32>} : memref<800x64xi32, #tpu.memory_space<vmem>>, vector<16xi32>,
        %bitcast3A_1133 = vector.bitcast %get3A_1132 : vector<16xi32> to vector<32xbf16>
        %add3A_1134 = arith.addf %add3A_1106, %bitcast3A_1133 : vector<32xbf16>
        %add3A_1135 = arith.constant 9 : i32
        %add3A_1136 = arith.addi %add3A_870, %add3A_1135 : i32
        %get3A_1137 = arith.index_cast %add3A_1136 : i32 to index
        %get3A_1138 = arith.constant 32 : index
        %get3A_1139 = tpu.vector_load %arg10[%get3A_1137, %get3A_1138] {strides = array<i32>} : memref<800x64xi32, #tpu.memory_space<vmem>>, vector<16xi32>,
        %bitcast3A_1140 = vector.bitcast %get3A_1139 : vector<16xi32> to vector<32xbf16>
        %add3A_1141 = arith.addf %add3A_1113, %bitcast3A_1140 : vector<32xbf16>
        %add3A_1142 = arith.constant 9 : i32
        %add3A_1143 = arith.addi %add3A_870, %add3A_1142 : i32
        %get3A_1144 = arith.index_cast %add3A_1143 : i32 to index
        %get3A_1145 = arith.constant 48 : index
        %get3A_1146 = tpu.vector_load %arg10[%get3A_1144, %get3A_1145] {strides = array<i32>} : memref<800x64xi32, #tpu.memory_space<vmem>>, vector<16xi32>,
        %bitcast3A_1147 = vector.bitcast %get3A_1146 : vector<16xi32> to vector<32xbf16>
        %add3A_1148 = arith.addf %add3A_1120, %bitcast3A_1147 : vector<32xbf16>
        %bitcast3A_1149 = vector.bitcast %add3A_1127 : vector<32xbf16> to vector<16xi32>
        %shift_left3A = arith.constant 16 : i32
        %shift_left3A_1150 = vector.broadcast %shift_left3A : i32 to vector<16xi32>
        %shift_left3A_1151 = arith.shli %bitcast3A_1149, %shift_left3A_1150 : vector<16xi32>
        %bitcast3A_1152 = vector.bitcast %shift_left3A_1151 : vector<16xi32> to vector<16xf32>
        %add3A_1153 = arith.addf %scan3A_851, %bitcast3A_1152 : vector<16xf32>
        %and3A_1154 = arith.constant -65536 : i32
        %and3A_1155 = vector.broadcast %and3A_1154 : i32 to vector<16xi32>
        %and3A_1156 = arith.andi %bitcast3A_1149, %and3A_1155 : vector<16xi32>
        %bitcast3A_1157 = vector.bitcast %and3A_1156 : vector<16xi32> to vector<16xf32>
        %add3A_1158 = arith.addf %scan3A_852, %bitcast3A_1157 : vector<16xf32>
        %bitcast3A_1159 = vector.bitcast %add3A_1134 : vector<32xbf16> to vector<16xi32>
        %shift_left3A_1160 = arith.constant 16 : i32
        %shift_left3A_1161 = vector.broadcast %shift_left3A_1160 : i32 to vector<16xi32>
        %shift_left3A_1162 = arith.shli %bitcast3A_1159, %shift_left3A_1161 : vector<16xi32>
        %bitcast3A_1163 = vector.bitcast %shift_left3A_1162 : vector<16xi32> to vector<16xf32>
        %add3A_1164 = arith.addf %scan3A_853, %bitcast3A_1163 : vector<16xf32>
        %and3A_1165 = arith.constant -65536 : i32
        %and3A_1166 = vector.broadcast %and3A_1165 : i32 to vector<16xi32>
        %and3A_1167 = arith.andi %bitcast3A_1159, %and3A_1166 : vector<16xi32>
        %bitcast3A_1168 = vector.bitcast %and3A_1167 : vector<16xi32> to vector<16xf32>
        %add3A_1169 = arith.addf %scan3A_854, %bitcast3A_1168 : vector<16xf32>
        %bitcast3A_1170 = vector.bitcast %add3A_1141 : vector<32xbf16> to vector<16xi32>
        %shift_left3A_1171 = arith.constant 16 : i32
        %shift_left3A_1172 = vector.broadcast %shift_left3A_1171 : i32 to vector<16xi32>
        %shift_left3A_1173 = arith.shli %bitcast3A_1170, %shift_left3A_1172 : vector<16xi32>
        %bitcast3A_1174 = vector.bitcast %shift_left3A_1173 : vector<16xi32> to vector<16xf32>
        %add3A_1175 = arith.addf %scan3A_855, %bitcast3A_1174 : vector<16xf32>
        %and3A_1176 = arith.constant -65536 : i32
        %and3A_1177 = vector.broadcast %and3A_1176 : i32 to vector<16xi32>
        %and3A_1178 = arith.andi %bitcast3A_1170, %and3A_1177 : vector<16xi32>
        %bitcast3A_1179 = vector.bitcast %and3A_1178 : vector<16xi32> to vector<16xf32>
        %add3A_1180 = arith.addf %scan3A_856, %bitcast3A_1179 : vector<16xf32>
        %bitcast3A_1181 = vector.bitcast %add3A_1148 : vector<32xbf16> to vector<16xi32>
        %shift_left3A_1182 = arith.constant 16 : i32
        %shift_left3A_1183 = vector.broadcast %shift_left3A_1182 : i32 to vector<16xi32>
        %shift_left3A_1184 = arith.shli %bitcast3A_1181, %shift_left3A_1183 : vector<16xi32>
        %bitcast3A_1185 = vector.bitcast %shift_left3A_1184 : vector<16xi32> to vector<16xf32>
        %add3A_1186 = arith.addf %scan3A_857, %bitcast3A_1185 : vector<16xf32>
        %and3A_1187 = arith.constant -65536 : i32
        %and3A_1188 = vector.broadcast %and3A_1187 : i32 to vector<16xi32>
        %and3A_1189 = arith.andi %bitcast3A_1181, %and3A_1188 : vector<16xi32>
        %bitcast3A_1190 = vector.bitcast %and3A_1189 : vector<16xi32> to vector<16xf32>
        %add3A_1191 = arith.addf %scan3A_858, %bitcast3A_1190 : vector<16xf32>
        scf.yield %add3A_1153, %add3A_1158, %add3A_1164, %add3A_1169, %add3A_1175, %add3A_1180, %add3A_1186, %add3A_1191 : vector<16xf32>, vector<16xf32>, vector<16xf32>, vector<16xf32>, vector<16xf32>, vector<16xf32>, vector<16xf32>, vector<16xf32>
      }
      %scan3A_601 = arith.constant 20 : i32
      %add3A_602 = arith.constant 0 : i32
      %add3A_603 = arith.addi %mul3A_579, %add3A_602 : i32
      %swap3A_604 = arith.index_cast %add3A_603 : i32 to index
      %swap3A_605 = arith.constant 0 : index
      %swap3A_606 = tpu.vector_load %arg11[%swap3A_604, %swap3A_605] {strides = array<i32>} : memref<64x128xf32, #tpu.memory_space<vmem>>, vector<16xf32>,
      tpu.vector_store %arg11[%swap3A_604, %swap3A_605], %scan3A_600#0 {strides = array<i32>} : memref<64x128xf32, #tpu.memory_space<vmem>>, vector<16xf32>,
      %add3A_607 = arith.constant 0 : i32
      %add3A_608 = arith.addi %mul3A_579, %add3A_607 : i32
      %swap3A_609 = arith.index_cast %add3A_608 : i32 to index
      %swap3A_610 = arith.constant 16 : index
      %swap3A_611 = tpu.vector_load %arg11[%swap3A_609, %swap3A_610] {strides = array<i32>} : memref<64x128xf32, #tpu.memory_space<vmem>>, vector<16xf32>,
      tpu.vector_store %arg11[%swap3A_609, %swap3A_610], %scan3A_600#1 {strides = array<i32>} : memref<64x128xf32, #tpu.memory_space<vmem>>, vector<16xf32>,
      %add3A_612 = arith.constant 0 : i32
      %add3A_613 = arith.addi %mul3A_579, %add3A_612 : i32
      %swap3A_614 = arith.index_cast %add3A_613 : i32 to index
      %swap3A_615 = arith.constant 32 : index
      %swap3A_616 = tpu.vector_load %arg11[%swap3A_614, %swap3A_615] {strides = array<i32>} : memref<64x128xf32, #tpu.memory_space<vmem>>, vector<16xf32>,
      tpu.vector_store %arg11[%swap3A_614, %swap3A_615], %scan3A_600#2 {strides = array<i32>} : memref<64x128xf32, #tpu.memory_space<vmem>>, vector<16xf32>,
      %add3A_617 = arith.constant 0 : i32
      %add3A_618 = arith.addi %mul3A_579, %add3A_617 : i32
      %swap3A_619 = arith.index_cast %add3A_618 : i32 to index
      %swap3A_620 = arith.constant 48 : index
      %swap3A_621 = tpu.vector_load %arg11[%swap3A_619, %swap3A_620] {strides = array<i32>} : memref<64x128xf32, #tpu.memory_space<vmem>>, vector<16xf32>,
      tpu.vector_store %arg11[%swap3A_619, %swap3A_620], %scan3A_600#3 {strides = array<i32>} : memref<64x128xf32, #tpu.memory_space<vmem>>, vector<16xf32>,
      %add3A_622 = arith.constant 0 : i32
      %add3A_623 = arith.addi %mul3A_579, %add3A_622 : i32
      %swap3A_624 = arith.index_cast %add3A_623 : i32 to index
      %swap3A_625 = arith.constant 64 : index
      %swap3A_626 = tpu.vector_load %arg11[%swap3A_624, %swap3A_625] {strides = array<i32>} : memref<64x128xf32, #tpu.memory_space<vmem>>, vector<16xf32>,
      tpu.vector_store %arg11[%swap3A_624, %swap3A_625], %scan3A_600#4 {strides = array<i32>} : memref<64x128xf32, #tpu.memory_space<vmem>>, vector<16xf32>,
      %add3A_627 = arith.constant 0 : i32
      %add3A_628 = arith.addi %mul3A_579, %add3A_627 : i32
      %swap3A_629 = arith.index_cast %add3A_628 : i32 to index
      %swap3A_630 = arith.constant 80 : index
      %swap3A_631 = tpu.vector_load %arg11[%swap3A_629, %swap3A_630] {strides = array<i32>} : memref<64x128xf32, #tpu.memory_space<vmem>>, vector<16xf32>,
      tpu.vector_store %arg11[%swap3A_629, %swap3A_630], %scan3A_600#5 {strides = array<i32>} : memref<64x128xf32, #tpu.memory_space<vmem>>, vector<16xf32>,
      %add3A_632 = arith.constant 0 : i32
      %add3A_633 = arith.addi %mul3A_579, %add3A_632 : i32
      %swap3A_634 = arith.index_cast %add3A_633 : i32 to index
      %swap3A_635 = arith.constant 96 : index
      %swap3A_636 = tpu.vector_load %arg11[%swap3A_634, %swap3A_635] {strides = array<i32>} : memref<64x128xf32, #tpu.memory_space<vmem>>, vector<16xf32>,
      tpu.vector_store %arg11[%swap3A_634, %swap3A_635], %scan3A_600#6 {strides = array<i32>} : memref<64x128xf32, #tpu.memory_space<vmem>>, vector<16xf32>,
      %add3A_637 = arith.constant 0 : i32
      %add3A_638 = arith.addi %mul3A_579, %add3A_637 : i32
      %swap3A_639 = arith.index_cast %add3A_638 : i32 to index
      %swap3A_640 = arith.constant 112 : index
      %swap3A_641 = tpu.vector_load %arg11[%swap3A_639, %swap3A_640] {strides = array<i32>} : memref<64x128xf32, #tpu.memory_space<vmem>>, vector<16xf32>,
      tpu.vector_store %arg11[%swap3A_639, %swap3A_640], %scan3A_600#7 {strides = array<i32>} : memref<64x128xf32, #tpu.memory_space<vmem>>, vector<16xf32>,
      %broadcast_in_dim3A_642 = arith.constant 0.000000e+00 : f32
      %broadcast_in_dim3A_643 = vector.broadcast %broadcast_in_dim3A_642 : f32 to vector<16xf32>
      %broadcast_in_dim3A_644 = arith.constant 0.000000e+00 : f32
      %broadcast_in_dim3A_645 = vector.broadcast %broadcast_in_dim3A_644 : f32 to vector<16xf32>
      %broadcast_in_dim3A_646 = arith.constant 0.000000e+00 : f32
      %broadcast_in_dim3A_647 = vector.broadcast %broadcast_in_dim3A_646 : f32 to vector<16xf32>
      %broadcast_in_dim3A_648 = arith.constant 0.000000e+00 : f32
      %broadcast_in_dim3A_649 = vector.broadcast %broadcast_in_dim3A_648 : f32 to vector<16xf32>
      %broadcast_in_dim3A_650 = arith.constant 0.000000e+00 : f32
      %broadcast_in_dim3A_651 = vector.broadcast %broadcast_in_dim3A_650 : f32 to vector<16xf32>
      %broadcast_in_dim3A_652 = arith.constant 0.000000e+00 : f32
      %broadcast_in_dim3A_653 = vector.broadcast %broadcast_in_dim3A_652 : f32 to vector<16xf32>
      %broadcast_in_dim3A_654 = arith.constant 0.000000e+00 : f32
      %broadcast_in_dim3A_655 = vector.broadcast %broadcast_in_dim3A_654 : f32 to vector<16xf32>
      %broadcast_in_dim3A_656 = arith.constant 0.000000e+00 : f32
      %broadcast_in_dim3A_657 = vector.broadcast %broadcast_in_dim3A_656 : f32 to vector<16xf32>
      %scan3A_658 = arith.constant 0 : i32
      %scan3A_659 = arith.constant 20 : i32
      %scan3A_660 = arith.addi %scan3A_658, %scan3A_659 : i32
      %scan3A_661 = arith.constant 1 : i32
      %scan3A_662:8 = scf.for %scan3A_850 = %scan3A_658 to %scan3A_660 step %scan3A_661 iter_args(%scan3A_851 = %broadcast_in_dim3A_643, %scan3A_852 = %broadcast_in_dim3A_645, %scan3A_853 = %broadcast_in_dim3A_647, %scan3A_854 = %broadcast_in_dim3A_649, %scan3A_855 = %broadcast_in_dim3A_651, %scan3A_856 = %broadcast_in_dim3A_653, %scan3A_857 = %broadcast_in_dim3A_655, %scan3A_858 = %broadcast_in_dim3A_657) -> (vector<16xf32>, vector<16xf32>, vector<16xf32>, vector<16xf32>, vector<16xf32>, vector<16xf32>, vector<16xf32>, vector<16xf32>)  : i32 {
        %broadcast_in_dim3A_859 = arith.constant 0.000000e+00 : bf16
        %broadcast_in_dim3A_860 = vector.broadcast %broadcast_in_dim3A_859 : bf16 to vector<32xbf16>
        %broadcast_in_dim3A_861 = arith.constant 0.000000e+00 : bf16
        %broadcast_in_dim3A_862 = vector.broadcast %broadcast_in_dim3A_861 : bf16 to vector<32xbf16>
        %broadcast_in_dim3A_863 = arith.constant 0.000000e+00 : bf16
        %broadcast_in_dim3A_864 = vector.broadcast %broadcast_in_dim3A_863 : bf16 to vector<32xbf16>
        %broadcast_in_dim3A_865 = arith.constant 0.000000e+00 : bf16
        %broadcast_in_dim3A_866 = vector.broadcast %broadcast_in_dim3A_865 : bf16 to vector<32xbf16>
        %mul3A_867 = arith.constant 10 : i32
        %mul3A_868 = arith.muli %scan3A_850, %mul3A_867 : i32
        %add3A_869 = arith.constant 200 : i32
        %add3A_870 = arith.addi %add3A_869, %mul3A_868 : i32
        %add3A_871 = arith.constant 0 : i32
        %add3A_872 = arith.addi %add3A_870, %add3A_871 : i32
        %get3A = arith.index_cast %add3A_872 : i32 to index
        %get3A_873 = arith.constant 0 : index
        %get3A_874 = tpu.vector_load %arg10[%get3A, %get3A_873] {strides = array<i32>} : memref<800x64xi32, #tpu.memory_space<vmem>>, vector<16xi32>,
        %bitcast3A = vector.bitcast %get3A_874 : vector<16xi32> to vector<32xbf16>
        %add3A_875 = arith.addf %broadcast_in_dim3A_860, %bitcast3A : vector<32xbf16>
        %add3A_876 = arith.constant 0 : i32
        %add3A_877 = arith.addi %add3A_870, %add3A_876 : i32
        %get3A_878 = arith.index_cast %add3A_877 : i32 to index
        %get3A_879 = arith.constant 16 : index
        %get3A_880 = tpu.vector_load %arg10[%get3A_878, %get3A_879] {strides = array<i32>} : memref<800x64xi32, #tpu.memory_space<vmem>>, vector<16xi32>,
        %bitcast3A_881 = vector.bitcast %get3A_880 : vector<16xi32> to vector<32xbf16>
        %add3A_882 = arith.addf %broadcast_in_dim3A_862, %bitcast3A_881 : vector<32xbf16>
        %add3A_883 = arith.constant 0 : i32
        %add3A_884 = arith.addi %add3A_870, %add3A_883 : i32
        %get3A_885 = arith.index_cast %add3A_884 : i32 to index
        %get3A_886 = arith.constant 32 : index
        %get3A_887 = tpu.vector_load %arg10[%get3A_885, %get3A_886] {strides = array<i32>} : memref<800x64xi32, #tpu.memory_space<vmem>>, vector<16xi32>,
        %bitcast3A_888 = vector.bitcast %get3A_887 : vector<16xi32> to vector<32xbf16>
        %add3A_889 = arith.addf %broadcast_in_dim3A_864, %bitcast3A_888 : vector<32xbf16>
        %add3A_890 = arith.constant 0 : i32
        %add3A_891 = arith.addi %add3A_870, %add3A_890 : i32
        %get3A_892 = arith.index_cast %add3A_891 : i32 to index
        %get3A_893 = arith.constant 48 : index
        %get3A_894 = tpu.vector_load %arg10[%get3A_892, %get3A_893] {strides = array<i32>} : memref<800x64xi32, #tpu.memory_space<vmem>>, vector<16xi32>,
        %bitcast3A_895 = vector.bitcast %get3A_894 : vector<16xi32> to vector<32xbf16>
        %add3A_896 = arith.addf %broadcast_in_dim3A_866, %bitcast3A_895 : vector<32xbf16>
        %add3A_897 = arith.constant 1 : i32
        %add3A_898 = arith.addi %add3A_870, %add3A_897 : i32
        %get3A_899 = arith.index_cast %add3A_898 : i32 to index
        %get3A_900 = arith.constant 0 : index
        %get3A_901 = tpu.vector_load %arg10[%get3A_899, %get3A_900] {strides = array<i32>} : memref<800x64xi32, #tpu.memory_space<vmem>>, vector<16xi32>,
        %bitcast3A_902 = vector.bitcast %get3A_901 : vector<16xi32> to vector<32xbf16>
        %add3A_903 = arith.addf %add3A_875, %bitcast3A_902 : vector<32xbf16>
        %add3A_904 = arith.constant 1 : i32
        %add3A_905 = arith.addi %add3A_870, %add3A_904 : i32
        %get3A_906 = arith.index_cast %add3A_905 : i32 to index
        %get3A_907 = arith.constant 16 : index
        %get3A_908 = tpu.vector_load %arg10[%get3A_906, %get3A_907] {strides = array<i32>} : memref<800x64xi32, #tpu.memory_space<vmem>>, vector<16xi32>,
        %bitcast3A_909 = vector.bitcast %get3A_908 : vector<16xi32> to vector<32xbf16>
        %add3A_910 = arith.addf %add3A_882, %bitcast3A_909 : vector<32xbf16>
        %add3A_911 = arith.constant 1 : i32
        %add3A_912 = arith.addi %add3A_870, %add3A_911 : i32
        %get3A_913 = arith.index_cast %add3A_912 : i32 to index
        %get3A_914 = arith.constant 32 : index
        %get3A_915 = tpu.vector_load %arg10[%get3A_913, %get3A_914] {strides = array<i32>} : memref<800x64xi32, #tpu.memory_space<vmem>>, vector<16xi32>,
        %bitcast3A_916 = vector.bitcast %get3A_915 : vector<16xi32> to vector<32xbf16>
        %add3A_917 = arith.addf %add3A_889, %bitcast3A_916 : vector<32xbf16>
        %add3A_918 = arith.constant 1 : i32
        %add3A_919 = arith.addi %add3A_870, %add3A_918 : i32
        %get3A_920 = arith.index_cast %add3A_919 : i32 to index
        %get3A_921 = arith.constant 48 : index
        %get3A_922 = tpu.vector_load %arg10[%get3A_920, %get3A_921] {strides = array<i32>} : memref<800x64xi32, #tpu.memory_space<vmem>>, vector<16xi32>,
        %bitcast3A_923 = vector.bitcast %get3A_922 : vector<16xi32> to vector<32xbf16>
        %add3A_924 = arith.addf %add3A_896, %bitcast3A_923 : vector<32xbf16>
        %add3A_925 = arith.constant 2 : i32
        %add3A_926 = arith.addi %add3A_870, %add3A_925 : i32
        %get3A_927 = arith.index_cast %add3A_926 : i32 to index
        %get3A_928 = arith.constant 0 : index
        %get3A_929 = tpu.vector_load %arg10[%get3A_927, %get3A_928] {strides = array<i32>} : memref<800x64xi32, #tpu.memory_space<vmem>>, vector<16xi32>,
        %bitcast3A_930 = vector.bitcast %get3A_929 : vector<16xi32> to vector<32xbf16>
        %add3A_931 = arith.addf %add3A_903, %bitcast3A_930 : vector<32xbf16>
        %add3A_932 = arith.constant 2 : i32
        %add3A_933 = arith.addi %add3A_870, %add3A_932 : i32
        %get3A_934 = arith.index_cast %add3A_933 : i32 to index
        %get3A_935 = arith.constant 16 : index
        %get3A_936 = tpu.vector_load %arg10[%get3A_934, %get3A_935] {strides = array<i32>} : memref<800x64xi32, #tpu.memory_space<vmem>>, vector<16xi32>,
        %bitcast3A_937 = vector.bitcast %get3A_936 : vector<16xi32> to vector<32xbf16>
        %add3A_938 = arith.addf %add3A_910, %bitcast3A_937 : vector<32xbf16>
        %add3A_939 = arith.constant 2 : i32
        %add3A_940 = arith.addi %add3A_870, %add3A_939 : i32
        %get3A_941 = arith.index_cast %add3A_940 : i32 to index
        %get3A_942 = arith.constant 32 : index
        %get3A_943 = tpu.vector_load %arg10[%get3A_941, %get3A_942] {strides = array<i32>} : memref<800x64xi32, #tpu.memory_space<vmem>>, vector<16xi32>,
        %bitcast3A_944 = vector.bitcast %get3A_943 : vector<16xi32> to vector<32xbf16>
        %add3A_945 = arith.addf %add3A_917, %bitcast3A_944 : vector<32xbf16>
        %add3A_946 = arith.constant 2 : i32
        %add3A_947 = arith.addi %add3A_870, %add3A_946 : i32
        %get3A_948 = arith.index_cast %add3A_947 : i32 to index
        %get3A_949 = arith.constant 48 : index
        %get3A_950 = tpu.vector_load %arg10[%get3A_948, %get3A_949] {strides = array<i32>} : memref<800x64xi32, #tpu.memory_space<vmem>>, vector<16xi32>,
        %bitcast3A_951 = vector.bitcast %get3A_950 : vector<16xi32> to vector<32xbf16>
        %add3A_952 = arith.addf %add3A_924, %bitcast3A_951 : vector<32xbf16>
        %add3A_953 = arith.constant 3 : i32
        %add3A_954 = arith.addi %add3A_870, %add3A_953 : i32
        %get3A_955 = arith.index_cast %add3A_954 : i32 to index
        %get3A_956 = arith.constant 0 : index
        %get3A_957 = tpu.vector_load %arg10[%get3A_955, %get3A_956] {strides = array<i32>} : memref<800x64xi32, #tpu.memory_space<vmem>>, vector<16xi32>,
        %bitcast3A_958 = vector.bitcast %get3A_957 : vector<16xi32> to vector<32xbf16>
        %add3A_959 = arith.addf %add3A_931, %bitcast3A_958 : vector<32xbf16>
        %add3A_960 = arith.constant 3 : i32
        %add3A_961 = arith.addi %add3A_870, %add3A_960 : i32
        %get3A_962 = arith.index_cast %add3A_961 : i32 to index
        %get3A_963 = arith.constant 16 : index
        %get3A_964 = tpu.vector_load %arg10[%get3A_962, %get3A_963] {strides = array<i32>} : memref<800x64xi32, #tpu.memory_space<vmem>>, vector<16xi32>,
        %bitcast3A_965 = vector.bitcast %get3A_964 : vector<16xi32> to vector<32xbf16>
        %add3A_966 = arith.addf %add3A_938, %bitcast3A_965 : vector<32xbf16>
        %add3A_967 = arith.constant 3 : i32
        %add3A_968 = arith.addi %add3A_870, %add3A_967 : i32
        %get3A_969 = arith.index_cast %add3A_968 : i32 to index
        %get3A_970 = arith.constant 32 : index
        %get3A_971 = tpu.vector_load %arg10[%get3A_969, %get3A_970] {strides = array<i32>} : memref<800x64xi32, #tpu.memory_space<vmem>>, vector<16xi32>,
        %bitcast3A_972 = vector.bitcast %get3A_971 : vector<16xi32> to vector<32xbf16>
        %add3A_973 = arith.addf %add3A_945, %bitcast3A_972 : vector<32xbf16>
        %add3A_974 = arith.constant 3 : i32
        %add3A_975 = arith.addi %add3A_870, %add3A_974 : i32
        %get3A_976 = arith.index_cast %add3A_975 : i32 to index
        %get3A_977 = arith.constant 48 : index
        %get3A_978 = tpu.vector_load %arg10[%get3A_976, %get3A_977] {strides = array<i32>} : memref<800x64xi32, #tpu.memory_space<vmem>>, vector<16xi32>,
        %bitcast3A_979 = vector.bitcast %get3A_978 : vector<16xi32> to vector<32xbf16>
        %add3A_980 = arith.addf %add3A_952, %bitcast3A_979 : vector<32xbf16>
        %add3A_981 = arith.constant 4 : i32
        %add3A_982 = arith.addi %add3A_870, %add3A_981 : i32
        %get3A_983 = arith.index_cast %add3A_982 : i32 to index
        %get3A_984 = arith.constant 0 : index
        %get3A_985 = tpu.vector_load %arg10[%get3A_983, %get3A_984] {strides = array<i32>} : memref<800x64xi32, #tpu.memory_space<vmem>>, vector<16xi32>,
        %bitcast3A_986 = vector.bitcast %get3A_985 : vector<16xi32> to vector<32xbf16>
        %add3A_987 = arith.addf %add3A_959, %bitcast3A_986 : vector<32xbf16>
        %add3A_988 = arith.constant 4 : i32
        %add3A_989 = arith.addi %add3A_870, %add3A_988 : i32
        %get3A_990 = arith.index_cast %add3A_989 : i32 to index
        %get3A_991 = arith.constant 16 : index
        %get3A_992 = tpu.vector_load %arg10[%get3A_990, %get3A_991] {strides = array<i32>} : memref<800x64xi32, #tpu.memory_space<vmem>>, vector<16xi32>,
        %bitcast3A_993 = vector.bitcast %get3A_992 : vector<16xi32> to vector<32xbf16>
        %add3A_994 = arith.addf %add3A_966, %bitcast3A_993 : vector<32xbf16>
        %add3A_995 = arith.constant 4 : i32
        %add3A_996 = arith.addi %add3A_870, %add3A_995 : i32
        %get3A_997 = arith.index_cast %add3A_996 : i32 to index
        %get3A_998 = arith.constant 32 : index
        %get3A_999 = tpu.vector_load %arg10[%get3A_997, %get3A_998] {strides = array<i32>} : memref<800x64xi32, #tpu.memory_space<vmem>>, vector<16xi32>,
        %bitcast3A_1000 = vector.bitcast %get3A_999 : vector<16xi32> to vector<32xbf16>
        %add3A_1001 = arith.addf %add3A_973, %bitcast3A_1000 : vector<32xbf16>
        %add3A_1002 = arith.constant 4 : i32
        %add3A_1003 = arith.addi %add3A_870, %add3A_1002 : i32
        %get3A_1004 = arith.index_cast %add3A_1003 : i32 to index
        %get3A_1005 = arith.constant 48 : index
        %get3A_1006 = tpu.vector_load %arg10[%get3A_1004, %get3A_1005] {strides = array<i32>} : memref<800x64xi32, #tpu.memory_space<vmem>>, vector<16xi32>,
        %bitcast3A_1007 = vector.bitcast %get3A_1006 : vector<16xi32> to vector<32xbf16>
        %add3A_1008 = arith.addf %add3A_980, %bitcast3A_1007 : vector<32xbf16>
        %add3A_1009 = arith.constant 5 : i32
        %add3A_1010 = arith.addi %add3A_870, %add3A_1009 : i32
        %get3A_1011 = arith.index_cast %add3A_1010 : i32 to index
        %get3A_1012 = arith.constant 0 : index
        %get3A_1013 = tpu.vector_load %arg10[%get3A_1011, %get3A_1012] {strides = array<i32>} : memref<800x64xi32, #tpu.memory_space<vmem>>, vector<16xi32>,
        %bitcast3A_1014 = vector.bitcast %get3A_1013 : vector<16xi32> to vector<32xbf16>
        %add3A_1015 = arith.addf %add3A_987, %bitcast3A_1014 : vector<32xbf16>
        %add3A_1016 = arith.constant 5 : i32
        %add3A_1017 = arith.addi %add3A_870, %add3A_1016 : i32
        %get3A_1018 = arith.index_cast %add3A_1017 : i32 to index
        %get3A_1019 = arith.constant 16 : index
        %get3A_1020 = tpu.vector_load %arg10[%get3A_1018, %get3A_1019] {strides = array<i32>} : memref<800x64xi32, #tpu.memory_space<vmem>>, vector<16xi32>,
        %bitcast3A_1021 = vector.bitcast %get3A_1020 : vector<16xi32> to vector<32xbf16>
        %add3A_1022 = arith.addf %add3A_994, %bitcast3A_1021 : vector<32xbf16>
        %add3A_1023 = arith.constant 5 : i32
        %add3A_1024 = arith.addi %add3A_870, %add3A_1023 : i32
        %get3A_1025 = arith.index_cast %add3A_1024 : i32 to index
        %get3A_1026 = arith.constant 32 : index
        %get3A_1027 = tpu.vector_load %arg10[%get3A_1025, %get3A_1026] {strides = array<i32>} : memref<800x64xi32, #tpu.memory_space<vmem>>, vector<16xi32>,
        %bitcast3A_1028 = vector.bitcast %get3A_1027 : vector<16xi32> to vector<32xbf16>
        %add3A_1029 = arith.addf %add3A_1001, %bitcast3A_1028 : vector<32xbf16>
        %add3A_1030 = arith.constant 5 : i32
        %add3A_1031 = arith.addi %add3A_870, %add3A_1030 : i32
        %get3A_1032 = arith.index_cast %add3A_1031 : i32 to index
        %get3A_1033 = arith.constant 48 : index
        %get3A_1034 = tpu.vector_load %arg10[%get3A_1032, %get3A_1033] {strides = array<i32>} : memref<800x64xi32, #tpu.memory_space<vmem>>, vector<16xi32>,
        %bitcast3A_1035 = vector.bitcast %get3A_1034 : vector<16xi32> to vector<32xbf16>
        %add3A_1036 = arith.addf %add3A_1008, %bitcast3A_1035 : vector<32xbf16>
        %add3A_1037 = arith.constant 6 : i32
        %add3A_1038 = arith.addi %add3A_870, %add3A_1037 : i32
        %get3A_1039 = arith.index_cast %add3A_1038 : i32 to index
        %get3A_1040 = arith.constant 0 : index
        %get3A_1041 = tpu.vector_load %arg10[%get3A_1039, %get3A_1040] {strides = array<i32>} : memref<800x64xi32, #tpu.memory_space<vmem>>, vector<16xi32>,
        %bitcast3A_1042 = vector.bitcast %get3A_1041 : vector<16xi32> to vector<32xbf16>
        %add3A_1043 = arith.addf %add3A_1015, %bitcast3A_1042 : vector<32xbf16>
        %add3A_1044 = arith.constant 6 : i32
        %add3A_1045 = arith.addi %add3A_870, %add3A_1044 : i32
        %get3A_1046 = arith.index_cast %add3A_1045 : i32 to index
        %get3A_1047 = arith.constant 16 : index
        %get3A_1048 = tpu.vector_load %arg10[%get3A_1046, %get3A_1047] {strides = array<i32>} : memref<800x64xi32, #tpu.memory_space<vmem>>, vector<16xi32>,
        %bitcast3A_1049 = vector.bitcast %get3A_1048 : vector<16xi32> to vector<32xbf16>
        %add3A_1050 = arith.addf %add3A_1022, %bitcast3A_1049 : vector<32xbf16>
        %add3A_1051 = arith.constant 6 : i32
        %add3A_1052 = arith.addi %add3A_870, %add3A_1051 : i32
        %get3A_1053 = arith.index_cast %add3A_1052 : i32 to index
        %get3A_1054 = arith.constant 32 : index
        %get3A_1055 = tpu.vector_load %arg10[%get3A_1053, %get3A_1054] {strides = array<i32>} : memref<800x64xi32, #tpu.memory_space<vmem>>, vector<16xi32>,
        %bitcast3A_1056 = vector.bitcast %get3A_1055 : vector<16xi32> to vector<32xbf16>
        %add3A_1057 = arith.addf %add3A_1029, %bitcast3A_1056 : vector<32xbf16>
        %add3A_1058 = arith.constant 6 : i32
        %add3A_1059 = arith.addi %add3A_870, %add3A_1058 : i32
        %get3A_1060 = arith.index_cast %add3A_1059 : i32 to index
        %get3A_1061 = arith.constant 48 : index
        %get3A_1062 = tpu.vector_load %arg10[%get3A_1060, %get3A_1061] {strides = array<i32>} : memref<800x64xi32, #tpu.memory_space<vmem>>, vector<16xi32>,
        %bitcast3A_1063 = vector.bitcast %get3A_1062 : vector<16xi32> to vector<32xbf16>
        %add3A_1064 = arith.addf %add3A_1036, %bitcast3A_1063 : vector<32xbf16>
        %add3A_1065 = arith.constant 7 : i32
        %add3A_1066 = arith.addi %add3A_870, %add3A_1065 : i32
        %get3A_1067 = arith.index_cast %add3A_1066 : i32 to index
        %get3A_1068 = arith.constant 0 : index
        %get3A_1069 = tpu.vector_load %arg10[%get3A_1067, %get3A_1068] {strides = array<i32>} : memref<800x64xi32, #tpu.memory_space<vmem>>, vector<16xi32>,
        %bitcast3A_1070 = vector.bitcast %get3A_1069 : vector<16xi32> to vector<32xbf16>
        %add3A_1071 = arith.addf %add3A_1043, %bitcast3A_1070 : vector<32xbf16>
        %add3A_1072 = arith.constant 7 : i32
        %add3A_1073 = arith.addi %add3A_870, %add3A_1072 : i32
        %get3A_1074 = arith.index_cast %add3A_1073 : i32 to index
        %get3A_1075 = arith.constant 16 : index
        %get3A_1076 = tpu.vector_load %arg10[%get3A_1074, %get3A_1075] {strides = array<i32>} : memref<800x64xi32, #tpu.memory_space<vmem>>, vector<16xi32>,
        %bitcast3A_1077 = vector.bitcast %get3A_1076 : vector<16xi32> to vector<32xbf16>
        %add3A_1078 = arith.addf %add3A_1050, %bitcast3A_1077 : vector<32xbf16>
        %add3A_1079 = arith.constant 7 : i32
        %add3A_1080 = arith.addi %add3A_870, %add3A_1079 : i32
        %get3A_1081 = arith.index_cast %add3A_1080 : i32 to index
        %get3A_1082 = arith.constant 32 : index
        %get3A_1083 = tpu.vector_load %arg10[%get3A_1081, %get3A_1082] {strides = array<i32>} : memref<800x64xi32, #tpu.memory_space<vmem>>, vector<16xi32>,
        %bitcast3A_1084 = vector.bitcast %get3A_1083 : vector<16xi32> to vector<32xbf16>
        %add3A_1085 = arith.addf %add3A_1057, %bitcast3A_1084 : vector<32xbf16>
        %add3A_1086 = arith.constant 7 : i32
        %add3A_1087 = arith.addi %add3A_870, %add3A_1086 : i32
        %get3A_1088 = arith.index_cast %add3A_1087 : i32 to index
        %get3A_1089 = arith.constant 48 : index
        %get3A_1090 = tpu.vector_load %arg10[%get3A_1088, %get3A_1089] {strides = array<i32>} : memref<800x64xi32, #tpu.memory_space<vmem>>, vector<16xi32>,
        %bitcast3A_1091 = vector.bitcast %get3A_1090 : vector<16xi32> to vector<32xbf16>
        %add3A_1092 = arith.addf %add3A_1064, %bitcast3A_1091 : vector<32xbf16>
        %add3A_1093 = arith.constant 8 : i32
        %add3A_1094 = arith.addi %add3A_870, %add3A_1093 : i32
        %get3A_1095 = arith.index_cast %add3A_1094 : i32 to index
        %get3A_1096 = arith.constant 0 : index
        %get3A_1097 = tpu.vector_load %arg10[%get3A_1095, %get3A_1096] {strides = array<i32>} : memref<800x64xi32, #tpu.memory_space<vmem>>, vector<16xi32>,
        %bitcast3A_1098 = vector.bitcast %get3A_1097 : vector<16xi32> to vector<32xbf16>
        %add3A_1099 = arith.addf %add3A_1071, %bitcast3A_1098 : vector<32xbf16>
        %add3A_1100 = arith.constant 8 : i32
        %add3A_1101 = arith.addi %add3A_870, %add3A_1100 : i32
        %get3A_1102 = arith.index_cast %add3A_1101 : i32 to index
        %get3A_1103 = arith.constant 16 : index
        %get3A_1104 = tpu.vector_load %arg10[%get3A_1102, %get3A_1103] {strides = array<i32>} : memref<800x64xi32, #tpu.memory_space<vmem>>, vector<16xi32>,
        %bitcast3A_1105 = vector.bitcast %get3A_1104 : vector<16xi32> to vector<32xbf16>
        %add3A_1106 = arith.addf %add3A_1078, %bitcast3A_1105 : vector<32xbf16>
        %add3A_1107 = arith.constant 8 : i32
        %add3A_1108 = arith.addi %add3A_870, %add3A_1107 : i32
        %get3A_1109 = arith.index_cast %add3A_1108 : i32 to index
        %get3A_1110 = arith.constant 32 : index
        %get3A_1111 = tpu.vector_load %arg10[%get3A_1109, %get3A_1110] {strides = array<i32>} : memref<800x64xi32, #tpu.memory_space<vmem>>, vector<16xi32>,
        %bitcast3A_1112 = vector.bitcast %get3A_1111 : vector<16xi32> to vector<32xbf16>
        %add3A_1113 = arith.addf %add3A_1085, %bitcast3A_1112 : vector<32xbf16>
        %add3A_1114 = arith.constant 8 : i32
        %add3A_1115 = arith.addi %add3A_870, %add3A_1114 : i32
        %get3A_1116 = arith.index_cast %add3A_1115 : i32 to index
        %get3A_1117 = arith.constant 48 : index
        %get3A_1118 = tpu.vector_load %arg10[%get3A_1116, %get3A_1117] {strides = array<i32>} : memref<800x64xi32, #tpu.memory_space<vmem>>, vector<16xi32>,
        %bitcast3A_1119 = vector.bitcast %get3A_1118 : vector<16xi32> to vector<32xbf16>
        %add3A_1120 = arith.addf %add3A_1092, %bitcast3A_1119 : vector<32xbf16>
        %add3A_1121 = arith.constant 9 : i32
        %add3A_1122 = arith.addi %add3A_870, %add3A_1121 : i32
        %get3A_1123 = arith.index_cast %add3A_1122 : i32 to index
        %get3A_1124 = arith.constant 0 : index
        %get3A_1125 = tpu.vector_load %arg10[%get3A_1123, %get3A_1124] {strides = array<i32>} : memref<800x64xi32, #tpu.memory_space<vmem>>, vector<16xi32>,
        %bitcast3A_1126 = vector.bitcast %get3A_1125 : vector<16xi32> to vector<32xbf16>
        %add3A_1127 = arith.addf %add3A_1099, %bitcast3A_1126 : vector<32xbf16>
        %add3A_1128 = arith.constant 9 : i32
        %add3A_1129 = arith.addi %add3A_870, %add3A_1128 : i32
        %get3A_1130 = arith.index_cast %add3A_1129 : i32 to index
        %get3A_1131 = arith.constant 16 : index
        %get3A_1132 = tpu.vector_load %arg10[%get3A_1130, %get3A_1131] {strides = array<i32>} : memref<800x64xi32, #tpu.memory_space<vmem>>, vector<16xi32>,
        %bitcast3A_1133 = vector.bitcast %get3A_1132 : vector<16xi32> to vector<32xbf16>
        %add3A_1134 = arith.addf %add3A_1106, %bitcast3A_1133 : vector<32xbf16>
        %add3A_1135 = arith.constant 9 : i32
        %add3A_1136 = arith.addi %add3A_870, %add3A_1135 : i32
        %get3A_1137 = arith.index_cast %add3A_1136 : i32 to index
        %get3A_1138 = arith.constant 32 : index
        %get3A_1139 = tpu.vector_load %arg10[%get3A_1137, %get3A_1138] {strides = array<i32>} : memref<800x64xi32, #tpu.memory_space<vmem>>, vector<16xi32>,
        %bitcast3A_1140 = vector.bitcast %get3A_1139 : vector<16xi32> to vector<32xbf16>
        %add3A_1141 = arith.addf %add3A_1113, %bitcast3A_1140 : vector<32xbf16>
        %add3A_1142 = arith.constant 9 : i32
        %add3A_1143 = arith.addi %add3A_870, %add3A_1142 : i32
        %get3A_1144 = arith.index_cast %add3A_1143 : i32 to index
        %get3A_1145 = arith.constant 48 : index
        %get3A_1146 = tpu.vector_load %arg10[%get3A_1144, %get3A_1145] {strides = array<i32>} : memref<800x64xi32, #tpu.memory_space<vmem>>, vector<16xi32>,
        %bitcast3A_1147 = vector.bitcast %get3A_1146 : vector<16xi32> to vector<32xbf16>
        %add3A_1148 = arith.addf %add3A_1120, %bitcast3A_1147 : vector<32xbf16>
        %bitcast3A_1149 = vector.bitcast %add3A_1127 : vector<32xbf16> to vector<16xi32>
        %shift_left3A = arith.constant 16 : i32
        %shift_left3A_1150 = vector.broadcast %shift_left3A : i32 to vector<16xi32>
        %shift_left3A_1151 = arith.shli %bitcast3A_1149, %shift_left3A_1150 : vector<16xi32>
        %bitcast3A_1152 = vector.bitcast %shift_left3A_1151 : vector<16xi32> to vector<16xf32>
        %add3A_1153 = arith.addf %scan3A_851, %bitcast3A_1152 : vector<16xf32>
        %and3A_1154 = arith.constant -65536 : i32
        %and3A_1155 = vector.broadcast %and3A_1154 : i32 to vector<16xi32>
        %and3A_1156 = arith.andi %bitcast3A_1149, %and3A_1155 : vector<16xi32>
        %bitcast3A_1157 = vector.bitcast %and3A_1156 : vector<16xi32> to vector<16xf32>
        %add3A_1158 = arith.addf %scan3A_852, %bitcast3A_1157 : vector<16xf32>
        %bitcast3A_1159 = vector.bitcast %add3A_1134 : vector<32xbf16> to vector<16xi32>
        %shift_left3A_1160 = arith.constant 16 : i32
        %shift_left3A_1161 = vector.broadcast %shift_left3A_1160 : i32 to vector<16xi32>
        %shift_left3A_1162 = arith.shli %bitcast3A_1159, %shift_left3A_1161 : vector<16xi32>
        %bitcast3A_1163 = vector.bitcast %shift_left3A_1162 : vector<16xi32> to vector<16xf32>
        %add3A_1164 = arith.addf %scan3A_853, %bitcast3A_1163 : vector<16xf32>
        %and3A_1165 = arith.constant -65536 : i32
        %and3A_1166 = vector.broadcast %and3A_1165 : i32 to vector<16xi32>
        %and3A_1167 = arith.andi %bitcast3A_1159, %and3A_1166 : vector<16xi32>
        %bitcast3A_1168 = vector.bitcast %and3A_1167 : vector<16xi32> to vector<16xf32>
        %add3A_1169 = arith.addf %scan3A_854, %bitcast3A_1168 : vector<16xf32>
        %bitcast3A_1170 = vector.bitcast %add3A_1141 : vector<32xbf16> to vector<16xi32>
        %shift_left3A_1171 = arith.constant 16 : i32
        %shift_left3A_1172 = vector.broadcast %shift_left3A_1171 : i32 to vector<16xi32>
        %shift_left3A_1173 = arith.shli %bitcast3A_1170, %shift_left3A_1172 : vector<16xi32>
        %bitcast3A_1174 = vector.bitcast %shift_left3A_1173 : vector<16xi32> to vector<16xf32>
        %add3A_1175 = arith.addf %scan3A_855, %bitcast3A_1174 : vector<16xf32>
        %and3A_1176 = arith.constant -65536 : i32
        %and3A_1177 = vector.broadcast %and3A_1176 : i32 to vector<16xi32>
        %and3A_1178 = arith.andi %bitcast3A_1170, %and3A_1177 : vector<16xi32>
        %bitcast3A_1179 = vector.bitcast %and3A_1178 : vector<16xi32> to vector<16xf32>
        %add3A_1180 = arith.addf %scan3A_856, %bitcast3A_1179 : vector<16xf32>
        %bitcast3A_1181 = vector.bitcast %add3A_1148 : vector<32xbf16> to vector<16xi32>
        %shift_left3A_1182 = arith.constant 16 : i32
        %shift_left3A_1183 = vector.broadcast %shift_left3A_1182 : i32 to vector<16xi32>
        %shift_left3A_1184 = arith.shli %bitcast3A_1181, %shift_left3A_1183 : vector<16xi32>
        %bitcast3A_1185 = vector.bitcast %shift_left3A_1184 : vector<16xi32> to vector<16xf32>
        %add3A_1186 = arith.addf %scan3A_857, %bitcast3A_1185 : vector<16xf32>
        %and3A_1187 = arith.constant -65536 : i32
        %and3A_1188 = vector.broadcast %and3A_1187 : i32 to vector<16xi32>
        %and3A_1189 = arith.andi %bitcast3A_1181, %and3A_1188 : vector<16xi32>
        %bitcast3A_1190 = vector.bitcast %and3A_1189 : vector<16xi32> to vector<16xf32>
        %add3A_1191 = arith.addf %scan3A_858, %bitcast3A_1190 : vector<16xf32>
        scf.yield %add3A_1153, %add3A_1158, %add3A_1164, %add3A_1169, %add3A_1175, %add3A_1180, %add3A_1186, %add3A_1191 : vector<16xf32>, vector<16xf32>, vector<16xf32>, vector<16xf32>, vector<16xf32>, vector<16xf32>, vector<16xf32>, vector<16xf32>
      }
      %scan3A_663 = arith.constant 20 : i32
      %add3A_664 = arith.constant 1 : i32
      %add3A_665 = arith.addi %mul3A_579, %add3A_664 : i32
      %swap3A_666 = arith.index_cast %add3A_665 : i32 to index
      %swap3A_667 = arith.constant 0 : index
      %swap3A_668 = tpu.vector_load %arg11[%swap3A_666, %swap3A_667] {strides = array<i32>} : memref<64x128xf32, #tpu.memory_space<vmem>>, vector<16xf32>,
      tpu.vector_store %arg11[%swap3A_666, %swap3A_667], %scan3A_662#0 {strides = array<i32>} : memref<64x128xf32, #tpu.memory_space<vmem>>, vector<16xf32>,
      %add3A_669 = arith.constant 1 : i32
      %add3A_670 = arith.addi %mul3A_579, %add3A_669 : i32
      %swap3A_671 = arith.index_cast %add3A_670 : i32 to index
      %swap3A_672 = arith.constant 16 : index
      %swap3A_673 = tpu.vector_load %arg11[%swap3A_671, %swap3A_672] {strides = array<i32>} : memref<64x128xf32, #tpu.memory_space<vmem>>, vector<16xf32>,
      tpu.vector_store %arg11[%swap3A_671, %swap3A_672], %scan3A_662#1 {strides = array<i32>} : memref<64x128xf32, #tpu.memory_space<vmem>>, vector<16xf32>,
      %add3A_674 = arith.constant 1 : i32
      %add3A_675 = arith.addi %mul3A_579, %add3A_674 : i32
      %swap3A_676 = arith.index_cast %add3A_675 : i32 to index
      %swap3A_677 = arith.constant 32 : index
      %swap3A_678 = tpu.vector_load %arg11[%swap3A_676, %swap3A_677] {strides = array<i32>} : memref<64x128xf32, #tpu.memory_space<vmem>>, vector<16xf32>,
      tpu.vector_store %arg11[%swap3A_676, %swap3A_677], %scan3A_662#2 {strides = array<i32>} : memref<64x128xf32, #tpu.memory_space<vmem>>, vector<16xf32>,
      %add3A_679 = arith.constant 1 : i32
      %add3A_680 = arith.addi %mul3A_579, %add3A_679 : i32
      %swap3A_681 = arith.index_cast %add3A_680 : i32 to index
      %swap3A_682 = arith.constant 48 : index
      %swap3A_683 = tpu.vector_load %arg11[%swap3A_681, %swap3A_682] {strides = array<i32>} : memref<64x128xf32, #tpu.memory_space<vmem>>, vector<16xf32>,
      tpu.vector_store %arg11[%swap3A_681, %swap3A_682], %scan3A_662#3 {strides = array<i32>} : memref<64x128xf32, #tpu.memory_space<vmem>>, vector<16xf32>,
      %add3A_684 = arith.constant 1 : i32
      %add3A_685 = arith.addi %mul3A_579, %add3A_684 : i32
      %swap3A_686 = arith.index_cast %add3A_685 : i32 to index
      %swap3A_687 = arith.constant 64 : index
      %swap3A_688 = tpu.vector_load %arg11[%swap3A_686, %swap3A_687] {strides = array<i32>} : memref<64x128xf32, #tpu.memory_space<vmem>>, vector<16xf32>,
      tpu.vector_store %arg11[%swap3A_686, %swap3A_687], %scan3A_662#4 {strides = array<i32>} : memref<64x128xf32, #tpu.memory_space<vmem>>, vector<16xf32>,
      %add3A_689 = arith.constant 1 : i32
      %add3A_690 = arith.addi %mul3A_579, %add3A_689 : i32
      %swap3A_691 = arith.index_cast %add3A_690 : i32 to index
      %swap3A_692 = arith.constant 80 : index
      %swap3A_693 = tpu.vector_load %arg11[%swap3A_691, %swap3A_692] {strides = array<i32>} : memref<64x128xf32, #tpu.memory_space<vmem>>, vector<16xf32>,
      tpu.vector_store %arg11[%swap3A_691, %swap3A_692], %scan3A_662#5 {strides = array<i32>} : memref<64x128xf32, #tpu.memory_space<vmem>>, vector<16xf32>,
      %add3A_694 = arith.constant 1 : i32
      %add3A_695 = arith.addi %mul3A_579, %add3A_694 : i32
      %swap3A_696 = arith.index_cast %add3A_695 : i32 to index
      %swap3A_697 = arith.constant 96 : index
      %swap3A_698 = tpu.vector_load %arg11[%swap3A_696, %swap3A_697] {strides = array<i32>} : memref<64x128xf32, #tpu.memory_space<vmem>>, vector<16xf32>,
      tpu.vector_store %arg11[%swap3A_696, %swap3A_697], %scan3A_662#6 {strides = array<i32>} : memref<64x128xf32, #tpu.memory_space<vmem>>, vector<16xf32>,
      %add3A_699 = arith.constant 1 : i32
      %add3A_700 = arith.addi %mul3A_579, %add3A_699 : i32
      %swap3A_701 = arith.index_cast %add3A_700 : i32 to index
      %swap3A_702 = arith.constant 112 : index
      %swap3A_703 = tpu.vector_load %arg11[%swap3A_701, %swap3A_702] {strides = array<i32>} : memref<64x128xf32, #tpu.memory_space<vmem>>, vector<16xf32>,
      tpu.vector_store %arg11[%swap3A_701, %swap3A_702], %scan3A_662#7 {strides = array<i32>} : memref<64x128xf32, #tpu.memory_space<vmem>>, vector<16xf32>,
      %broadcast_in_dim3A_704 = arith.constant 0.000000e+00 : f32
      %broadcast_in_dim3A_705 = vector.broadcast %broadcast_in_dim3A_704 : f32 to vector<16xf32>
      %broadcast_in_dim3A_706 = arith.constant 0.000000e+00 : f32
      %broadcast_in_dim3A_707 = vector.broadcast %broadcast_in_dim3A_706 : f32 to vector<16xf32>
      %broadcast_in_dim3A_708 = arith.constant 0.000000e+00 : f32
      %broadcast_in_dim3A_709 = vector.broadcast %broadcast_in_dim3A_708 : f32 to vector<16xf32>
      %broadcast_in_dim3A_710 = arith.constant 0.000000e+00 : f32
      %broadcast_in_dim3A_711 = vector.broadcast %broadcast_in_dim3A_710 : f32 to vector<16xf32>
      %broadcast_in_dim3A_712 = arith.constant 0.000000e+00 : f32
      %broadcast_in_dim3A_713 = vector.broadcast %broadcast_in_dim3A_712 : f32 to vector<16xf32>
      %broadcast_in_dim3A_714 = arith.constant 0.000000e+00 : f32
      %broadcast_in_dim3A_715 = vector.broadcast %broadcast_in_dim3A_714 : f32 to vector<16xf32>
      %broadcast_in_dim3A_716 = arith.constant 0.000000e+00 : f32
      %broadcast_in_dim3A_717 = vector.broadcast %broadcast_in_dim3A_716 : f32 to vector<16xf32>
      %broadcast_in_dim3A_718 = arith.constant 0.000000e+00 : f32
      %broadcast_in_dim3A_719 = vector.broadcast %broadcast_in_dim3A_718 : f32 to vector<16xf32>
      %scan3A_720 = arith.constant 0 : i32
      %scan3A_721 = arith.constant 20 : i32
      %scan3A_722 = arith.addi %scan3A_720, %scan3A_721 : i32
      %scan3A_723 = arith.constant 1 : i32
      %scan3A_724:8 = scf.for %scan3A_850 = %scan3A_720 to %scan3A_722 step %scan3A_723 iter_args(%scan3A_851 = %broadcast_in_dim3A_705, %scan3A_852 = %broadcast_in_dim3A_707, %scan3A_853 = %broadcast_in_dim3A_709, %scan3A_854 = %broadcast_in_dim3A_711, %scan3A_855 = %broadcast_in_dim3A_713, %scan3A_856 = %broadcast_in_dim3A_715, %scan3A_857 = %broadcast_in_dim3A_717, %scan3A_858 = %broadcast_in_dim3A_719) -> (vector<16xf32>, vector<16xf32>, vector<16xf32>, vector<16xf32>, vector<16xf32>, vector<16xf32>, vector<16xf32>, vector<16xf32>)  : i32 {
        %broadcast_in_dim3A_859 = arith.constant 0.000000e+00 : bf16
        %broadcast_in_dim3A_860 = vector.broadcast %broadcast_in_dim3A_859 : bf16 to vector<32xbf16>
        %broadcast_in_dim3A_861 = arith.constant 0.000000e+00 : bf16
        %broadcast_in_dim3A_862 = vector.broadcast %broadcast_in_dim3A_861 : bf16 to vector<32xbf16>
        %broadcast_in_dim3A_863 = arith.constant 0.000000e+00 : bf16
        %broadcast_in_dim3A_864 = vector.broadcast %broadcast_in_dim3A_863 : bf16 to vector<32xbf16>
        %broadcast_in_dim3A_865 = arith.constant 0.000000e+00 : bf16
        %broadcast_in_dim3A_866 = vector.broadcast %broadcast_in_dim3A_865 : bf16 to vector<32xbf16>
        %mul3A_867 = arith.constant 10 : i32
        %mul3A_868 = arith.muli %scan3A_850, %mul3A_867 : i32
        %add3A_869 = arith.constant 400 : i32
        %add3A_870 = arith.addi %add3A_869, %mul3A_868 : i32
        %add3A_871 = arith.constant 0 : i32
        %add3A_872 = arith.addi %add3A_870, %add3A_871 : i32
        %get3A = arith.index_cast %add3A_872 : i32 to index
        %get3A_873 = arith.constant 0 : index
        %get3A_874 = tpu.vector_load %arg10[%get3A, %get3A_873] {strides = array<i32>} : memref<800x64xi32, #tpu.memory_space<vmem>>, vector<16xi32>,
        %bitcast3A = vector.bitcast %get3A_874 : vector<16xi32> to vector<32xbf16>
        %add3A_875 = arith.addf %broadcast_in_dim3A_860, %bitcast3A : vector<32xbf16>
        %add3A_876 = arith.constant 0 : i32
        %add3A_877 = arith.addi %add3A_870, %add3A_876 : i32
        %get3A_878 = arith.index_cast %add3A_877 : i32 to index
        %get3A_879 = arith.constant 16 : index
        %get3A_880 = tpu.vector_load %arg10[%get3A_878, %get3A_879] {strides = array<i32>} : memref<800x64xi32, #tpu.memory_space<vmem>>, vector<16xi32>,
        %bitcast3A_881 = vector.bitcast %get3A_880 : vector<16xi32> to vector<32xbf16>
        %add3A_882 = arith.addf %broadcast_in_dim3A_862, %bitcast3A_881 : vector<32xbf16>
        %add3A_883 = arith.constant 0 : i32
        %add3A_884 = arith.addi %add3A_870, %add3A_883 : i32
        %get3A_885 = arith.index_cast %add3A_884 : i32 to index
        %get3A_886 = arith.constant 32 : index
        %get3A_887 = tpu.vector_load %arg10[%get3A_885, %get3A_886] {strides = array<i32>} : memref<800x64xi32, #tpu.memory_space<vmem>>, vector<16xi32>,
        %bitcast3A_888 = vector.bitcast %get3A_887 : vector<16xi32> to vector<32xbf16>
        %add3A_889 = arith.addf %broadcast_in_dim3A_864, %bitcast3A_888 : vector<32xbf16>
        %add3A_890 = arith.constant 0 : i32
        %add3A_891 = arith.addi %add3A_870, %add3A_890 : i32
        %get3A_892 = arith.index_cast %add3A_891 : i32 to index
        %get3A_893 = arith.constant 48 : index
        %get3A_894 = tpu.vector_load %arg10[%get3A_892, %get3A_893] {strides = array<i32>} : memref<800x64xi32, #tpu.memory_space<vmem>>, vector<16xi32>,
        %bitcast3A_895 = vector.bitcast %get3A_894 : vector<16xi32> to vector<32xbf16>
        %add3A_896 = arith.addf %broadcast_in_dim3A_866, %bitcast3A_895 : vector<32xbf16>
        %add3A_897 = arith.constant 1 : i32
        %add3A_898 = arith.addi %add3A_870, %add3A_897 : i32
        %get3A_899 = arith.index_cast %add3A_898 : i32 to index
        %get3A_900 = arith.constant 0 : index
        %get3A_901 = tpu.vector_load %arg10[%get3A_899, %get3A_900] {strides = array<i32>} : memref<800x64xi32, #tpu.memory_space<vmem>>, vector<16xi32>,
        %bitcast3A_902 = vector.bitcast %get3A_901 : vector<16xi32> to vector<32xbf16>
        %add3A_903 = arith.addf %add3A_875, %bitcast3A_902 : vector<32xbf16>
        %add3A_904 = arith.constant 1 : i32
        %add3A_905 = arith.addi %add3A_870, %add3A_904 : i32
        %get3A_906 = arith.index_cast %add3A_905 : i32 to index
        %get3A_907 = arith.constant 16 : index
        %get3A_908 = tpu.vector_load %arg10[%get3A_906, %get3A_907] {strides = array<i32>} : memref<800x64xi32, #tpu.memory_space<vmem>>, vector<16xi32>,
        %bitcast3A_909 = vector.bitcast %get3A_908 : vector<16xi32> to vector<32xbf16>
        %add3A_910 = arith.addf %add3A_882, %bitcast3A_909 : vector<32xbf16>
        %add3A_911 = arith.constant 1 : i32
        %add3A_912 = arith.addi %add3A_870, %add3A_911 : i32
        %get3A_913 = arith.index_cast %add3A_912 : i32 to index
        %get3A_914 = arith.constant 32 : index
        %get3A_915 = tpu.vector_load %arg10[%get3A_913, %get3A_914] {strides = array<i32>} : memref<800x64xi32, #tpu.memory_space<vmem>>, vector<16xi32>,
        %bitcast3A_916 = vector.bitcast %get3A_915 : vector<16xi32> to vector<32xbf16>
        %add3A_917 = arith.addf %add3A_889, %bitcast3A_916 : vector<32xbf16>
        %add3A_918 = arith.constant 1 : i32
        %add3A_919 = arith.addi %add3A_870, %add3A_918 : i32
        %get3A_920 = arith.index_cast %add3A_919 : i32 to index
        %get3A_921 = arith.constant 48 : index
        %get3A_922 = tpu.vector_load %arg10[%get3A_920, %get3A_921] {strides = array<i32>} : memref<800x64xi32, #tpu.memory_space<vmem>>, vector<16xi32>,
        %bitcast3A_923 = vector.bitcast %get3A_922 : vector<16xi32> to vector<32xbf16>
        %add3A_924 = arith.addf %add3A_896, %bitcast3A_923 : vector<32xbf16>
        %add3A_925 = arith.constant 2 : i32
        %add3A_926 = arith.addi %add3A_870, %add3A_925 : i32
        %get3A_927 = arith.index_cast %add3A_926 : i32 to index
        %get3A_928 = arith.constant 0 : index
        %get3A_929 = tpu.vector_load %arg10[%get3A_927, %get3A_928] {strides = array<i32>} : memref<800x64xi32, #tpu.memory_space<vmem>>, vector<16xi32>,
        %bitcast3A_930 = vector.bitcast %get3A_929 : vector<16xi32> to vector<32xbf16>
        %add3A_931 = arith.addf %add3A_903, %bitcast3A_930 : vector<32xbf16>
        %add3A_932 = arith.constant 2 : i32
        %add3A_933 = arith.addi %add3A_870, %add3A_932 : i32
        %get3A_934 = arith.index_cast %add3A_933 : i32 to index
        %get3A_935 = arith.constant 16 : index
        %get3A_936 = tpu.vector_load %arg10[%get3A_934, %get3A_935] {strides = array<i32>} : memref<800x64xi32, #tpu.memory_space<vmem>>, vector<16xi32>,
        %bitcast3A_937 = vector.bitcast %get3A_936 : vector<16xi32> to vector<32xbf16>
        %add3A_938 = arith.addf %add3A_910, %bitcast3A_937 : vector<32xbf16>
        %add3A_939 = arith.constant 2 : i32
        %add3A_940 = arith.addi %add3A_870, %add3A_939 : i32
        %get3A_941 = arith.index_cast %add3A_940 : i32 to index
        %get3A_942 = arith.constant 32 : index
        %get3A_943 = tpu.vector_load %arg10[%get3A_941, %get3A_942] {strides = array<i32>} : memref<800x64xi32, #tpu.memory_space<vmem>>, vector<16xi32>,
        %bitcast3A_944 = vector.bitcast %get3A_943 : vector<16xi32> to vector<32xbf16>
        %add3A_945 = arith.addf %add3A_917, %bitcast3A_944 : vector<32xbf16>
        %add3A_946 = arith.constant 2 : i32
        %add3A_947 = arith.addi %add3A_870, %add3A_946 : i32
        %get3A_948 = arith.index_cast %add3A_947 : i32 to index
        %get3A_949 = arith.constant 48 : index
        %get3A_950 = tpu.vector_load %arg10[%get3A_948, %get3A_949] {strides = array<i32>} : memref<800x64xi32, #tpu.memory_space<vmem>>, vector<16xi32>,
        %bitcast3A_951 = vector.bitcast %get3A_950 : vector<16xi32> to vector<32xbf16>
        %add3A_952 = arith.addf %add3A_924, %bitcast3A_951 : vector<32xbf16>
        %add3A_953 = arith.constant 3 : i32
        %add3A_954 = arith.addi %add3A_870, %add3A_953 : i32
        %get3A_955 = arith.index_cast %add3A_954 : i32 to index
        %get3A_956 = arith.constant 0 : index
        %get3A_957 = tpu.vector_load %arg10[%get3A_955, %get3A_956] {strides = array<i32>} : memref<800x64xi32, #tpu.memory_space<vmem>>, vector<16xi32>,
        %bitcast3A_958 = vector.bitcast %get3A_957 : vector<16xi32> to vector<32xbf16>
        %add3A_959 = arith.addf %add3A_931, %bitcast3A_958 : vector<32xbf16>
        %add3A_960 = arith.constant 3 : i32
        %add3A_961 = arith.addi %add3A_870, %add3A_960 : i32
        %get3A_962 = arith.index_cast %add3A_961 : i32 to index
        %get3A_963 = arith.constant 16 : index
        %get3A_964 = tpu.vector_load %arg10[%get3A_962, %get3A_963] {strides = array<i32>} : memref<800x64xi32, #tpu.memory_space<vmem>>, vector<16xi32>,
        %bitcast3A_965 = vector.bitcast %get3A_964 : vector<16xi32> to vector<32xbf16>
        %add3A_966 = arith.addf %add3A_938, %bitcast3A_965 : vector<32xbf16>
        %add3A_967 = arith.constant 3 : i32
        %add3A_968 = arith.addi %add3A_870, %add3A_967 : i32
        %get3A_969 = arith.index_cast %add3A_968 : i32 to index
        %get3A_970 = arith.constant 32 : index
        %get3A_971 = tpu.vector_load %arg10[%get3A_969, %get3A_970] {strides = array<i32>} : memref<800x64xi32, #tpu.memory_space<vmem>>, vector<16xi32>,
        %bitcast3A_972 = vector.bitcast %get3A_971 : vector<16xi32> to vector<32xbf16>
        %add3A_973 = arith.addf %add3A_945, %bitcast3A_972 : vector<32xbf16>
        %add3A_974 = arith.constant 3 : i32
        %add3A_975 = arith.addi %add3A_870, %add3A_974 : i32
        %get3A_976 = arith.index_cast %add3A_975 : i32 to index
        %get3A_977 = arith.constant 48 : index
        %get3A_978 = tpu.vector_load %arg10[%get3A_976, %get3A_977] {strides = array<i32>} : memref<800x64xi32, #tpu.memory_space<vmem>>, vector<16xi32>,
        %bitcast3A_979 = vector.bitcast %get3A_978 : vector<16xi32> to vector<32xbf16>
        %add3A_980 = arith.addf %add3A_952, %bitcast3A_979 : vector<32xbf16>
        %add3A_981 = arith.constant 4 : i32
        %add3A_982 = arith.addi %add3A_870, %add3A_981 : i32
        %get3A_983 = arith.index_cast %add3A_982 : i32 to index
        %get3A_984 = arith.constant 0 : index
        %get3A_985 = tpu.vector_load %arg10[%get3A_983, %get3A_984] {strides = array<i32>} : memref<800x64xi32, #tpu.memory_space<vmem>>, vector<16xi32>,
        %bitcast3A_986 = vector.bitcast %get3A_985 : vector<16xi32> to vector<32xbf16>
        %add3A_987 = arith.addf %add3A_959, %bitcast3A_986 : vector<32xbf16>
        %add3A_988 = arith.constant 4 : i32
        %add3A_989 = arith.addi %add3A_870, %add3A_988 : i32
        %get3A_990 = arith.index_cast %add3A_989 : i32 to index
        %get3A_991 = arith.constant 16 : index
        %get3A_992 = tpu.vector_load %arg10[%get3A_990, %get3A_991] {strides = array<i32>} : memref<800x64xi32, #tpu.memory_space<vmem>>, vector<16xi32>,
        %bitcast3A_993 = vector.bitcast %get3A_992 : vector<16xi32> to vector<32xbf16>
        %add3A_994 = arith.addf %add3A_966, %bitcast3A_993 : vector<32xbf16>
        %add3A_995 = arith.constant 4 : i32
        %add3A_996 = arith.addi %add3A_870, %add3A_995 : i32
        %get3A_997 = arith.index_cast %add3A_996 : i32 to index
        %get3A_998 = arith.constant 32 : index
        %get3A_999 = tpu.vector_load %arg10[%get3A_997, %get3A_998] {strides = array<i32>} : memref<800x64xi32, #tpu.memory_space<vmem>>, vector<16xi32>,
        %bitcast3A_1000 = vector.bitcast %get3A_999 : vector<16xi32> to vector<32xbf16>
        %add3A_1001 = arith.addf %add3A_973, %bitcast3A_1000 : vector<32xbf16>
        %add3A_1002 = arith.constant 4 : i32
        %add3A_1003 = arith.addi %add3A_870, %add3A_1002 : i32
        %get3A_1004 = arith.index_cast %add3A_1003 : i32 to index
        %get3A_1005 = arith.constant 48 : index
        %get3A_1006 = tpu.vector_load %arg10[%get3A_1004, %get3A_1005] {strides = array<i32>} : memref<800x64xi32, #tpu.memory_space<vmem>>, vector<16xi32>,
        %bitcast3A_1007 = vector.bitcast %get3A_1006 : vector<16xi32> to vector<32xbf16>
        %add3A_1008 = arith.addf %add3A_980, %bitcast3A_1007 : vector<32xbf16>
        %add3A_1009 = arith.constant 5 : i32
        %add3A_1010 = arith.addi %add3A_870, %add3A_1009 : i32
        %get3A_1011 = arith.index_cast %add3A_1010 : i32 to index
        %get3A_1012 = arith.constant 0 : index
        %get3A_1013 = tpu.vector_load %arg10[%get3A_1011, %get3A_1012] {strides = array<i32>} : memref<800x64xi32, #tpu.memory_space<vmem>>, vector<16xi32>,
        %bitcast3A_1014 = vector.bitcast %get3A_1013 : vector<16xi32> to vector<32xbf16>
        %add3A_1015 = arith.addf %add3A_987, %bitcast3A_1014 : vector<32xbf16>
        %add3A_1016 = arith.constant 5 : i32
        %add3A_1017 = arith.addi %add3A_870, %add3A_1016 : i32
        %get3A_1018 = arith.index_cast %add3A_1017 : i32 to index
        %get3A_1019 = arith.constant 16 : index
        %get3A_1020 = tpu.vector_load %arg10[%get3A_1018, %get3A_1019] {strides = array<i32>} : memref<800x64xi32, #tpu.memory_space<vmem>>, vector<16xi32>,
        %bitcast3A_1021 = vector.bitcast %get3A_1020 : vector<16xi32> to vector<32xbf16>
        %add3A_1022 = arith.addf %add3A_994, %bitcast3A_1021 : vector<32xbf16>
        %add3A_1023 = arith.constant 5 : i32
        %add3A_1024 = arith.addi %add3A_870, %add3A_1023 : i32
        %get3A_1025 = arith.index_cast %add3A_1024 : i32 to index
        %get3A_1026 = arith.constant 32 : index
        %get3A_1027 = tpu.vector_load %arg10[%get3A_1025, %get3A_1026] {strides = array<i32>} : memref<800x64xi32, #tpu.memory_space<vmem>>, vector<16xi32>,
        %bitcast3A_1028 = vector.bitcast %get3A_1027 : vector<16xi32> to vector<32xbf16>
        %add3A_1029 = arith.addf %add3A_1001, %bitcast3A_1028 : vector<32xbf16>
        %add3A_1030 = arith.constant 5 : i32
        %add3A_1031 = arith.addi %add3A_870, %add3A_1030 : i32
        %get3A_1032 = arith.index_cast %add3A_1031 : i32 to index
        %get3A_1033 = arith.constant 48 : index
        %get3A_1034 = tpu.vector_load %arg10[%get3A_1032, %get3A_1033] {strides = array<i32>} : memref<800x64xi32, #tpu.memory_space<vmem>>, vector<16xi32>,
        %bitcast3A_1035 = vector.bitcast %get3A_1034 : vector<16xi32> to vector<32xbf16>
        %add3A_1036 = arith.addf %add3A_1008, %bitcast3A_1035 : vector<32xbf16>
        %add3A_1037 = arith.constant 6 : i32
        %add3A_1038 = arith.addi %add3A_870, %add3A_1037 : i32
        %get3A_1039 = arith.index_cast %add3A_1038 : i32 to index
        %get3A_1040 = arith.constant 0 : index
        %get3A_1041 = tpu.vector_load %arg10[%get3A_1039, %get3A_1040] {strides = array<i32>} : memref<800x64xi32, #tpu.memory_space<vmem>>, vector<16xi32>,
        %bitcast3A_1042 = vector.bitcast %get3A_1041 : vector<16xi32> to vector<32xbf16>
        %add3A_1043 = arith.addf %add3A_1015, %bitcast3A_1042 : vector<32xbf16>
        %add3A_1044 = arith.constant 6 : i32
        %add3A_1045 = arith.addi %add3A_870, %add3A_1044 : i32
        %get3A_1046 = arith.index_cast %add3A_1045 : i32 to index
        %get3A_1047 = arith.constant 16 : index
        %get3A_1048 = tpu.vector_load %arg10[%get3A_1046, %get3A_1047] {strides = array<i32>} : memref<800x64xi32, #tpu.memory_space<vmem>>, vector<16xi32>,
        %bitcast3A_1049 = vector.bitcast %get3A_1048 : vector<16xi32> to vector<32xbf16>
        %add3A_1050 = arith.addf %add3A_1022, %bitcast3A_1049 : vector<32xbf16>
        %add3A_1051 = arith.constant 6 : i32
        %add3A_1052 = arith.addi %add3A_870, %add3A_1051 : i32
        %get3A_1053 = arith.index_cast %add3A_1052 : i32 to index
        %get3A_1054 = arith.constant 32 : index
        %get3A_1055 = tpu.vector_load %arg10[%get3A_1053, %get3A_1054] {strides = array<i32>} : memref<800x64xi32, #tpu.memory_space<vmem>>, vector<16xi32>,
        %bitcast3A_1056 = vector.bitcast %get3A_1055 : vector<16xi32> to vector<32xbf16>
        %add3A_1057 = arith.addf %add3A_1029, %bitcast3A_1056 : vector<32xbf16>
        %add3A_1058 = arith.constant 6 : i32
        %add3A_1059 = arith.addi %add3A_870, %add3A_1058 : i32
        %get3A_1060 = arith.index_cast %add3A_1059 : i32 to index
        %get3A_1061 = arith.constant 48 : index
        %get3A_1062 = tpu.vector_load %arg10[%get3A_1060, %get3A_1061] {strides = array<i32>} : memref<800x64xi32, #tpu.memory_space<vmem>>, vector<16xi32>,
        %bitcast3A_1063 = vector.bitcast %get3A_1062 : vector<16xi32> to vector<32xbf16>
        %add3A_1064 = arith.addf %add3A_1036, %bitcast3A_1063 : vector<32xbf16>
        %add3A_1065 = arith.constant 7 : i32
        %add3A_1066 = arith.addi %add3A_870, %add3A_1065 : i32
        %get3A_1067 = arith.index_cast %add3A_1066 : i32 to index
        %get3A_1068 = arith.constant 0 : index
        %get3A_1069 = tpu.vector_load %arg10[%get3A_1067, %get3A_1068] {strides = array<i32>} : memref<800x64xi32, #tpu.memory_space<vmem>>, vector<16xi32>,
        %bitcast3A_1070 = vector.bitcast %get3A_1069 : vector<16xi32> to vector<32xbf16>
        %add3A_1071 = arith.addf %add3A_1043, %bitcast3A_1070 : vector<32xbf16>
        %add3A_1072 = arith.constant 7 : i32
        %add3A_1073 = arith.addi %add3A_870, %add3A_1072 : i32
        %get3A_1074 = arith.index_cast %add3A_1073 : i32 to index
        %get3A_1075 = arith.constant 16 : index
        %get3A_1076 = tpu.vector_load %arg10[%get3A_1074, %get3A_1075] {strides = array<i32>} : memref<800x64xi32, #tpu.memory_space<vmem>>, vector<16xi32>,
        %bitcast3A_1077 = vector.bitcast %get3A_1076 : vector<16xi32> to vector<32xbf16>
        %add3A_1078 = arith.addf %add3A_1050, %bitcast3A_1077 : vector<32xbf16>
        %add3A_1079 = arith.constant 7 : i32
        %add3A_1080 = arith.addi %add3A_870, %add3A_1079 : i32
        %get3A_1081 = arith.index_cast %add3A_1080 : i32 to index
        %get3A_1082 = arith.constant 32 : index
        %get3A_1083 = tpu.vector_load %arg10[%get3A_1081, %get3A_1082] {strides = array<i32>} : memref<800x64xi32, #tpu.memory_space<vmem>>, vector<16xi32>,
        %bitcast3A_1084 = vector.bitcast %get3A_1083 : vector<16xi32> to vector<32xbf16>
        %add3A_1085 = arith.addf %add3A_1057, %bitcast3A_1084 : vector<32xbf16>
        %add3A_1086 = arith.constant 7 : i32
        %add3A_1087 = arith.addi %add3A_870, %add3A_1086 : i32
        %get3A_1088 = arith.index_cast %add3A_1087 : i32 to index
        %get3A_1089 = arith.constant 48 : index
        %get3A_1090 = tpu.vector_load %arg10[%get3A_1088, %get3A_1089] {strides = array<i32>} : memref<800x64xi32, #tpu.memory_space<vmem>>, vector<16xi32>,
        %bitcast3A_1091 = vector.bitcast %get3A_1090 : vector<16xi32> to vector<32xbf16>
        %add3A_1092 = arith.addf %add3A_1064, %bitcast3A_1091 : vector<32xbf16>
        %add3A_1093 = arith.constant 8 : i32
        %add3A_1094 = arith.addi %add3A_870, %add3A_1093 : i32
        %get3A_1095 = arith.index_cast %add3A_1094 : i32 to index
        %get3A_1096 = arith.constant 0 : index
        %get3A_1097 = tpu.vector_load %arg10[%get3A_1095, %get3A_1096] {strides = array<i32>} : memref<800x64xi32, #tpu.memory_space<vmem>>, vector<16xi32>,
        %bitcast3A_1098 = vector.bitcast %get3A_1097 : vector<16xi32> to vector<32xbf16>
        %add3A_1099 = arith.addf %add3A_1071, %bitcast3A_1098 : vector<32xbf16>
        %add3A_1100 = arith.constant 8 : i32
        %add3A_1101 = arith.addi %add3A_870, %add3A_1100 : i32
        %get3A_1102 = arith.index_cast %add3A_1101 : i32 to index
        %get3A_1103 = arith.constant 16 : index
        %get3A_1104 = tpu.vector_load %arg10[%get3A_1102, %get3A_1103] {strides = array<i32>} : memref<800x64xi32, #tpu.memory_space<vmem>>, vector<16xi32>,
        %bitcast3A_1105 = vector.bitcast %get3A_1104 : vector<16xi32> to vector<32xbf16>
        %add3A_1106 = arith.addf %add3A_1078, %bitcast3A_1105 : vector<32xbf16>
        %add3A_1107 = arith.constant 8 : i32
        %add3A_1108 = arith.addi %add3A_870, %add3A_1107 : i32
        %get3A_1109 = arith.index_cast %add3A_1108 : i32 to index
        %get3A_1110 = arith.constant 32 : index
        %get3A_1111 = tpu.vector_load %arg10[%get3A_1109, %get3A_1110] {strides = array<i32>} : memref<800x64xi32, #tpu.memory_space<vmem>>, vector<16xi32>,
        %bitcast3A_1112 = vector.bitcast %get3A_1111 : vector<16xi32> to vector<32xbf16>
        %add3A_1113 = arith.addf %add3A_1085, %bitcast3A_1112 : vector<32xbf16>
        %add3A_1114 = arith.constant 8 : i32
        %add3A_1115 = arith.addi %add3A_870, %add3A_1114 : i32
        %get3A_1116 = arith.index_cast %add3A_1115 : i32 to index
        %get3A_1117 = arith.constant 48 : index
        %get3A_1118 = tpu.vector_load %arg10[%get3A_1116, %get3A_1117] {strides = array<i32>} : memref<800x64xi32, #tpu.memory_space<vmem>>, vector<16xi32>,
        %bitcast3A_1119 = vector.bitcast %get3A_1118 : vector<16xi32> to vector<32xbf16>
        %add3A_1120 = arith.addf %add3A_1092, %bitcast3A_1119 : vector<32xbf16>
        %add3A_1121 = arith.constant 9 : i32
        %add3A_1122 = arith.addi %add3A_870, %add3A_1121 : i32
        %get3A_1123 = arith.index_cast %add3A_1122 : i32 to index
        %get3A_1124 = arith.constant 0 : index
        %get3A_1125 = tpu.vector_load %arg10[%get3A_1123, %get3A_1124] {strides = array<i32>} : memref<800x64xi32, #tpu.memory_space<vmem>>, vector<16xi32>,
        %bitcast3A_1126 = vector.bitcast %get3A_1125 : vector<16xi32> to vector<32xbf16>
        %add3A_1127 = arith.addf %add3A_1099, %bitcast3A_1126 : vector<32xbf16>
        %add3A_1128 = arith.constant 9 : i32
        %add3A_1129 = arith.addi %add3A_870, %add3A_1128 : i32
        %get3A_1130 = arith.index_cast %add3A_1129 : i32 to index
        %get3A_1131 = arith.constant 16 : index
        %get3A_1132 = tpu.vector_load %arg10[%get3A_1130, %get3A_1131] {strides = array<i32>} : memref<800x64xi32, #tpu.memory_space<vmem>>, vector<16xi32>,
        %bitcast3A_1133 = vector.bitcast %get3A_1132 : vector<16xi32> to vector<32xbf16>
        %add3A_1134 = arith.addf %add3A_1106, %bitcast3A_1133 : vector<32xbf16>
        %add3A_1135 = arith.constant 9 : i32
        %add3A_1136 = arith.addi %add3A_870, %add3A_1135 : i32
        %get3A_1137 = arith.index_cast %add3A_1136 : i32 to index
        %get3A_1138 = arith.constant 32 : index
        %get3A_1139 = tpu.vector_load %arg10[%get3A_1137, %get3A_1138] {strides = array<i32>} : memref<800x64xi32, #tpu.memory_space<vmem>>, vector<16xi32>,
        %bitcast3A_1140 = vector.bitcast %get3A_1139 : vector<16xi32> to vector<32xbf16>
        %add3A_1141 = arith.addf %add3A_1113, %bitcast3A_1140 : vector<32xbf16>
        %add3A_1142 = arith.constant 9 : i32
        %add3A_1143 = arith.addi %add3A_870, %add3A_1142 : i32
        %get3A_1144 = arith.index_cast %add3A_1143 : i32 to index
        %get3A_1145 = arith.constant 48 : index
        %get3A_1146 = tpu.vector_load %arg10[%get3A_1144, %get3A_1145] {strides = array<i32>} : memref<800x64xi32, #tpu.memory_space<vmem>>, vector<16xi32>,
        %bitcast3A_1147 = vector.bitcast %get3A_1146 : vector<16xi32> to vector<32xbf16>
        %add3A_1148 = arith.addf %add3A_1120, %bitcast3A_1147 : vector<32xbf16>
        %bitcast3A_1149 = vector.bitcast %add3A_1127 : vector<32xbf16> to vector<16xi32>
        %shift_left3A = arith.constant 16 : i32
        %shift_left3A_1150 = vector.broadcast %shift_left3A : i32 to vector<16xi32>
        %shift_left3A_1151 = arith.shli %bitcast3A_1149, %shift_left3A_1150 : vector<16xi32>
        %bitcast3A_1152 = vector.bitcast %shift_left3A_1151 : vector<16xi32> to vector<16xf32>
        %add3A_1153 = arith.addf %scan3A_851, %bitcast3A_1152 : vector<16xf32>
        %and3A_1154 = arith.constant -65536 : i32
        %and3A_1155 = vector.broadcast %and3A_1154 : i32 to vector<16xi32>
        %and3A_1156 = arith.andi %bitcast3A_1149, %and3A_1155 : vector<16xi32>
        %bitcast3A_1157 = vector.bitcast %and3A_1156 : vector<16xi32> to vector<16xf32>
        %add3A_1158 = arith.addf %scan3A_852, %bitcast3A_1157 : vector<16xf32>
        %bitcast3A_1159 = vector.bitcast %add3A_1134 : vector<32xbf16> to vector<16xi32>
        %shift_left3A_1160 = arith.constant 16 : i32
        %shift_left3A_1161 = vector.broadcast %shift_left3A_1160 : i32 to vector<16xi32>
        %shift_left3A_1162 = arith.shli %bitcast3A_1159, %shift_left3A_1161 : vector<16xi32>
        %bitcast3A_1163 = vector.bitcast %shift_left3A_1162 : vector<16xi32> to vector<16xf32>
        %add3A_1164 = arith.addf %scan3A_853, %bitcast3A_1163 : vector<16xf32>
        %and3A_1165 = arith.constant -65536 : i32
        %and3A_1166 = vector.broadcast %and3A_1165 : i32 to vector<16xi32>
        %and3A_1167 = arith.andi %bitcast3A_1159, %and3A_1166 : vector<16xi32>
        %bitcast3A_1168 = vector.bitcast %and3A_1167 : vector<16xi32> to vector<16xf32>
        %add3A_1169 = arith.addf %scan3A_854, %bitcast3A_1168 : vector<16xf32>
        %bitcast3A_1170 = vector.bitcast %add3A_1141 : vector<32xbf16> to vector<16xi32>
        %shift_left3A_1171 = arith.constant 16 : i32
        %shift_left3A_1172 = vector.broadcast %shift_left3A_1171 : i32 to vector<16xi32>
        %shift_left3A_1173 = arith.shli %bitcast3A_1170, %shift_left3A_1172 : vector<16xi32>
        %bitcast3A_1174 = vector.bitcast %shift_left3A_1173 : vector<16xi32> to vector<16xf32>
        %add3A_1175 = arith.addf %scan3A_855, %bitcast3A_1174 : vector<16xf32>
        %and3A_1176 = arith.constant -65536 : i32
        %and3A_1177 = vector.broadcast %and3A_1176 : i32 to vector<16xi32>
        %and3A_1178 = arith.andi %bitcast3A_1170, %and3A_1177 : vector<16xi32>
        %bitcast3A_1179 = vector.bitcast %and3A_1178 : vector<16xi32> to vector<16xf32>
        %add3A_1180 = arith.addf %scan3A_856, %bitcast3A_1179 : vector<16xf32>
        %bitcast3A_1181 = vector.bitcast %add3A_1148 : vector<32xbf16> to vector<16xi32>
        %shift_left3A_1182 = arith.constant 16 : i32
        %shift_left3A_1183 = vector.broadcast %shift_left3A_1182 : i32 to vector<16xi32>
        %shift_left3A_1184 = arith.shli %bitcast3A_1181, %shift_left3A_1183 : vector<16xi32>
        %bitcast3A_1185 = vector.bitcast %shift_left3A_1184 : vector<16xi32> to vector<16xf32>
        %add3A_1186 = arith.addf %scan3A_857, %bitcast3A_1185 : vector<16xf32>
        %and3A_1187 = arith.constant -65536 : i32
        %and3A_1188 = vector.broadcast %and3A_1187 : i32 to vector<16xi32>
        %and3A_1189 = arith.andi %bitcast3A_1181, %and3A_1188 : vector<16xi32>
        %bitcast3A_1190 = vector.bitcast %and3A_1189 : vector<16xi32> to vector<16xf32>
        %add3A_1191 = arith.addf %scan3A_858, %bitcast3A_1190 : vector<16xf32>
        scf.yield %add3A_1153, %add3A_1158, %add3A_1164, %add3A_1169, %add3A_1175, %add3A_1180, %add3A_1186, %add3A_1191 : vector<16xf32>, vector<16xf32>, vector<16xf32>, vector<16xf32>, vector<16xf32>, vector<16xf32>, vector<16xf32>, vector<16xf32>
      }
      %scan3A_725 = arith.constant 20 : i32
      %add3A_726 = arith.constant 2 : i32
      %add3A_727 = arith.addi %mul3A_579, %add3A_726 : i32
      %swap3A_728 = arith.index_cast %add3A_727 : i32 to index
      %swap3A_729 = arith.constant 0 : index
      %swap3A_730 = tpu.vector_load %arg11[%swap3A_728, %swap3A_729] {strides = array<i32>} : memref<64x128xf32, #tpu.memory_space<vmem>>, vector<16xf32>,
      tpu.vector_store %arg11[%swap3A_728, %swap3A_729], %scan3A_724#0 {strides = array<i32>} : memref<64x128xf32, #tpu.memory_space<vmem>>, vector<16xf32>,
      %add3A_731 = arith.constant 2 : i32
      %add3A_732 = arith.addi %mul3A_579, %add3A_731 : i32
      %swap3A_733 = arith.index_cast %add3A_732 : i32 to index
      %swap3A_734 = arith.constant 16 : index
      %swap3A_735 = tpu.vector_load %arg11[%swap3A_733, %swap3A_734] {strides = array<i32>} : memref<64x128xf32, #tpu.memory_space<vmem>>, vector<16xf32>,
      tpu.vector_store %arg11[%swap3A_733, %swap3A_734], %scan3A_724#1 {strides = array<i32>} : memref<64x128xf32, #tpu.memory_space<vmem>>, vector<16xf32>,
      %add3A_736 = arith.constant 2 : i32
      %add3A_737 = arith.addi %mul3A_579, %add3A_736 : i32
      %swap3A_738 = arith.index_cast %add3A_737 : i32 to index
      %swap3A_739 = arith.constant 32 : index
      %swap3A_740 = tpu.vector_load %arg11[%swap3A_738, %swap3A_739] {strides = array<i32>} : memref<64x128xf32, #tpu.memory_space<vmem>>, vector<16xf32>,
      tpu.vector_store %arg11[%swap3A_738, %swap3A_739], %scan3A_724#2 {strides = array<i32>} : memref<64x128xf32, #tpu.memory_space<vmem>>, vector<16xf32>,
      %add3A_741 = arith.constant 2 : i32
      %add3A_742 = arith.addi %mul3A_579, %add3A_741 : i32
      %swap3A_743 = arith.index_cast %add3A_742 : i32 to index
      %swap3A_744 = arith.constant 48 : index
      %swap3A_745 = tpu.vector_load %arg11[%swap3A_743, %swap3A_744] {strides = array<i32>} : memref<64x128xf32, #tpu.memory_space<vmem>>, vector<16xf32>,
      tpu.vector_store %arg11[%swap3A_743, %swap3A_744], %scan3A_724#3 {strides = array<i32>} : memref<64x128xf32, #tpu.memory_space<vmem>>, vector<16xf32>,
      %add3A_746 = arith.constant 2 : i32
      %add3A_747 = arith.addi %mul3A_579, %add3A_746 : i32
      %swap3A_748 = arith.index_cast %add3A_747 : i32 to index
      %swap3A_749 = arith.constant 64 : index
      %swap3A_750 = tpu.vector_load %arg11[%swap3A_748, %swap3A_749] {strides = array<i32>} : memref<64x128xf32, #tpu.memory_space<vmem>>, vector<16xf32>,
      tpu.vector_store %arg11[%swap3A_748, %swap3A_749], %scan3A_724#4 {strides = array<i32>} : memref<64x128xf32, #tpu.memory_space<vmem>>, vector<16xf32>,
      %add3A_751 = arith.constant 2 : i32
      %add3A_752 = arith.addi %mul3A_579, %add3A_751 : i32
      %swap3A_753 = arith.index_cast %add3A_752 : i32 to index
      %swap3A_754 = arith.constant 80 : index
      %swap3A_755 = tpu.vector_load %arg11[%swap3A_753, %swap3A_754] {strides = array<i32>} : memref<64x128xf32, #tpu.memory_space<vmem>>, vector<16xf32>,
      tpu.vector_store %arg11[%swap3A_753, %swap3A_754], %scan3A_724#5 {strides = array<i32>} : memref<64x128xf32, #tpu.memory_space<vmem>>, vector<16xf32>,
      %add3A_756 = arith.constant 2 : i32
      %add3A_757 = arith.addi %mul3A_579, %add3A_756 : i32
      %swap3A_758 = arith.index_cast %add3A_757 : i32 to index
      %swap3A_759 = arith.constant 96 : index
      %swap3A_760 = tpu.vector_load %arg11[%swap3A_758, %swap3A_759] {strides = array<i32>} : memref<64x128xf32, #tpu.memory_space<vmem>>, vector<16xf32>,
      tpu.vector_store %arg11[%swap3A_758, %swap3A_759], %scan3A_724#6 {strides = array<i32>} : memref<64x128xf32, #tpu.memory_space<vmem>>, vector<16xf32>,
      %add3A_761 = arith.constant 2 : i32
      %add3A_762 = arith.addi %mul3A_579, %add3A_761 : i32
      %swap3A_763 = arith.index_cast %add3A_762 : i32 to index
      %swap3A_764 = arith.constant 112 : index
      %swap3A_765 = tpu.vector_load %arg11[%swap3A_763, %swap3A_764] {strides = array<i32>} : memref<64x128xf32, #tpu.memory_space<vmem>>, vector<16xf32>,
      tpu.vector_store %arg11[%swap3A_763, %swap3A_764], %scan3A_724#7 {strides = array<i32>} : memref<64x128xf32, #tpu.memory_space<vmem>>, vector<16xf32>,
      %broadcast_in_dim3A_766 = arith.constant 0.000000e+00 : f32
      %broadcast_in_dim3A_767 = vector.broadcast %broadcast_in_dim3A_766 : f32 to vector<16xf32>
      %broadcast_in_dim3A_768 = arith.constant 0.000000e+00 : f32
      %broadcast_in_dim3A_769 = vector.broadcast %broadcast_in_dim3A_768 : f32 to vector<16xf32>
      %broadcast_in_dim3A_770 = arith.constant 0.000000e+00 : f32
      %broadcast_in_dim3A_771 = vector.broadcast %broadcast_in_dim3A_770 : f32 to vector<16xf32>
      %broadcast_in_dim3A_772 = arith.constant 0.000000e+00 : f32
      %broadcast_in_dim3A_773 = vector.broadcast %broadcast_in_dim3A_772 : f32 to vector<16xf32>
      %broadcast_in_dim3A_774 = arith.constant 0.000000e+00 : f32
      %broadcast_in_dim3A_775 = vector.broadcast %broadcast_in_dim3A_774 : f32 to vector<16xf32>
      %broadcast_in_dim3A_776 = arith.constant 0.000000e+00 : f32
      %broadcast_in_dim3A_777 = vector.broadcast %broadcast_in_dim3A_776 : f32 to vector<16xf32>
      %broadcast_in_dim3A_778 = arith.constant 0.000000e+00 : f32
      %broadcast_in_dim3A_779 = vector.broadcast %broadcast_in_dim3A_778 : f32 to vector<16xf32>
      %broadcast_in_dim3A_780 = arith.constant 0.000000e+00 : f32
      %broadcast_in_dim3A_781 = vector.broadcast %broadcast_in_dim3A_780 : f32 to vector<16xf32>
      %scan3A_782 = arith.constant 0 : i32
      %scan3A_783 = arith.constant 20 : i32
      %scan3A_784 = arith.addi %scan3A_782, %scan3A_783 : i32
      %scan3A_785 = arith.constant 1 : i32
      %scan3A_786:8 = scf.for %scan3A_850 = %scan3A_782 to %scan3A_784 step %scan3A_785 iter_args(%scan3A_851 = %broadcast_in_dim3A_767, %scan3A_852 = %broadcast_in_dim3A_769, %scan3A_853 = %broadcast_in_dim3A_771, %scan3A_854 = %broadcast_in_dim3A_773, %scan3A_855 = %broadcast_in_dim3A_775, %scan3A_856 = %broadcast_in_dim3A_777, %scan3A_857 = %broadcast_in_dim3A_779, %scan3A_858 = %broadcast_in_dim3A_781) -> (vector<16xf32>, vector<16xf32>, vector<16xf32>, vector<16xf32>, vector<16xf32>, vector<16xf32>, vector<16xf32>, vector<16xf32>)  : i32 {
        %broadcast_in_dim3A_859 = arith.constant 0.000000e+00 : bf16
        %broadcast_in_dim3A_860 = vector.broadcast %broadcast_in_dim3A_859 : bf16 to vector<32xbf16>
        %broadcast_in_dim3A_861 = arith.constant 0.000000e+00 : bf16
        %broadcast_in_dim3A_862 = vector.broadcast %broadcast_in_dim3A_861 : bf16 to vector<32xbf16>
        %broadcast_in_dim3A_863 = arith.constant 0.000000e+00 : bf16
        %broadcast_in_dim3A_864 = vector.broadcast %broadcast_in_dim3A_863 : bf16 to vector<32xbf16>
        %broadcast_in_dim3A_865 = arith.constant 0.000000e+00 : bf16
        %broadcast_in_dim3A_866 = vector.broadcast %broadcast_in_dim3A_865 : bf16 to vector<32xbf16>
        %mul3A_867 = arith.constant 10 : i32
        %mul3A_868 = arith.muli %scan3A_850, %mul3A_867 : i32
        %add3A_869 = arith.constant 600 : i32
        %add3A_870 = arith.addi %add3A_869, %mul3A_868 : i32
        %add3A_871 = arith.constant 0 : i32
        %add3A_872 = arith.addi %add3A_870, %add3A_871 : i32
        %get3A = arith.index_cast %add3A_872 : i32 to index
        %get3A_873 = arith.constant 0 : index
        %get3A_874 = tpu.vector_load %arg10[%get3A, %get3A_873] {strides = array<i32>} : memref<800x64xi32, #tpu.memory_space<vmem>>, vector<16xi32>,
        %bitcast3A = vector.bitcast %get3A_874 : vector<16xi32> to vector<32xbf16>
        %add3A_875 = arith.addf %broadcast_in_dim3A_860, %bitcast3A : vector<32xbf16>
        %add3A_876 = arith.constant 0 : i32
        %add3A_877 = arith.addi %add3A_870, %add3A_876 : i32
        %get3A_878 = arith.index_cast %add3A_877 : i32 to index
        %get3A_879 = arith.constant 16 : index
        %get3A_880 = tpu.vector_load %arg10[%get3A_878, %get3A_879] {strides = array<i32>} : memref<800x64xi32, #tpu.memory_space<vmem>>, vector<16xi32>,
        %bitcast3A_881 = vector.bitcast %get3A_880 : vector<16xi32> to vector<32xbf16>
        %add3A_882 = arith.addf %broadcast_in_dim3A_862, %bitcast3A_881 : vector<32xbf16>
        %add3A_883 = arith.constant 0 : i32
        %add3A_884 = arith.addi %add3A_870, %add3A_883 : i32
        %get3A_885 = arith.index_cast %add3A_884 : i32 to index
        %get3A_886 = arith.constant 32 : index
        %get3A_887 = tpu.vector_load %arg10[%get3A_885, %get3A_886] {strides = array<i32>} : memref<800x64xi32, #tpu.memory_space<vmem>>, vector<16xi32>,
        %bitcast3A_888 = vector.bitcast %get3A_887 : vector<16xi32> to vector<32xbf16>
        %add3A_889 = arith.addf %broadcast_in_dim3A_864, %bitcast3A_888 : vector<32xbf16>
        %add3A_890 = arith.constant 0 : i32
        %add3A_891 = arith.addi %add3A_870, %add3A_890 : i32
        %get3A_892 = arith.index_cast %add3A_891 : i32 to index
        %get3A_893 = arith.constant 48 : index
        %get3A_894 = tpu.vector_load %arg10[%get3A_892, %get3A_893] {strides = array<i32>} : memref<800x64xi32, #tpu.memory_space<vmem>>, vector<16xi32>,
        %bitcast3A_895 = vector.bitcast %get3A_894 : vector<16xi32> to vector<32xbf16>
        %add3A_896 = arith.addf %broadcast_in_dim3A_866, %bitcast3A_895 : vector<32xbf16>
        %add3A_897 = arith.constant 1 : i32
        %add3A_898 = arith.addi %add3A_870, %add3A_897 : i32
        %get3A_899 = arith.index_cast %add3A_898 : i32 to index
        %get3A_900 = arith.constant 0 : index
        %get3A_901 = tpu.vector_load %arg10[%get3A_899, %get3A_900] {strides = array<i32>} : memref<800x64xi32, #tpu.memory_space<vmem>>, vector<16xi32>,
        %bitcast3A_902 = vector.bitcast %get3A_901 : vector<16xi32> to vector<32xbf16>
        %add3A_903 = arith.addf %add3A_875, %bitcast3A_902 : vector<32xbf16>
        %add3A_904 = arith.constant 1 : i32
        %add3A_905 = arith.addi %add3A_870, %add3A_904 : i32
        %get3A_906 = arith.index_cast %add3A_905 : i32 to index
        %get3A_907 = arith.constant 16 : index
        %get3A_908 = tpu.vector_load %arg10[%get3A_906, %get3A_907] {strides = array<i32>} : memref<800x64xi32, #tpu.memory_space<vmem>>, vector<16xi32>,
        %bitcast3A_909 = vector.bitcast %get3A_908 : vector<16xi32> to vector<32xbf16>
        %add3A_910 = arith.addf %add3A_882, %bitcast3A_909 : vector<32xbf16>
        %add3A_911 = arith.constant 1 : i32
        %add3A_912 = arith.addi %add3A_870, %add3A_911 : i32
        %get3A_913 = arith.index_cast %add3A_912 : i32 to index
        %get3A_914 = arith.constant 32 : index
        %get3A_915 = tpu.vector_load %arg10[%get3A_913, %get3A_914] {strides = array<i32>} : memref<800x64xi32, #tpu.memory_space<vmem>>, vector<16xi32>,
        %bitcast3A_916 = vector.bitcast %get3A_915 : vector<16xi32> to vector<32xbf16>
        %add3A_917 = arith.addf %add3A_889, %bitcast3A_916 : vector<32xbf16>
        %add3A_918 = arith.constant 1 : i32
        %add3A_919 = arith.addi %add3A_870, %add3A_918 : i32
        %get3A_920 = arith.index_cast %add3A_919 : i32 to index
        %get3A_921 = arith.constant 48 : index
        %get3A_922 = tpu.vector_load %arg10[%get3A_920, %get3A_921] {strides = array<i32>} : memref<800x64xi32, #tpu.memory_space<vmem>>, vector<16xi32>,
        %bitcast3A_923 = vector.bitcast %get3A_922 : vector<16xi32> to vector<32xbf16>
        %add3A_924 = arith.addf %add3A_896, %bitcast3A_923 : vector<32xbf16>
        %add3A_925 = arith.constant 2 : i32
        %add3A_926 = arith.addi %add3A_870, %add3A_925 : i32
        %get3A_927 = arith.index_cast %add3A_926 : i32 to index
        %get3A_928 = arith.constant 0 : index
        %get3A_929 = tpu.vector_load %arg10[%get3A_927, %get3A_928] {strides = array<i32>} : memref<800x64xi32, #tpu.memory_space<vmem>>, vector<16xi32>,
        %bitcast3A_930 = vector.bitcast %get3A_929 : vector<16xi32> to vector<32xbf16>
        %add3A_931 = arith.addf %add3A_903, %bitcast3A_930 : vector<32xbf16>
        %add3A_932 = arith.constant 2 : i32
        %add3A_933 = arith.addi %add3A_870, %add3A_932 : i32
        %get3A_934 = arith.index_cast %add3A_933 : i32 to index
        %get3A_935 = arith.constant 16 : index
        %get3A_936 = tpu.vector_load %arg10[%get3A_934, %get3A_935] {strides = array<i32>} : memref<800x64xi32, #tpu.memory_space<vmem>>, vector<16xi32>,
        %bitcast3A_937 = vector.bitcast %get3A_936 : vector<16xi32> to vector<32xbf16>
        %add3A_938 = arith.addf %add3A_910, %bitcast3A_937 : vector<32xbf16>
        %add3A_939 = arith.constant 2 : i32
        %add3A_940 = arith.addi %add3A_870, %add3A_939 : i32
        %get3A_941 = arith.index_cast %add3A_940 : i32 to index
        %get3A_942 = arith.constant 32 : index
        %get3A_943 = tpu.vector_load %arg10[%get3A_941, %get3A_942] {strides = array<i32>} : memref<800x64xi32, #tpu.memory_space<vmem>>, vector<16xi32>,
        %bitcast3A_944 = vector.bitcast %get3A_943 : vector<16xi32> to vector<32xbf16>
        %add3A_945 = arith.addf %add3A_917, %bitcast3A_944 : vector<32xbf16>
        %add3A_946 = arith.constant 2 : i32
        %add3A_947 = arith.addi %add3A_870, %add3A_946 : i32
        %get3A_948 = arith.index_cast %add3A_947 : i32 to index
        %get3A_949 = arith.constant 48 : index
        %get3A_950 = tpu.vector_load %arg10[%get3A_948, %get3A_949] {strides = array<i32>} : memref<800x64xi32, #tpu.memory_space<vmem>>, vector<16xi32>,
        %bitcast3A_951 = vector.bitcast %get3A_950 : vector<16xi32> to vector<32xbf16>
        %add3A_952 = arith.addf %add3A_924, %bitcast3A_951 : vector<32xbf16>
        %add3A_953 = arith.constant 3 : i32
        %add3A_954 = arith.addi %add3A_870, %add3A_953 : i32
        %get3A_955 = arith.index_cast %add3A_954 : i32 to index
        %get3A_956 = arith.constant 0 : index
        %get3A_957 = tpu.vector_load %arg10[%get3A_955, %get3A_956] {strides = array<i32>} : memref<800x64xi32, #tpu.memory_space<vmem>>, vector<16xi32>,
        %bitcast3A_958 = vector.bitcast %get3A_957 : vector<16xi32> to vector<32xbf16>
        %add3A_959 = arith.addf %add3A_931, %bitcast3A_958 : vector<32xbf16>
        %add3A_960 = arith.constant 3 : i32
        %add3A_961 = arith.addi %add3A_870, %add3A_960 : i32
        %get3A_962 = arith.index_cast %add3A_961 : i32 to index
        %get3A_963 = arith.constant 16 : index
        %get3A_964 = tpu.vector_load %arg10[%get3A_962, %get3A_963] {strides = array<i32>} : memref<800x64xi32, #tpu.memory_space<vmem>>, vector<16xi32>,
        %bitcast3A_965 = vector.bitcast %get3A_964 : vector<16xi32> to vector<32xbf16>
        %add3A_966 = arith.addf %add3A_938, %bitcast3A_965 : vector<32xbf16>
        %add3A_967 = arith.constant 3 : i32
        %add3A_968 = arith.addi %add3A_870, %add3A_967 : i32
        %get3A_969 = arith.index_cast %add3A_968 : i32 to index
        %get3A_970 = arith.constant 32 : index
        %get3A_971 = tpu.vector_load %arg10[%get3A_969, %get3A_970] {strides = array<i32>} : memref<800x64xi32, #tpu.memory_space<vmem>>, vector<16xi32>,
        %bitcast3A_972 = vector.bitcast %get3A_971 : vector<16xi32> to vector<32xbf16>
        %add3A_973 = arith.addf %add3A_945, %bitcast3A_972 : vector<32xbf16>
        %add3A_974 = arith.constant 3 : i32
        %add3A_975 = arith.addi %add3A_870, %add3A_974 : i32
        %get3A_976 = arith.index_cast %add3A_975 : i32 to index
        %get3A_977 = arith.constant 48 : index
        %get3A_978 = tpu.vector_load %arg10[%get3A_976, %get3A_977] {strides = array<i32>} : memref<800x64xi32, #tpu.memory_space<vmem>>, vector<16xi32>,
        %bitcast3A_979 = vector.bitcast %get3A_978 : vector<16xi32> to vector<32xbf16>
        %add3A_980 = arith.addf %add3A_952, %bitcast3A_979 : vector<32xbf16>
        %add3A_981 = arith.constant 4 : i32
        %add3A_982 = arith.addi %add3A_870, %add3A_981 : i32
        %get3A_983 = arith.index_cast %add3A_982 : i32 to index
        %get3A_984 = arith.constant 0 : index
        %get3A_985 = tpu.vector_load %arg10[%get3A_983, %get3A_984] {strides = array<i32>} : memref<800x64xi32, #tpu.memory_space<vmem>>, vector<16xi32>,
        %bitcast3A_986 = vector.bitcast %get3A_985 : vector<16xi32> to vector<32xbf16>
        %add3A_987 = arith.addf %add3A_959, %bitcast3A_986 : vector<32xbf16>
        %add3A_988 = arith.constant 4 : i32
        %add3A_989 = arith.addi %add3A_870, %add3A_988 : i32
        %get3A_990 = arith.index_cast %add3A_989 : i32 to index
        %get3A_991 = arith.constant 16 : index
        %get3A_992 = tpu.vector_load %arg10[%get3A_990, %get3A_991] {strides = array<i32>} : memref<800x64xi32, #tpu.memory_space<vmem>>, vector<16xi32>,
        %bitcast3A_993 = vector.bitcast %get3A_992 : vector<16xi32> to vector<32xbf16>
        %add3A_994 = arith.addf %add3A_966, %bitcast3A_993 : vector<32xbf16>
        %add3A_995 = arith.constant 4 : i32
        %add3A_996 = arith.addi %add3A_870, %add3A_995 : i32
        %get3A_997 = arith.index_cast %add3A_996 : i32 to index
        %get3A_998 = arith.constant 32 : index
        %get3A_999 = tpu.vector_load %arg10[%get3A_997, %get3A_998] {strides = array<i32>} : memref<800x64xi32, #tpu.memory_space<vmem>>, vector<16xi32>,
        %bitcast3A_1000 = vector.bitcast %get3A_999 : vector<16xi32> to vector<32xbf16>
        %add3A_1001 = arith.addf %add3A_973, %bitcast3A_1000 : vector<32xbf16>
        %add3A_1002 = arith.constant 4 : i32
        %add3A_1003 = arith.addi %add3A_870, %add3A_1002 : i32
        %get3A_1004 = arith.index_cast %add3A_1003 : i32 to index
        %get3A_1005 = arith.constant 48 : index
        %get3A_1006 = tpu.vector_load %arg10[%get3A_1004, %get3A_1005] {strides = array<i32>} : memref<800x64xi32, #tpu.memory_space<vmem>>, vector<16xi32>,
        %bitcast3A_1007 = vector.bitcast %get3A_1006 : vector<16xi32> to vector<32xbf16>
        %add3A_1008 = arith.addf %add3A_980, %bitcast3A_1007 : vector<32xbf16>
        %add3A_1009 = arith.constant 5 : i32
        %add3A_1010 = arith.addi %add3A_870, %add3A_1009 : i32
        %get3A_1011 = arith.index_cast %add3A_1010 : i32 to index
        %get3A_1012 = arith.constant 0 : index
        %get3A_1013 = tpu.vector_load %arg10[%get3A_1011, %get3A_1012] {strides = array<i32>} : memref<800x64xi32, #tpu.memory_space<vmem>>, vector<16xi32>,
        %bitcast3A_1014 = vector.bitcast %get3A_1013 : vector<16xi32> to vector<32xbf16>
        %add3A_1015 = arith.addf %add3A_987, %bitcast3A_1014 : vector<32xbf16>
        %add3A_1016 = arith.constant 5 : i32
        %add3A_1017 = arith.addi %add3A_870, %add3A_1016 : i32
        %get3A_1018 = arith.index_cast %add3A_1017 : i32 to index
        %get3A_1019 = arith.constant 16 : index
        %get3A_1020 = tpu.vector_load %arg10[%get3A_1018, %get3A_1019] {strides = array<i32>} : memref<800x64xi32, #tpu.memory_space<vmem>>, vector<16xi32>,
        %bitcast3A_1021 = vector.bitcast %get3A_1020 : vector<16xi32> to vector<32xbf16>
        %add3A_1022 = arith.addf %add3A_994, %bitcast3A_1021 : vector<32xbf16>
        %add3A_1023 = arith.constant 5 : i32
        %add3A_1024 = arith.addi %add3A_870, %add3A_1023 : i32
        %get3A_1025 = arith.index_cast %add3A_1024 : i32 to index
        %get3A_1026 = arith.constant 32 : index
        %get3A_1027 = tpu.vector_load %arg10[%get3A_1025, %get3A_1026] {strides = array<i32>} : memref<800x64xi32, #tpu.memory_space<vmem>>, vector<16xi32>,
        %bitcast3A_1028 = vector.bitcast %get3A_1027 : vector<16xi32> to vector<32xbf16>
        %add3A_1029 = arith.addf %add3A_1001, %bitcast3A_1028 : vector<32xbf16>
        %add3A_1030 = arith.constant 5 : i32
        %add3A_1031 = arith.addi %add3A_870, %add3A_1030 : i32
        %get3A_1032 = arith.index_cast %add3A_1031 : i32 to index
        %get3A_1033 = arith.constant 48 : index
        %get3A_1034 = tpu.vector_load %arg10[%get3A_1032, %get3A_1033] {strides = array<i32>} : memref<800x64xi32, #tpu.memory_space<vmem>>, vector<16xi32>,
        %bitcast3A_1035 = vector.bitcast %get3A_1034 : vector<16xi32> to vector<32xbf16>
        %add3A_1036 = arith.addf %add3A_1008, %bitcast3A_1035 : vector<32xbf16>
        %add3A_1037 = arith.constant 6 : i32
        %add3A_1038 = arith.addi %add3A_870, %add3A_1037 : i32
        %get3A_1039 = arith.index_cast %add3A_1038 : i32 to index
        %get3A_1040 = arith.constant 0 : index
        %get3A_1041 = tpu.vector_load %arg10[%get3A_1039, %get3A_1040] {strides = array<i32>} : memref<800x64xi32, #tpu.memory_space<vmem>>, vector<16xi32>,
        %bitcast3A_1042 = vector.bitcast %get3A_1041 : vector<16xi32> to vector<32xbf16>
        %add3A_1043 = arith.addf %add3A_1015, %bitcast3A_1042 : vector<32xbf16>
        %add3A_1044 = arith.constant 6 : i32
        %add3A_1045 = arith.addi %add3A_870, %add3A_1044 : i32
        %get3A_1046 = arith.index_cast %add3A_1045 : i32 to index
        %get3A_1047 = arith.constant 16 : index
        %get3A_1048 = tpu.vector_load %arg10[%get3A_1046, %get3A_1047] {strides = array<i32>} : memref<800x64xi32, #tpu.memory_space<vmem>>, vector<16xi32>,
        %bitcast3A_1049 = vector.bitcast %get3A_1048 : vector<16xi32> to vector<32xbf16>
        %add3A_1050 = arith.addf %add3A_1022, %bitcast3A_1049 : vector<32xbf16>
        %add3A_1051 = arith.constant 6 : i32
        %add3A_1052 = arith.addi %add3A_870, %add3A_1051 : i32
        %get3A_1053 = arith.index_cast %add3A_1052 : i32 to index
        %get3A_1054 = arith.constant 32 : index
        %get3A_1055 = tpu.vector_load %arg10[%get3A_1053, %get3A_1054] {strides = array<i32>} : memref<800x64xi32, #tpu.memory_space<vmem>>, vector<16xi32>,
        %bitcast3A_1056 = vector.bitcast %get3A_1055 : vector<16xi32> to vector<32xbf16>
        %add3A_1057 = arith.addf %add3A_1029, %bitcast3A_1056 : vector<32xbf16>
        %add3A_1058 = arith.constant 6 : i32
        %add3A_1059 = arith.addi %add3A_870, %add3A_1058 : i32
        %get3A_1060 = arith.index_cast %add3A_1059 : i32 to index
        %get3A_1061 = arith.constant 48 : index
        %get3A_1062 = tpu.vector_load %arg10[%get3A_1060, %get3A_1061] {strides = array<i32>} : memref<800x64xi32, #tpu.memory_space<vmem>>, vector<16xi32>,
        %bitcast3A_1063 = vector.bitcast %get3A_1062 : vector<16xi32> to vector<32xbf16>
        %add3A_1064 = arith.addf %add3A_1036, %bitcast3A_1063 : vector<32xbf16>
        %add3A_1065 = arith.constant 7 : i32
        %add3A_1066 = arith.addi %add3A_870, %add3A_1065 : i32
        %get3A_1067 = arith.index_cast %add3A_1066 : i32 to index
        %get3A_1068 = arith.constant 0 : index
        %get3A_1069 = tpu.vector_load %arg10[%get3A_1067, %get3A_1068] {strides = array<i32>} : memref<800x64xi32, #tpu.memory_space<vmem>>, vector<16xi32>,
        %bitcast3A_1070 = vector.bitcast %get3A_1069 : vector<16xi32> to vector<32xbf16>
        %add3A_1071 = arith.addf %add3A_1043, %bitcast3A_1070 : vector<32xbf16>
        %add3A_1072 = arith.constant 7 : i32
        %add3A_1073 = arith.addi %add3A_870, %add3A_1072 : i32
        %get3A_1074 = arith.index_cast %add3A_1073 : i32 to index
        %get3A_1075 = arith.constant 16 : index
        %get3A_1076 = tpu.vector_load %arg10[%get3A_1074, %get3A_1075] {strides = array<i32>} : memref<800x64xi32, #tpu.memory_space<vmem>>, vector<16xi32>,
        %bitcast3A_1077 = vector.bitcast %get3A_1076 : vector<16xi32> to vector<32xbf16>
        %add3A_1078 = arith.addf %add3A_1050, %bitcast3A_1077 : vector<32xbf16>
        %add3A_1079 = arith.constant 7 : i32
        %add3A_1080 = arith.addi %add3A_870, %add3A_1079 : i32
        %get3A_1081 = arith.index_cast %add3A_1080 : i32 to index
        %get3A_1082 = arith.constant 32 : index
        %get3A_1083 = tpu.vector_load %arg10[%get3A_1081, %get3A_1082] {strides = array<i32>} : memref<800x64xi32, #tpu.memory_space<vmem>>, vector<16xi32>,
        %bitcast3A_1084 = vector.bitcast %get3A_1083 : vector<16xi32> to vector<32xbf16>
        %add3A_1085 = arith.addf %add3A_1057, %bitcast3A_1084 : vector<32xbf16>
        %add3A_1086 = arith.constant 7 : i32
        %add3A_1087 = arith.addi %add3A_870, %add3A_1086 : i32
        %get3A_1088 = arith.index_cast %add3A_1087 : i32 to index
        %get3A_1089 = arith.constant 48 : index
        %get3A_1090 = tpu.vector_load %arg10[%get3A_1088, %get3A_1089] {strides = array<i32>} : memref<800x64xi32, #tpu.memory_space<vmem>>, vector<16xi32>,
        %bitcast3A_1091 = vector.bitcast %get3A_1090 : vector<16xi32> to vector<32xbf16>
        %add3A_1092 = arith.addf %add3A_1064, %bitcast3A_1091 : vector<32xbf16>
        %add3A_1093 = arith.constant 8 : i32
        %add3A_1094 = arith.addi %add3A_870, %add3A_1093 : i32
        %get3A_1095 = arith.index_cast %add3A_1094 : i32 to index
        %get3A_1096 = arith.constant 0 : index
        %get3A_1097 = tpu.vector_load %arg10[%get3A_1095, %get3A_1096] {strides = array<i32>} : memref<800x64xi32, #tpu.memory_space<vmem>>, vector<16xi32>,
        %bitcast3A_1098 = vector.bitcast %get3A_1097 : vector<16xi32> to vector<32xbf16>
        %add3A_1099 = arith.addf %add3A_1071, %bitcast3A_1098 : vector<32xbf16>
        %add3A_1100 = arith.constant 8 : i32
        %add3A_1101 = arith.addi %add3A_870, %add3A_1100 : i32
        %get3A_1102 = arith.index_cast %add3A_1101 : i32 to index
        %get3A_1103 = arith.constant 16 : index
        %get3A_1104 = tpu.vector_load %arg10[%get3A_1102, %get3A_1103] {strides = array<i32>} : memref<800x64xi32, #tpu.memory_space<vmem>>, vector<16xi32>,
        %bitcast3A_1105 = vector.bitcast %get3A_1104 : vector<16xi32> to vector<32xbf16>
        %add3A_1106 = arith.addf %add3A_1078, %bitcast3A_1105 : vector<32xbf16>
        %add3A_1107 = arith.constant 8 : i32
        %add3A_1108 = arith.addi %add3A_870, %add3A_1107 : i32
        %get3A_1109 = arith.index_cast %add3A_1108 : i32 to index
        %get3A_1110 = arith.constant 32 : index
        %get3A_1111 = tpu.vector_load %arg10[%get3A_1109, %get3A_1110] {strides = array<i32>} : memref<800x64xi32, #tpu.memory_space<vmem>>, vector<16xi32>,
        %bitcast3A_1112 = vector.bitcast %get3A_1111 : vector<16xi32> to vector<32xbf16>
        %add3A_1113 = arith.addf %add3A_1085, %bitcast3A_1112 : vector<32xbf16>
        %add3A_1114 = arith.constant 8 : i32
        %add3A_1115 = arith.addi %add3A_870, %add3A_1114 : i32
        %get3A_1116 = arith.index_cast %add3A_1115 : i32 to index
        %get3A_1117 = arith.constant 48 : index
        %get3A_1118 = tpu.vector_load %arg10[%get3A_1116, %get3A_1117] {strides = array<i32>} : memref<800x64xi32, #tpu.memory_space<vmem>>, vector<16xi32>,
        %bitcast3A_1119 = vector.bitcast %get3A_1118 : vector<16xi32> to vector<32xbf16>
        %add3A_1120 = arith.addf %add3A_1092, %bitcast3A_1119 : vector<32xbf16>
        %add3A_1121 = arith.constant 9 : i32
        %add3A_1122 = arith.addi %add3A_870, %add3A_1121 : i32
        %get3A_1123 = arith.index_cast %add3A_1122 : i32 to index
        %get3A_1124 = arith.constant 0 : index
        %get3A_1125 = tpu.vector_load %arg10[%get3A_1123, %get3A_1124] {strides = array<i32>} : memref<800x64xi32, #tpu.memory_space<vmem>>, vector<16xi32>,
        %bitcast3A_1126 = vector.bitcast %get3A_1125 : vector<16xi32> to vector<32xbf16>
        %add3A_1127 = arith.addf %add3A_1099, %bitcast3A_1126 : vector<32xbf16>
        %add3A_1128 = arith.constant 9 : i32
        %add3A_1129 = arith.addi %add3A_870, %add3A_1128 : i32
        %get3A_1130 = arith.index_cast %add3A_1129 : i32 to index
        %get3A_1131 = arith.constant 16 : index
        %get3A_1132 = tpu.vector_load %arg10[%get3A_1130, %get3A_1131] {strides = array<i32>} : memref<800x64xi32, #tpu.memory_space<vmem>>, vector<16xi32>,
        %bitcast3A_1133 = vector.bitcast %get3A_1132 : vector<16xi32> to vector<32xbf16>
        %add3A_1134 = arith.addf %add3A_1106, %bitcast3A_1133 : vector<32xbf16>
        %add3A_1135 = arith.constant 9 : i32
        %add3A_1136 = arith.addi %add3A_870, %add3A_1135 : i32
        %get3A_1137 = arith.index_cast %add3A_1136 : i32 to index
        %get3A_1138 = arith.constant 32 : index
        %get3A_1139 = tpu.vector_load %arg10[%get3A_1137, %get3A_1138] {strides = array<i32>} : memref<800x64xi32, #tpu.memory_space<vmem>>, vector<16xi32>,
        %bitcast3A_1140 = vector.bitcast %get3A_1139 : vector<16xi32> to vector<32xbf16>
        %add3A_1141 = arith.addf %add3A_1113, %bitcast3A_1140 : vector<32xbf16>
        %add3A_1142 = arith.constant 9 : i32
        %add3A_1143 = arith.addi %add3A_870, %add3A_1142 : i32
        %get3A_1144 = arith.index_cast %add3A_1143 : i32 to index
        %get3A_1145 = arith.constant 48 : index
        %get3A_1146 = tpu.vector_load %arg10[%get3A_1144, %get3A_1145] {strides = array<i32>} : memref<800x64xi32, #tpu.memory_space<vmem>>, vector<16xi32>,
        %bitcast3A_1147 = vector.bitcast %get3A_1146 : vector<16xi32> to vector<32xbf16>
        %add3A_1148 = arith.addf %add3A_1120, %bitcast3A_1147 : vector<32xbf16>
        %bitcast3A_1149 = vector.bitcast %add3A_1127 : vector<32xbf16> to vector<16xi32>
        %shift_left3A = arith.constant 16 : i32
        %shift_left3A_1150 = vector.broadcast %shift_left3A : i32 to vector<16xi32>
        %shift_left3A_1151 = arith.shli %bitcast3A_1149, %shift_left3A_1150 : vector<16xi32>
        %bitcast3A_1152 = vector.bitcast %shift_left3A_1151 : vector<16xi32> to vector<16xf32>
        %add3A_1153 = arith.addf %scan3A_851, %bitcast3A_1152 : vector<16xf32>
        %and3A_1154 = arith.constant -65536 : i32
        %and3A_1155 = vector.broadcast %and3A_1154 : i32 to vector<16xi32>
        %and3A_1156 = arith.andi %bitcast3A_1149, %and3A_1155 : vector<16xi32>
        %bitcast3A_1157 = vector.bitcast %and3A_1156 : vector<16xi32> to vector<16xf32>
        %add3A_1158 = arith.addf %scan3A_852, %bitcast3A_1157 : vector<16xf32>
        %bitcast3A_1159 = vector.bitcast %add3A_1134 : vector<32xbf16> to vector<16xi32>
        %shift_left3A_1160 = arith.constant 16 : i32
        %shift_left3A_1161 = vector.broadcast %shift_left3A_1160 : i32 to vector<16xi32>
        %shift_left3A_1162 = arith.shli %bitcast3A_1159, %shift_left3A_1161 : vector<16xi32>
        %bitcast3A_1163 = vector.bitcast %shift_left3A_1162 : vector<16xi32> to vector<16xf32>
        %add3A_1164 = arith.addf %scan3A_853, %bitcast3A_1163 : vector<16xf32>
        %and3A_1165 = arith.constant -65536 : i32
        %and3A_1166 = vector.broadcast %and3A_1165 : i32 to vector<16xi32>
        %and3A_1167 = arith.andi %bitcast3A_1159, %and3A_1166 : vector<16xi32>
        %bitcast3A_1168 = vector.bitcast %and3A_1167 : vector<16xi32> to vector<16xf32>
        %add3A_1169 = arith.addf %scan3A_854, %bitcast3A_1168 : vector<16xf32>
        %bitcast3A_1170 = vector.bitcast %add3A_1141 : vector<32xbf16> to vector<16xi32>
        %shift_left3A_1171 = arith.constant 16 : i32
        %shift_left3A_1172 = vector.broadcast %shift_left3A_1171 : i32 to vector<16xi32>
        %shift_left3A_1173 = arith.shli %bitcast3A_1170, %shift_left3A_1172 : vector<16xi32>
        %bitcast3A_1174 = vector.bitcast %shift_left3A_1173 : vector<16xi32> to vector<16xf32>
        %add3A_1175 = arith.addf %scan3A_855, %bitcast3A_1174 : vector<16xf32>
        %and3A_1176 = arith.constant -65536 : i32
        %and3A_1177 = vector.broadcast %and3A_1176 : i32 to vector<16xi32>
        %and3A_1178 = arith.andi %bitcast3A_1170, %and3A_1177 : vector<16xi32>
        %bitcast3A_1179 = vector.bitcast %and3A_1178 : vector<16xi32> to vector<16xf32>
        %add3A_1180 = arith.addf %scan3A_856, %bitcast3A_1179 : vector<16xf32>
        %bitcast3A_1181 = vector.bitcast %add3A_1148 : vector<32xbf16> to vector<16xi32>
        %shift_left3A_1182 = arith.constant 16 : i32
        %shift_left3A_1183 = vector.broadcast %shift_left3A_1182 : i32 to vector<16xi32>
        %shift_left3A_1184 = arith.shli %bitcast3A_1181, %shift_left3A_1183 : vector<16xi32>
        %bitcast3A_1185 = vector.bitcast %shift_left3A_1184 : vector<16xi32> to vector<16xf32>
        %add3A_1186 = arith.addf %scan3A_857, %bitcast3A_1185 : vector<16xf32>
        %and3A_1187 = arith.constant -65536 : i32
        %and3A_1188 = vector.broadcast %and3A_1187 : i32 to vector<16xi32>
        %and3A_1189 = arith.andi %bitcast3A_1181, %and3A_1188 : vector<16xi32>
        %bitcast3A_1190 = vector.bitcast %and3A_1189 : vector<16xi32> to vector<16xf32>
        %add3A_1191 = arith.addf %scan3A_858, %bitcast3A_1190 : vector<16xf32>
        scf.yield %add3A_1153, %add3A_1158, %add3A_1164, %add3A_1169, %add3A_1175, %add3A_1180, %add3A_1186, %add3A_1191 : vector<16xf32>, vector<16xf32>, vector<16xf32>, vector<16xf32>, vector<16xf32>, vector<16xf32>, vector<16xf32>, vector<16xf32>
      }
      %scan3A_787 = arith.constant 20 : i32
      %add3A_788 = arith.constant 3 : i32
      %add3A_789 = arith.addi %mul3A_579, %add3A_788 : i32
      %swap3A_790 = arith.index_cast %add3A_789 : i32 to index
      %swap3A_791 = arith.constant 0 : index
      %swap3A_792 = tpu.vector_load %arg11[%swap3A_790, %swap3A_791] {strides = array<i32>} : memref<64x128xf32, #tpu.memory_space<vmem>>, vector<16xf32>,
      tpu.vector_store %arg11[%swap3A_790, %swap3A_791], %scan3A_786#0 {strides = array<i32>} : memref<64x128xf32, #tpu.memory_space<vmem>>, vector<16xf32>,
      %add3A_793 = arith.constant 3 : i32
      %add3A_794 = arith.addi %mul3A_579, %add3A_793 : i32
      %swap3A_795 = arith.index_cast %add3A_794 : i32 to index
      %swap3A_796 = arith.constant 16 : index
      %swap3A_797 = tpu.vector_load %arg11[%swap3A_795, %swap3A_796] {strides = array<i32>} : memref<64x128xf32, #tpu.memory_space<vmem>>, vector<16xf32>,
      tpu.vector_store %arg11[%swap3A_795, %swap3A_796], %scan3A_786#1 {strides = array<i32>} : memref<64x128xf32, #tpu.memory_space<vmem>>, vector<16xf32>,
      %add3A_798 = arith.constant 3 : i32
      %add3A_799 = arith.addi %mul3A_579, %add3A_798 : i32
      %swap3A_800 = arith.index_cast %add3A_799 : i32 to index
      %swap3A_801 = arith.constant 32 : index
      %swap3A_802 = tpu.vector_load %arg11[%swap3A_800, %swap3A_801] {strides = array<i32>} : memref<64x128xf32, #tpu.memory_space<vmem>>, vector<16xf32>,
      tpu.vector_store %arg11[%swap3A_800, %swap3A_801], %scan3A_786#2 {strides = array<i32>} : memref<64x128xf32, #tpu.memory_space<vmem>>, vector<16xf32>,
      %add3A_803 = arith.constant 3 : i32
      %add3A_804 = arith.addi %mul3A_579, %add3A_803 : i32
      %swap3A_805 = arith.index_cast %add3A_804 : i32 to index
      %swap3A_806 = arith.constant 48 : index
      %swap3A_807 = tpu.vector_load %arg11[%swap3A_805, %swap3A_806] {strides = array<i32>} : memref<64x128xf32, #tpu.memory_space<vmem>>, vector<16xf32>,
      tpu.vector_store %arg11[%swap3A_805, %swap3A_806], %scan3A_786#3 {strides = array<i32>} : memref<64x128xf32, #tpu.memory_space<vmem>>, vector<16xf32>,
      %add3A_808 = arith.constant 3 : i32
      %add3A_809 = arith.addi %mul3A_579, %add3A_808 : i32
      %swap3A_810 = arith.index_cast %add3A_809 : i32 to index
      %swap3A_811 = arith.constant 64 : index
      %swap3A_812 = tpu.vector_load %arg11[%swap3A_810, %swap3A_811] {strides = array<i32>} : memref<64x128xf32, #tpu.memory_space<vmem>>, vector<16xf32>,
      tpu.vector_store %arg11[%swap3A_810, %swap3A_811], %scan3A_786#4 {strides = array<i32>} : memref<64x128xf32, #tpu.memory_space<vmem>>, vector<16xf32>,
      %add3A_813 = arith.constant 3 : i32
      %add3A_814 = arith.addi %mul3A_579, %add3A_813 : i32
      %swap3A_815 = arith.index_cast %add3A_814 : i32 to index
      %swap3A_816 = arith.constant 80 : index
      %swap3A_817 = tpu.vector_load %arg11[%swap3A_815, %swap3A_816] {strides = array<i32>} : memref<64x128xf32, #tpu.memory_space<vmem>>, vector<16xf32>,
      tpu.vector_store %arg11[%swap3A_815, %swap3A_816], %scan3A_786#5 {strides = array<i32>} : memref<64x128xf32, #tpu.memory_space<vmem>>, vector<16xf32>,
      %add3A_818 = arith.constant 3 : i32
      %add3A_819 = arith.addi %mul3A_579, %add3A_818 : i32
      %swap3A_820 = arith.index_cast %add3A_819 : i32 to index
      %swap3A_821 = arith.constant 96 : index
      %swap3A_822 = tpu.vector_load %arg11[%swap3A_820, %swap3A_821] {strides = array<i32>} : memref<64x128xf32, #tpu.memory_space<vmem>>, vector<16xf32>,
      tpu.vector_store %arg11[%swap3A_820, %swap3A_821], %scan3A_786#6 {strides = array<i32>} : memref<64x128xf32, #tpu.memory_space<vmem>>, vector<16xf32>,
      %add3A_823 = arith.constant 3 : i32
      %add3A_824 = arith.addi %mul3A_579, %add3A_823 : i32
      %swap3A_825 = arith.index_cast %add3A_824 : i32 to index
      %swap3A_826 = arith.constant 112 : index
      %swap3A_827 = tpu.vector_load %arg11[%swap3A_825, %swap3A_826] {strides = array<i32>} : memref<64x128xf32, #tpu.memory_space<vmem>>, vector<16xf32>,
      tpu.vector_store %arg11[%swap3A_825, %swap3A_826], %scan3A_786#7 {strides = array<i32>} : memref<64x128xf32, #tpu.memory_space<vmem>>, vector<16xf32>,
      %jit3A_828 = arith.constant 8 : i32
      %eq3A_829 = arith.constant 0 : i32
      %eq3A_830 = arith.cmpi eq, %jit3A_828, %eq3A_829 : i32
      %jit3A_831 = arith.constant 1 : i32
      %select_n3A_832 = arith.select %eq3A_830, %jit3A_831, %jit3A_828 : i32
      %rem3A_833 = arith.remsi %scan3A_117, %select_n3A_832 : i32
      %ne3A_834 = arith.constant 0 : i32
      %ne3A_835 = arith.cmpi ne, %rem3A_833, %ne3A_834 : i32
      %lt3A_836 = arith.constant 0 : i32
      %lt3A_837 = arith.cmpi slt, %rem3A_833, %lt3A_836 : i32
      %lt3A_838 = arith.constant 0 : i32
      %lt3A_839 = arith.cmpi slt, %select_n3A_832, %lt3A_838 : i32
      %ne3A_840 = arith.xori %lt3A_837, %lt3A_839 : i1
      %and3A_841 = arith.andi %ne3A_840, %ne3A_835 : i1
      %add3A_842 = arith.addi %rem3A_833, %select_n3A_832 : i32
      %select_n3A_843 = arith.select %and3A_841, %add3A_842, %rem3A_833 : i32
      %eq3A_844 = arith.constant 7 : i32
      %eq3A_845 = arith.cmpi eq, %select_n3A_843, %eq3A_844 : i32
      %convert_element_type3A_846 = arith.extui %eq3A_845 : i1 to i32
      %cond3A_847 = arith.constant 0 : i32
      %cond3A_848 = arith.cmpi ne, %convert_element_type3A_846, %cond3A_847 : i32
      scf.if %cond3A_848 {
        %jit3A_850 = arith.constant 8 : i32
        %div3A = arith.divsi %scan3A_117, %jit3A_850 : i32
        %sign3A = arith.constant 0 : i32
        %sign3A_851 = arith.cmpi sgt, %scan3A_117, %sign3A : i32
        %sign3A_852 = arith.extui %sign3A_851 : i1 to i32
        %sign3A_853 = arith.constant 0 : i32
        %sign3A_854 = arith.cmpi slt, %scan3A_117, %sign3A_853 : i32
        %sign3A_855 = arith.extui %sign3A_854 : i1 to i32
        %sign3A_856 = arith.subi %sign3A_852, %sign3A_855 : i32
        %sign3A_857 = arith.constant 0 : i32
        %sign3A_858 = arith.cmpi sgt, %jit3A_850, %sign3A_857 : i32
        %sign3A_859 = arith.extui %sign3A_858 : i1 to i32
        %sign3A_860 = arith.constant 0 : i32
        %sign3A_861 = arith.cmpi slt, %jit3A_850, %sign3A_860 : i32
        %sign3A_862 = arith.extui %sign3A_861 : i1 to i32
        %sign3A_863 = arith.subi %sign3A_859, %sign3A_862 : i32
        %ne3A_864 = arith.cmpi ne, %sign3A_856, %sign3A_863 : i32
        %rem3A_865 = arith.remsi %scan3A_117, %jit3A_850 : i32
        %ne3A_866 = arith.constant 0 : i32
        %ne3A_867 = arith.cmpi ne, %rem3A_865, %ne3A_866 : i32
        %and3A_868 = arith.andi %ne3A_864, %ne3A_867 : i1
        %sub3A = arith.constant 1 : i32
        %sub3A_869 = arith.subi %div3A, %sub3A : i32
        %select_n3A_870 = arith.select %and3A_868, %sub3A_869, %div3A : i32
        %mul3A_871 = arith.constant 64 : i32
        %mul3A_872 = arith.muli %select_n3A_870, %mul3A_871 : i32
        %add3A_873 = arith.addi %mul3A_2, %mul3A_872 : i32
        "tpu.region"() ({
          %run_scoped3A = tpu.sem_alloc : memref<!tpu.dma_semaphore, #tpu.memory_space<semaphore_mem>>
          %dma_start3A_874 = arith.constant 0 : i32
          %dma_start3A_875 = tpu.memref_slice %arg4[%add3A_873, %dma_start3A_874] : memref<16384x128xf32, #tpu.memory_space<hbm>> -> memref<64x128xf32, #tpu.memory_space<hbm>>
          %dma_start3A_876 = arith.constant 0 : i32
          %dma_start3A_877 = tpu.memref_slice %arg4[%add3A_873, %dma_start3A_876] : memref<16384x128xf32, #tpu.memory_space<hbm>> -> memref<64x128xf32, #tpu.memory_space<hbm>>
          tpu.enqueue_dma source(%arg11 : memref<64x128xf32, #tpu.memory_space<vmem>>) target(%dma_start3A_877 : memref<64x128xf32, #tpu.memory_space<hbm>>) target_semaphore(%run_scoped3A : memref<!tpu.dma_semaphore, #tpu.memory_space<semaphore_mem>>)
          %dma_wait3A_878 = arith.constant 0 : i32
          %dma_wait3A_879 = tpu.memref_slice %arg4[%add3A_873, %dma_wait3A_878] : memref<16384x128xf32, #tpu.memory_space<hbm>> -> memref<64x128xf32, #tpu.memory_space<hbm>>
          %dma_wait3A_880 = arith.constant 0 : i32
          %dma_wait3A_881 = tpu.memref_slice %arg4[%add3A_873, %dma_wait3A_880] : memref<16384x128xf32, #tpu.memory_space<hbm>> -> memref<64x128xf32, #tpu.memory_space<hbm>>
          tpu.wait_dma2 semaphore(%run_scoped3A : memref<!tpu.dma_semaphore, #tpu.memory_space<semaphore_mem>>) src(%arg11 : memref<64x128xf32, #tpu.memory_space<vmem>>) dst(%dma_wait3A_881 : memref<64x128xf32, #tpu.memory_space<hbm>>)
          tpu.yield
        }) : () -> ()
      } else {
      }
      %scan3A_849 = arith.constant 0 : i32
      scf.yield %scan3A_849 : i32
    }
    %scan3A_116 = arith.constant 64 : i32
    return
  }
}

module attributes {stable_mosaic.version = 14 : i64} {
  func.func @_pack_body(%arg0: i32, %arg1: memref<1000x100xf32, #tpu.memory_space<vmem>>, %arg2: memref<1000x64xi32, #tpu.memory_space<vmem>>) attributes {dimension_semantics = [#tpu.dimension_semantics<arbitrary>], iteration_bounds = array<i64: 10>, scalar_prefetch = 0 : i64, scratch_operands = 0 : i64, tpu.core_type = #tpu.core_type<tc>, window_params = [{transform_indices = @transform_0, window_bounds = array<i64: 1000, 100>}, {transform_indices = @transform_1, window_bounds = array<i64: 1000, 64>}]} {
    %get3A = arith.constant 0 : index
    %get3A_0 = arith.constant 0 : index
    %get3A_1 = vector.load %arg1[%get3A, %get3A_0] : memref<1000x100xf32, #tpu.memory_space<vmem>>, vector<1000x100xf32>
    %bitcast_convert_type3A = tpu.bitcast %get3A_1 : vector<1000x100xf32> -> vector<1000x100xi32>
    %slice3A = vector.extract_strided_slice %bitcast_convert_type3A {offsets = [0, 0], sizes = [1000, 64], strides = [1, 1]} : vector<1000x100xi32> to vector<1000x64xi32>
    %slice3A_2 = vector.extract_strided_slice %bitcast_convert_type3A {offsets = [0, 64], sizes = [1000, 36], strides = [1, 1]} : vector<1000x100xi32> to vector<1000x36xi32>
    %jit3A = arith.constant 0 : i32
    %pad3A = vector.broadcast %jit3A : i32 to vector<1000x28xi32>
    %pad3A_3 = tpu.concatenate %slice3A_2, %pad3A in 1 : vector<1000x36xi32>, vector<1000x28xi32> -> vector<1000x64xi32>
    %add3A = arith.constant 32767 : i32
    %add3A_4 = vector.broadcast %add3A : i32 to vector<1000x64xi32>
    %add3A_5 = arith.addi %slice3A, %add3A_4 : vector<1000x64xi32>
    %shift_right_logical3A = arith.constant 16 : i32
    %shift_right_logical3A_6 = vector.broadcast %shift_right_logical3A : i32 to vector<1000x64xi32>
    %shift_right_logical3A_7 = arith.shrui %slice3A, %shift_right_logical3A_6 : vector<1000x64xi32>
    %and3A = arith.constant 1 : i32
    %and3A_8 = vector.broadcast %and3A : i32 to vector<1000x64xi32>
    %and3A_9 = arith.andi %shift_right_logical3A_7, %and3A_8 : vector<1000x64xi32>
    %add3A_10 = arith.addi %add3A_5, %and3A_9 : vector<1000x64xi32>
    %shift_right_logical3A_11 = arith.constant 16 : i32
    %shift_right_logical3A_12 = vector.broadcast %shift_right_logical3A_11 : i32 to vector<1000x64xi32>
    %shift_right_logical3A_13 = arith.shrui %add3A_10, %shift_right_logical3A_12 : vector<1000x64xi32>
    %add3A_14 = arith.constant 32767 : i32
    %add3A_15 = vector.broadcast %add3A_14 : i32 to vector<1000x64xi32>
    %add3A_16 = arith.addi %pad3A_3, %add3A_15 : vector<1000x64xi32>
    %shift_right_logical3A_17 = arith.constant 16 : i32
    %shift_right_logical3A_18 = vector.broadcast %shift_right_logical3A_17 : i32 to vector<1000x64xi32>
    %shift_right_logical3A_19 = arith.shrui %pad3A_3, %shift_right_logical3A_18 : vector<1000x64xi32>
    %and3A_20 = arith.constant 1 : i32
    %and3A_21 = vector.broadcast %and3A_20 : i32 to vector<1000x64xi32>
    %and3A_22 = arith.andi %shift_right_logical3A_19, %and3A_21 : vector<1000x64xi32>
    %add3A_23 = arith.addi %add3A_16, %and3A_22 : vector<1000x64xi32>
    %shift_right_logical3A_24 = arith.constant 16 : i32
    %shift_right_logical3A_25 = vector.broadcast %shift_right_logical3A_24 : i32 to vector<1000x64xi32>
    %shift_right_logical3A_26 = arith.shrui %add3A_23, %shift_right_logical3A_25 : vector<1000x64xi32>
    %shift_left3A = arith.constant 16 : i32
    %shift_left3A_27 = vector.broadcast %shift_left3A : i32 to vector<1000x64xi32>
    %shift_left3A_28 = arith.shli %shift_right_logical3A_26, %shift_left3A_27 : vector<1000x64xi32>
    %or3A = arith.ori %shift_right_logical3A_13, %shift_left3A_28 : vector<1000x64xi32>
    %bitcast_convert_type3A_29 = tpu.bitcast %or3A : vector<1000x64xi32> -> vector<1000x64xi32>
    %swap3A = arith.constant 0 : index
    %swap3A_30 = arith.constant 0 : index
    %swap3A_31 = vector.load %arg2[%swap3A, %swap3A_30] : memref<1000x64xi32, #tpu.memory_space<vmem>>, vector<1000x64xi32>
    tpu.vector_store %arg2[%swap3A, %swap3A_30], %bitcast_convert_type3A_29 {strides = array<i32>} : memref<1000x64xi32, #tpu.memory_space<vmem>>, vector<1000x64xi32>,
    return
  }
  func.func @transform_0(%arg0: i32) -> (i32, i32) {
    %c0_i32 = arith.constant 0 : i32
    %c0_i32_0 = arith.constant 0 : i32
    return %arg0, %c0_i32 : i32, i32
  }
  func.func @transform_1(%arg0: i32) -> (i32, i32) {
    %c0_i32 = arith.constant 0 : i32
    %c0_i32_0 = arith.constant 0 : i32
    return %arg0, %c0_i32 : i32, i32
  }
}

module attributes {stable_mosaic.version = 14 : i64} {
  func.func @_mm_body(%arg0: i32, %arg1: memref<1024x128xf32, #tpu.memory_space<vmem>>, %arg2: memref<128x256xf32, #tpu.memory_space<vmem>>, %arg3: memref<1x256xf32, #tpu.memory_space<vmem>>, %arg4: memref<1024x256xf32, #tpu.memory_space<vmem>>) attributes {dimension_semantics = [#tpu.dimension_semantics<arbitrary>], iteration_bounds = array<i64: 16>, scalar_prefetch = 0 : i64, scratch_operands = 0 : i64, tpu.core_type = #tpu.core_type<tc>, window_params = [{transform_indices = @transform_0, window_bounds = array<i64: 1024, 128>}, {pipeline_mode = #tpu.pipeline_mode<synchronous>, transform_indices = @transform_1, window_bounds = array<i64: 128, 256>}, {pipeline_mode = #tpu.pipeline_mode<synchronous>, transform_indices = @transform_2, window_bounds = array<i64: 1, 256>}, {transform_indices = @transform_3, window_bounds = array<i64: 1024, 256>}]} {
    %get3A = arith.constant 0 : index
    %get3A_0 = arith.constant 0 : index
    %get3A_1 = vector.load %arg1[%get3A, %get3A_0] : memref<1024x128xf32, #tpu.memory_space<vmem>>, vector<1024x128xf32>
    %get3A_2 = arith.constant 0 : index
    %get3A_3 = arith.constant 0 : index
    %get3A_4 = vector.load %arg2[%get3A_2, %get3A_3] : memref<128x256xf32, #tpu.memory_space<vmem>>, vector<128x256xf32>
    %dot_general3A = arith.constant dense<0.000000e+00> : vector<1024x256xf32>
    %dot_general3A_5 = tpu.matmul %get3A_1, %get3A_4, %dot_general3A {dimension_numbers = #tpu.dot_dimension_numbers<[1], [0], [0], [1], [0, 0, 1, 1], [], []>, transpose_lhs_hint = false} : vector<1024x128xf32>, vector<128x256xf32>, vector<1024x256xf32> -> vector<1024x256xf32>
    %get3A_6 = arith.constant 0 : index
    %get3A_7 = arith.constant 0 : index
    %get3A_8 = vector.load %arg3[%get3A_6, %get3A_7] : memref<1x256xf32, #tpu.memory_space<vmem>>, vector<1x256xf32>
    %add3A = vector.broadcast %get3A_8 : vector<1x256xf32> to vector<1024x256xf32>
    %add3A_9 = arith.addf %dot_general3A_5, %add3A : vector<1024x256xf32>
    %max3A = arith.constant 0.000000e+00 : f32
    %max3A_10 = vector.broadcast %max3A : f32 to vector<1024x256xf32>
    %max3A_11 = arith.maximumf %add3A_9, %max3A_10 : vector<1024x256xf32>
    %swap3A = arith.constant 0 : index
    %swap3A_12 = arith.constant 0 : index
    %swap3A_13 = vector.load %arg4[%swap3A, %swap3A_12] : memref<1024x256xf32, #tpu.memory_space<vmem>>, vector<1024x256xf32>
    tpu.vector_store %arg4[%swap3A, %swap3A_12], %max3A_11 {strides = array<i32>} : memref<1024x256xf32, #tpu.memory_space<vmem>>, vector<1024x256xf32>,
    return
  }
  func.func @transform_0(%arg0: i32) -> (i32, i32) {
    %c0_i32 = arith.constant 0 : i32
    %c0_i32_0 = arith.constant 0 : i32
    return %arg0, %c0_i32 : i32, i32
  }
  func.func @transform_1(%arg0: i32) -> (i32, i32) {
    %c0_i32 = arith.constant 0 : i32
    %c0_i32_0 = arith.constant 0 : i32
    %c0_i32_1 = arith.constant 0 : i32
    return %c0_i32, %c0_i32_0 : i32, i32
  }
  func.func @transform_2(%arg0: i32) -> (i32, i32) {
    %c0_i32 = arith.constant 0 : i32
    %c0_i32_0 = arith.constant 0 : i32
    %c0_i32_1 = arith.constant 0 : i32
    return %c0_i32, %c0_i32_0 : i32, i32
  }
  func.func @transform_3(%arg0: i32) -> (i32, i32) {
    %c0_i32 = arith.constant 0 : i32
    %c0_i32_0 = arith.constant 0 : i32
    return %arg0, %c0_i32 : i32, i32
  }
}

</mosaic_0001>

<sc_bundles>
// kernel: kernel.5.cloned.1.call-start
scs
__scs_entry_jumppad:
0x0: {  	(pc) =	sbr.rel $0x88, $3  }
0x1: {  	(tag) =	ssettag $0x0;
	lr =	simm.s32 $0x1  }
0x2: {  	[smem:$0x3F9D] =	sst lr;
	_ =	strace $0xD0000000  }
0x3: {  	_ = 	snop  }
0x4: {  	_ = 	snop  }
0x5: {  	_ = 	snop  }
0x6: {  	_ = 	snop  }
0x7: {  	_ = 	snop  }
__scs_overlays_trampoline_lowered:
0x8: {  	[smem:$0x3FAC] =	sst s0  }
0x9: {  	[smem:$0x3FAD] =	sst s1  }
0xa: {  	[smem:$0x3FAE] =	sst s2  }
0xb: {  	[smem:$0x3FAF] =	sst s3  }
0xc: {  	[smem:$0x3FB0] =	sst s4  }
0xd: {  	[smem:$0x3FB1] =	sst s5  }
0xe: {  	[smem:$0x3FB2] =	sst s6  }
0xf: {  	[smem:$0x3FB3] =	sst s7  }
0x10: {  	[smem:$0x3FB4] =	sst s8  }
0x11: {  	[smem:$0x3FB5] =	sst s9;
	s0 =	simm.s32 @!p0 $0x0  }
0x12: {  	s1 =	sld [smem:$0x3F9B];
	s0 =	simm.s32 @p0 $0x1  }
0x13: {  	[smem:$0x3FB6] =	sst s0;
	s0 =	simm.s32 @!p1 $0x0  }
0x14: {  	s2 =	sld [smem:$0x3F9A];
	s0 =	simm.s32 @p1 $0x1  }
0x15: {  	[smem:$0x3FB7] =	sst s0;
	s0 =	simm.s32 @!p2 $0x0  }
0x16: {  	s3 =	sld [smem:$0x3FDB];
	s0 =	simm.s32 @p2 $0x1  }
0x17: {  	s4 =	simm.s32 $0x1BF5;
	[smem:$0x3FB9] =	sst s0  }
0x18: {  	s0 =	sld [smem:$0x3F9C];
	_ =	swait.ge [sflag:s4], $0x0  }
0x19: {  	s7 =	sld [smem:$0x3F9D]  }
0x1a: {  	s8 =	sadd.s32 $0xFFFFE003, lr  }
0x1b: {  	s9 =	sadd.s32 $0xFFFFFEF7, lr;
	s5 =	simm.s32 $0xFFFFFFFF;
	p2 =	slt.u32 s8, $0xFFFFF086  }
0x1c: {  	p1 =	slt.u32 s9, $0xF7A;
	s5 =	simm.s32 @!p2 $0x0  }
0x1d: {  	s5 =	simm.s32 @p1 $0x1;
	p0 =	seq.s32 s7, s2  }
0x1e: {  	s7 =	smul.u32 @!p0 $0xF7A, s2;
	p2 =	seq.s32 @!p0 s5, $0x0  }
0x1f: {  	s9 =	smul.u32 $0xF7A, s1;
	s8 =	simm.s32 @!p0 $0x1BF5;
	p2 =	por !p2, p0  }
0x20: {  	[sflag:s8] =	ssyncset.s32 @!p0 $0xFFFFF086;
	s6 =	sadd.s32 @!p0 s3, s7;
	s7 =	simm.s32 @!p0 $0x108  }
0x21: {  	s3 =	sadd.s32 s3, s9;
	s6 =	sadd.s32 @!p0 $0x88, s6;
	s7 =	simm.s32 @p2 $0x1082  }
0x22: {  	[simem:s7], [sflag:s8] =	dma.local @!p0 [hbm:s6], $0xF7A  }
0x23: {  	s9 =	sor.u32 $0xD0000000, s2;
	s6 =	simm.s32 $0x108;
	_ =	swait.ge @!p0 [sflag:s8], $0x0  }
0x24: {  	s3 =	sadd.s32 $0x88, s3;
	s6 =	simm.s32 @!p1 $0x1082;
	[sflag:s4] =	ssyncset.s32 $0xFFFFF086  }
0x25: {  	[simem:s6], [sflag:s4] =	dma.local [hbm:s3], $0xF7A  }
0x26: {  	[smem:$0x3F9D] =	sst s1;
	(tag) =	ssettag s2;
	_ =	strace s9  }
0x27: {  	s1 =	sld [smem:$0x3FAD]  }
0x28: {  	s2 =	sld [smem:$0x3FAE]  }
0x29: {  	s4 =	sld [smem:$0x3FB0]  }
0x2a: {  	p0 =	seq.s32 s5, $0x0;
	s5 =	sld [smem:$0x3FB1]  }
0x2b: {  	s6 =	sld [smem:$0x3FB2]  }
0x2c: {  	s7 =	sld [smem:$0x3FB3]  }
0x2d: {  	s3 =	simm.s32 $0x108;
	s8 =	sld [smem:$0x3FB4]  }
0x2e: {  	s3 =	simm.s32 @!p0 $0x1082;
	s9 =	sld [smem:$0x3FB5]  }
0x2f: {  	lr =	sadd.s32 s0, s3;
	s0 =	sld [smem:$0x3FAC]  }
0x30: {  	s3 =	sld [smem:$0x3FAF]  }
0x31: {  	[smem:$0x3FB8] =	sst s10  }
0x32: {  	s10 =	sld [smem:$0x3FB6];
	_ =	sdelay $0x3  }
0x33: {  	p0 =	seq.s32 s10, $0x1;
	s10 =	sld [smem:$0x3FB8];
	_ =	sdelay $0x3  }
0x34: {  	[smem:$0x3FB8] =	sst s10  }
0x35: {  	s10 =	sld [smem:$0x3FB7];
	_ =	sdelay $0x3  }
0x36: {  	p1 =	seq.s32 s10, $0x1;
	s10 =	sld [smem:$0x3FB8];
	_ =	sdelay $0x3  }
0x37: {  	[smem:$0x3FB8] =	sst s10  }
0x38: {  	s10 =	sld [smem:$0x3FB9]  }
0x39: {  	_ = 	snop;
	(pc) =	sbr.ind lr, $3  }
0x3a: {  	_ = 	snop  }
0x3b: {  	_ = 	snop  }
0x3c: {  	p2 =	seq.s32 s10, $0x1;
	s10 =	sld [smem:$0x3FB8]  }
0x3d: {  	_ =	shalt  }
0x3e: {  	_ =	shalt  }
0x3f: {  	_ =	shalt  }
0x40: {  	_ =	shalt  }
0x41: {  	_ =	shalt  }
0x42: {  	_ =	shalt  }
0x43: {  	_ =	shalt  }
0x44: {  	_ =	shalt  }
0x45: {  	_ =	shalt  }
0x46: {  	_ =	shalt  }
0x47: {  	_ =	shalt  }
0x48: {  	_ =	shalt  }
0x49: {  	_ =	shalt  }
0x4a: {  	_ =	shalt  }
0x4b: {  	_ =	shalt  }
0x4c: {  	_ =	shalt  }
0x4d: {  	_ =	shalt  }
0x4e: {  	_ =	shalt  }
0x4f: {  	_ =	shalt  }
0x50: {  	_ =	shalt  }
0x51: {  	_ =	shalt  }
0x52: {  	_ =	shalt  }
0x53: {  	_ =	shalt  }
0x54: {  	_ =	shalt  }
0x55: {  	_ =	shalt  }
0x56: {  	_ =	shalt  }
0x57: {  	_ =	shalt  }
0x58: {  	_ =	shalt  }
0x59: {  	_ =	shalt  }
0x5a: {  	_ =	shalt  }
0x5b: {  	_ =	shalt  }
0x5c: {  	_ =	shalt  }
0x5d: {  	_ =	shalt  }
0x5e: {  	_ =	shalt  }
0x5f: {  	_ =	shalt  }
0x60: {  	_ =	shalt  }
0x61: {  	_ =	shalt  }
0x62: {  	_ =	shalt  }
0x63: {  	_ =	shalt  }
0x64: {  	_ =	shalt  }
0x65: {  	_ =	shalt  }
0x66: {  	_ =	shalt  }
0x67: {  	_ =	shalt  }
0x68: {  	_ =	shalt  }
0x69: {  	_ =	shalt  }
0x6a: {  	_ =	shalt  }
0x6b: {  	_ =	shalt  }
0x6c: {  	_ =	shalt  }
0x6d: {  	_ =	shalt  }
0x6e: {  	_ =	shalt  }
0x6f: {  	_ =	shalt  }
0x70: {  	_ =	shalt  }
0x71: {  	_ =	shalt  }
0x72: {  	_ =	shalt  }
0x73: {  	_ =	shalt  }
0x74: {  	_ =	shalt  }
0x75: {  	_ =	shalt  }
0x76: {  	_ =	shalt  }
0x77: {  	_ =	shalt  }
0x78: {  	_ =	shalt  }
0x79: {  	_ =	shalt  }
0x7a: {  	_ =	shalt  }
0x7b: {  	_ =	shalt  }
0x7c: {  	_ =	shalt  }
0x7d: {  	_ =	shalt  }
0x7e: {  	_ =	shalt  }
0x7f: {  	_ =	shalt  }
0x80: {  	_ =	shalt  }
0x81: {  	_ =	shalt  }
0x82: {  	_ =	shalt  }
0x83: {  	_ =	shalt  }
0x84: {  	_ =	shalt  }
0x85: {  	_ =	shalt  }
0x86: {  	_ =	shalt  }
0x87: {  	_ =	shalt  }
.Lfunc_end0:
.L_simem_size_0:
called_computation_lowered:
.L_overlay_start_0:
0x88: {  	s2 =	sld [smem:$0x3FD9]  }
0x89: {  	s3 =	sld [smem:$0x3FFE];
	_ =	sdelay $0x1  }
0x8a: {  	s1 =	srdreg.scid  }
0x8b: {  	s0 =	sand.u32 $0x1, s1  }
0x8c: {  	s17 =	sshll.u32 s0, $0xA;
	s2 =	sadd.s32 s3, s2  }
0x8d: {  	s2 =	sadd.s32 s2, s17  }
0x8e: {  	[smem:$0x3FC4] =	sst s2  }
0x8f: {  	_ = 	snop  }
0x90: {  	s2 =	sld [smem:$0x3FD0];
	(tm) =	ssettm $0x1  }
0x91: {  	s18 =	sld [smem:$0x3FFB];
	_ =	sdelay $0x3  }
0x92: {  	_ =	strace s18  }
0x93: {  	s3 =	sld [smem:$0x3FFC];
	_ =	sdelay $0x3  }
0x94: {  	_ =	strace s3  }
0x95: {  	s3 =	sld [smem:$0x3FFD];
	_ =	sdelay $0x3  }
0x96: {  	_ =	strace s3  }
0x97: {  	_ =	strace $0x8FFFFFFF  }
0x98: {  	s19 =	sld [smem:$0x3FDB];
	_ =	sdelay $0x1  }
0x99: {  	s4 =	simm.s32 $_scs_section_size  }
0x9a: {  	s5 =	simm.s32 $_size__tile_overlayer_lowered;
	s6 =	simm.s32 $_tile_overlayer_lowered  }
0x9b: {  	s22 =	simm.s32 $0x1BFF;
	s21 =	sshll.u32 s6, $0x1;
	s3 =	sadd.s32 s4, s19  }
0x9c: {  	s7 =	simm.s32 $0x0;
	s20 =	sshll.u32 s5, $0x1;
	s5 =	sadd.s32 s21, s3  }
0x9d: {  	[timem:s7], [sflag:s22] =	dma.local [hbm:s5], s20  }
0x9e: {  	_ =	swait.ge [sflag:s22], s20  }
0x9f: {  	s4 =	ssub.s32 $0x0, s20;
	[sflag:s22] =	ssyncset.done $0x0  }
0xa0: {  	[sflag:s22] =	ssyncadd.s32 s4;
	_ =	sdelay $0x1  }
0xa1: {  	s23 =	simm.s32 $0x1B8B  }
0xa2: {  	_ =	swait.ge [sflag:s23], $0x1  }
0xa3: {  	[sflag:s23] =	ssyncset.done $0x0  }
0xa4: {  	s25 =	simm.s32 $0x1B8E;
	s24 =	sld [smem:$0x3FFE];
	[sflag:s23] =	ssyncadd.s32 $0xFFFFFFFF  }
0xa5: {  	s26 =	simm.s32 $execute0_lowered;
	[smem:$0x3FD2] =	sst s25  }
0xa6: {  	s5 =	sshll.u32 s26, $0x1;
	_ =	strace $0x80000046;
	[dreg:$0x1] =	wrdreg $0xFFFFFFFF  }
0xa7: {  	s28 =	simm.s32 $_size_execute0_lowered;
	s3 =	sadd.s32 s3, s5;
	[dreg:$0x0] =	wrdreg $0x0  }
0xa8: {  	s5 =	sshll.u32 s28, $0x1;
	[dreg:$0x2] =	wrdreg s3  }
0xa9: {  	[dreg:$0x3] =	wrdreg s5  }
0xaa: {  	[dreg:$0x4] =	wrdreg $0xC0  }
0xab: {  	_ =	task [dreg:s7], $0x5FFFF  }
0xac: {  	[dreg:$0x1] =	wrdreg $0xFFFFFFFF  }
0xad: {  	[dreg:$0x0] =	wrdreg $0x60  }
0xae: {  	[dreg:$0x2] =	wrdreg s2  }
0xaf: {  	[dreg:$0x3] =	wrdreg s24  }
0xb0: {  	[dreg:$0x4] =	wrdreg $0x9  }
0xb1: {  	_ =	task.clear_ibuf [dreg:s7], $0x5FFFF;
	_ =	strace $0x90000046  }
0xb2: {  	s29 =	simm.s32 $0x9;
	_ =	strace $0x80000048  }
0xb3: {  	_ =	swait.ge [sflag:s29], $0x1  }
0xb4: {  	[sflag:s29] =	ssyncadd.s32 $0xFFFFFFFF  }
0xb5: {  	_ =	strace $0x90000048  }
0xb6: {  	_ =	sfence  }
0xb7: {  	s30 =	sld [smem:$0x0];
	_ =	sdelay $0x2  }
0xb8: {  	s31 =	sshll.u32 s1, $0xD;
	s1 =	sshrl.u32 s1, $0x2  }
0xb9: {  	s3 =	sand.u32 $0x4000, s31;
	s1 =	sadd.s32 s1, s30  }
0xba: {  	s0 =	sor.u32 s3, s0;
	s1 =	sshll.u32 s1, $0x11  }
0xbb: {  	s0 =	sor.u32 s1, s0  }
0xbc: {  	s0 =	sadd.s32 $0x8F2B, s0  }
0xbd: {  	[sflag:s0] =	ssyncadd.remote.s32 $0x1  }
0xbe: {  	_ =	sfence.sel $0xFFFF  }
0xbf: {  	[dreg:$0x0] =	wrdreg $0xFFFFFFFF;
	(pc) =	sbr.abs _section_cstart, $3  }
0xc0: {  	[dreg:$0x1] =	wrdreg $0xFFFFFFFF  }
0xc1: {  	_ =	task.clear_ibuf [dreg:s7], $0x2FFFF;
	_ =	strace $0x9FFFFFFF  }
0xc2: {  	(tm) =	ssettm $0x7FFFFFFF  }
0xc3: {  	_ =	shalt  }
tec
execute0_lowered:
.L_overlay_start_1:
0x0: {  	(tag) =	ssettag $0x1  }
0x1: {  	s2 =	rddreg [dreg:$0x0]  }
0x2: {  	s0 =	rddreg [dreg:$0x1];
	s1 =	srdreg.scid  }
0x3: {  	s3 =	stileid.u32;
	s5 =	simm.s32 $0x0;
	s13 =	simm.s32 $0x68  }
0x4: {  	s15 =	simm.s32 $0x60;
	s17 =	simm.s32 $0x3;
	s18 =	simm.s32 $0x1  }
0x5: {  	s21 =	simm.s32 $0x388;
	s28 =	simm.s32 $0x580;
	s29 =	simm.s32 $0x14C40  }
0x6: {  	s30 =	simm.s32 $0x458;
	s31 =	simm.s32 $0x16440;
	s16 =	simm.s32 $0x5E0  }
0x7: {  	s7 =	simm.s32 $0x0;
	s1 =	sand.u32 $0x1, s1;
	[smem:$0x7FF] =	sst s5  }
0x8: {  	s3 =	sshll.u32 s3, $0xA;
	s4 =	sshll.u32 s1, $0x9;
	_ =	strace $0x80000047  }
0x9: {  	s1 =	ssub.s32 $0x2, s1;
	s3 =	sor.u32 s4, s3;
	s4 =	sadd.s32 $0x1400, s0  }
0xa: {  	s23 =	sshrl.u32 s1, $0x1;
	s22 =	smul.u32 $0x19, s3;
	s6 =	sshll.u32 s3, $0x4  }
0xb: {  	s1 =	ssub.s32 s1, s23;
	s9 =	sor.u32 $0x8, s3;
	s10 =	sor.u32 $0xC, s3  }
0xc: {  	s23 =	simm.s32 $0x520;
	s3 =	simm.s32 $0x17E40;
	s0 =	sadd.s32 s6, s0  }
0xd: {  	s26 =	smax.u32 s1, $0x1;
	s1 =	simm.s32 $0x4C0;
	s6 =	simm.s32 $0x2  }
0xe: {  	s5 =	sadd.s32 s2, s22;
	s11 =	sadd.s32 $0x14E00, s0;
	[dreg:$0x7] =	wrdreg s26  }
0xf: {  	s0 =	simm.s32 $0x320;
	s24 =	sadd.s32 $0xD, s5;
	[dreg:$0x3] =	wrdreg s5  }
0x10: {  	s22 =	simm.s32 $0x10040;
	s25 =	sadd.s32 $0x64, s5;
	[dreg:$0x4] =	wrdreg s24  }
0x11: {  	s26 =	simm.s32 $0x13240;
	s5 =	sadd.s32 $0x71, s5;
	[dreg:$0x5] =	wrdreg s25  }
0x12: {  	v0 =	vimm.bf16 $0.0e+00;
	[dreg:$0x6] =	wrdreg s5;
	s24 =	simm.s32 $0x11A40;
	s25 =	simm.s32 $0x3F0  }
.LBB2_1:
0x13: {  	[dreg:$0x8] =	wrdreg s7  }
0x14: {  	s5 =	simm.s32 $0x0;
	s12 =	rddreg [dreg:$0x3];
	s8 =	simm.s32 $0xC8  }
0x15: {  	[tilespmem:s5], [sflag:$0x3] =	stream.strided.gather [hbm4b:s12+s13], $0x1A0, s8, s13, $0x38;
	[tilespmem:$0x1B640] =	vst v63  }
0x16: {  	s14 =	rddreg [dreg:$0x4];
	s12 =	simm.s32 $0x1A0  }
0x17: {  	[tilespmem:s12], [sflag:$0x3] =	stream.strided.gather [hbm4b:s14+s15], $0x180, s8, s15, $0x38;
	[tilespmem:$0x1B640] =	vst v63  }
0x18: {  	_ =	swait.ge [sflag:s17], $0x1A0  }
0x19: {  	[sflag:s17] =	ssyncset.done $0x0  }
0x1a: {  	[sflag:s17] =	ssyncadd.s32 $0xFFFFFE60  }
0x1b: {  	_ =	swait.ge [sflag:s17], $0x180  }
0x1c: {  	[sflag:s17] =	ssyncset.done $0x0  }
0x1d: {  	s19 =	simm.s32 $0x640;
	[sflag:s17] =	ssyncadd.s32 $0xFFFFFE80  }
0x1e: {  	[tilespmem:s19], [sflag:$0x1] =	stream.indirect.gather [hbm4b:s4+s13], $0x40, s5, s13, $0xb8;
	[tilespmem:$0x1B640] =	vst v63  }
0x1f: {  	s20 =	simm.s32 $0x2040  }
0x20: {  	[tilespmem:s20], [sflag:$0x1] =	stream.indirect.gather [hbm4b:s4+s15], $0x40, s12, s15, $0xb8;
	[tilespmem:$0x1B640] =	vst v63  }
0x21: {  	s7 =	simm.s32 $0x3840  }
0x22: {  	[tilespmem:s7], [sflag:$0x1] =	stream.indirect.gather [hbm4b:s4+s13], $0x40, s13, s13, $0xb8;
	[tilespmem:$0x1B640] =	vst v63  }
0x23: {  	s14 =	simm.s32 $0x5240;
	s12 =	simm.s32 $0x200  }
0x24: {  	[tilespmem:s14], [sflag:$0x1] =	stream.indirect.gather [hbm4b:s4+s15], $0x40, s12, s15, $0xb8;
	[tilespmem:$0x1B640] =	vst v63  }
0x25: {  	s19 =	simm.s32 $0xD0;
	s20 =	simm.s32 $0x6A40  }
0x26: {  	[tilespmem:s20], [sflag:$0x1] =	stream.indirect.gather [hbm4b:s4+s13], $0x40, s19, s13, $0xb8;
	[tilespmem:$0x1B640] =	vst v63  }
0x27: {  	s12 =	simm.s32 $0x260;
	s14 =	simm.s32 $0x8440  }
0x28: {  	[tilespmem:s14], [sflag:$0x1] =	stream.indirect.gather [hbm4b:s4+s15], $0x40, s12, s15, $0xb8;
	[tilespmem:$0x1B640] =	vst v63  }
0x29: {  	s19 =	simm.s32 $0x138;
	s20 =	simm.s32 $0x9C40  }
0x2a: {  	[tilespmem:s20], [sflag:$0x1] =	stream.indirect.gather [hbm4b:s4+s13], $0x40, s19, s13, $0xb8;
	[tilespmem:$0x1B640] =	vst v63  }
0x2b: {  	s12 =	simm.s32 $0x2C0;
	s14 =	simm.s32 $0xB640  }
0x2c: {  	[tilespmem:s14], [sflag:$0x1] =	stream.indirect.gather [hbm4b:s4+s15], $0x40, s12, s15, $0xb8;
	[tilespmem:$0x1B640] =	vst v63  }
0x2d: {  	s19 =	rddreg [dreg:$0x5]  }
0x2e: {  	[tilespmem:s0], [sflag:$0x3] =	stream.strided.gather [hbm4b:s19+s13], $0x1A0, s8, s13, $0x38;
	[tilespmem:$0x1B640] =	vst v63  }
0x2f: {  	s20 =	rddreg [dreg:$0x6]  }
0x30: {  	[tilespmem:s1], [sflag:$0x3] =	stream.strided.gather [hbm4b:s20+s15], $0x180, s8, s15, $0x38;
	[tilespmem:$0x1B640] =	vst v63  }
0x31: {  	s8 =	simm.s32 $0x0  }
.LBB2_2:
0x32: {  	_ =	swait.ge [sflag:s18], $0x1A00  }
0x33: {  	[sflag:s18] =	ssyncset.done $0x0  }
0x34: {  	[sflag:s18] =	ssyncadd.s32 $0xFFFFE600  }
0x35: {  	_ =	swait.ge [sflag:s18], $0x1800  }
0x36: {  	[sflag:s18] =	ssyncset.done $0x0  }
0x37: {  	[sflag:s18] =	ssyncadd.s32 $0xFFFFE800  }
0x38: {  	_ =	swait.ge [sflag:s18], $0x1A00  }
0x39: {  	[sflag:s18] =	ssyncset.done $0x0  }
0x3a: {  	[sflag:s18] =	ssyncadd.s32 $0xFFFFE600  }
0x3b: {  	_ =	swait.ge [sflag:s18], $0x1800  }
0x3c: {  	[sflag:s18] =	ssyncset.done $0x0  }
0x3d: {  	[sflag:s18] =	ssyncadd.s32 $0xFFFFE800  }
0x3e: {  	_ =	swait.ge [sflag:s18], $0x1A00  }
0x3f: {  	[sflag:s18] =	ssyncset.done $0x0  }
0x40: {  	[sflag:s18] =	ssyncadd.s32 $0xFFFFE600  }
0x41: {  	_ =	swait.ge [sflag:s18], $0x1800  }
0x42: {  	[sflag:s18] =	ssyncset.done $0x0  }
0x43: {  	[sflag:s18] =	ssyncadd.s32 $0xFFFFE800  }
0x44: {  	_ =	swait.ge [sflag:s18], $0x1A00  }
0x45: {  	[sflag:s18] =	ssyncset.done $0x0  }
0x46: {  	[sflag:s18] =	ssyncadd.s32 $0xFFFFE600  }
0x47: {  	_ =	swait.ge [sflag:s18], $0x1800  }
0x48: {  	[sflag:s18] =	ssyncset.done $0x0  }
0x49: {  	[sflag:s18] =	ssyncadd.s32 $0xFFFFE800  }
0x4a: {  	_ =	swait.ge [sflag:s17], $0x1A0  }
0x4b: {  	[sflag:s17] =	ssyncset.done $0x0  }
0x4c: {  	[sflag:s17] =	ssyncadd.s32 $0xFFFFFE60  }
0x4d: {  	_ =	swait.ge [sflag:s17], $0x180  }
0x4e: {  	[sflag:s17] =	ssyncset.done $0x0  }
0x4f: {  	s5 =	simm.s32 $0xCE40;
	[sflag:s17] =	ssyncadd.s32 $0xFFFFFE80  }
0x50: {  	[tilespmem:s5], [sflag:$0x2] =	stream.indirect.gather [hbm4b:s4+s13], $0x40, s0, s13, $0xb8;
	[tilespmem:$0x1B640] =	vst v63  }
0x51: {  	s19 =	simm.s32 $0xE840  }
0x52: {  	[tilespmem:s19], [sflag:$0x2] =	stream.indirect.gather [hbm4b:s4+s15], $0x40, s1, s15, $0xb8;
	[tilespmem:$0x1B640] =	vst v63  }
0x53: {  	_ = 	snop  }
0x54: {  	[tilespmem:s22], [sflag:$0x2] =	stream.indirect.gather [hbm4b:s4+s13], $0x40, s21, s13, $0xb8;
	[tilespmem:$0x1B640] =	vst v63  }
0x55: {  	p0 =	seq.s32 s8, $0x3F  }
0x56: {  	[tilespmem:s24], [sflag:$0x2] =	stream.indirect.gather [hbm4b:s4+s15], $0x40, s23, s15, $0xb8;
	[tilespmem:$0x1B640] =	vst v63  }
0x57: {  	s5 =	sshll.u32 @!p0 s8, $0x3  }
0x58: {  	[tilespmem:s26], [sflag:$0x2] =	stream.indirect.gather [hbm4b:s4+s13], $0x40, s25, s13, $0xb8;
	[tilespmem:$0x1B640] =	vst v63  }
0x59: {  	s5 =	sadd.s32 @!p0 s5, s9  }
0x5a: {  	[tilespmem:s29], [sflag:$0x2] =	stream.indirect.gather [hbm4b:s4+s15], $0x40, s28, s15, $0xb8;
	[tilespmem:$0x1B640] =	vst v63  }
0x5b: {  	s20 =	simm.s32 $0x0;
	s12 =	simm.s32 @!p0 $0x68;
	s5 =	smul.u32 @!p0 $0xC8, s5  }
0x5c: {  	[tilespmem:s31], [sflag:$0x2] =	stream.indirect.gather [hbm4b:s4+s13], $0x40, s30, s13, $0xb8;
	[tilespmem:$0x1B640] =	vst v63  }
0x5d: {  	s14 =	simm.s32 @!p0 $0xC8;
	s7 =	sshrl.u32 @!p0 s5, $0x3;
	s5 =	sadd.s32 @!p0 $0x68, s5  }
0x5e: {  	[tilespmem:s3], [sflag:$0x2] =	stream.indirect.gather [hbm4b:s4+s15], $0x40, s16, s15, $0xb8;
	[tilespmem:$0x1B640] =	vst v63  }
0x5f: {  	s19 =	simm.s32 @!p0 $0x0;
	s7 =	sadd.s32 @!p0 s2, s7;
	s5 =	sshrl.u32 @!p0 s5, $0x3  }
0x60: {  	[tilespmem:s19], [sflag:$0x3] =	stream.strided.gather @!p0 [hbm4b:s7+s12], $0x1A0, s14, s12, $0x38;
	[tilespmem:$0x1B640] =	vst v63  }
0x61: {  	s5 =	sadd.s32 @!p0 s2, s5;
	s7 =	simm.s32 @!p0 $0x60;
	s12 =	simm.s32 @!p0 $0x1A0  }
0x62: {  	[tilespmem:s12], [sflag:$0x3] =	stream.strided.gather @!p0 [hbm4b:s5+s7], $0x180, s14, s7, $0x38;
	[tilespmem:$0x1B640] =	vst v63  }
0x63: {  	v1 =	vld [tilespmem:s20+$0x670]  }
0x64: {  	v2 =	vld [tilespmem:s20+$0x640]  }
0x65: {  	v3 =	vld [tilespmem:s20+$0x6B0]  }
0x66: {  	v4 =	vld [tilespmem:s20+$0x650]  }
0x67: {  	v5 =	vld [tilespmem:s20+$0x6F0]  }
0x68: {  	v6 =	vld [tilespmem:s20+$0x660]  }
0x69: {  	v7 =	vld [tilespmem:s20+$0x730]  }
0x6a: {  	v8 =	vld [tilespmem:s20+$0x680]  }
0x6b: {  	v9 =	vld [tilespmem:s20+$0x770]  }
0x6c: {  	v10 =	vld [tilespmem:s20+$0x690]  }
0x6d: {  	v11 =	vld [tilespmem:s20+$0x7B0]  }
0x6e: {  	v12 =	vld [tilespmem:s20+$0x6A0]  }
0x6f: {  	v13 =	vld [tilespmem:s20+$0x7F0];
	v1 =	vadd.bf16 v0, v1  }
0x70: {  	v14 =	vld [tilespmem:s20+$0x6C0]  }
0x71: {  	v15 =	vld [tilespmem:s20+$0x830];
	v1 =	vadd.bf16 v3, v1  }
0x72: {  	v16 =	vld [tilespmem:s20+$0x870]  }
0x73: {  	v17 =	vld [tilespmem:s20+$0x8B0];
	v1 =	vadd.bf16 v5, v1  }
0x74: {  	v18 =	vld [tilespmem:s20+$0x710]  }
0x75: {  	v19 =	vld [tilespmem:s20+$0x740];
	v1 =	vadd.bf16 v7, v1  }
0x76: {  	v20 =	vld [tilespmem:s20+$0x760];
	v2 =	vadd.bf16 v0, v2  }
0x77: {  	v3 =	vld [tilespmem:s20+$0x6D0];
	v1 =	vadd.bf16 v9, v1  }
0x78: {  	v2 =	vadd.bf16 v8, v2;
	v8 =	vld [tilespmem:s20+$0x780]  }
0x79: {  	v5 =	vld [tilespmem:s20+$0x6E0];
	v1 =	vadd.bf16 v11, v1  }
0x7a: {  	v4 =	vadd.bf16 v0, v4;
	v6 =	vadd.bf16 v0, v6;
	v7 =	vld [tilespmem:s20+$0x700]  }
0x7b: {  	v9 =	vld [tilespmem:s20+$0x720];
	v1 =	vadd.bf16 v13, v1  }
0x7c: {  	v4 =	vadd.bf16 v10, v4;
	v6 =	vadd.bf16 v12, v6;
	v10 =	vld [tilespmem:s20+$0x790]  }
0x7d: {  	v2 =	vadd.bf16 v14, v2;
	v11 =	vld [tilespmem:s20+$0x750];
	v1 =	vadd.bf16 v15, v1  }
0x7e: {  	v12 =	vld [tilespmem:s20+$0x7A0];
	v3 =	vadd.bf16 v3, v4;
	v4 =	vadd.bf16 v5, v6  }
0x7f: {  	v6 =	vld [tilespmem:s20+$0x7C0];
	v2 =	vadd.bf16 v7, v2;
	v1 =	vadd.bf16 v16, v1  }
0x80: {  	v3 =	vadd.bf16 v18, v3;
	v7 =	vld [tilespmem:s20+$0x7D0];
	v4 =	vadd.bf16 v9, v4  }
0x81: {  	v9 =	vld [tilespmem:s20+$0x7E0];
	v13 =	vadd.bf16 v17, v1;
	v1 =	vadd.bf16 v19, v2  }
0x82: {  	v14 =	vld [tilespmem:s20+$0x800];
	v2 =	vadd.bf16 v11, v3;
	v3 =	vadd.bf16 v20, v4  }
0x83: {  	v4 =	vld [tilespmem:s20+$0x810];
	v8 =	vadd.bf16 v8, v1  }
0x84: {  	v15 =	vld [tilespmem:s20+$0x820];
	v2 =	vadd.bf16 v10, v2;
	v3 =	vadd.bf16 v12, v3  }
0x85: {  	v5 =	vimm.f32 $0.0e+00;
	v16 =	vld [tilespmem:s20+$0x840];
	v1 =	vand.u32 $0xFFFF0000, v13;
	v6 =	vadd.bf16 v6, v8  }
0x86: {  	v8 =	vshll.u32 v13, $0x10;
	v7 =	vadd.bf16 v7, v2;
	v3 =	vadd.bf16 v9, v3;
	v9 =	vld [tilespmem:s20+$0x850]  }
0x87: {  	v10 =	vld [tilespmem:s20+$0x860];
	v1 =	vadd.f32 v1, v5;
	v2 =	vadd.f32 v8, v5  }
0x88: {  	v11 =	vld [tilespmem:s20+$0x880];
	v8 =	vimm.f32 $0.0e+00;
	v6 =	vadd.bf16 v14, v6;
	v14 =	vadd.bf16 v4, v7  }
0x89: {  	v12 =	vld [tilespmem:s20+$0x890];
	v15 =	vadd.bf16 v15, v3;
	v7 =	vimm.f32 $0.0e+00;
	v4 =	vimm.f32 $0.0e+00  }
0x8a: {  	s12 =	sshll.u32 s8, $0x1;
	s5 =	simm.s32 $0x280;
	s7 =	simm.s32 $0x1400;
	v13 =	vld [tilespmem:s20+$0x8A0];
	v3 =	vimm.f32 $0.0e+00;
	v16 =	vadd.bf16 v16, v6;
	v6 =	vimm.f32 $0.0e+00  }
.LBB2_3:
0x8b: {  	p1 =	sne.s32 s7, $0xBE00;
	v17 =	vld [tilespmem:s5+$0x670];
	v9 =	vadd.bf16 v9, v14  }
0x8c: {  	v14 =	vld [tilespmem:s5+$0x640];
	v10 =	vadd.bf16 v10, v15  }
0x8d: {  	v15 =	vld [tilespmem:s5+$0x6B0];
	v11 =	vadd.bf16 v11, v16  }
0x8e: {  	v16 =	vld [tilespmem:s5+$0x650];
	v9 =	vadd.bf16 v12, v9  }
0x8f: {  	v12 =	vld [tilespmem:s5+$0x6F0];
	v10 =	vadd.bf16 v13, v10;
	v13 =	vshll.u32 v11, $0x10;
	v11 =	vand.u32 $0xFFFF0000, v11  }
0x90: {  	v18 =	vld [tilespmem:s5+$0x660];
	v17 =	vadd.bf16 v0, v17;
	v19 =	vshll.u32 v9, $0x10;
	v9 =	vand.u32 $0xFFFF0000, v9  }
0x91: {  	v14 =	vadd.bf16 v0, v14;
	v20 =	vld [tilespmem:s5+$0x730];
	v21 =	vshll.u32 v10, $0x10;
	v10 =	vand.u32 $0xFFFF0000, v10  }
0x92: {  	v5 =	vadd.f32 v13, v5;
	v22 =	vld [tilespmem:s5+$0x680];
	v15 =	vadd.bf16 v15, v17  }
0x93: {  	v8 =	vadd.f32 v11, v8;
	v13 =	vadd.bf16 v0, v16;
	v16 =	vld [tilespmem:s5+$0x770]  }
0x94: {  	v7 =	vadd.f32 v19, v7;
	v11 =	vld [tilespmem:s5+$0x690];
	v12 =	vadd.bf16 v12, v15  }
0x95: {  	v6 =	vadd.f32 v9, v6;
	v15 =	vadd.bf16 v0, v18;
	v17 =	vld [tilespmem:s5+$0x7B0]  }
0x96: {  	v4 =	vadd.f32 v21, v4;
	v9 =	vld [tilespmem:s5+$0x6A0];
	v12 =	vadd.bf16 v20, v12  }
0x97: {  	v3 =	vadd.f32 v10, v3;
	v14 =	vadd.bf16 v22, v14;
	v18 =	vld [tilespmem:s5+$0x7F0]  }
0x98: {  	v10 =	vld [tilespmem:s5+$0x6C0];
	v12 =	vadd.bf16 v16, v12  }
0x99: {  	v11 =	vadd.bf16 v11, v13;
	v13 =	vld [tilespmem:s5+$0x830]  }
0x9a: {  	v16 =	vld [tilespmem:s5+$0x6D0];
	v12 =	vadd.bf16 v17, v12  }
0x9b: {  	v9 =	vadd.bf16 v9, v15;
	v15 =	vld [tilespmem:s5+$0x870]  }
0x9c: {  	v17 =	vld [tilespmem:s5+$0x6E0];
	v12 =	vadd.bf16 v18, v12  }
0x9d: {  	v10 =	vadd.bf16 v10, v14;
	v14 =	vld [tilespmem:s5+$0x8B0]  }
0x9e: {  	v18 =	vld [tilespmem:s5+$0x700];
	v12 =	vadd.bf16 v13, v12  }
0x9f: {  	v11 =	vadd.bf16 v16, v11;
	v13 =	vld [tilespmem:s5+$0x710]  }
0xa0: {  	v16 =	vld [tilespmem:s5+$0x720];
	v12 =	vadd.bf16 v15, v12  }
0xa1: {  	v9 =	vadd.bf16 v17, v9;
	v15 =	vld [tilespmem:s5+$0x740]  }
0xa2: {  	v17 =	vld [tilespmem:s5+$0x750];
	v12 =	vadd.bf16 v14, v12  }
0xa3: {  	v10 =	vadd.bf16 v18, v10;
	v14 =	vld [tilespmem:s5+$0x760]  }
0xa4: {  	v11 =	vadd.bf16 v13, v11;
	v13 =	vld [tilespmem:s5+$0x780];
	v18 =	vshll.u32 v12, $0x10;
	v12 =	vand.u32 $0xFFFF0000, v12  }
0xa5: {  	v9 =	vadd.bf16 v16, v9;
	v16 =	vld [tilespmem:s5+$0x790];
	v1 =	vadd.f32 v12, v1  }
0xa6: {  	v2 =	vadd.f32 v18, v2;
	v10 =	vadd.bf16 v15, v10;
	v12 =	vld [tilespmem:s5+$0x7A0]  }
0xa7: {  	v11 =	vadd.bf16 v17, v11;
	v15 =	vld [tilespmem:s5+$0x7C0]  }
0xa8: {  	v9 =	vadd.bf16 v14, v9;
	v14 =	vld [tilespmem:s5+$0x7D0]  }
0xa9: {  	v10 =	vadd.bf16 v13, v10;
	v13 =	vld [tilespmem:s5+$0x7E0]  }
0xaa: {  	v11 =	vadd.bf16 v16, v11;
	v16 =	vld [tilespmem:s5+$0x800]  }
0xab: {  	v9 =	vadd.bf16 v12, v9;
	v12 =	vld [tilespmem:s5+$0x810]  }
0xac: {  	v10 =	vadd.bf16 v15, v10;
	v15 =	vld [tilespmem:s5+$0x820]  }
0xad: {  	v11 =	vadd.bf16 v14, v11;
	v17 =	vld [tilespmem:s5+$0x840]  }
.Ltmp0:
0xae: {  	v13 =	vadd.bf16 v13, v9;
	v9 =	vld [tilespmem:s5+$0x850];
	(pc) =	sbr.rel @p1 .LBB2_3-.Ltmp0, $4  }
0xaf: {  	v16 =	vadd.bf16 v16, v10;
	v10 =	vld [tilespmem:s5+$0x860]  }
0xb0: {  	v14 =	vadd.bf16 v12, v11;
	v11 =	vld [tilespmem:s5+$0x880]  }
0xb1: {  	v15 =	vadd.bf16 v15, v13;
	v12 =	vld [tilespmem:s5+$0x890]  }
0xb2: {  	v16 =	vadd.bf16 v17, v16;
	v13 =	vld [tilespmem:s5+$0x8A0];
	s5 =	sshra.s32 s7, $0x2;
	s7 =	sadd.s32 $0xA00, s7  }
0xb3: {  	v17 =	vld [tilespmem:s5+$0x670]  }
0xb4: {  	v18 =	vld [tilespmem:s5+$0x640]  }
0xb5: {  	v19 =	vld [tilespmem:s5+$0x6B0]  }
0xb6: {  	v20 =	vld [tilespmem:s5+$0x650]  }
0xb7: {  	v21 =	vld [tilespmem:s5+$0x6F0]  }
0xb8: {  	v22 =	vld [tilespmem:s5+$0x660]  }
0xb9: {  	v23 =	vld [tilespmem:s5+$0x730]  }
0xba: {  	v24 =	vld [tilespmem:s5+$0x680]  }
0xbb: {  	v25 =	vld [tilespmem:s5+$0x770]  }
0xbc: {  	v26 =	vld [tilespmem:s5+$0x690]  }
0xbd: {  	v27 =	vld [tilespmem:s5+$0x7B0]  }
0xbe: {  	v28 =	vld [tilespmem:s5+$0x6A0]  }
0xbf: {  	v29 =	vld [tilespmem:s5+$0x7F0]  }
0xc0: {  	v30 =	vld [tilespmem:s5+$0x6C0]  }
0xc1: {  	v31 =	vld [tilespmem:s5+$0x830]  }
0xc2: {  	v32 =	vld [tilespmem:s5+$0x6D0]  }
0xc3: {  	v33 =	vld [tilespmem:s5+$0x6E0]  }
0xc4: {  	v34 =	vld [tilespmem:s5+$0x700];
	v9 =	vadd.bf16 v9, v14;
	v10 =	vadd.bf16 v10, v15  }
0xc5: {  	v14 =	vld [tilespmem:s5+$0x710];
	v11 =	vadd.bf16 v11, v16  }
0xc6: {  	v55 =	vld [tilespmem:s5+$0x780];
	v9 =	vadd.bf16 v12, v9;
	v10 =	vadd.bf16 v13, v10  }
0xc7: {  	v56 =	vld [tilespmem:s5+$0x790];
	v13 =	vshll.u32 v11, $0x10;
	v11 =	vand.u32 $0xFFFF0000, v11;
	v12 =	vadd.bf16 v0, v17  }
0xc8: {  	v57 =	vld [tilespmem:s5+$0x7A0];
	v17 =	vadd.bf16 v0, v18;
	v8 =	vadd.f32 v11, v8  }
0xc9: {  	v58 =	vld [tilespmem:s5+$0x7C0];
	v11 =	vadd.bf16 v0, v22;
	v12 =	vadd.bf16 v19, v12  }
0xca: {  	v15 =	vld [tilespmem:s5+$0x720];
	v19 =	vadd.bf16 v0, v20;
	v17 =	vadd.bf16 v24, v17  }
0xcb: {  	v16 =	vld [tilespmem:s5+$0x740];
	v5 =	vadd.f32 v13, v5;
	v11 =	vadd.bf16 v28, v11  }
0xcc: {  	v13 =	vld [tilespmem:s5+$0x760];
	v19 =	vadd.bf16 v26, v19;
	v17 =	vadd.bf16 v30, v17  }
0xcd: {  	v18 =	vld [tilespmem:s5+$0x750];
	v59 =	vshll.u32 v9, $0x10;
	v11 =	vadd.bf16 v33, v11  }
0xce: {  	v60 =	vld [tilespmem:s5+$0x7D0];
	v9 =	vand.u32 $0xFFFF0000, v9;
	v19 =	vadd.bf16 v32, v19;
	v17 =	vadd.bf16 v34, v17  }
0xcf: {  	v61 =	vld [tilespmem:s5+$0x7E0];
	v6 =	vadd.f32 v9, v6;
	v9 =	vadd.bf16 v15, v11  }
0xd0: {  	v11 =	vld [tilespmem:s5+$0x810];
	v14 =	vadd.bf16 v14, v19;
	v16 =	vadd.bf16 v16, v17  }
0xd1: {  	v12 =	vadd.bf16 v21, v12;
	v17 =	vld [tilespmem:s5+$0x800];
	v9 =	vadd.bf16 v13, v9  }
0xd2: {  	v13 =	vld [tilespmem:s5+$0x840];
	v14 =	vadd.bf16 v18, v14;
	v15 =	vadd.bf16 v55, v16  }
0xd3: {  	v7 =	vadd.f32 v59, v7;
	v12 =	vadd.bf16 v23, v12;
	v19 =	vld [tilespmem:s5+$0x880]  }
0xd4: {  	v16 =	vld [tilespmem:s5+$0x820];
	v14 =	vadd.bf16 v56, v14;
	v15 =	vadd.bf16 v58, v15  }
0xd5: {  	v12 =	vadd.bf16 v25, v12;
	v18 =	vld [tilespmem:s5+$0x850];
	v9 =	vadd.bf16 v57, v9  }
0xd6: {  	v62 =	vld [tilespmem:s5+$0x890];
	v14 =	vadd.bf16 v60, v14;
	v15 =	vadd.bf16 v17, v15  }
0xd7: {  	v12 =	vadd.bf16 v27, v12;
	v9 =	vadd.bf16 v61, v9;
	v17 =	vld [tilespmem:s5+$0x860]  }
0xd8: {  	v11 =	vadd.bf16 v11, v14;
	v14 =	vld [tilespmem:s5+$0x870];
	v13 =	vadd.bf16 v13, v15  }
0xd9: {  	v12 =	vadd.bf16 v29, v12;
	v9 =	vadd.bf16 v16, v9;
	v15 =	vld [tilespmem:s5+$0x8A0]  }
0xda: {  	v16 =	vshll.u32 v10, $0x10;
	v11 =	vadd.bf16 v18, v11;
	v13 =	vadd.bf16 v19, v13  }
0xdb: {  	v12 =	vadd.bf16 v31, v12;
	v10 =	vand.u32 $0xFFFF0000, v10;
	v4 =	vadd.f32 v16, v4;
	v16 =	vld [tilespmem:s5+$0x8B0]  }
0xdc: {  	v9 =	vadd.bf16 v17, v9;
	v11 =	vadd.bf16 v62, v11;
	v17 =	vshll.u32 v13, $0x10  }
0xdd: {  	s20 =	sshll.u32 s8, $0xA;
	v13 =	vand.u32 $0xFFFF0000, v13;
	v12 =	vadd.bf16 v14, v12;
	v5 =	vadd.f32 v17, v5  }
0xde: {  	s5 =	sand.u32 $0x1C00, s20;
	v9 =	vadd.bf16 v15, v9;
	v8 =	vadd.f32 v13, v8;
	v14 =	vshll.u32 v11, $0x10  }
0xdf: {  	v3 =	vadd.f32 v10, v3;
	v10 =	vand.u32 $0xFFFF0000, v11;
	v7 =	vadd.f32 v14, v7;
	[tilespmem:s5+$0x19640] =	vst v5  }
0xe0: {  	v5 =	vadd.bf16 v16, v12;
	v11 =	vshll.u32 v9, $0x10;
	v6 =	vadd.f32 v10, v6;
	[tilespmem:s5+$0x19650] =	vst v8  }
0xe1: {  	v8 =	vand.u32 $0xFFFF0000, v9;
	v4 =	vadd.f32 v11, v4;
	[tilespmem:s5+$0x19660] =	vst v7  }
0xe2: {  	v3 =	vadd.f32 v8, v3;
	v7 =	vshll.u32 v5, $0x10;
	[tilespmem:s5+$0x19670] =	vst v6  }
0xe3: {  	v5 =	vand.u32 $0xFFFF0000, v5;
	v2 =	vadd.f32 v7, v2;
	[tilespmem:s5+$0x19680] =	vst v4  }
0xe4: {  	v1 =	vadd.f32 v5, v1;
	[tilespmem:s5+$0x19690] =	vst v3  }
0xe5: {  	[tilespmem:s5+$0x196A0] =	vst v2  }
0xe6: {  	s19 =	simm.s32 $0x0;
	[tilespmem:s5+$0x196B0] =	vst v1  }
0xe7: {  	v1 =	vld [tilespmem:s19+$0x3870]  }
0xe8: {  	v2 =	vld [tilespmem:s19+$0x3840]  }
0xe9: {  	v3 =	vld [tilespmem:s19+$0x38B0]  }
0xea: {  	v4 =	vld [tilespmem:s19+$0x3850]  }
0xeb: {  	v5 =	vld [tilespmem:s19+$0x38F0]  }
0xec: {  	v6 =	vld [tilespmem:s19+$0x3860]  }
0xed: {  	v7 =	vld [tilespmem:s19+$0x3930]  }
0xee: {  	v8 =	vld [tilespmem:s19+$0x3880]  }
0xef: {  	v9 =	vld [tilespmem:s19+$0x3970]  }
0xf0: {  	v10 =	vld [tilespmem:s19+$0x3890]  }
0xf1: {  	v11 =	vld [tilespmem:s19+$0x39B0]  }
0xf2: {  	v12 =	vld [tilespmem:s19+$0x38A0]  }
0xf3: {  	v13 =	vld [tilespmem:s19+$0x39F0];
	v1 =	vadd.bf16 v0, v1  }
0xf4: {  	v14 =	vld [tilespmem:s19+$0x38C0]  }
0xf5: {  	v15 =	vld [tilespmem:s19+$0x3A30];
	v1 =	vadd.bf16 v3, v1  }
0xf6: {  	v16 =	vld [tilespmem:s19+$0x3A70]  }
0xf7: {  	v17 =	vld [tilespmem:s19+$0x3AB0];
	v1 =	vadd.bf16 v5, v1  }
0xf8: {  	v18 =	vld [tilespmem:s19+$0x3910]  }
0xf9: {  	v19 =	vld [tilespmem:s19+$0x3940];
	v1 =	vadd.bf16 v7, v1  }
0xfa: {  	v63 =	vld [tilespmem:s19+$0x3960];
	v2 =	vadd.bf16 v0, v2  }
0xfb: {  	v3 =	vld [tilespmem:s19+$0x38D0];
	v1 =	vadd.bf16 v9, v1  }
0xfc: {  	v2 =	vadd.bf16 v8, v2;
	v8 =	vld [tilespmem:s19+$0x3980]  }
0xfd: {  	v5 =	vld [tilespmem:s19+$0x38E0];
	v1 =	vadd.bf16 v11, v1  }
0xfe: {  	v4 =	vadd.bf16 v0, v4;
	v6 =	vadd.bf16 v0, v6;
	v7 =	vld [tilespmem:s19+$0x3900]  }
0xff: {  	v9 =	vld [tilespmem:s19+$0x3920];
	v1 =	vadd.bf16 v13, v1  }
0x100: {  	v4 =	vadd.bf16 v10, v4;
	v6 =	vadd.bf16 v12, v6;
	v10 =	vld [tilespmem:s19+$0x3990]  }
0x101: {  	v2 =	vadd.bf16 v14, v2;
	v11 =	vld [tilespmem:s19+$0x3950];
	v1 =	vadd.bf16 v15, v1  }
0x102: {  	v12 =	vld [tilespmem:s19+$0x39A0];
	v3 =	vadd.bf16 v3, v4;
	v4 =	vadd.bf16 v5, v6  }
0x103: {  	v6 =	vld [tilespmem:s19+$0x39C0];
	v2 =	vadd.bf16 v7, v2;
	v1 =	vadd.bf16 v16, v1  }
0x104: {  	v3 =	vadd.bf16 v18, v3;
	v7 =	vld [tilespmem:s19+$0x39D0];
	v4 =	vadd.bf16 v9, v4  }
0x105: {  	v9 =	vld [tilespmem:s19+$0x39E0];
	v13 =	vadd.bf16 v17, v1;
	v1 =	vadd.bf16 v19, v2  }
0x106: {  	v14 =	vld [tilespmem:s19+$0x3A00];
	v2 =	vadd.bf16 v11, v3;
	v3 =	vadd.bf16 v63, v4  }
0x107: {  	v4 =	vld [tilespmem:s19+$0x3A10];
	v8 =	vadd.bf16 v8, v1  }
0x108: {  	v15 =	vld [tilespmem:s19+$0x3A20];
	v2 =	vadd.bf16 v10, v2;
	v3 =	vadd.bf16 v12, v3  }
0x109: {  	v5 =	vimm.f32 $0.0e+00;
	v16 =	vld [tilespmem:s19+$0x3A40];
	v1 =	vand.u32 $0xFFFF0000, v13;
	v6 =	vadd.bf16 v6, v8  }
0x10a: {  	v8 =	vshll.u32 v13, $0x10;
	v7 =	vadd.bf16 v7, v2;
	v3 =	vadd.bf16 v9, v3;
	v9 =	vld [tilespmem:s19+$0x3A50]  }
0x10b: {  	v10 =	vld [tilespmem:s19+$0x3A60];
	v1 =	vadd.f32 v1, v5;
	v2 =	vadd.f32 v8, v5  }
0x10c: {  	v11 =	vld [tilespmem:s19+$0x3A80];
	v8 =	vimm.f32 $0.0e+00;
	v6 =	vadd.bf16 v14, v6;
	v14 =	vadd.bf16 v4, v7  }
0x10d: {  	v12 =	vld [tilespmem:s19+$0x3A90];
	v15 =	vadd.bf16 v15, v3;
	v7 =	vimm.f32 $0.0e+00;
	v4 =	vimm.f32 $0.0e+00  }
0x10e: {  	s14 =	simm.s32 $0x280;
	s7 =	simm.s32 $0x1400;
	v13 =	vld [tilespmem:s19+$0x3AA0];
	v3 =	vimm.f32 $0.0e+00;
	v16 =	vadd.bf16 v16, v6;
	v6 =	vimm.f32 $0.0e+00  }
.LBB2_5:
0x10f: {  	p1 =	sne.s32 s7, $0xBE00;
	v17 =	vld [tilespmem:s14+$0x3870];
	v9 =	vadd.bf16 v9, v14  }
0x110: {  	v14 =	vld [tilespmem:s14+$0x3840];
	v10 =	vadd.bf16 v10, v15  }
0x111: {  	v15 =	vld [tilespmem:s14+$0x38B0];
	v11 =	vadd.bf16 v11, v16  }
0x112: {  	v16 =	vld [tilespmem:s14+$0x3850];
	v9 =	vadd.bf16 v12, v9  }
0x113: {  	v12 =	vld [tilespmem:s14+$0x38F0];
	v10 =	vadd.bf16 v13, v10;
	v13 =	vshll.u32 v11, $0x10;
	v11 =	vand.u32 $0xFFFF0000, v11  }
0x114: {  	v18 =	vld [tilespmem:s14+$0x3860];
	v17 =	vadd.bf16 v0, v17;
	v19 =	vshll.u32 v9, $0x10;
	v9 =	vand.u32 $0xFFFF0000, v9  }
0x115: {  	v14 =	vadd.bf16 v0, v14;
	v20 =	vld [tilespmem:s14+$0x3930];
	v21 =	vshll.u32 v10, $0x10;
	v10 =	vand.u32 $0xFFFF0000, v10  }
0x116: {  	v5 =	vadd.f32 v13, v5;
	v22 =	vld [tilespmem:s14+$0x3880];
	v15 =	vadd.bf16 v15, v17  }
0x117: {  	v8 =	vadd.f32 v11, v8;
	v13 =	vadd.bf16 v0, v16;
	v16 =	vld [tilespmem:s14+$0x3970]  }
0x118: {  	v7 =	vadd.f32 v19, v7;
	v11 =	vld [tilespmem:s14+$0x3890];
	v12 =	vadd.bf16 v12, v15  }
0x119: {  	v6 =	vadd.f32 v9, v6;
	v15 =	vadd.bf16 v0, v18;
	v17 =	vld [tilespmem:s14+$0x39B0]  }
0x11a: {  	v4 =	vadd.f32 v21, v4;
	v9 =	vld [tilespmem:s14+$0x38A0];
	v12 =	vadd.bf16 v20, v12  }
0x11b: {  	v3 =	vadd.f32 v10, v3;
	v14 =	vadd.bf16 v22, v14;
	v18 =	vld [tilespmem:s14+$0x39F0]  }
0x11c: {  	v10 =	vld [tilespmem:s14+$0x38C0];
	v12 =	vadd.bf16 v16, v12  }
0x11d: {  	v11 =	vadd.bf16 v11, v13;
	v13 =	vld [tilespmem:s14+$0x3A30]  }
0x11e: {  	v16 =	vld [tilespmem:s14+$0x38D0];
	v12 =	vadd.bf16 v17, v12  }
0x11f: {  	v9 =	vadd.bf16 v9, v15;
	v15 =	vld [tilespmem:s14+$0x3A70]  }
0x120: {  	v17 =	vld [tilespmem:s14+$0x38E0];
	v12 =	vadd.bf16 v18, v12  }
0x121: {  	v10 =	vadd.bf16 v10, v14;
	v14 =	vld [tilespmem:s14+$0x3AB0]  }
0x122: {  	v18 =	vld [tilespmem:s14+$0x3900];
	v12 =	vadd.bf16 v13, v12  }
0x123: {  	v11 =	vadd.bf16 v16, v11;
	v13 =	vld [tilespmem:s14+$0x3910]  }
0x124: {  	v16 =	vld [tilespmem:s14+$0x3920];
	v12 =	vadd.bf16 v15, v12  }
0x125: {  	v9 =	vadd.bf16 v17, v9;
	v15 =	vld [tilespmem:s14+$0x3940]  }
0x126: {  	v17 =	vld [tilespmem:s14+$0x3950];
	v12 =	vadd.bf16 v14, v12  }
0x127: {  	v10 =	vadd.bf16 v18, v10;
	v14 =	vld [tilespmem:s14+$0x3960]  }
0x128: {  	v11 =	vadd.bf16 v13, v11;
	v13 =	vld [tilespmem:s14+$0x3980];
	v18 =	vshll.u32 v12, $0x10;
	v12 =	vand.u32 $0xFFFF0000, v12  }
0x129: {  	v9 =	vadd.bf16 v16, v9;
	v16 =	vld [tilespmem:s14+$0x3990];
	v1 =	vadd.f32 v12, v1  }
0x12a: {  	v2 =	vadd.f32 v18, v2;
	v10 =	vadd.bf16 v15, v10;
	v12 =	vld [tilespmem:s14+$0x39A0]  }
0x12b: {  	v11 =	vadd.bf16 v17, v11;
	v15 =	vld [tilespmem:s14+$0x39C0]  }
0x12c: {  	v9 =	vadd.bf16 v14, v9;
	v14 =	vld [tilespmem:s14+$0x39D0]  }
0x12d: {  	v10 =	vadd.bf16 v13, v10;
	v13 =	vld [tilespmem:s14+$0x39E0]  }
0x12e: {  	v11 =	vadd.bf16 v16, v11;
	v16 =	vld [tilespmem:s14+$0x3A00]  }
0x12f: {  	v9 =	vadd.bf16 v12, v9;
	v12 =	vld [tilespmem:s14+$0x3A10]  }
0x130: {  	v10 =	vadd.bf16 v15, v10;
	v15 =	vld [tilespmem:s14+$0x3A20]  }
0x131: {  	v11 =	vadd.bf16 v14, v11;
	v17 =	vld [tilespmem:s14+$0x3A40]  }
.Ltmp1:
0x132: {  	v13 =	vadd.bf16 v13, v9;
	v9 =	vld [tilespmem:s14+$0x3A50];
	(pc) =	sbr.rel @p1 .LBB2_5-.Ltmp1, $4  }
0x133: {  	v16 =	vadd.bf16 v16, v10;
	v10 =	vld [tilespmem:s14+$0x3A60]  }
0x134: {  	v14 =	vadd.bf16 v12, v11;
	v11 =	vld [tilespmem:s14+$0x3A80]  }
0x135: {  	v15 =	vadd.bf16 v15, v13;
	v12 =	vld [tilespmem:s14+$0x3A90]  }
0x136: {  	v16 =	vadd.bf16 v17, v16;
	v13 =	vld [tilespmem:s14+$0x3AA0];
	s14 =	sshra.s32 s7, $0x2;
	s7 =	sadd.s32 $0xA00, s7  }
0x137: {  	v17 =	vld [tilespmem:s14+$0x3870]  }
0x138: {  	v18 =	vld [tilespmem:s14+$0x3840]  }
0x139: {  	v19 =	vld [tilespmem:s14+$0x38B0]  }
0x13a: {  	v20 =	vld [tilespmem:s14+$0x3850]  }
0x13b: {  	v21 =	vld [tilespmem:s14+$0x38F0]  }
0x13c: {  	v22 =	vld [tilespmem:s14+$0x3860]  }
0x13d: {  	v23 =	vld [tilespmem:s14+$0x3930]  }
0x13e: {  	v24 =	vld [tilespmem:s14+$0x3880]  }
0x13f: {  	v25 =	vld [tilespmem:s14+$0x3970]  }
0x140: {  	v26 =	vld [tilespmem:s14+$0x3890]  }
0x141: {  	v27 =	vld [tilespmem:s14+$0x39B0]  }
0x142: {  	v28 =	vld [tilespmem:s14+$0x38A0]  }
0x143: {  	v29 =	vld [tilespmem:s14+$0x39F0]  }
0x144: {  	v30 =	vld [tilespmem:s14+$0x38C0]  }
0x145: {  	v31 =	vld [tilespmem:s14+$0x3A30]  }
0x146: {  	v32 =	vld [tilespmem:s14+$0x38D0]  }
0x147: {  	v33 =	vld [tilespmem:s14+$0x38E0]  }
0x148: {  	v34 =	vld [tilespmem:s14+$0x3900];
	v9 =	vadd.bf16 v9, v14;
	v10 =	vadd.bf16 v10, v15  }
0x149: {  	v14 =	vld [tilespmem:s14+$0x3910];
	v11 =	vadd.bf16 v11, v16  }
0x14a: {  	v55 =	vld [tilespmem:s14+$0x3980];
	v9 =	vadd.bf16 v12, v9;
	v10 =	vadd.bf16 v13, v10  }
0x14b: {  	v56 =	vld [tilespmem:s14+$0x3990];
	v13 =	vshll.u32 v11, $0x10;
	v11 =	vand.u32 $0xFFFF0000, v11;
	v12 =	vadd.bf16 v0, v17  }
0x14c: {  	v57 =	vld [tilespmem:s14+$0x39A0];
	v17 =	vadd.bf16 v0, v18;
	v8 =	vadd.f32 v11, v8  }
0x14d: {  	v58 =	vld [tilespmem:s14+$0x39C0];
	v11 =	vadd.bf16 v0, v22;
	v12 =	vadd.bf16 v19, v12  }
0x14e: {  	v15 =	vld [tilespmem:s14+$0x3920];
	v19 =	vadd.bf16 v0, v20;
	v17 =	vadd.bf16 v24, v17  }
0x14f: {  	v16 =	vld [tilespmem:s14+$0x3940];
	v5 =	vadd.f32 v13, v5;
	v11 =	vadd.bf16 v28, v11  }
0x150: {  	v13 =	vld [tilespmem:s14+$0x3960];
	v19 =	vadd.bf16 v26, v19;
	v17 =	vadd.bf16 v30, v17  }
0x151: {  	v18 =	vld [tilespmem:s14+$0x3950];
	v59 =	vshll.u32 v9, $0x10;
	v11 =	vadd.bf16 v33, v11  }
0x152: {  	v60 =	vld [tilespmem:s14+$0x39D0];
	v9 =	vand.u32 $0xFFFF0000, v9;
	v19 =	vadd.bf16 v32, v19;
	v17 =	vadd.bf16 v34, v17  }
0x153: {  	v61 =	vld [tilespmem:s14+$0x39E0];
	v6 =	vadd.f32 v9, v6;
	v9 =	vadd.bf16 v15, v11  }
0x154: {  	v11 =	vld [tilespmem:s14+$0x3A10];
	v14 =	vadd.bf16 v14, v19;
	v16 =	vadd.bf16 v16, v17  }
0x155: {  	v12 =	vadd.bf16 v21, v12;
	v17 =	vld [tilespmem:s14+$0x3A00];
	v9 =	vadd.bf16 v13, v9  }
0x156: {  	v13 =	vld [tilespmem:s14+$0x3A40];
	v14 =	vadd.bf16 v18, v14;
	v15 =	vadd.bf16 v55, v16  }
0x157: {  	v7 =	vadd.f32 v59, v7;
	v12 =	vadd.bf16 v23, v12;
	v19 =	vld [tilespmem:s14+$0x3A80]  }
0x158: {  	v16 =	vld [tilespmem:s14+$0x3A20];
	v14 =	vadd.bf16 v56, v14;
	v15 =	vadd.bf16 v58, v15  }
0x159: {  	v12 =	vadd.bf16 v25, v12;
	v18 =	vld [tilespmem:s14+$0x3A50];
	v9 =	vadd.bf16 v57, v9  }
0x15a: {  	v62 =	vld [tilespmem:s14+$0x3A90];
	v14 =	vadd.bf16 v60, v14;
	v15 =	vadd.bf16 v17, v15  }
0x15b: {  	v12 =	vadd.bf16 v27, v12;
	v9 =	vadd.bf16 v61, v9;
	v17 =	vld [tilespmem:s14+$0x3A60]  }
0x15c: {  	v11 =	vadd.bf16 v11, v14;
	v14 =	vld [tilespmem:s14+$0x3A70];
	v13 =	vadd.bf16 v13, v15  }
0x15d: {  	v12 =	vadd.bf16 v29, v12;
	v9 =	vadd.bf16 v16, v9;
	v15 =	vld [tilespmem:s14+$0x3AA0]  }
0x15e: {  	v16 =	vshll.u32 v10, $0x10;
	v11 =	vadd.bf16 v18, v11;
	v13 =	vadd.bf16 v19, v13  }
0x15f: {  	v12 =	vadd.bf16 v31, v12;
	v10 =	vand.u32 $0xFFFF0000, v10;
	v4 =	vadd.f32 v16, v4;
	v16 =	vld [tilespmem:s14+$0x3AB0]  }
0x160: {  	v9 =	vadd.bf16 v17, v9;
	v11 =	vadd.bf16 v62, v11;
	v17 =	vshll.u32 v13, $0x10  }
0x161: {  	v13 =	vand.u32 $0xFFFF0000, v13;
	v12 =	vadd.bf16 v14, v12;
	v5 =	vadd.f32 v17, v5  }
0x162: {  	v9 =	vadd.bf16 v15, v9;
	v8 =	vadd.f32 v13, v8;
	v14 =	vshll.u32 v11, $0x10  }
0x163: {  	v3 =	vadd.f32 v10, v3;
	v10 =	vand.u32 $0xFFFF0000, v11;
	v7 =	vadd.f32 v14, v7;
	[tilespmem:s5+$0x196C0] =	vst v5  }
0x164: {  	v5 =	vadd.bf16 v16, v12;
	v11 =	vshll.u32 v9, $0x10;
	v6 =	vadd.f32 v10, v6;
	[tilespmem:s5+$0x196D0] =	vst v8  }
0x165: {  	v8 =	vand.u32 $0xFFFF0000, v9;
	v4 =	vadd.f32 v11, v4;
	[tilespmem:s5+$0x196E0] =	vst v7  }
0x166: {  	v3 =	vadd.f32 v8, v3;
	v7 =	vshll.u32 v5, $0x10;
	[tilespmem:s5+$0x196F0] =	vst v6  }
0x167: {  	v5 =	vand.u32 $0xFFFF0000, v5;
	v2 =	vadd.f32 v7, v2;
	[tilespmem:s5+$0x19700] =	vst v4  }
0x168: {  	v1 =	vadd.f32 v5, v1;
	[tilespmem:s5+$0x19710] =	vst v3  }
0x169: {  	[tilespmem:s5+$0x19720] =	vst v2  }
0x16a: {  	s19 =	simm.s32 $0x0;
	[tilespmem:s5+$0x19730] =	vst v1  }
0x16b: {  	v1 =	vld [tilespmem:s19+$0x6A70]  }
0x16c: {  	v2 =	vld [tilespmem:s19+$0x6A40]  }
0x16d: {  	v3 =	vld [tilespmem:s19+$0x6AB0]  }
0x16e: {  	v4 =	vld [tilespmem:s19+$0x6A50]  }
0x16f: {  	v5 =	vld [tilespmem:s19+$0x6AF0]  }
0x170: {  	v6 =	vld [tilespmem:s19+$0x6A60]  }
0x171: {  	v7 =	vld [tilespmem:s19+$0x6B30]  }
0x172: {  	v8 =	vld [tilespmem:s19+$0x6A80]  }
0x173: {  	v9 =	vld [tilespmem:s19+$0x6B70]  }
0x174: {  	v10 =	vld [tilespmem:s19+$0x6A90]  }
0x175: {  	v11 =	vld [tilespmem:s19+$0x6BB0]  }
0x176: {  	v12 =	vld [tilespmem:s19+$0x6AA0]  }
0x177: {  	v13 =	vld [tilespmem:s19+$0x6BF0];
	v1 =	vadd.bf16 v0, v1  }
0x178: {  	v14 =	vld [tilespmem:s19+$0x6AC0]  }
0x179: {  	v15 =	vld [tilespmem:s19+$0x6C30];
	v1 =	vadd.bf16 v3, v1  }
0x17a: {  	v16 =	vld [tilespmem:s19+$0x6C70]  }
0x17b: {  	v17 =	vld [tilespmem:s19+$0x6CB0];
	v1 =	vadd.bf16 v5, v1  }
0x17c: {  	v18 =	vld [tilespmem:s19+$0x6B10]  }
0x17d: {  	v19 =	vld [tilespmem:s19+$0x6B40];
	v1 =	vadd.bf16 v7, v1  }
0x17e: {  	v63 =	vld [tilespmem:s19+$0x6B60];
	v2 =	vadd.bf16 v0, v2  }
0x17f: {  	v3 =	vld [tilespmem:s19+$0x6AD0];
	v1 =	vadd.bf16 v9, v1  }
0x180: {  	v2 =	vadd.bf16 v8, v2;
	v8 =	vld [tilespmem:s19+$0x6B80]  }
0x181: {  	v5 =	vld [tilespmem:s19+$0x6AE0];
	v1 =	vadd.bf16 v11, v1  }
0x182: {  	v4 =	vadd.bf16 v0, v4;
	v6 =	vadd.bf16 v0, v6;
	v7 =	vld [tilespmem:s19+$0x6B00]  }
0x183: {  	v9 =	vld [tilespmem:s19+$0x6B20];
	v1 =	vadd.bf16 v13, v1  }
0x184: {  	v4 =	vadd.bf16 v10, v4;
	v6 =	vadd.bf16 v12, v6;
	v10 =	vld [tilespmem:s19+$0x6B90]  }
0x185: {  	v2 =	vadd.bf16 v14, v2;
	v11 =	vld [tilespmem:s19+$0x6B50];
	v1 =	vadd.bf16 v15, v1  }
0x186: {  	v12 =	vld [tilespmem:s19+$0x6BA0];
	v3 =	vadd.bf16 v3, v4;
	v4 =	vadd.bf16 v5, v6  }
0x187: {  	v6 =	vld [tilespmem:s19+$0x6BC0];
	v2 =	vadd.bf16 v7, v2;
	v1 =	vadd.bf16 v16, v1  }
0x188: {  	v3 =	vadd.bf16 v18, v3;
	v7 =	vld [tilespmem:s19+$0x6BD0];
	v4 =	vadd.bf16 v9, v4  }
0x189: {  	v9 =	vld [tilespmem:s19+$0x6BE0];
	v13 =	vadd.bf16 v17, v1;
	v1 =	vadd.bf16 v19, v2  }
0x18a: {  	v14 =	vld [tilespmem:s19+$0x6C00];
	v2 =	vadd.bf16 v11, v3;
	v3 =	vadd.bf16 v63, v4  }
0x18b: {  	v4 =	vld [tilespmem:s19+$0x6C10];
	v8 =	vadd.bf16 v8, v1  }
0x18c: {  	v15 =	vld [tilespmem:s19+$0x6C20];
	v2 =	vadd.bf16 v10, v2;
	v3 =	vadd.bf16 v12, v3  }
0x18d: {  	v5 =	vimm.f32 $0.0e+00;
	v16 =	vld [tilespmem:s19+$0x6C40];
	v1 =	vand.u32 $0xFFFF0000, v13;
	v6 =	vadd.bf16 v6, v8  }
0x18e: {  	v8 =	vshll.u32 v13, $0x10;
	v7 =	vadd.bf16 v7, v2;
	v3 =	vadd.bf16 v9, v3;
	v9 =	vld [tilespmem:s19+$0x6C50]  }
0x18f: {  	v10 =	vld [tilespmem:s19+$0x6C60];
	v1 =	vadd.f32 v1, v5;
	v2 =	vadd.f32 v8, v5  }
0x190: {  	v11 =	vld [tilespmem:s19+$0x6C80];
	v8 =	vimm.f32 $0.0e+00;
	v6 =	vadd.bf16 v14, v6;
	v14 =	vadd.bf16 v4, v7  }
0x191: {  	v12 =	vld [tilespmem:s19+$0x6C90];
	v15 =	vadd.bf16 v15, v3;
	v7 =	vimm.f32 $0.0e+00;
	v4 =	vimm.f32 $0.0e+00  }
0x192: {  	s7 =	simm.s32 $0x1400;
	s14 =	simm.s32 $0x280;
	v13 =	vld [tilespmem:s19+$0x6CA0];
	v3 =	vimm.f32 $0.0e+00;
	v16 =	vadd.bf16 v16, v6;
	v6 =	vimm.f32 $0.0e+00  }
.LBB2_7:
0x193: {  	p1 =	sne.s32 s7, $0xBE00;
	v17 =	vld [tilespmem:s14+$0x6A70];
	v9 =	vadd.bf16 v9, v14  }
0x194: {  	v14 =	vld [tilespmem:s14+$0x6A40];
	v10 =	vadd.bf16 v10, v15  }
0x195: {  	v15 =	vld [tilespmem:s14+$0x6AB0];
	v11 =	vadd.bf16 v11, v16  }
0x196: {  	v16 =	vld [tilespmem:s14+$0x6A50];
	v9 =	vadd.bf16 v12, v9  }
0x197: {  	v12 =	vld [tilespmem:s14+$0x6AF0];
	v10 =	vadd.bf16 v13, v10;
	v13 =	vshll.u32 v11, $0x10;
	v11 =	vand.u32 $0xFFFF0000, v11  }
0x198: {  	v18 =	vld [tilespmem:s14+$0x6A60];
	v17 =	vadd.bf16 v0, v17;
	v19 =	vshll.u32 v9, $0x10;
	v9 =	vand.u32 $0xFFFF0000, v9  }
0x199: {  	v14 =	vadd.bf16 v0, v14;
	v20 =	vld [tilespmem:s14+$0x6B30];
	v21 =	vshll.u32 v10, $0x10;
	v10 =	vand.u32 $0xFFFF0000, v10  }
0x19a: {  	v5 =	vadd.f32 v13, v5;
	v22 =	vld [tilespmem:s14+$0x6A80];
	v15 =	vadd.bf16 v15, v17  }
0x19b: {  	v8 =	vadd.f32 v11, v8;
	v13 =	vadd.bf16 v0, v16;
	v16 =	vld [tilespmem:s14+$0x6B70]  }
0x19c: {  	v7 =	vadd.f32 v19, v7;
	v11 =	vld [tilespmem:s14+$0x6A90];
	v12 =	vadd.bf16 v12, v15  }
0x19d: {  	v6 =	vadd.f32 v9, v6;
	v15 =	vadd.bf16 v0, v18;
	v17 =	vld [tilespmem:s14+$0x6BB0]  }
0x19e: {  	v4 =	vadd.f32 v21, v4;
	v9 =	vld [tilespmem:s14+$0x6AA0];
	v12 =	vadd.bf16 v20, v12  }
0x19f: {  	v3 =	vadd.f32 v10, v3;
	v14 =	vadd.bf16 v22, v14;
	v18 =	vld [tilespmem:s14+$0x6BF0]  }
0x1a0: {  	v10 =	vld [tilespmem:s14+$0x6AC0];
	v12 =	vadd.bf16 v16, v12  }
0x1a1: {  	v11 =	vadd.bf16 v11, v13;
	v13 =	vld [tilespmem:s14+$0x6C30]  }
0x1a2: {  	v16 =	vld [tilespmem:s14+$0x6AD0];
	v12 =	vadd.bf16 v17, v12  }
0x1a3: {  	v9 =	vadd.bf16 v9, v15;
	v15 =	vld [tilespmem:s14+$0x6C70]  }
0x1a4: {  	v17 =	vld [tilespmem:s14+$0x6AE0];
	v12 =	vadd.bf16 v18, v12  }
0x1a5: {  	v10 =	vadd.bf16 v10, v14;
	v14 =	vld [tilespmem:s14+$0x6CB0]  }
0x1a6: {  	v18 =	vld [tilespmem:s14+$0x6B00];
	v12 =	vadd.bf16 v13, v12  }
0x1a7: {  	v11 =	vadd.bf16 v16, v11;
	v13 =	vld [tilespmem:s14+$0x6B10]  }
0x1a8: {  	v16 =	vld [tilespmem:s14+$0x6B20];
	v12 =	vadd.bf16 v15, v12  }
0x1a9: {  	v9 =	vadd.bf16 v17, v9;
	v15 =	vld [tilespmem:s14+$0x6B40]  }
0x1aa: {  	v17 =	vld [tilespmem:s14+$0x6B50];
	v12 =	vadd.bf16 v14, v12  }
0x1ab: {  	v10 =	vadd.bf16 v18, v10;
	v14 =	vld [tilespmem:s14+$0x6B60]  }
0x1ac: {  	v11 =	vadd.bf16 v13, v11;
	v13 =	vld [tilespmem:s14+$0x6B80];
	v18 =	vshll.u32 v12, $0x10;
	v12 =	vand.u32 $0xFFFF0000, v12  }
0x1ad: {  	v9 =	vadd.bf16 v16, v9;
	v16 =	vld [tilespmem:s14+$0x6B90];
	v1 =	vadd.f32 v12, v1  }
0x1ae: {  	v2 =	vadd.f32 v18, v2;
	v10 =	vadd.bf16 v15, v10;
	v12 =	vld [tilespmem:s14+$0x6BA0]  }
0x1af: {  	v11 =	vadd.bf16 v17, v11;
	v15 =	vld [tilespmem:s14+$0x6BC0]  }
0x1b0: {  	v9 =	vadd.bf16 v14, v9;
	v14 =	vld [tilespmem:s14+$0x6BD0]  }
0x1b1: {  	v10 =	vadd.bf16 v13, v10;
	v13 =	vld [tilespmem:s14+$0x6BE0]  }
0x1b2: {  	v11 =	vadd.bf16 v16, v11;
	v16 =	vld [tilespmem:s14+$0x6C00]  }
0x1b3: {  	v9 =	vadd.bf16 v12, v9;
	v12 =	vld [tilespmem:s14+$0x6C10]  }
0x1b4: {  	v10 =	vadd.bf16 v15, v10;
	v15 =	vld [tilespmem:s14+$0x6C20]  }
0x1b5: {  	v11 =	vadd.bf16 v14, v11;
	v17 =	vld [tilespmem:s14+$0x6C40]  }
.Ltmp2:
0x1b6: {  	v13 =	vadd.bf16 v13, v9;
	v9 =	vld [tilespmem:s14+$0x6C50];
	(pc) =	sbr.rel @p1 .LBB2_7-.Ltmp2, $4  }
0x1b7: {  	v16 =	vadd.bf16 v16, v10;
	v10 =	vld [tilespmem:s14+$0x6C60]  }
0x1b8: {  	v14 =	vadd.bf16 v12, v11;
	v11 =	vld [tilespmem:s14+$0x6C80]  }
0x1b9: {  	v15 =	vadd.bf16 v15, v13;
	v12 =	vld [tilespmem:s14+$0x6C90]  }
0x1ba: {  	v16 =	vadd.bf16 v17, v16;
	v13 =	vld [tilespmem:s14+$0x6CA0];
	s14 =	sshra.s32 s7, $0x2;
	s7 =	sadd.s32 $0xA00, s7  }
0x1bb: {  	v17 =	vld [tilespmem:s14+$0x6A70]  }
0x1bc: {  	v18 =	vld [tilespmem:s14+$0x6A40]  }
0x1bd: {  	v19 =	vld [tilespmem:s14+$0x6AB0]  }
0x1be: {  	v20 =	vld [tilespmem:s14+$0x6A50]  }
0x1bf: {  	v21 =	vld [tilespmem:s14+$0x6AF0]  }
0x1c0: {  	v22 =	vld [tilespmem:s14+$0x6A60]  }
0x1c1: {  	v23 =	vld [tilespmem:s14+$0x6B30]  }
0x1c2: {  	v24 =	vld [tilespmem:s14+$0x6A80]  }
0x1c3: {  	v25 =	vld [tilespmem:s14+$0x6B70]  }
0x1c4: {  	v26 =	vld [tilespmem:s14+$0x6A90]  }
0x1c5: {  	v27 =	vld [tilespmem:s14+$0x6BB0]  }
0x1c6: {  	v28 =	vld [tilespmem:s14+$0x6AA0]  }
0x1c7: {  	v29 =	vld [tilespmem:s14+$0x6BF0]  }
0x1c8: {  	v30 =	vld [tilespmem:s14+$0x6AC0]  }
0x1c9: {  	v31 =	vld [tilespmem:s14+$0x6C30]  }
0x1ca: {  	v32 =	vld [tilespmem:s14+$0x6AD0]  }
0x1cb: {  	v33 =	vld [tilespmem:s14+$0x6AE0]  }
0x1cc: {  	v34 =	vld [tilespmem:s14+$0x6B00];
	v9 =	vadd.bf16 v9, v14;
	v10 =	vadd.bf16 v10, v15  }
0x1cd: {  	v14 =	vld [tilespmem:s14+$0x6B10];
	v11 =	vadd.bf16 v11, v16  }
0x1ce: {  	v55 =	vld [tilespmem:s14+$0x6B80];
	v9 =	vadd.bf16 v12, v9;
	v10 =	vadd.bf16 v13, v10  }
0x1cf: {  	v56 =	vld [tilespmem:s14+$0x6B90];
	v13 =	vshll.u32 v11, $0x10;
	v11 =	vand.u32 $0xFFFF0000, v11;
	v12 =	vadd.bf16 v0, v17  }
0x1d0: {  	v57 =	vld [tilespmem:s14+$0x6BA0];
	v17 =	vadd.bf16 v0, v18;
	v8 =	vadd.f32 v11, v8  }
0x1d1: {  	v58 =	vld [tilespmem:s14+$0x6BC0];
	v11 =	vadd.bf16 v0, v22;
	v12 =	vadd.bf16 v19, v12  }
0x1d2: {  	v15 =	vld [tilespmem:s14+$0x6B20];
	v19 =	vadd.bf16 v0, v20;
	v17 =	vadd.bf16 v24, v17  }
0x1d3: {  	v16 =	vld [tilespmem:s14+$0x6B40];
	v5 =	vadd.f32 v13, v5;
	v11 =	vadd.bf16 v28, v11  }
0x1d4: {  	v13 =	vld [tilespmem:s14+$0x6B60];
	v19 =	vadd.bf16 v26, v19;
	v17 =	vadd.bf16 v30, v17  }
0x1d5: {  	v18 =	vld [tilespmem:s14+$0x6B50];
	v59 =	vshll.u32 v9, $0x10;
	v11 =	vadd.bf16 v33, v11  }
0x1d6: {  	v60 =	vld [tilespmem:s14+$0x6BD0];
	v9 =	vand.u32 $0xFFFF0000, v9;
	v19 =	vadd.bf16 v32, v19;
	v17 =	vadd.bf16 v34, v17  }
0x1d7: {  	v61 =	vld [tilespmem:s14+$0x6BE0];
	v6 =	vadd.f32 v9, v6;
	v9 =	vadd.bf16 v15, v11  }
0x1d8: {  	v11 =	vld [tilespmem:s14+$0x6C10];
	v14 =	vadd.bf16 v14, v19;
	v16 =	vadd.bf16 v16, v17  }
0x1d9: {  	v12 =	vadd.bf16 v21, v12;
	v17 =	vld [tilespmem:s14+$0x6C00];
	v9 =	vadd.bf16 v13, v9  }
0x1da: {  	v13 =	vld [tilespmem:s14+$0x6C40];
	v14 =	vadd.bf16 v18, v14;
	v15 =	vadd.bf16 v55, v16  }
0x1db: {  	v7 =	vadd.f32 v59, v7;
	v12 =	vadd.bf16 v23, v12;
	v19 =	vld [tilespmem:s14+$0x6C80]  }
0x1dc: {  	v16 =	vld [tilespmem:s14+$0x6C20];
	v14 =	vadd.bf16 v56, v14;
	v15 =	vadd.bf16 v58, v15  }
0x1dd: {  	v12 =	vadd.bf16 v25, v12;
	v18 =	vld [tilespmem:s14+$0x6C50];
	v9 =	vadd.bf16 v57, v9  }
0x1de: {  	v62 =	vld [tilespmem:s14+$0x6C90];
	v14 =	vadd.bf16 v60, v14;
	v15 =	vadd.bf16 v17, v15  }
0x1df: {  	v12 =	vadd.bf16 v27, v12;
	v9 =	vadd.bf16 v61, v9;
	v17 =	vld [tilespmem:s14+$0x6C60]  }
0x1e0: {  	v11 =	vadd.bf16 v11, v14;
	v14 =	vld [tilespmem:s14+$0x6C70];
	v13 =	vadd.bf16 v13, v15  }
0x1e1: {  	v12 =	vadd.bf16 v29, v12;
	v9 =	vadd.bf16 v16, v9;
	v15 =	vld [tilespmem:s14+$0x6CA0]  }
0x1e2: {  	v16 =	vshll.u32 v10, $0x10;
	v11 =	vadd.bf16 v18, v11;
	v13 =	vadd.bf16 v19, v13  }
0x1e3: {  	v12 =	vadd.bf16 v31, v12;
	v10 =	vand.u32 $0xFFFF0000, v10;
	v4 =	vadd.f32 v16, v4;
	v16 =	vld [tilespmem:s14+$0x6CB0]  }
0x1e4: {  	v9 =	vadd.bf16 v17, v9;
	v11 =	vadd.bf16 v62, v11;
	v17 =	vshll.u32 v13, $0x10  }
0x1e5: {  	v13 =	vand.u32 $0xFFFF0000, v13;
	v12 =	vadd.bf16 v14, v12;
	v5 =	vadd.f32 v17, v5  }
0x1e6: {  	v9 =	vadd.bf16 v15, v9;
	v8 =	vadd.f32 v13, v8;
	v14 =	vshll.u32 v11, $0x10  }
0x1e7: {  	v3 =	vadd.f32 v10, v3;
	v10 =	vand.u32 $0xFFFF0000, v11;
	v7 =	vadd.f32 v14, v7;
	[tilespmem:s5+$0x19740] =	vst v5  }
0x1e8: {  	v5 =	vadd.bf16 v16, v12;
	v11 =	vshll.u32 v9, $0x10;
	v6 =	vadd.f32 v10, v6;
	[tilespmem:s5+$0x19750] =	vst v8  }
0x1e9: {  	v8 =	vand.u32 $0xFFFF0000, v9;
	v4 =	vadd.f32 v11, v4;
	[tilespmem:s5+$0x19760] =	vst v7  }
0x1ea: {  	v3 =	vadd.f32 v8, v3;
	v7 =	vshll.u32 v5, $0x10;
	[tilespmem:s5+$0x19770] =	vst v6  }
0x1eb: {  	v5 =	vand.u32 $0xFFFF0000, v5;
	v2 =	vadd.f32 v7, v2;
	[tilespmem:s5+$0x19780] =	vst v4  }
0x1ec: {  	v1 =	vadd.f32 v5, v1;
	[tilespmem:s5+$0x19790] =	vst v3  }
0x1ed: {  	[tilespmem:s5+$0x197A0] =	vst v2  }
0x1ee: {  	s19 =	simm.s32 $0x0;
	[tilespmem:s5+$0x197B0] =	vst v1  }
0x1ef: {  	v1 =	vld [tilespmem:s19+$0x9C70]  }
0x1f0: {  	v2 =	vld [tilespmem:s19+$0x9C40]  }
0x1f1: {  	v3 =	vld [tilespmem:s19+$0x9CB0]  }
0x1f2: {  	v4 =	vld [tilespmem:s19+$0x9C50]  }
0x1f3: {  	v5 =	vld [tilespmem:s19+$0x9CF0]  }
0x1f4: {  	v6 =	vld [tilespmem:s19+$0x9C60]  }
0x1f5: {  	v7 =	vld [tilespmem:s19+$0x9D30]  }
0x1f6: {  	v8 =	vld [tilespmem:s19+$0x9C80]  }
0x1f7: {  	v9 =	vld [tilespmem:s19+$0x9D70]  }
0x1f8: {  	v10 =	vld [tilespmem:s19+$0x9C90]  }
0x1f9: {  	v11 =	vld [tilespmem:s19+$0x9DB0]  }
0x1fa: {  	v12 =	vld [tilespmem:s19+$0x9CA0]  }
0x1fb: {  	v13 =	vld [tilespmem:s19+$0x9DF0];
	v1 =	vadd.bf16 v0, v1  }
0x1fc: {  	v14 =	vld [tilespmem:s19+$0x9CC0]  }
0x1fd: {  	v15 =	vld [tilespmem:s19+$0x9E30];
	v1 =	vadd.bf16 v3, v1  }
0x1fe: {  	v16 =	vld [tilespmem:s19+$0x9E70]  }
0x1ff: {  	v17 =	vld [tilespmem:s19+$0x9EB0];
	v1 =	vadd.bf16 v5, v1  }
0x200: {  	v18 =	vld [tilespmem:s19+$0x9D10]  }
0x201: {  	v19 =	vld [tilespmem:s19+$0x9D40];
	v1 =	vadd.bf16 v7, v1  }
0x202: {  	v63 =	vld [tilespmem:s19+$0x9D60];
	v2 =	vadd.bf16 v0, v2  }
0x203: {  	v3 =	vld [tilespmem:s19+$0x9CD0];
	v1 =	vadd.bf16 v9, v1  }
0x204: {  	v2 =	vadd.bf16 v8, v2;
	v8 =	vld [tilespmem:s19+$0x9D80]  }
0x205: {  	v5 =	vld [tilespmem:s19+$0x9CE0];
	v1 =	vadd.bf16 v11, v1  }
0x206: {  	v4 =	vadd.bf16 v0, v4;
	v6 =	vadd.bf16 v0, v6;
	v7 =	vld [tilespmem:s19+$0x9D00]  }
0x207: {  	v9 =	vld [tilespmem:s19+$0x9D20];
	v1 =	vadd.bf16 v13, v1  }
0x208: {  	v4 =	vadd.bf16 v10, v4;
	v6 =	vadd.bf16 v12, v6;
	v10 =	vld [tilespmem:s19+$0x9D90]  }
0x209: {  	v2 =	vadd.bf16 v14, v2;
	v11 =	vld [tilespmem:s19+$0x9D50];
	v1 =	vadd.bf16 v15, v1  }
0x20a: {  	v12 =	vld [tilespmem:s19+$0x9DA0];
	v3 =	vadd.bf16 v3, v4;
	v4 =	vadd.bf16 v5, v6  }
0x20b: {  	v6 =	vld [tilespmem:s19+$0x9DC0];
	v2 =	vadd.bf16 v7, v2;
	v1 =	vadd.bf16 v16, v1  }
0x20c: {  	v3 =	vadd.bf16 v18, v3;
	v7 =	vld [tilespmem:s19+$0x9DD0];
	v4 =	vadd.bf16 v9, v4  }
0x20d: {  	v9 =	vld [tilespmem:s19+$0x9DE0];
	v13 =	vadd.bf16 v17, v1;
	v1 =	vadd.bf16 v19, v2  }
0x20e: {  	v14 =	vld [tilespmem:s19+$0x9E00];
	v2 =	vadd.bf16 v11, v3;
	v3 =	vadd.bf16 v63, v4  }
0x20f: {  	v4 =	vld [tilespmem:s19+$0x9E10];
	v8 =	vadd.bf16 v8, v1  }
0x210: {  	v15 =	vld [tilespmem:s19+$0x9E20];
	v2 =	vadd.bf16 v10, v2;
	v3 =	vadd.bf16 v12, v3  }
0x211: {  	v5 =	vimm.f32 $0.0e+00;
	v16 =	vld [tilespmem:s19+$0x9E40];
	v1 =	vand.u32 $0xFFFF0000, v13;
	v6 =	vadd.bf16 v6, v8  }
0x212: {  	v8 =	vshll.u32 v13, $0x10;
	v7 =	vadd.bf16 v7, v2;
	v3 =	vadd.bf16 v9, v3;
	v9 =	vld [tilespmem:s19+$0x9E50]  }
0x213: {  	v10 =	vld [tilespmem:s19+$0x9E60];
	v1 =	vadd.f32 v1, v5;
	v2 =	vadd.f32 v8, v5  }
0x214: {  	v11 =	vld [tilespmem:s19+$0x9E80];
	v8 =	vimm.f32 $0.0e+00;
	v6 =	vadd.bf16 v14, v6;
	v14 =	vadd.bf16 v4, v7  }
0x215: {  	v12 =	vld [tilespmem:s19+$0x9E90];
	v15 =	vadd.bf16 v15, v3;
	v7 =	vimm.f32 $0.0e+00;
	v4 =	vimm.f32 $0.0e+00  }
0x216: {  	s7 =	simm.s32 $0x1400;
	s14 =	simm.s32 $0x280;
	v13 =	vld [tilespmem:s19+$0x9EA0];
	v3 =	vimm.f32 $0.0e+00;
	v16 =	vadd.bf16 v16, v6;
	v6 =	vimm.f32 $0.0e+00  }
.LBB2_9:
0x217: {  	p1 =	sne.s32 s7, $0xBE00;
	v17 =	vld [tilespmem:s14+$0x9C70];
	v9 =	vadd.bf16 v9, v14  }
0x218: {  	v14 =	vld [tilespmem:s14+$0x9C40];
	v10 =	vadd.bf16 v10, v15  }
0x219: {  	v15 =	vld [tilespmem:s14+$0x9CB0];
	v11 =	vadd.bf16 v11, v16  }
0x21a: {  	v16 =	vld [tilespmem:s14+$0x9C50];
	v9 =	vadd.bf16 v12, v9  }
0x21b: {  	v12 =	vld [tilespmem:s14+$0x9CF0];
	v10 =	vadd.bf16 v13, v10;
	v13 =	vshll.u32 v11, $0x10;
	v11 =	vand.u32 $0xFFFF0000, v11  }
0x21c: {  	v18 =	vld [tilespmem:s14+$0x9C60];
	v17 =	vadd.bf16 v0, v17;
	v19 =	vshll.u32 v9, $0x10;
	v9 =	vand.u32 $0xFFFF0000, v9  }
0x21d: {  	v14 =	vadd.bf16 v0, v14;
	v20 =	vld [tilespmem:s14+$0x9D30];
	v21 =	vshll.u32 v10, $0x10;
	v10 =	vand.u32 $0xFFFF0000, v10  }
0x21e: {  	v5 =	vadd.f32 v13, v5;
	v22 =	vld [tilespmem:s14+$0x9C80];
	v15 =	vadd.bf16 v15, v17  }
0x21f: {  	v8 =	vadd.f32 v11, v8;
	v13 =	vadd.bf16 v0, v16;
	v16 =	vld [tilespmem:s14+$0x9D70]  }
0x220: {  	v7 =	vadd.f32 v19, v7;
	v11 =	vld [tilespmem:s14+$0x9C90];
	v12 =	vadd.bf16 v12, v15  }
0x221: {  	v6 =	vadd.f32 v9, v6;
	v15 =	vadd.bf16 v0, v18;
	v17 =	vld [tilespmem:s14+$0x9DB0]  }
0x222: {  	v4 =	vadd.f32 v21, v4;
	v9 =	vld [tilespmem:s14+$0x9CA0];
	v12 =	vadd.bf16 v20, v12  }
0x223: {  	v3 =	vadd.f32 v10, v3;
	v14 =	vadd.bf16 v22, v14;
	v18 =	vld [tilespmem:s14+$0x9DF0]  }
0x224: {  	v10 =	vld [tilespmem:s14+$0x9CC0];
	v12 =	vadd.bf16 v16, v12  }
0x225: {  	v11 =	vadd.bf16 v11, v13;
	v13 =	vld [tilespmem:s14+$0x9E30]  }
0x226: {  	v16 =	vld [tilespmem:s14+$0x9CD0];
	v12 =	vadd.bf16 v17, v12  }
0x227: {  	v9 =	vadd.bf16 v9, v15;
	v15 =	vld [tilespmem:s14+$0x9E70]  }
0x228: {  	v17 =	vld [tilespmem:s14+$0x9CE0];
	v12 =	vadd.bf16 v18, v12  }
0x229: {  	v10 =	vadd.bf16 v10, v14;
	v14 =	vld [tilespmem:s14+$0x9EB0]  }
0x22a: {  	v18 =	vld [tilespmem:s14+$0x9D00];
	v12 =	vadd.bf16 v13, v12  }
0x22b: {  	v11 =	vadd.bf16 v16, v11;
	v13 =	vld [tilespmem:s14+$0x9D10]  }
0x22c: {  	v16 =	vld [tilespmem:s14+$0x9D20];
	v12 =	vadd.bf16 v15, v12  }
0x22d: {  	v9 =	vadd.bf16 v17, v9;
	v15 =	vld [tilespmem:s14+$0x9D40]  }
0x22e: {  	v17 =	vld [tilespmem:s14+$0x9D50];
	v12 =	vadd.bf16 v14, v12  }
0x22f: {  	v10 =	vadd.bf16 v18, v10;
	v14 =	vld [tilespmem:s14+$0x9D60]  }
0x230: {  	v11 =	vadd.bf16 v13, v11;
	v13 =	vld [tilespmem:s14+$0x9D80];
	v18 =	vshll.u32 v12, $0x10;
	v12 =	vand.u32 $0xFFFF0000, v12  }
0x231: {  	v9 =	vadd.bf16 v16, v9;
	v16 =	vld [tilespmem:s14+$0x9D90];
	v1 =	vadd.f32 v12, v1  }
0x232: {  	v2 =	vadd.f32 v18, v2;
	v10 =	vadd.bf16 v15, v10;
	v12 =	vld [tilespmem:s14+$0x9DA0]  }
0x233: {  	v11 =	vadd.bf16 v17, v11;
	v15 =	vld [tilespmem:s14+$0x9DC0]  }
0x234: {  	v9 =	vadd.bf16 v14, v9;
	v14 =	vld [tilespmem:s14+$0x9DD0]  }
0x235: {  	v10 =	vadd.bf16 v13, v10;
	v13 =	vld [tilespmem:s14+$0x9DE0]  }
0x236: {  	v11 =	vadd.bf16 v16, v11;
	v16 =	vld [tilespmem:s14+$0x9E00]  }
0x237: {  	v9 =	vadd.bf16 v12, v9;
	v12 =	vld [tilespmem:s14+$0x9E10]  }
0x238: {  	v10 =	vadd.bf16 v15, v10;
	v15 =	vld [tilespmem:s14+$0x9E20]  }
0x239: {  	v11 =	vadd.bf16 v14, v11;
	v17 =	vld [tilespmem:s14+$0x9E40]  }
.Ltmp3:
0x23a: {  	v13 =	vadd.bf16 v13, v9;
	v9 =	vld [tilespmem:s14+$0x9E50];
	(pc) =	sbr.rel @p1 .LBB2_9-.Ltmp3, $4  }
0x23b: {  	v16 =	vadd.bf16 v16, v10;
	v10 =	vld [tilespmem:s14+$0x9E60]  }
0x23c: {  	v14 =	vadd.bf16 v12, v11;
	v11 =	vld [tilespmem:s14+$0x9E80]  }
0x23d: {  	v15 =	vadd.bf16 v15, v13;
	v12 =	vld [tilespmem:s14+$0x9E90]  }
0x23e: {  	v16 =	vadd.bf16 v17, v16;
	v13 =	vld [tilespmem:s14+$0x9EA0];
	s14 =	sshra.s32 s7, $0x2;
	s7 =	sadd.s32 $0xA00, s7  }
0x23f: {  	v17 =	vld [tilespmem:s14+$0x9C70]  }
0x240: {  	v18 =	vld [tilespmem:s14+$0x9C40]  }
0x241: {  	v19 =	vld [tilespmem:s14+$0x9CB0]  }
0x242: {  	v20 =	vld [tilespmem:s14+$0x9C50]  }
0x243: {  	v21 =	vld [tilespmem:s14+$0x9CF0]  }
0x244: {  	v22 =	vld [tilespmem:s14+$0x9C60]  }
0x245: {  	v23 =	vld [tilespmem:s14+$0x9D30]  }
0x246: {  	v24 =	vld [tilespmem:s14+$0x9C80]  }
0x247: {  	v25 =	vld [tilespmem:s14+$0x9D70]  }
0x248: {  	v26 =	vld [tilespmem:s14+$0x9C90]  }
0x249: {  	v27 =	vld [tilespmem:s14+$0x9DB0]  }
0x24a: {  	v28 =	vld [tilespmem:s14+$0x9CA0]  }
0x24b: {  	v29 =	vld [tilespmem:s14+$0x9DF0]  }
0x24c: {  	v30 =	vld [tilespmem:s14+$0x9CC0]  }
0x24d: {  	v31 =	vld [tilespmem:s14+$0x9E30]  }
0x24e: {  	v32 =	vld [tilespmem:s14+$0x9CD0]  }
0x24f: {  	v33 =	vld [tilespmem:s14+$0x9CE0]  }
0x250: {  	v34 =	vld [tilespmem:s14+$0x9D00];
	v9 =	vadd.bf16 v9, v14;
	v10 =	vadd.bf16 v10, v15  }
0x251: {  	v14 =	vld [tilespmem:s14+$0x9D10];
	v11 =	vadd.bf16 v11, v16  }
0x252: {  	v55 =	vld [tilespmem:s14+$0x9D80];
	v9 =	vadd.bf16 v12, v9;
	v10 =	vadd.bf16 v13, v10  }
0x253: {  	v56 =	vld [tilespmem:s14+$0x9D90];
	v13 =	vshll.u32 v11, $0x10;
	v11 =	vand.u32 $0xFFFF0000, v11;
	v12 =	vadd.bf16 v0, v17  }
0x254: {  	v57 =	vld [tilespmem:s14+$0x9DA0];
	v17 =	vadd.bf16 v0, v18;
	v8 =	vadd.f32 v11, v8  }
0x255: {  	v58 =	vld [tilespmem:s14+$0x9DC0];
	v11 =	vadd.bf16 v0, v22;
	v12 =	vadd.bf16 v19, v12  }
0x256: {  	v15 =	vld [tilespmem:s14+$0x9D20];
	v19 =	vadd.bf16 v0, v20;
	v17 =	vadd.bf16 v24, v17  }
0x257: {  	v16 =	vld [tilespmem:s14+$0x9D40];
	v5 =	vadd.f32 v13, v5;
	v11 =	vadd.bf16 v28, v11  }
0x258: {  	v13 =	vld [tilespmem:s14+$0x9D60];
	v19 =	vadd.bf16 v26, v19;
	v17 =	vadd.bf16 v30, v17  }
0x259: {  	v18 =	vld [tilespmem:s14+$0x9D50];
	v59 =	vshll.u32 v9, $0x10;
	v11 =	vadd.bf16 v33, v11  }
0x25a: {  	v60 =	vld [tilespmem:s14+$0x9DD0];
	v9 =	vand.u32 $0xFFFF0000, v9;
	v19 =	vadd.bf16 v32, v19;
	v17 =	vadd.bf16 v34, v17  }
0x25b: {  	v61 =	vld [tilespmem:s14+$0x9DE0];
	v6 =	vadd.f32 v9, v6;
	v9 =	vadd.bf16 v15, v11  }
0x25c: {  	v11 =	vld [tilespmem:s14+$0x9E10];
	v14 =	vadd.bf16 v14, v19;
	v16 =	vadd.bf16 v16, v17  }
0x25d: {  	v12 =	vadd.bf16 v21, v12;
	v17 =	vld [tilespmem:s14+$0x9E00];
	v9 =	vadd.bf16 v13, v9  }
0x25e: {  	v13 =	vld [tilespmem:s14+$0x9E40];
	v14 =	vadd.bf16 v18, v14;
	v15 =	vadd.bf16 v55, v16  }
0x25f: {  	v7 =	vadd.f32 v59, v7;
	v12 =	vadd.bf16 v23, v12;
	v19 =	vld [tilespmem:s14+$0x9E80]  }
0x260: {  	v16 =	vld [tilespmem:s14+$0x9E20];
	v14 =	vadd.bf16 v56, v14;
	v15 =	vadd.bf16 v58, v15  }
0x261: {  	v12 =	vadd.bf16 v25, v12;
	v18 =	vld [tilespmem:s14+$0x9E50];
	v9 =	vadd.bf16 v57, v9  }
0x262: {  	v62 =	vld [tilespmem:s14+$0x9E90];
	v14 =	vadd.bf16 v60, v14;
	v15 =	vadd.bf16 v17, v15  }
0x263: {  	v12 =	vadd.bf16 v27, v12;
	v9 =	vadd.bf16 v61, v9;
	v17 =	vld [tilespmem:s14+$0x9E60]  }
0x264: {  	v11 =	vadd.bf16 v11, v14;
	v14 =	vld [tilespmem:s14+$0x9E70];
	v13 =	vadd.bf16 v13, v15  }
0x265: {  	v12 =	vadd.bf16 v29, v12;
	v9 =	vadd.bf16 v16, v9;
	v15 =	vld [tilespmem:s14+$0x9EA0]  }
0x266: {  	v16 =	vshll.u32 v10, $0x10;
	v11 =	vadd.bf16 v18, v11;
	v13 =	vadd.bf16 v19, v13  }
0x267: {  	v12 =	vadd.bf16 v31, v12;
	v10 =	vand.u32 $0xFFFF0000, v10;
	v4 =	vadd.f32 v16, v4;
	v16 =	vld [tilespmem:s14+$0x9EB0]  }
0x268: {  	v9 =	vadd.bf16 v17, v9;
	v11 =	vadd.bf16 v62, v11;
	v17 =	vshll.u32 v13, $0x10  }
0x269: {  	v13 =	vand.u32 $0xFFFF0000, v13;
	v12 =	vadd.bf16 v14, v12;
	v5 =	vadd.f32 v17, v5  }
0x26a: {  	v9 =	vadd.bf16 v15, v9;
	v8 =	vadd.f32 v13, v8;
	v14 =	vshll.u32 v11, $0x10  }
0x26b: {  	v3 =	vadd.f32 v10, v3;
	v10 =	vand.u32 $0xFFFF0000, v11;
	v7 =	vadd.f32 v14, v7;
	[tilespmem:s5+$0x197C0] =	vst v5  }
0x26c: {  	v5 =	vadd.bf16 v16, v12;
	v11 =	vshll.u32 v9, $0x10;
	v6 =	vadd.f32 v10, v6;
	[tilespmem:s5+$0x197D0] =	vst v8  }
0x26d: {  	v8 =	vand.u32 $0xFFFF0000, v9;
	v4 =	vadd.f32 v11, v4;
	[tilespmem:s5+$0x197E0] =	vst v7  }
0x26e: {  	v3 =	vadd.f32 v8, v3;
	v7 =	vshll.u32 v5, $0x10;
	[tilespmem:s5+$0x197F0] =	vst v6  }
0x26f: {  	v5 =	vand.u32 $0xFFFF0000, v5;
	v2 =	vadd.f32 v7, v2;
	[tilespmem:s5+$0x19800] =	vst v4  }
0x270: {  	v1 =	vadd.f32 v5, v1;
	[tilespmem:s5+$0x19810] =	vst v3  }
0x271: {  	[tilespmem:s5+$0x19820] =	vst v2  }
0x272: {  	[tilespmem:s5+$0x19830] =	vst v1  }
0x273: {  	_ =	swait.ge [sflag:s6], $0x1A00  }
0x274: {  	[sflag:s6] =	ssyncset.done $0x0  }
0x275: {  	[sflag:s6] =	ssyncadd.s32 $0xFFFFE600  }
0x276: {  	_ =	swait.ge [sflag:s6], $0x1800  }
0x277: {  	[sflag:s6] =	ssyncset.done $0x0  }
0x278: {  	[sflag:s6] =	ssyncadd.s32 $0xFFFFE800  }
0x279: {  	_ =	swait.ge [sflag:s6], $0x1A00  }
0x27a: {  	[sflag:s6] =	ssyncset.done $0x0  }
0x27b: {  	[sflag:s6] =	ssyncadd.s32 $0xFFFFE600  }
0x27c: {  	_ =	swait.ge [sflag:s6], $0x1800  }
0x27d: {  	[sflag:s6] =	ssyncset.done $0x0  }
0x27e: {  	[sflag:s6] =	ssyncadd.s32 $0xFFFFE800  }
0x27f: {  	_ =	swait.ge [sflag:s6], $0x1A00  }
0x280: {  	[sflag:s6] =	ssyncset.done $0x0  }
0x281: {  	[sflag:s6] =	ssyncadd.s32 $0xFFFFE600  }
0x282: {  	_ =	swait.ge [sflag:s6], $0x1800  }
0x283: {  	[sflag:s6] =	ssyncset.done $0x0  }
0x284: {  	[sflag:s6] =	ssyncadd.s32 $0xFFFFE800  }
0x285: {  	_ =	swait.ge [sflag:s6], $0x1A00  }
0x286: {  	[sflag:s6] =	ssyncset.done $0x0  }
0x287: {  	[sflag:s6] =	ssyncadd.s32 $0xFFFFE600  }
0x288: {  	s5 =	sor.u32 $0x1, s12;
	_ =	swait.ge [sflag:s6], $0x1800  }
0x289: {  	p1 =	sgt.u32 s5, $0x7E;
	[sflag:s6] =	ssyncset.done $0x0  }
0x28a: {  	s7 =	simm.s32 @!p1 $0x3;
	[sflag:s6] =	ssyncadd.s32 $0xFFFFE800  }
0x28b: {  	_ =	swait.ge @!p1 [sflag:s7], $0x1A0  }
0x28c: {  	[sflag:s7] =	ssyncset.done @!p1 $0x0  }
0x28d: {  	[sflag:s7] =	ssyncadd.s32 @!p1 $0xFFFFFE60  }
0x28e: {  	_ =	swait.ge @!p1 [sflag:s7], $0x180  }
0x28f: {  	s12 =	simm.s32 @!p1 $0x0;
	[sflag:s7] =	ssyncset.done @!p1 $0x0  }
0x290: {  	s14 =	simm.s32 @!p1 $0x640;
	[sflag:s7] =	ssyncadd.s32 @!p1 $0xFFFFFE80;
	s7 =	simm.s32 @!p1 $0x68  }
0x291: {  	[tilespmem:s14], [sflag:$0x1] =	stream.indirect.gather @!p1 [hbm4b:s4+s7], $0x40, s12, s7, $0xb8;
	[tilespmem:$0x1B640] =	vst v63  }
0x292: {  	s19 =	simm.s32 @!p1 $0x2040;
	s12 =	simm.s32 @!p1 $0x60;
	s14 =	simm.s32 @!p1 $0x1A0  }
0x293: {  	[tilespmem:s19], [sflag:$0x1] =	stream.indirect.gather @!p1 [hbm4b:s4+s12], $0x40, s14, s12, $0xb8;
	[tilespmem:$0x1B640] =	vst v63  }
0x294: {  	s14 =	simm.s32 @!p1 $0x3840  }
0x295: {  	[tilespmem:s14], [sflag:$0x1] =	stream.indirect.gather @!p1 [hbm4b:s4+s7], $0x40, s7, s7, $0xb8;
	[tilespmem:$0x1B640] =	vst v63  }
0x296: {  	s19 =	simm.s32 @!p1 $0x5240;
	s14 =	simm.s32 @!p1 $0x200  }
0x297: {  	[tilespmem:s19], [sflag:$0x1] =	stream.indirect.gather @!p1 [hbm4b:s4+s12], $0x40, s14, s12, $0xb8;
	[tilespmem:$0x1B640] =	vst v63  }
0x298: {  	s14 =	simm.s32 @!p1 $0xD0;
	s19 =	simm.s32 @!p1 $0x6A40  }
0x299: {  	[tilespmem:s19], [sflag:$0x1] =	stream.indirect.gather @!p1 [hbm4b:s4+s7], $0x40, s14, s7, $0xb8;
	[tilespmem:$0x1B640] =	vst v63  }
0x29a: {  	s14 =	simm.s32 @!p1 $0x260;
	s19 =	simm.s32 @!p1 $0x8440  }
0x29b: {  	[tilespmem:s19], [sflag:$0x1] =	stream.indirect.gather @!p1 [hbm4b:s4+s12], $0x40, s14, s12, $0xb8;
	[tilespmem:$0x1B640] =	vst v63  }
0x29c: {  	s20 =	simm.s32 @!p1 $0x9C40;
	s14 =	sshll.u32 s8, $0x3;
	s19 =	simm.s32 @!p1 $0x138  }
0x29d: {  	[tilespmem:s20], [sflag:$0x1] =	stream.indirect.gather @!p1 [hbm4b:s4+s7], $0x40, s19, s7, $0xb8;
	[tilespmem:$0x1B640] =	vst v63  }
0x29e: {  	s7 =	sadd.s32 @!p0 s14, s10;
	s14 =	simm.s32 @!p1 $0x2C0  }
0x29f: {  	s19 =	simm.s32 @!p1 $0xB640;
	s20 =	simm.s32 @!p0 $0x320;
	s7 =	smul.u32 @!p0 $0xC8, s7  }
0x2a0: {  	[tilespmem:s19], [sflag:$0x1] =	stream.indirect.gather @!p1 [hbm4b:s4+s12], $0x40, s14, s12, $0xb8;
	[tilespmem:$0x1B640] =	vst v63  }
0x2a1: {  	s14 =	simm.s32 @!p0 $0x68;
	s12 =	sshrl.u32 @!p0 s7, $0x3;
	s7 =	sadd.s32 @!p0 $0x68, s7  }
0x2a2: {  	s19 =	simm.s32 @!p0 $0xC8;
	s12 =	sadd.s32 @!p0 s2, s12;
	s7 =	sshrl.u32 @!p0 s7, $0x3  }
0x2a3: {  	[tilespmem:s20], [sflag:$0x3] =	stream.strided.gather @!p0 [hbm4b:s12+s14], $0x1A0, s19, s14, $0x38;
	[tilespmem:$0x1B640] =	vst v63  }
0x2a4: {  	s7 =	sadd.s32 @!p0 s2, s7  }
0x2a5: {  	s12 =	simm.s32 @!p0 $0x60;
	s14 =	simm.s32 @!p0 $0x4C0;
	s20 =	simm.s32 $0x0  }
0x2a6: {  	[tilespmem:s14], [sflag:$0x3] =	stream.strided.gather @!p0 [hbm4b:s7+s12], $0x180, s19, s12, $0x38;
	[tilespmem:$0x1B640] =	vst v63  }
0x2a7: {  	v1 =	vld [tilespmem:s20+$0xCE70]  }
0x2a8: {  	v2 =	vld [tilespmem:s20+$0xCE40]  }
0x2a9: {  	v3 =	vld [tilespmem:s20+$0xCEB0]  }
0x2aa: {  	v4 =	vld [tilespmem:s20+$0xCE50]  }
0x2ab: {  	v5 =	vld [tilespmem:s20+$0xCEF0]  }
0x2ac: {  	v6 =	vld [tilespmem:s20+$0xCE60]  }
0x2ad: {  	v7 =	vld [tilespmem:s20+$0xCF30]  }
0x2ae: {  	v8 =	vld [tilespmem:s20+$0xCE80]  }
0x2af: {  	v9 =	vld [tilespmem:s20+$0xCF70]  }
0x2b0: {  	v10 =	vld [tilespmem:s20+$0xCE90]  }
0x2b1: {  	v11 =	vld [tilespmem:s20+$0xCFB0]  }
0x2b2: {  	v12 =	vld [tilespmem:s20+$0xCEA0]  }
0x2b3: {  	v13 =	vld [tilespmem:s20+$0xCFF0];
	v1 =	vadd.bf16 v0, v1  }
0x2b4: {  	v14 =	vld [tilespmem:s20+$0xCEC0]  }
0x2b5: {  	v15 =	vld [tilespmem:s20+$0xD030];
	v1 =	vadd.bf16 v3, v1  }
0x2b6: {  	v16 =	vld [tilespmem:s20+$0xD070]  }
0x2b7: {  	v17 =	vld [tilespmem:s20+$0xD0B0];
	v1 =	vadd.bf16 v5, v1  }
0x2b8: {  	v18 =	vld [tilespmem:s20+$0xCF10]  }
0x2b9: {  	v19 =	vld [tilespmem:s20+$0xCF40];
	v1 =	vadd.bf16 v7, v1  }
0x2ba: {  	v63 =	vld [tilespmem:s20+$0xCF60];
	v2 =	vadd.bf16 v0, v2  }
0x2bb: {  	v3 =	vld [tilespmem:s20+$0xCED0];
	v1 =	vadd.bf16 v9, v1  }
0x2bc: {  	v2 =	vadd.bf16 v8, v2;
	v8 =	vld [tilespmem:s20+$0xCF80]  }
0x2bd: {  	v5 =	vld [tilespmem:s20+$0xCEE0];
	v1 =	vadd.bf16 v11, v1  }
0x2be: {  	v4 =	vadd.bf16 v0, v4;
	v6 =	vadd.bf16 v0, v6;
	v7 =	vld [tilespmem:s20+$0xCF00]  }
0x2bf: {  	v9 =	vld [tilespmem:s20+$0xCF20];
	v1 =	vadd.bf16 v13, v1  }
0x2c0: {  	v4 =	vadd.bf16 v10, v4;
	v6 =	vadd.bf16 v12, v6;
	v10 =	vld [tilespmem:s20+$0xCF90]  }
0x2c1: {  	v2 =	vadd.bf16 v14, v2;
	v11 =	vld [tilespmem:s20+$0xCF50];
	v1 =	vadd.bf16 v15, v1  }
0x2c2: {  	v12 =	vld [tilespmem:s20+$0xCFA0];
	v3 =	vadd.bf16 v3, v4;
	v4 =	vadd.bf16 v5, v6  }
0x2c3: {  	v6 =	vld [tilespmem:s20+$0xCFC0];
	v2 =	vadd.bf16 v7, v2;
	v1 =	vadd.bf16 v16, v1  }
0x2c4: {  	v3 =	vadd.bf16 v18, v3;
	v7 =	vld [tilespmem:s20+$0xCFD0];
	v4 =	vadd.bf16 v9, v4  }
0x2c5: {  	v9 =	vld [tilespmem:s20+$0xCFE0];
	v13 =	vadd.bf16 v17, v1;
	v1 =	vadd.bf16 v19, v2  }
0x2c6: {  	v14 =	vld [tilespmem:s20+$0xD000];
	v2 =	vadd.bf16 v11, v3;
	v3 =	vadd.bf16 v63, v4  }
0x2c7: {  	v4 =	vld [tilespmem:s20+$0xD010];
	v8 =	vadd.bf16 v8, v1  }
0x2c8: {  	v15 =	vld [tilespmem:s20+$0xD020];
	v2 =	vadd.bf16 v10, v2;
	v3 =	vadd.bf16 v12, v3  }
0x2c9: {  	v5 =	vimm.f32 $0.0e+00;
	v16 =	vld [tilespmem:s20+$0xD040];
	v1 =	vand.u32 $0xFFFF0000, v13;
	v6 =	vadd.bf16 v6, v8  }
0x2ca: {  	v8 =	vshll.u32 v13, $0x10;
	v7 =	vadd.bf16 v7, v2;
	v3 =	vadd.bf16 v9, v3;
	v9 =	vld [tilespmem:s20+$0xD050]  }
0x2cb: {  	v10 =	vld [tilespmem:s20+$0xD060];
	v1 =	vadd.f32 v1, v5;
	v2 =	vadd.f32 v8, v5  }
0x2cc: {  	v11 =	vld [tilespmem:s20+$0xD080];
	v8 =	vimm.f32 $0.0e+00;
	v6 =	vadd.bf16 v14, v6;
	v14 =	vadd.bf16 v4, v7  }
0x2cd: {  	v12 =	vld [tilespmem:s20+$0xD090];
	v15 =	vadd.bf16 v15, v3;
	v7 =	vimm.f32 $0.0e+00;
	v4 =	vimm.f32 $0.0e+00  }
0x2ce: {  	s12 =	simm.s32 $0x280;
	s7 =	simm.s32 $0x1400;
	v13 =	vld [tilespmem:s20+$0xD0A0];
	v3 =	vimm.f32 $0.0e+00;
	v16 =	vadd.bf16 v16, v6;
	v6 =	vimm.f32 $0.0e+00  }
.LBB2_11:
0x2cf: {  	p0 =	sne.s32 s7, $0xBE00;
	v17 =	vld [tilespmem:s12+$0xCE70];
	v9 =	vadd.bf16 v9, v14  }
0x2d0: {  	v14 =	vld [tilespmem:s12+$0xCE40];
	v10 =	vadd.bf16 v10, v15  }
0x2d1: {  	v15 =	vld [tilespmem:s12+$0xCEB0];
	v11 =	vadd.bf16 v11, v16  }
0x2d2: {  	v16 =	vld [tilespmem:s12+$0xCE50];
	v9 =	vadd.bf16 v12, v9  }
0x2d3: {  	v12 =	vld [tilespmem:s12+$0xCEF0];
	v10 =	vadd.bf16 v13, v10;
	v13 =	vshll.u32 v11, $0x10;
	v11 =	vand.u32 $0xFFFF0000, v11  }
0x2d4: {  	v18 =	vld [tilespmem:s12+$0xCE60];
	v17 =	vadd.bf16 v0, v17;
	v19 =	vshll.u32 v9, $0x10;
	v9 =	vand.u32 $0xFFFF0000, v9  }
0x2d5: {  	v14 =	vadd.bf16 v0, v14;
	v20 =	vld [tilespmem:s12+$0xCF30];
	v21 =	vshll.u32 v10, $0x10;
	v10 =	vand.u32 $0xFFFF0000, v10  }
0x2d6: {  	v5 =	vadd.f32 v13, v5;
	v22 =	vld [tilespmem:s12+$0xCE80];
	v15 =	vadd.bf16 v15, v17  }
0x2d7: {  	v8 =	vadd.f32 v11, v8;
	v13 =	vadd.bf16 v0, v16;
	v16 =	vld [tilespmem:s12+$0xCF70]  }
0x2d8: {  	v7 =	vadd.f32 v19, v7;
	v11 =	vld [tilespmem:s12+$0xCE90];
	v12 =	vadd.bf16 v12, v15  }
0x2d9: {  	v6 =	vadd.f32 v9, v6;
	v15 =	vadd.bf16 v0, v18;
	v17 =	vld [tilespmem:s12+$0xCFB0]  }
0x2da: {  	v4 =	vadd.f32 v21, v4;
	v9 =	vld [tilespmem:s12+$0xCEA0];
	v12 =	vadd.bf16 v20, v12  }
0x2db: {  	v3 =	vadd.f32 v10, v3;
	v14 =	vadd.bf16 v22, v14;
	v18 =	vld [tilespmem:s12+$0xCFF0]  }
0x2dc: {  	v10 =	vld [tilespmem:s12+$0xCEC0];
	v12 =	vadd.bf16 v16, v12  }
0x2dd: {  	v11 =	vadd.bf16 v11, v13;
	v13 =	vld [tilespmem:s12+$0xD030]  }
0x2de: {  	v16 =	vld [tilespmem:s12+$0xCED0];
	v12 =	vadd.bf16 v17, v12  }
0x2df: {  	v9 =	vadd.bf16 v9, v15;
	v15 =	vld [tilespmem:s12+$0xD070]  }
0x2e0: {  	v17 =	vld [tilespmem:s12+$0xCEE0];
	v12 =	vadd.bf16 v18, v12  }
0x2e1: {  	v10 =	vadd.bf16 v10, v14;
	v14 =	vld [tilespmem:s12+$0xD0B0]  }
0x2e2: {  	v18 =	vld [tilespmem:s12+$0xCF00];
	v12 =	vadd.bf16 v13, v12  }
0x2e3: {  	v11 =	vadd.bf16 v16, v11;
	v13 =	vld [tilespmem:s12+$0xCF10]  }
0x2e4: {  	v16 =	vld [tilespmem:s12+$0xCF20];
	v12 =	vadd.bf16 v15, v12  }
0x2e5: {  	v9 =	vadd.bf16 v17, v9;
	v15 =	vld [tilespmem:s12+$0xCF40]  }
0x2e6: {  	v17 =	vld [tilespmem:s12+$0xCF50];
	v12 =	vadd.bf16 v14, v12  }
0x2e7: {  	v10 =	vadd.bf16 v18, v10;
	v14 =	vld [tilespmem:s12+$0xCF60]  }
0x2e8: {  	v11 =	vadd.bf16 v13, v11;
	v13 =	vld [tilespmem:s12+$0xCF80];
	v18 =	vshll.u32 v12, $0x10;
	v12 =	vand.u32 $0xFFFF0000, v12  }
0x2e9: {  	v9 =	vadd.bf16 v16, v9;
	v16 =	vld [tilespmem:s12+$0xCF90];
	v1 =	vadd.f32 v12, v1  }
0x2ea: {  	v2 =	vadd.f32 v18, v2;
	v10 =	vadd.bf16 v15, v10;
	v12 =	vld [tilespmem:s12+$0xCFA0]  }
0x2eb: {  	v11 =	vadd.bf16 v17, v11;
	v15 =	vld [tilespmem:s12+$0xCFC0]  }
0x2ec: {  	v9 =	vadd.bf16 v14, v9;
	v14 =	vld [tilespmem:s12+$0xCFD0]  }
0x2ed: {  	v10 =	vadd.bf16 v13, v10;
	v13 =	vld [tilespmem:s12+$0xCFE0]  }
0x2ee: {  	v11 =	vadd.bf16 v16, v11;
	v16 =	vld [tilespmem:s12+$0xD000]  }
0x2ef: {  	v9 =	vadd.bf16 v12, v9;
	v12 =	vld [tilespmem:s12+$0xD010]  }
0x2f0: {  	v10 =	vadd.bf16 v15, v10;
	v15 =	vld [tilespmem:s12+$0xD020]  }
0x2f1: {  	v11 =	vadd.bf16 v14, v11;
	v17 =	vld [tilespmem:s12+$0xD040]  }
.Ltmp4:
0x2f2: {  	v13 =	vadd.bf16 v13, v9;
	v9 =	vld [tilespmem:s12+$0xD050];
	(pc) =	sbr.rel @p0 .LBB2_11-.Ltmp4, $4  }
0x2f3: {  	v16 =	vadd.bf16 v16, v10;
	v10 =	vld [tilespmem:s12+$0xD060]  }
0x2f4: {  	v14 =	vadd.bf16 v12, v11;
	v11 =	vld [tilespmem:s12+$0xD080]  }
0x2f5: {  	v15 =	vadd.bf16 v15, v13;
	v12 =	vld [tilespmem:s12+$0xD090]  }
0x2f6: {  	v16 =	vadd.bf16 v17, v16;
	v13 =	vld [tilespmem:s12+$0xD0A0];
	s12 =	sshra.s32 s7, $0x2;
	s7 =	sadd.s32 $0xA00, s7  }
0x2f7: {  	v17 =	vld [tilespmem:s12+$0xCE70]  }
0x2f8: {  	v18 =	vld [tilespmem:s12+$0xCE40]  }
0x2f9: {  	v19 =	vld [tilespmem:s12+$0xCEB0]  }
0x2fa: {  	v20 =	vld [tilespmem:s12+$0xCE50]  }
0x2fb: {  	v21 =	vld [tilespmem:s12+$0xCEF0]  }
0x2fc: {  	v22 =	vld [tilespmem:s12+$0xCE60]  }
0x2fd: {  	v23 =	vld [tilespmem:s12+$0xCF30]  }
0x2fe: {  	v24 =	vld [tilespmem:s12+$0xCE80]  }
0x2ff: {  	v25 =	vld [tilespmem:s12+$0xCF70]  }
0x300: {  	v26 =	vld [tilespmem:s12+$0xCE90]  }
0x301: {  	v27 =	vld [tilespmem:s12+$0xCFB0]  }
0x302: {  	v28 =	vld [tilespmem:s12+$0xCEA0]  }
0x303: {  	v29 =	vld [tilespmem:s12+$0xCFF0]  }
0x304: {  	v30 =	vld [tilespmem:s12+$0xCEC0]  }
0x305: {  	v31 =	vld [tilespmem:s12+$0xD030]  }
0x306: {  	v32 =	vld [tilespmem:s12+$0xCED0]  }
0x307: {  	v33 =	vld [tilespmem:s12+$0xCEE0]  }
0x308: {  	v34 =	vld [tilespmem:s12+$0xCF00];
	v9 =	vadd.bf16 v9, v14;
	v10 =	vadd.bf16 v10, v15  }
0x309: {  	v14 =	vld [tilespmem:s12+$0xCF10];
	v11 =	vadd.bf16 v11, v16  }
0x30a: {  	v55 =	vld [tilespmem:s12+$0xCF80];
	v9 =	vadd.bf16 v12, v9;
	v10 =	vadd.bf16 v13, v10  }
0x30b: {  	v56 =	vld [tilespmem:s12+$0xCF90];
	v13 =	vshll.u32 v11, $0x10;
	v11 =	vand.u32 $0xFFFF0000, v11;
	v12 =	vadd.bf16 v0, v17  }
0x30c: {  	v57 =	vld [tilespmem:s12+$0xCFA0];
	v17 =	vadd.bf16 v0, v18;
	v8 =	vadd.f32 v11, v8  }
0x30d: {  	v58 =	vld [tilespmem:s12+$0xCFC0];
	v11 =	vadd.bf16 v0, v22;
	v12 =	vadd.bf16 v19, v12  }
0x30e: {  	v15 =	vld [tilespmem:s12+$0xCF20];
	v19 =	vadd.bf16 v0, v20;
	v17 =	vadd.bf16 v24, v17  }
0x30f: {  	v16 =	vld [tilespmem:s12+$0xCF40];
	v5 =	vadd.f32 v13, v5;
	v11 =	vadd.bf16 v28, v11  }
0x310: {  	v13 =	vld [tilespmem:s12+$0xCF60];
	v19 =	vadd.bf16 v26, v19;
	v17 =	vadd.bf16 v30, v17  }
0x311: {  	v18 =	vld [tilespmem:s12+$0xCF50];
	v59 =	vshll.u32 v9, $0x10;
	v11 =	vadd.bf16 v33, v11  }
0x312: {  	v60 =	vld [tilespmem:s12+$0xCFD0];
	v9 =	vand.u32 $0xFFFF0000, v9;
	v19 =	vadd.bf16 v32, v19;
	v17 =	vadd.bf16 v34, v17  }
0x313: {  	v61 =	vld [tilespmem:s12+$0xCFE0];
	v6 =	vadd.f32 v9, v6;
	v9 =	vadd.bf16 v15, v11  }
0x314: {  	v11 =	vld [tilespmem:s12+$0xD010];
	v14 =	vadd.bf16 v14, v19;
	v16 =	vadd.bf16 v16, v17  }
0x315: {  	v12 =	vadd.bf16 v21, v12;
	v17 =	vld [tilespmem:s12+$0xD000];
	v9 =	vadd.bf16 v13, v9  }
0x316: {  	v13 =	vld [tilespmem:s12+$0xD040];
	v14 =	vadd.bf16 v18, v14;
	v15 =	vadd.bf16 v55, v16  }
0x317: {  	v7 =	vadd.f32 v59, v7;
	v12 =	vadd.bf16 v23, v12;
	v19 =	vld [tilespmem:s12+$0xD080]  }
0x318: {  	v16 =	vld [tilespmem:s12+$0xD020];
	v14 =	vadd.bf16 v56, v14;
	v15 =	vadd.bf16 v58, v15  }
0x319: {  	v12 =	vadd.bf16 v25, v12;
	v18 =	vld [tilespmem:s12+$0xD050];
	v9 =	vadd.bf16 v57, v9  }
0x31a: {  	v62 =	vld [tilespmem:s12+$0xD090];
	v14 =	vadd.bf16 v60, v14;
	v15 =	vadd.bf16 v17, v15  }
0x31b: {  	v12 =	vadd.bf16 v27, v12;
	v9 =	vadd.bf16 v61, v9;
	v17 =	vld [tilespmem:s12+$0xD060]  }
0x31c: {  	v11 =	vadd.bf16 v11, v14;
	v14 =	vld [tilespmem:s12+$0xD070];
	v13 =	vadd.bf16 v13, v15  }
0x31d: {  	v12 =	vadd.bf16 v29, v12;
	v9 =	vadd.bf16 v16, v9;
	v15 =	vld [tilespmem:s12+$0xD0A0]  }
0x31e: {  	v16 =	vshll.u32 v10, $0x10;
	v11 =	vadd.bf16 v18, v11;
	v13 =	vadd.bf16 v19, v13  }
0x31f: {  	v12 =	vadd.bf16 v31, v12;
	v10 =	vand.u32 $0xFFFF0000, v10;
	v4 =	vadd.f32 v16, v4;
	v16 =	vld [tilespmem:s12+$0xD0B0]  }
0x320: {  	v9 =	vadd.bf16 v17, v9;
	v11 =	vadd.bf16 v62, v11;
	v17 =	vshll.u32 v13, $0x10  }
0x321: {  	s5 =	sshll.u32 s5, $0x9;
	v13 =	vand.u32 $0xFFFF0000, v13;
	v12 =	vadd.bf16 v14, v12;
	v5 =	vadd.f32 v17, v5  }
0x322: {  	s12 =	sand.u32 $0x1E00, s5;
	v9 =	vadd.bf16 v15, v9;
	v8 =	vadd.f32 v13, v8;
	v14 =	vshll.u32 v11, $0x10  }
0x323: {  	v3 =	vadd.f32 v10, v3;
	v10 =	vand.u32 $0xFFFF0000, v11;
	v7 =	vadd.f32 v14, v7;
	[tilespmem:s12+$0x19640] =	vst v5  }
0x324: {  	v5 =	vadd.bf16 v16, v12;
	v11 =	vshll.u32 v9, $0x10;
	v6 =	vadd.f32 v10, v6;
	[tilespmem:s12+$0x19650] =	vst v8  }
0x325: {  	v8 =	vand.u32 $0xFFFF0000, v9;
	v4 =	vadd.f32 v11, v4;
	[tilespmem:s12+$0x19660] =	vst v7  }
0x326: {  	v3 =	vadd.f32 v8, v3;
	v7 =	vshll.u32 v5, $0x10;
	[tilespmem:s12+$0x19670] =	vst v6  }
0x327: {  	v5 =	vand.u32 $0xFFFF0000, v5;
	v2 =	vadd.f32 v7, v2;
	[tilespmem:s12+$0x19680] =	vst v4  }
0x328: {  	v1 =	vadd.f32 v5, v1;
	[tilespmem:s12+$0x19690] =	vst v3  }
0x329: {  	[tilespmem:s12+$0x196A0] =	vst v2  }
0x32a: {  	s14 =	simm.s32 $0x0;
	[tilespmem:s12+$0x196B0] =	vst v1  }
0x32b: {  	v1 =	vld [tilespmem:s14+$0x10070]  }
0x32c: {  	v2 =	vld [tilespmem:s14+$0x10040]  }
0x32d: {  	v3 =	vld [tilespmem:s14+$0x100B0]  }
0x32e: {  	v4 =	vld [tilespmem:s14+$0x10050]  }
0x32f: {  	v5 =	vld [tilespmem:s14+$0x100F0]  }
0x330: {  	v6 =	vld [tilespmem:s14+$0x10060]  }
0x331: {  	v7 =	vld [tilespmem:s14+$0x10130]  }
0x332: {  	v8 =	vld [tilespmem:s14+$0x10080]  }
0x333: {  	v9 =	vld [tilespmem:s14+$0x10170]  }
0x334: {  	v10 =	vld [tilespmem:s14+$0x10090]  }
0x335: {  	v11 =	vld [tilespmem:s14+$0x101B0]  }
0x336: {  	v12 =	vld [tilespmem:s14+$0x100A0]  }
0x337: {  	v13 =	vld [tilespmem:s14+$0x101F0];
	v1 =	vadd.bf16 v0, v1  }
0x338: {  	v14 =	vld [tilespmem:s14+$0x100C0]  }
0x339: {  	v15 =	vld [tilespmem:s14+$0x10230];
	v1 =	vadd.bf16 v3, v1  }
0x33a: {  	v16 =	vld [tilespmem:s14+$0x10270]  }
0x33b: {  	v17 =	vld [tilespmem:s14+$0x102B0];
	v1 =	vadd.bf16 v5, v1  }
0x33c: {  	v18 =	vld [tilespmem:s14+$0x10110]  }
0x33d: {  	v19 =	vld [tilespmem:s14+$0x10140];
	v1 =	vadd.bf16 v7, v1  }
0x33e: {  	v63 =	vld [tilespmem:s14+$0x10160];
	v2 =	vadd.bf16 v0, v2  }
0x33f: {  	v3 =	vld [tilespmem:s14+$0x100D0];
	v1 =	vadd.bf16 v9, v1  }
0x340: {  	v2 =	vadd.bf16 v8, v2;
	v8 =	vld [tilespmem:s14+$0x10180]  }
0x341: {  	v5 =	vld [tilespmem:s14+$0x100E0];
	v1 =	vadd.bf16 v11, v1  }
0x342: {  	v4 =	vadd.bf16 v0, v4;
	v6 =	vadd.bf16 v0, v6;
	v7 =	vld [tilespmem:s14+$0x10100]  }
0x343: {  	v9 =	vld [tilespmem:s14+$0x10120];
	v1 =	vadd.bf16 v13, v1  }
0x344: {  	v4 =	vadd.bf16 v10, v4;
	v6 =	vadd.bf16 v12, v6;
	v10 =	vld [tilespmem:s14+$0x10190]  }
0x345: {  	v2 =	vadd.bf16 v14, v2;
	v11 =	vld [tilespmem:s14+$0x10150];
	v1 =	vadd.bf16 v15, v1  }
0x346: {  	v12 =	vld [tilespmem:s14+$0x101A0];
	v3 =	vadd.bf16 v3, v4;
	v4 =	vadd.bf16 v5, v6  }
0x347: {  	v6 =	vld [tilespmem:s14+$0x101C0];
	v2 =	vadd.bf16 v7, v2;
	v1 =	vadd.bf16 v16, v1  }
0x348: {  	v3 =	vadd.bf16 v18, v3;
	v7 =	vld [tilespmem:s14+$0x101D0];
	v4 =	vadd.bf16 v9, v4  }
0x349: {  	v9 =	vld [tilespmem:s14+$0x101E0];
	v13 =	vadd.bf16 v17, v1;
	v1 =	vadd.bf16 v19, v2  }
0x34a: {  	v14 =	vld [tilespmem:s14+$0x10200];
	v2 =	vadd.bf16 v11, v3;
	v3 =	vadd.bf16 v63, v4  }
0x34b: {  	v4 =	vld [tilespmem:s14+$0x10210];
	v8 =	vadd.bf16 v8, v1  }
0x34c: {  	v15 =	vld [tilespmem:s14+$0x10220];
	v2 =	vadd.bf16 v10, v2;
	v3 =	vadd.bf16 v12, v3  }
0x34d: {  	v5 =	vimm.f32 $0.0e+00;
	v16 =	vld [tilespmem:s14+$0x10240];
	v1 =	vand.u32 $0xFFFF0000, v13;
	v6 =	vadd.bf16 v6, v8  }
0x34e: {  	v8 =	vshll.u32 v13, $0x10;
	v7 =	vadd.bf16 v7, v2;
	v3 =	vadd.bf16 v9, v3;
	v9 =	vld [tilespmem:s14+$0x10250]  }
0x34f: {  	v10 =	vld [tilespmem:s14+$0x10260];
	v1 =	vadd.f32 v1, v5;
	v2 =	vadd.f32 v8, v5  }
0x350: {  	v11 =	vld [tilespmem:s14+$0x10280];
	v8 =	vimm.f32 $0.0e+00;
	v6 =	vadd.bf16 v14, v6;
	v14 =	vadd.bf16 v4, v7  }
0x351: {  	v12 =	vld [tilespmem:s14+$0x10290];
	v15 =	vadd.bf16 v15, v3;
	v7 =	vimm.f32 $0.0e+00;
	v4 =	vimm.f32 $0.0e+00  }
0x352: {  	s7 =	simm.s32 $0x1400;
	s5 =	simm.s32 $0x280;
	v13 =	vld [tilespmem:s14+$0x102A0];
	v3 =	vimm.f32 $0.0e+00;
	v16 =	vadd.bf16 v16, v6;
	v6 =	vimm.f32 $0.0e+00  }
.LBB2_13:
0x353: {  	p0 =	sne.s32 s7, $0xBE00;
	v17 =	vld [tilespmem:s5+$0x10070];
	v9 =	vadd.bf16 v9, v14  }
0x354: {  	v14 =	vld [tilespmem:s5+$0x10040];
	v10 =	vadd.bf16 v10, v15  }
0x355: {  	v15 =	vld [tilespmem:s5+$0x100B0];
	v11 =	vadd.bf16 v11, v16  }
0x356: {  	v16 =	vld [tilespmem:s5+$0x10050];
	v9 =	vadd.bf16 v12, v9  }
0x357: {  	v12 =	vld [tilespmem:s5+$0x100F0];
	v10 =	vadd.bf16 v13, v10;
	v13 =	vshll.u32 v11, $0x10;
	v11 =	vand.u32 $0xFFFF0000, v11  }
0x358: {  	v18 =	vld [tilespmem:s5+$0x10060];
	v17 =	vadd.bf16 v0, v17;
	v19 =	vshll.u32 v9, $0x10;
	v9 =	vand.u32 $0xFFFF0000, v9  }
0x359: {  	v14 =	vadd.bf16 v0, v14;
	v20 =	vld [tilespmem:s5+$0x10130];
	v21 =	vshll.u32 v10, $0x10;
	v10 =	vand.u32 $0xFFFF0000, v10  }
0x35a: {  	v5 =	vadd.f32 v13, v5;
	v22 =	vld [tilespmem:s5+$0x10080];
	v15 =	vadd.bf16 v15, v17  }
0x35b: {  	v8 =	vadd.f32 v11, v8;
	v13 =	vadd.bf16 v0, v16;
	v16 =	vld [tilespmem:s5+$0x10170]  }
0x35c: {  	v7 =	vadd.f32 v19, v7;
	v11 =	vld [tilespmem:s5+$0x10090];
	v12 =	vadd.bf16 v12, v15  }
0x35d: {  	v6 =	vadd.f32 v9, v6;
	v15 =	vadd.bf16 v0, v18;
	v17 =	vld [tilespmem:s5+$0x101B0]  }
0x35e: {  	v4 =	vadd.f32 v21, v4;
	v9 =	vld [tilespmem:s5+$0x100A0];
	v12 =	vadd.bf16 v20, v12  }
0x35f: {  	v3 =	vadd.f32 v10, v3;
	v14 =	vadd.bf16 v22, v14;
	v18 =	vld [tilespmem:s5+$0x101F0]  }
0x360: {  	v10 =	vld [tilespmem:s5+$0x100C0];
	v12 =	vadd.bf16 v16, v12  }
0x361: {  	v11 =	vadd.bf16 v11, v13;
	v13 =	vld [tilespmem:s5+$0x10230]  }
0x362: {  	v16 =	vld [tilespmem:s5+$0x100D0];
	v12 =	vadd.bf16 v17, v12  }
0x363: {  	v9 =	vadd.bf16 v9, v15;
	v15 =	vld [tilespmem:s5+$0x10270]  }
0x364: {  	v17 =	vld [tilespmem:s5+$0x100E0];
	v12 =	vadd.bf16 v18, v12  }
0x365: {  	v10 =	vadd.bf16 v10, v14;
	v14 =	vld [tilespmem:s5+$0x102B0]  }
0x366: {  	v18 =	vld [tilespmem:s5+$0x10100];
	v12 =	vadd.bf16 v13, v12  }
0x367: {  	v11 =	vadd.bf16 v16, v11;
	v13 =	vld [tilespmem:s5+$0x10110]  }
0x368: {  	v16 =	vld [tilespmem:s5+$0x10120];
	v12 =	vadd.bf16 v15, v12  }
0x369: {  	v9 =	vadd.bf16 v17, v9;
	v15 =	vld [tilespmem:s5+$0x10140]  }
0x36a: {  	v17 =	vld [tilespmem:s5+$0x10150];
	v12 =	vadd.bf16 v14, v12  }
0x36b: {  	v10 =	vadd.bf16 v18, v10;
	v14 =	vld [tilespmem:s5+$0x10160]  }
0x36c: {  	v11 =	vadd.bf16 v13, v11;
	v13 =	vld [tilespmem:s5+$0x10180];
	v18 =	vshll.u32 v12, $0x10;
	v12 =	vand.u32 $0xFFFF0000, v12  }
0x36d: {  	v9 =	vadd.bf16 v16, v9;
	v16 =	vld [tilespmem:s5+$0x10190];
	v1 =	vadd.f32 v12, v1  }
0x36e: {  	v2 =	vadd.f32 v18, v2;
	v10 =	vadd.bf16 v15, v10;
	v12 =	vld [tilespmem:s5+$0x101A0]  }
0x36f: {  	v11 =	vadd.bf16 v17, v11;
	v15 =	vld [tilespmem:s5+$0x101C0]  }
0x370: {  	v9 =	vadd.bf16 v14, v9;
	v14 =	vld [tilespmem:s5+$0x101D0]  }
0x371: {  	v10 =	vadd.bf16 v13, v10;
	v13 =	vld [tilespmem:s5+$0x101E0]  }
0x372: {  	v11 =	vadd.bf16 v16, v11;
	v16 =	vld [tilespmem:s5+$0x10200]  }
0x373: {  	v9 =	vadd.bf16 v12, v9;
	v12 =	vld [tilespmem:s5+$0x10210]  }
0x374: {  	v10 =	vadd.bf16 v15, v10;
	v15 =	vld [tilespmem:s5+$0x10220]  }
0x375: {  	v11 =	vadd.bf16 v14, v11;
	v17 =	vld [tilespmem:s5+$0x10240]  }
.Ltmp5:
0x376: {  	v13 =	vadd.bf16 v13, v9;
	v9 =	vld [tilespmem:s5+$0x10250];
	(pc) =	sbr.rel @p0 .LBB2_13-.Ltmp5, $4  }
0x377: {  	v16 =	vadd.bf16 v16, v10;
	v10 =	vld [tilespmem:s5+$0x10260]  }
0x378: {  	v14 =	vadd.bf16 v12, v11;
	v11 =	vld [tilespmem:s5+$0x10280]  }
0x379: {  	v15 =	vadd.bf16 v15, v13;
	v12 =	vld [tilespmem:s5+$0x10290]  }
0x37a: {  	v16 =	vadd.bf16 v17, v16;
	v13 =	vld [tilespmem:s5+$0x102A0];
	s5 =	sshra.s32 s7, $0x2;
	s7 =	sadd.s32 $0xA00, s7  }
0x37b: {  	v17 =	vld [tilespmem:s5+$0x10070]  }
0x37c: {  	v18 =	vld [tilespmem:s5+$0x10040]  }
0x37d: {  	v19 =	vld [tilespmem:s5+$0x100B0]  }
0x37e: {  	v20 =	vld [tilespmem:s5+$0x10050]  }
0x37f: {  	v21 =	vld [tilespmem:s5+$0x100F0]  }
0x380: {  	v22 =	vld [tilespmem:s5+$0x10060]  }
0x381: {  	v23 =	vld [tilespmem:s5+$0x10130]  }
0x382: {  	v24 =	vld [tilespmem:s5+$0x10080]  }
0x383: {  	v25 =	vld [tilespmem:s5+$0x10170]  }
0x384: {  	v26 =	vld [tilespmem:s5+$0x10090]  }
0x385: {  	v27 =	vld [tilespmem:s5+$0x101B0]  }
0x386: {  	v28 =	vld [tilespmem:s5+$0x100A0]  }
0x387: {  	v29 =	vld [tilespmem:s5+$0x101F0]  }
0x388: {  	v30 =	vld [tilespmem:s5+$0x100C0]  }
0x389: {  	v31 =	vld [tilespmem:s5+$0x10230]  }
0x38a: {  	v32 =	vld [tilespmem:s5+$0x100D0]  }
0x38b: {  	v33 =	vld [tilespmem:s5+$0x100E0]  }
0x38c: {  	v34 =	vld [tilespmem:s5+$0x10100];
	v9 =	vadd.bf16 v9, v14;
	v10 =	vadd.bf16 v10, v15  }
0x38d: {  	v14 =	vld [tilespmem:s5+$0x10110];
	v11 =	vadd.bf16 v11, v16  }
0x38e: {  	v55 =	vld [tilespmem:s5+$0x10180];
	v9 =	vadd.bf16 v12, v9;
	v10 =	vadd.bf16 v13, v10  }
0x38f: {  	v56 =	vld [tilespmem:s5+$0x10190];
	v13 =	vshll.u32 v11, $0x10;
	v11 =	vand.u32 $0xFFFF0000, v11;
	v12 =	vadd.bf16 v0, v17  }
0x390: {  	v57 =	vld [tilespmem:s5+$0x101A0];
	v17 =	vadd.bf16 v0, v18;
	v8 =	vadd.f32 v11, v8  }
0x391: {  	v58 =	vld [tilespmem:s5+$0x101C0];
	v11 =	vadd.bf16 v0, v22;
	v12 =	vadd.bf16 v19, v12  }
0x392: {  	v15 =	vld [tilespmem:s5+$0x10120];
	v19 =	vadd.bf16 v0, v20;
	v17 =	vadd.bf16 v24, v17  }
0x393: {  	v16 =	vld [tilespmem:s5+$0x10140];
	v5 =	vadd.f32 v13, v5;
	v11 =	vadd.bf16 v28, v11  }
0x394: {  	v13 =	vld [tilespmem:s5+$0x10160];
	v19 =	vadd.bf16 v26, v19;
	v17 =	vadd.bf16 v30, v17  }
0x395: {  	v18 =	vld [tilespmem:s5+$0x10150];
	v59 =	vshll.u32 v9, $0x10;
	v11 =	vadd.bf16 v33, v11  }
0x396: {  	v60 =	vld [tilespmem:s5+$0x101D0];
	v9 =	vand.u32 $0xFFFF0000, v9;
	v19 =	vadd.bf16 v32, v19;
	v17 =	vadd.bf16 v34, v17  }
0x397: {  	v61 =	vld [tilespmem:s5+$0x101E0];
	v6 =	vadd.f32 v9, v6;
	v9 =	vadd.bf16 v15, v11  }
0x398: {  	v11 =	vld [tilespmem:s5+$0x10210];
	v14 =	vadd.bf16 v14, v19;
	v16 =	vadd.bf16 v16, v17  }
0x399: {  	v12 =	vadd.bf16 v21, v12;
	v17 =	vld [tilespmem:s5+$0x10200];
	v9 =	vadd.bf16 v13, v9  }
0x39a: {  	v13 =	vld [tilespmem:s5+$0x10240];
	v14 =	vadd.bf16 v18, v14;
	v15 =	vadd.bf16 v55, v16  }
0x39b: {  	v7 =	vadd.f32 v59, v7;
	v12 =	vadd.bf16 v23, v12;
	v19 =	vld [tilespmem:s5+$0x10280]  }
0x39c: {  	v16 =	vld [tilespmem:s5+$0x10220];
	v14 =	vadd.bf16 v56, v14;
	v15 =	vadd.bf16 v58, v15  }
0x39d: {  	v12 =	vadd.bf16 v25, v12;
	v18 =	vld [tilespmem:s5+$0x10250];
	v9 =	vadd.bf16 v57, v9  }
0x39e: {  	v62 =	vld [tilespmem:s5+$0x10290];
	v14 =	vadd.bf16 v60, v14;
	v15 =	vadd.bf16 v17, v15  }
0x39f: {  	v12 =	vadd.bf16 v27, v12;
	v9 =	vadd.bf16 v61, v9;
	v17 =	vld [tilespmem:s5+$0x10260]  }
0x3a0: {  	v11 =	vadd.bf16 v11, v14;
	v14 =	vld [tilespmem:s5+$0x10270];
	v13 =	vadd.bf16 v13, v15  }
0x3a1: {  	v12 =	vadd.bf16 v29, v12;
	v9 =	vadd.bf16 v16, v9;
	v15 =	vld [tilespmem:s5+$0x102A0]  }
0x3a2: {  	v16 =	vshll.u32 v10, $0x10;
	v11 =	vadd.bf16 v18, v11;
	v13 =	vadd.bf16 v19, v13  }
0x3a3: {  	v12 =	vadd.bf16 v31, v12;
	v10 =	vand.u32 $0xFFFF0000, v10;
	v4 =	vadd.f32 v16, v4;
	v16 =	vld [tilespmem:s5+$0x102B0]  }
0x3a4: {  	v9 =	vadd.bf16 v17, v9;
	v11 =	vadd.bf16 v62, v11;
	v17 =	vshll.u32 v13, $0x10  }
0x3a5: {  	v13 =	vand.u32 $0xFFFF0000, v13;
	v12 =	vadd.bf16 v14, v12;
	v5 =	vadd.f32 v17, v5  }
0x3a6: {  	v9 =	vadd.bf16 v15, v9;
	v8 =	vadd.f32 v13, v8;
	v14 =	vshll.u32 v11, $0x10  }
0x3a7: {  	v3 =	vadd.f32 v10, v3;
	v10 =	vand.u32 $0xFFFF0000, v11;
	v7 =	vadd.f32 v14, v7;
	[tilespmem:s12+$0x196C0] =	vst v5  }
0x3a8: {  	v5 =	vadd.bf16 v16, v12;
	v11 =	vshll.u32 v9, $0x10;
	v6 =	vadd.f32 v10, v6;
	[tilespmem:s12+$0x196D0] =	vst v8  }
0x3a9: {  	v8 =	vand.u32 $0xFFFF0000, v9;
	v4 =	vadd.f32 v11, v4;
	[tilespmem:s12+$0x196E0] =	vst v7  }
0x3aa: {  	v3 =	vadd.f32 v8, v3;
	v7 =	vshll.u32 v5, $0x10;
	[tilespmem:s12+$0x196F0] =	vst v6  }
0x3ab: {  	v5 =	vand.u32 $0xFFFF0000, v5;
	v2 =	vadd.f32 v7, v2;
	[tilespmem:s12+$0x19700] =	vst v4  }
0x3ac: {  	v1 =	vadd.f32 v5, v1;
	[tilespmem:s12+$0x19710] =	vst v3  }
0x3ad: {  	[tilespmem:s12+$0x19720] =	vst v2  }
0x3ae: {  	s14 =	simm.s32 $0x0;
	[tilespmem:s12+$0x19730] =	vst v1  }
0x3af: {  	v1 =	vld [tilespmem:s14+$0x13270]  }
0x3b0: {  	v2 =	vld [tilespmem:s14+$0x13240]  }
0x3b1: {  	v3 =	vld [tilespmem:s14+$0x132B0]  }
0x3b2: {  	v4 =	vld [tilespmem:s14+$0x13250]  }
0x3b3: {  	v5 =	vld [tilespmem:s14+$0x132F0]  }
0x3b4: {  	v6 =	vld [tilespmem:s14+$0x13260]  }
0x3b5: {  	v7 =	vld [tilespmem:s14+$0x13330]  }
0x3b6: {  	v8 =	vld [tilespmem:s14+$0x13280]  }
0x3b7: {  	v9 =	vld [tilespmem:s14+$0x13370]  }
0x3b8: {  	v10 =	vld [tilespmem:s14+$0x13290]  }
0x3b9: {  	v11 =	vld [tilespmem:s14+$0x133B0]  }
0x3ba: {  	v12 =	vld [tilespmem:s14+$0x132A0]  }
0x3bb: {  	v13 =	vld [tilespmem:s14+$0x133F0];
	v1 =	vadd.bf16 v0, v1  }
0x3bc: {  	v14 =	vld [tilespmem:s14+$0x132C0]  }
0x3bd: {  	v15 =	vld [tilespmem:s14+$0x13430];
	v1 =	vadd.bf16 v3, v1  }
0x3be: {  	v16 =	vld [tilespmem:s14+$0x13470]  }
0x3bf: {  	v17 =	vld [tilespmem:s14+$0x134B0];
	v1 =	vadd.bf16 v5, v1  }
0x3c0: {  	v18 =	vld [tilespmem:s14+$0x13310]  }
0x3c1: {  	v19 =	vld [tilespmem:s14+$0x13340];
	v1 =	vadd.bf16 v7, v1  }
0x3c2: {  	v63 =	vld [tilespmem:s14+$0x13360];
	v2 =	vadd.bf16 v0, v2  }
0x3c3: {  	v3 =	vld [tilespmem:s14+$0x132D0];
	v1 =	vadd.bf16 v9, v1  }
0x3c4: {  	v2 =	vadd.bf16 v8, v2;
	v8 =	vld [tilespmem:s14+$0x13380]  }
0x3c5: {  	v5 =	vld [tilespmem:s14+$0x132E0];
	v1 =	vadd.bf16 v11, v1  }
0x3c6: {  	v4 =	vadd.bf16 v0, v4;
	v6 =	vadd.bf16 v0, v6;
	v7 =	vld [tilespmem:s14+$0x13300]  }
0x3c7: {  	v9 =	vld [tilespmem:s14+$0x13320];
	v1 =	vadd.bf16 v13, v1  }
0x3c8: {  	v4 =	vadd.bf16 v10, v4;
	v6 =	vadd.bf16 v12, v6;
	v10 =	vld [tilespmem:s14+$0x13390]  }
0x3c9: {  	v2 =	vadd.bf16 v14, v2;
	v11 =	vld [tilespmem:s14+$0x13350];
	v1 =	vadd.bf16 v15, v1  }
0x3ca: {  	v12 =	vld [tilespmem:s14+$0x133A0];
	v3 =	vadd.bf16 v3, v4;
	v4 =	vadd.bf16 v5, v6  }
0x3cb: {  	v6 =	vld [tilespmem:s14+$0x133C0];
	v2 =	vadd.bf16 v7, v2;
	v1 =	vadd.bf16 v16, v1  }
0x3cc: {  	v3 =	vadd.bf16 v18, v3;
	v7 =	vld [tilespmem:s14+$0x133D0];
	v4 =	vadd.bf16 v9, v4  }
0x3cd: {  	v9 =	vld [tilespmem:s14+$0x133E0];
	v13 =	vadd.bf16 v17, v1;
	v1 =	vadd.bf16 v19, v2  }
0x3ce: {  	v14 =	vld [tilespmem:s14+$0x13400];
	v2 =	vadd.bf16 v11, v3;
	v3 =	vadd.bf16 v63, v4  }
0x3cf: {  	v4 =	vld [tilespmem:s14+$0x13410];
	v8 =	vadd.bf16 v8, v1  }
0x3d0: {  	v15 =	vld [tilespmem:s14+$0x13420];
	v2 =	vadd.bf16 v10, v2;
	v3 =	vadd.bf16 v12, v3  }
0x3d1: {  	v5 =	vimm.f32 $0.0e+00;
	v16 =	vld [tilespmem:s14+$0x13440];
	v1 =	vand.u32 $0xFFFF0000, v13;
	v6 =	vadd.bf16 v6, v8  }
0x3d2: {  	v8 =	vshll.u32 v13, $0x10;
	v7 =	vadd.bf16 v7, v2;
	v3 =	vadd.bf16 v9, v3;
	v9 =	vld [tilespmem:s14+$0x13450]  }
0x3d3: {  	v10 =	vld [tilespmem:s14+$0x13460];
	v1 =	vadd.f32 v1, v5;
	v2 =	vadd.f32 v8, v5  }
0x3d4: {  	v11 =	vld [tilespmem:s14+$0x13480];
	v8 =	vimm.f32 $0.0e+00;
	v6 =	vadd.bf16 v14, v6;
	v14 =	vadd.bf16 v4, v7  }
0x3d5: {  	v12 =	vld [tilespmem:s14+$0x13490];
	v15 =	vadd.bf16 v15, v3;
	v7 =	vimm.f32 $0.0e+00;
	v4 =	vimm.f32 $0.0e+00  }
0x3d6: {  	s7 =	simm.s32 $0x1400;
	s5 =	simm.s32 $0x280;
	v13 =	vld [tilespmem:s14+$0x134A0];
	v3 =	vimm.f32 $0.0e+00;
	v16 =	vadd.bf16 v16, v6;
	v6 =	vimm.f32 $0.0e+00  }
.LBB2_15:
0x3d7: {  	p0 =	sne.s32 s7, $0xBE00;
	v17 =	vld [tilespmem:s5+$0x13270];
	v9 =	vadd.bf16 v9, v14  }
0x3d8: {  	v14 =	vld [tilespmem:s5+$0x13240];
	v10 =	vadd.bf16 v10, v15  }
0x3d9: {  	v15 =	vld [tilespmem:s5+$0x132B0];
	v11 =	vadd.bf16 v11, v16  }
0x3da: {  	v16 =	vld [tilespmem:s5+$0x13250];
	v9 =	vadd.bf16 v12, v9  }
0x3db: {  	v12 =	vld [tilespmem:s5+$0x132F0];
	v10 =	vadd.bf16 v13, v10;
	v13 =	vshll.u32 v11, $0x10;
	v11 =	vand.u32 $0xFFFF0000, v11  }
0x3dc: {  	v18 =	vld [tilespmem:s5+$0x13260];
	v17 =	vadd.bf16 v0, v17;
	v19 =	vshll.u32 v9, $0x10;
	v9 =	vand.u32 $0xFFFF0000, v9  }
0x3dd: {  	v14 =	vadd.bf16 v0, v14;
	v20 =	vld [tilespmem:s5+$0x13330];
	v21 =	vshll.u32 v10, $0x10;
	v10 =	vand.u32 $0xFFFF0000, v10  }
0x3de: {  	v5 =	vadd.f32 v13, v5;
	v22 =	vld [tilespmem:s5+$0x13280];
	v15 =	vadd.bf16 v15, v17  }
0x3df: {  	v8 =	vadd.f32 v11, v8;
	v13 =	vadd.bf16 v0, v16;
	v16 =	vld [tilespmem:s5+$0x13370]  }
0x3e0: {  	v7 =	vadd.f32 v19, v7;
	v11 =	vld [tilespmem:s5+$0x13290];
	v12 =	vadd.bf16 v12, v15  }
0x3e1: {  	v6 =	vadd.f32 v9, v6;
	v15 =	vadd.bf16 v0, v18;
	v17 =	vld [tilespmem:s5+$0x133B0]  }
0x3e2: {  	v4 =	vadd.f32 v21, v4;
	v9 =	vld [tilespmem:s5+$0x132A0];
	v12 =	vadd.bf16 v20, v12  }
0x3e3: {  	v3 =	vadd.f32 v10, v3;
	v14 =	vadd.bf16 v22, v14;
	v18 =	vld [tilespmem:s5+$0x133F0]  }
0x3e4: {  	v10 =	vld [tilespmem:s5+$0x132C0];
	v12 =	vadd.bf16 v16, v12  }
0x3e5: {  	v11 =	vadd.bf16 v11, v13;
	v13 =	vld [tilespmem:s5+$0x13430]  }
0x3e6: {  	v16 =	vld [tilespmem:s5+$0x132D0];
	v12 =	vadd.bf16 v17, v12  }
0x3e7: {  	v9 =	vadd.bf16 v9, v15;
	v15 =	vld [tilespmem:s5+$0x13470]  }
0x3e8: {  	v17 =	vld [tilespmem:s5+$0x132E0];
	v12 =	vadd.bf16 v18, v12  }
0x3e9: {  	v10 =	vadd.bf16 v10, v14;
	v14 =	vld [tilespmem:s5+$0x134B0]  }
0x3ea: {  	v18 =	vld [tilespmem:s5+$0x13300];
	v12 =	vadd.bf16 v13, v12  }
0x3eb: {  	v11 =	vadd.bf16 v16, v11;
	v13 =	vld [tilespmem:s5+$0x13310]  }
0x3ec: {  	v16 =	vld [tilespmem:s5+$0x13320];
	v12 =	vadd.bf16 v15, v12  }
0x3ed: {  	v9 =	vadd.bf16 v17, v9;
	v15 =	vld [tilespmem:s5+$0x13340]  }
0x3ee: {  	v17 =	vld [tilespmem:s5+$0x13350];
	v12 =	vadd.bf16 v14, v12  }
0x3ef: {  	v10 =	vadd.bf16 v18, v10;
	v14 =	vld [tilespmem:s5+$0x13360]  }
0x3f0: {  	v11 =	vadd.bf16 v13, v11;
	v13 =	vld [tilespmem:s5+$0x13380];
	v18 =	vshll.u32 v12, $0x10;
	v12 =	vand.u32 $0xFFFF0000, v12  }
0x3f1: {  	v9 =	vadd.bf16 v16, v9;
	v16 =	vld [tilespmem:s5+$0x13390];
	v1 =	vadd.f32 v12, v1  }
0x3f2: {  	v2 =	vadd.f32 v18, v2;
	v10 =	vadd.bf16 v15, v10;
	v12 =	vld [tilespmem:s5+$0x133A0]  }
0x3f3: {  	v11 =	vadd.bf16 v17, v11;
	v15 =	vld [tilespmem:s5+$0x133C0]  }
0x3f4: {  	v9 =	vadd.bf16 v14, v9;
	v14 =	vld [tilespmem:s5+$0x133D0]  }
0x3f5: {  	v10 =	vadd.bf16 v13, v10;
	v13 =	vld [tilespmem:s5+$0x133E0]  }
0x3f6: {  	v11 =	vadd.bf16 v16, v11;
	v16 =	vld [tilespmem:s5+$0x13400]  }
0x3f7: {  	v9 =	vadd.bf16 v12, v9;
	v12 =	vld [tilespmem:s5+$0x13410]  }
0x3f8: {  	v10 =	vadd.bf16 v15, v10;
	v15 =	vld [tilespmem:s5+$0x13420]  }
0x3f9: {  	v11 =	vadd.bf16 v14, v11;
	v17 =	vld [tilespmem:s5+$0x13440]  }
.Ltmp6:
0x3fa: {  	v13 =	vadd.bf16 v13, v9;
	v9 =	vld [tilespmem:s5+$0x13450];
	(pc) =	sbr.rel @p0 .LBB2_15-.Ltmp6, $4  }
0x3fb: {  	v16 =	vadd.bf16 v16, v10;
	v10 =	vld [tilespmem:s5+$0x13460]  }
0x3fc: {  	v14 =	vadd.bf16 v12, v11;
	v11 =	vld [tilespmem:s5+$0x13480]  }
0x3fd: {  	v15 =	vadd.bf16 v15, v13;
	v12 =	vld [tilespmem:s5+$0x13490]  }
0x3fe: {  	v16 =	vadd.bf16 v17, v16;
	v13 =	vld [tilespmem:s5+$0x134A0];
	s5 =	sshra.s32 s7, $0x2;
	s7 =	sadd.s32 $0xA00, s7  }
0x3ff: {  	v17 =	vld [tilespmem:s5+$0x13270]  }
0x400: {  	v18 =	vld [tilespmem:s5+$0x13240]  }
0x401: {  	v19 =	vld [tilespmem:s5+$0x132B0]  }
0x402: {  	v20 =	vld [tilespmem:s5+$0x13250]  }
0x403: {  	v21 =	vld [tilespmem:s5+$0x132F0]  }
0x404: {  	v22 =	vld [tilespmem:s5+$0x13260]  }
0x405: {  	v23 =	vld [tilespmem:s5+$0x13330]  }
0x406: {  	v24 =	vld [tilespmem:s5+$0x13280]  }
0x407: {  	v25 =	vld [tilespmem:s5+$0x13370]  }
0x408: {  	v26 =	vld [tilespmem:s5+$0x13290]  }
0x409: {  	v27 =	vld [tilespmem:s5+$0x133B0]  }
0x40a: {  	v28 =	vld [tilespmem:s5+$0x132A0]  }
0x40b: {  	v29 =	vld [tilespmem:s5+$0x133F0]  }
0x40c: {  	v30 =	vld [tilespmem:s5+$0x132C0]  }
0x40d: {  	v31 =	vld [tilespmem:s5+$0x13430]  }
0x40e: {  	v32 =	vld [tilespmem:s5+$0x132D0]  }
0x40f: {  	v33 =	vld [tilespmem:s5+$0x132E0]  }
0x410: {  	v34 =	vld [tilespmem:s5+$0x13300];
	v9 =	vadd.bf16 v9, v14;
	v10 =	vadd.bf16 v10, v15  }
0x411: {  	v14 =	vld [tilespmem:s5+$0x13310];
	v11 =	vadd.bf16 v11, v16  }
0x412: {  	v55 =	vld [tilespmem:s5+$0x13380];
	v9 =	vadd.bf16 v12, v9;
	v10 =	vadd.bf16 v13, v10  }
0x413: {  	v56 =	vld [tilespmem:s5+$0x13390];
	v13 =	vshll.u32 v11, $0x10;
	v11 =	vand.u32 $0xFFFF0000, v11;
	v12 =	vadd.bf16 v0, v17  }
0x414: {  	v57 =	vld [tilespmem:s5+$0x133A0];
	v17 =	vadd.bf16 v0, v18;
	v8 =	vadd.f32 v11, v8  }
0x415: {  	v58 =	vld [tilespmem:s5+$0x133C0];
	v11 =	vadd.bf16 v0, v22;
	v12 =	vadd.bf16 v19, v12  }
0x416: {  	v15 =	vld [tilespmem:s5+$0x13320];
	v19 =	vadd.bf16 v0, v20;
	v17 =	vadd.bf16 v24, v17  }
0x417: {  	v16 =	vld [tilespmem:s5+$0x13340];
	v5 =	vadd.f32 v13, v5;
	v11 =	vadd.bf16 v28, v11  }
0x418: {  	v13 =	vld [tilespmem:s5+$0x13360];
	v19 =	vadd.bf16 v26, v19;
	v17 =	vadd.bf16 v30, v17  }
0x419: {  	v18 =	vld [tilespmem:s5+$0x13350];
	v59 =	vshll.u32 v9, $0x10;
	v11 =	vadd.bf16 v33, v11  }
0x41a: {  	v60 =	vld [tilespmem:s5+$0x133D0];
	v9 =	vand.u32 $0xFFFF0000, v9;
	v19 =	vadd.bf16 v32, v19;
	v17 =	vadd.bf16 v34, v17  }
0x41b: {  	v61 =	vld [tilespmem:s5+$0x133E0];
	v6 =	vadd.f32 v9, v6;
	v9 =	vadd.bf16 v15, v11  }
0x41c: {  	v11 =	vld [tilespmem:s5+$0x13410];
	v14 =	vadd.bf16 v14, v19;
	v16 =	vadd.bf16 v16, v17  }
0x41d: {  	v12 =	vadd.bf16 v21, v12;
	v17 =	vld [tilespmem:s5+$0x13400];
	v9 =	vadd.bf16 v13, v9  }
0x41e: {  	v13 =	vld [tilespmem:s5+$0x13440];
	v14 =	vadd.bf16 v18, v14;
	v15 =	vadd.bf16 v55, v16  }
0x41f: {  	v7 =	vadd.f32 v59, v7;
	v12 =	vadd.bf16 v23, v12;
	v19 =	vld [tilespmem:s5+$0x13480]  }
0x420: {  	v16 =	vld [tilespmem:s5+$0x13420];
	v14 =	vadd.bf16 v56, v14;
	v15 =	vadd.bf16 v58, v15  }
0x421: {  	v12 =	vadd.bf16 v25, v12;
	v18 =	vld [tilespmem:s5+$0x13450];
	v9 =	vadd.bf16 v57, v9  }
0x422: {  	v62 =	vld [tilespmem:s5+$0x13490];
	v14 =	vadd.bf16 v60, v14;
	v15 =	vadd.bf16 v17, v15  }
0x423: {  	v12 =	vadd.bf16 v27, v12;
	v9 =	vadd.bf16 v61, v9;
	v17 =	vld [tilespmem:s5+$0x13460]  }
0x424: {  	v11 =	vadd.bf16 v11, v14;
	v14 =	vld [tilespmem:s5+$0x13470];
	v13 =	vadd.bf16 v13, v15  }
0x425: {  	v12 =	vadd.bf16 v29, v12;
	v9 =	vadd.bf16 v16, v9;
	v15 =	vld [tilespmem:s5+$0x134A0]  }
0x426: {  	v16 =	vshll.u32 v10, $0x10;
	v11 =	vadd.bf16 v18, v11;
	v13 =	vadd.bf16 v19, v13  }
0x427: {  	v12 =	vadd.bf16 v31, v12;
	v10 =	vand.u32 $0xFFFF0000, v10;
	v4 =	vadd.f32 v16, v4;
	v16 =	vld [tilespmem:s5+$0x134B0]  }
0x428: {  	v9 =	vadd.bf16 v17, v9;
	v11 =	vadd.bf16 v62, v11;
	v17 =	vshll.u32 v13, $0x10  }
0x429: {  	v13 =	vand.u32 $0xFFFF0000, v13;
	v12 =	vadd.bf16 v14, v12;
	v5 =	vadd.f32 v17, v5  }
0x42a: {  	v9 =	vadd.bf16 v15, v9;
	v8 =	vadd.f32 v13, v8;
	v14 =	vshll.u32 v11, $0x10  }
0x42b: {  	v3 =	vadd.f32 v10, v3;
	v10 =	vand.u32 $0xFFFF0000, v11;
	v7 =	vadd.f32 v14, v7;
	[tilespmem:s12+$0x19740] =	vst v5  }
0x42c: {  	v5 =	vadd.bf16 v16, v12;
	v11 =	vshll.u32 v9, $0x10;
	v6 =	vadd.f32 v10, v6;
	[tilespmem:s12+$0x19750] =	vst v8  }
0x42d: {  	v8 =	vand.u32 $0xFFFF0000, v9;
	v4 =	vadd.f32 v11, v4;
	[tilespmem:s12+$0x19760] =	vst v7  }
0x42e: {  	v3 =	vadd.f32 v8, v3;
	v7 =	vshll.u32 v5, $0x10;
	[tilespmem:s12+$0x19770] =	vst v6  }
0x42f: {  	v5 =	vand.u32 $0xFFFF0000, v5;
	v2 =	vadd.f32 v7, v2;
	[tilespmem:s12+$0x19780] =	vst v4  }
0x430: {  	v1 =	vadd.f32 v5, v1;
	[tilespmem:s12+$0x19790] =	vst v3  }
0x431: {  	[tilespmem:s12+$0x197A0] =	vst v2  }
0x432: {  	s14 =	simm.s32 $0x0;
	[tilespmem:s12+$0x197B0] =	vst v1  }
0x433: {  	v1 =	vld [tilespmem:s14+$0x16470]  }
0x434: {  	v2 =	vld [tilespmem:s14+$0x16440]  }
0x435: {  	v3 =	vld [tilespmem:s14+$0x164B0]  }
0x436: {  	v4 =	vld [tilespmem:s14+$0x16450]  }
0x437: {  	v5 =	vld [tilespmem:s14+$0x164F0]  }
0x438: {  	v6 =	vld [tilespmem:s14+$0x16460]  }
0x439: {  	v7 =	vld [tilespmem:s14+$0x16530]  }
0x43a: {  	v8 =	vld [tilespmem:s14+$0x16480]  }
0x43b: {  	v9 =	vld [tilespmem:s14+$0x16570]  }
0x43c: {  	v10 =	vld [tilespmem:s14+$0x16490]  }
0x43d: {  	v11 =	vld [tilespmem:s14+$0x165B0]  }
0x43e: {  	v12 =	vld [tilespmem:s14+$0x164A0]  }
0x43f: {  	v13 =	vld [tilespmem:s14+$0x165F0];
	v1 =	vadd.bf16 v0, v1  }
0x440: {  	v14 =	vld [tilespmem:s14+$0x164C0]  }
0x441: {  	v15 =	vld [tilespmem:s14+$0x16630];
	v1 =	vadd.bf16 v3, v1  }
0x442: {  	v16 =	vld [tilespmem:s14+$0x16670]  }
0x443: {  	v17 =	vld [tilespmem:s14+$0x166B0];
	v1 =	vadd.bf16 v5, v1  }
0x444: {  	v18 =	vld [tilespmem:s14+$0x16510]  }
0x445: {  	v19 =	vld [tilespmem:s14+$0x16540];
	v1 =	vadd.bf16 v7, v1  }
0x446: {  	v63 =	vld [tilespmem:s14+$0x16560];
	v2 =	vadd.bf16 v0, v2  }
0x447: {  	v3 =	vld [tilespmem:s14+$0x164D0];
	v1 =	vadd.bf16 v9, v1  }
0x448: {  	v2 =	vadd.bf16 v8, v2;
	v8 =	vld [tilespmem:s14+$0x16580]  }
0x449: {  	v5 =	vld [tilespmem:s14+$0x164E0];
	v1 =	vadd.bf16 v11, v1  }
0x44a: {  	v4 =	vadd.bf16 v0, v4;
	v6 =	vadd.bf16 v0, v6;
	v7 =	vld [tilespmem:s14+$0x16500]  }
0x44b: {  	v9 =	vld [tilespmem:s14+$0x16520];
	v1 =	vadd.bf16 v13, v1  }
0x44c: {  	v4 =	vadd.bf16 v10, v4;
	v6 =	vadd.bf16 v12, v6;
	v10 =	vld [tilespmem:s14+$0x16590]  }
0x44d: {  	v2 =	vadd.bf16 v14, v2;
	v11 =	vld [tilespmem:s14+$0x16550];
	v1 =	vadd.bf16 v15, v1  }
0x44e: {  	v12 =	vld [tilespmem:s14+$0x165A0];
	v3 =	vadd.bf16 v3, v4;
	v4 =	vadd.bf16 v5, v6  }
0x44f: {  	v6 =	vld [tilespmem:s14+$0x165C0];
	v2 =	vadd.bf16 v7, v2;
	v1 =	vadd.bf16 v16, v1  }
0x450: {  	v3 =	vadd.bf16 v18, v3;
	v7 =	vld [tilespmem:s14+$0x165D0];
	v4 =	vadd.bf16 v9, v4  }
0x451: {  	v9 =	vld [tilespmem:s14+$0x165E0];
	v13 =	vadd.bf16 v17, v1;
	v1 =	vadd.bf16 v19, v2  }
0x452: {  	v14 =	vld [tilespmem:s14+$0x16600];
	v2 =	vadd.bf16 v11, v3;
	v3 =	vadd.bf16 v63, v4  }
0x453: {  	v4 =	vld [tilespmem:s14+$0x16610];
	v8 =	vadd.bf16 v8, v1  }
0x454: {  	v15 =	vld [tilespmem:s14+$0x16620];
	v2 =	vadd.bf16 v10, v2;
	v3 =	vadd.bf16 v12, v3  }
0x455: {  	v5 =	vimm.f32 $0.0e+00;
	v16 =	vld [tilespmem:s14+$0x16640];
	v1 =	vand.u32 $0xFFFF0000, v13;
	v6 =	vadd.bf16 v6, v8  }
0x456: {  	v8 =	vshll.u32 v13, $0x10;
	v7 =	vadd.bf16 v7, v2;
	v3 =	vadd.bf16 v9, v3;
	v9 =	vld [tilespmem:s14+$0x16650]  }
0x457: {  	v10 =	vld [tilespmem:s14+$0x16660];
	v1 =	vadd.f32 v1, v5;
	v2 =	vadd.f32 v8, v5  }
0x458: {  	v11 =	vld [tilespmem:s14+$0x16680];
	v8 =	vimm.f32 $0.0e+00;
	v6 =	vadd.bf16 v14, v6;
	v14 =	vadd.bf16 v4, v7  }
0x459: {  	v12 =	vld [tilespmem:s14+$0x16690];
	v15 =	vadd.bf16 v15, v3;
	v7 =	vimm.f32 $0.0e+00;
	v4 =	vimm.f32 $0.0e+00  }
0x45a: {  	s7 =	simm.s32 $0x1400;
	s5 =	simm.s32 $0x280;
	v13 =	vld [tilespmem:s14+$0x166A0];
	v3 =	vimm.f32 $0.0e+00;
	v16 =	vadd.bf16 v16, v6;
	v6 =	vimm.f32 $0.0e+00  }
.LBB2_17:
0x45b: {  	p0 =	sne.s32 s7, $0xBE00;
	v17 =	vld [tilespmem:s5+$0x16470];
	v9 =	vadd.bf16 v9, v14  }
0x45c: {  	v14 =	vld [tilespmem:s5+$0x16440];
	v10 =	vadd.bf16 v10, v15  }
0x45d: {  	v15 =	vld [tilespmem:s5+$0x164B0];
	v11 =	vadd.bf16 v11, v16  }
0x45e: {  	v16 =	vld [tilespmem:s5+$0x16450];
	v9 =	vadd.bf16 v12, v9  }
0x45f: {  	v12 =	vld [tilespmem:s5+$0x164F0];
	v10 =	vadd.bf16 v13, v10;
	v13 =	vshll.u32 v11, $0x10;
	v11 =	vand.u32 $0xFFFF0000, v11  }
0x460: {  	v18 =	vld [tilespmem:s5+$0x16460];
	v17 =	vadd.bf16 v0, v17;
	v19 =	vshll.u32 v9, $0x10;
	v9 =	vand.u32 $0xFFFF0000, v9  }
0x461: {  	v14 =	vadd.bf16 v0, v14;
	v20 =	vld [tilespmem:s5+$0x16530];
	v21 =	vshll.u32 v10, $0x10;
	v10 =	vand.u32 $0xFFFF0000, v10  }
0x462: {  	v5 =	vadd.f32 v13, v5;
	v22 =	vld [tilespmem:s5+$0x16480];
	v15 =	vadd.bf16 v15, v17  }
0x463: {  	v8 =	vadd.f32 v11, v8;
	v13 =	vadd.bf16 v0, v16;
	v16 =	vld [tilespmem:s5+$0x16570]  }
0x464: {  	v7 =	vadd.f32 v19, v7;
	v11 =	vld [tilespmem:s5+$0x16490];
	v12 =	vadd.bf16 v12, v15  }
0x465: {  	v6 =	vadd.f32 v9, v6;
	v15 =	vadd.bf16 v0, v18;
	v17 =	vld [tilespmem:s5+$0x165B0]  }
0x466: {  	v4 =	vadd.f32 v21, v4;
	v9 =	vld [tilespmem:s5+$0x164A0];
	v12 =	vadd.bf16 v20, v12  }
0x467: {  	v3 =	vadd.f32 v10, v3;
	v14 =	vadd.bf16 v22, v14;
	v18 =	vld [tilespmem:s5+$0x165F0]  }
0x468: {  	v10 =	vld [tilespmem:s5+$0x164C0];
	v12 =	vadd.bf16 v16, v12  }
0x469: {  	v11 =	vadd.bf16 v11, v13;
	v13 =	vld [tilespmem:s5+$0x16630]  }
0x46a: {  	v16 =	vld [tilespmem:s5+$0x164D0];
	v12 =	vadd.bf16 v17, v12  }
0x46b: {  	v9 =	vadd.bf16 v9, v15;
	v15 =	vld [tilespmem:s5+$0x16670]  }
0x46c: {  	v17 =	vld [tilespmem:s5+$0x164E0];
	v12 =	vadd.bf16 v18, v12  }
0x46d: {  	v10 =	vadd.bf16 v10, v14;
	v14 =	vld [tilespmem:s5+$0x166B0]  }
0x46e: {  	v18 =	vld [tilespmem:s5+$0x16500];
	v12 =	vadd.bf16 v13, v12  }
0x46f: {  	v11 =	vadd.bf16 v16, v11;
	v13 =	vld [tilespmem:s5+$0x16510]  }
0x470: {  	v16 =	vld [tilespmem:s5+$0x16520];
	v12 =	vadd.bf16 v15, v12  }
0x471: {  	v9 =	vadd.bf16 v17, v9;
	v15 =	vld [tilespmem:s5+$0x16540]  }
0x472: {  	v17 =	vld [tilespmem:s5+$0x16550];
	v12 =	vadd.bf16 v14, v12  }
0x473: {  	v10 =	vadd.bf16 v18, v10;
	v14 =	vld [tilespmem:s5+$0x16560]  }
0x474: {  	v11 =	vadd.bf16 v13, v11;
	v13 =	vld [tilespmem:s5+$0x16580];
	v18 =	vshll.u32 v12, $0x10;
	v12 =	vand.u32 $0xFFFF0000, v12  }
0x475: {  	v9 =	vadd.bf16 v16, v9;
	v16 =	vld [tilespmem:s5+$0x16590];
	v1 =	vadd.f32 v12, v1  }
0x476: {  	v2 =	vadd.f32 v18, v2;
	v10 =	vadd.bf16 v15, v10;
	v12 =	vld [tilespmem:s5+$0x165A0]  }
0x477: {  	v11 =	vadd.bf16 v17, v11;
	v15 =	vld [tilespmem:s5+$0x165C0]  }
0x478: {  	v9 =	vadd.bf16 v14, v9;
	v14 =	vld [tilespmem:s5+$0x165D0]  }
0x479: {  	v10 =	vadd.bf16 v13, v10;
	v13 =	vld [tilespmem:s5+$0x165E0]  }
0x47a: {  	v11 =	vadd.bf16 v16, v11;
	v16 =	vld [tilespmem:s5+$0x16600]  }
0x47b: {  	v9 =	vadd.bf16 v12, v9;
	v12 =	vld [tilespmem:s5+$0x16610]  }
0x47c: {  	v10 =	vadd.bf16 v15, v10;
	v15 =	vld [tilespmem:s5+$0x16620]  }
0x47d: {  	v11 =	vadd.bf16 v14, v11;
	v17 =	vld [tilespmem:s5+$0x16640]  }
.Ltmp7:
0x47e: {  	v13 =	vadd.bf16 v13, v9;
	v9 =	vld [tilespmem:s5+$0x16650];
	(pc) =	sbr.rel @p0 .LBB2_17-.Ltmp7, $4  }
0x47f: {  	v16 =	vadd.bf16 v16, v10;
	v10 =	vld [tilespmem:s5+$0x16660]  }
0x480: {  	v14 =	vadd.bf16 v12, v11;
	v11 =	vld [tilespmem:s5+$0x16680]  }
0x481: {  	v15 =	vadd.bf16 v15, v13;
	v12 =	vld [tilespmem:s5+$0x16690]  }
0x482: {  	v16 =	vadd.bf16 v17, v16;
	v13 =	vld [tilespmem:s5+$0x166A0];
	s5 =	sshra.s32 s7, $0x2;
	s7 =	sadd.s32 $0xA00, s7  }
0x483: {  	v17 =	vld [tilespmem:s5+$0x16470]  }
0x484: {  	v18 =	vld [tilespmem:s5+$0x16440]  }
0x485: {  	v19 =	vld [tilespmem:s5+$0x164B0]  }
0x486: {  	v20 =	vld [tilespmem:s5+$0x16450]  }
0x487: {  	v21 =	vld [tilespmem:s5+$0x164F0]  }
0x488: {  	v22 =	vld [tilespmem:s5+$0x16460]  }
0x489: {  	v23 =	vld [tilespmem:s5+$0x16530]  }
0x48a: {  	v24 =	vld [tilespmem:s5+$0x16480]  }
0x48b: {  	v25 =	vld [tilespmem:s5+$0x16570]  }
0x48c: {  	v26 =	vld [tilespmem:s5+$0x16490]  }
0x48d: {  	v27 =	vld [tilespmem:s5+$0x165B0]  }
0x48e: {  	v28 =	vld [tilespmem:s5+$0x164A0]  }
0x48f: {  	v29 =	vld [tilespmem:s5+$0x165F0]  }
0x490: {  	v30 =	vld [tilespmem:s5+$0x164C0]  }
0x491: {  	v31 =	vld [tilespmem:s5+$0x16630]  }
0x492: {  	v32 =	vld [tilespmem:s5+$0x164D0]  }
0x493: {  	v33 =	vld [tilespmem:s5+$0x164E0]  }
0x494: {  	v34 =	vld [tilespmem:s5+$0x16500]  }
0x495: {  	v9 =	vadd.bf16 v9, v14;
	v55 =	vld [tilespmem:s5+$0x16510];
	v10 =	vadd.bf16 v10, v15  }
0x496: {  	v56 =	vld [tilespmem:s5+$0x16520];
	v11 =	vadd.bf16 v11, v16  }
0x497: {  	v58 =	vld [tilespmem:s5+$0x16540];
	v9 =	vadd.bf16 v12, v9;
	v10 =	vadd.bf16 v13, v10  }
0x498: {  	v61 =	vld [tilespmem:s5+$0x16550];
	v59 =	vshll.u32 v11, $0x10;
	v57 =	vadd.bf16 v0, v17;
	v60 =	vadd.bf16 v0, v18  }
0x499: {  	v62 =	vld [tilespmem:s5+$0x16560];
	v11 =	vand.u32 $0xFFFF0000, v11;
	v5 =	vadd.f32 v59, v5;
	v63 =	vadd.bf16 v0, v20  }
0x49a: {  	v35 =	vld [tilespmem:s5+$0x16580];
	v8 =	vadd.f32 v11, v8;
	v17 =	vadd.bf16 v24, v60  }
0x49b: {  	v37 =	vld [tilespmem:s5+$0x16590];
	v36 =	vadd.bf16 v0, v22;
	v12 =	vadd.bf16 v19, v57  }
0x49c: {  	v38 =	vld [tilespmem:s5+$0x165A0];
	v40 =	vshll.u32 v9, $0x10;
	v19 =	vadd.bf16 v26, v63;
	v17 =	vadd.bf16 v30, v17  }
0x49d: {  	v39 =	vld [tilespmem:s5+$0x165C0];
	v7 =	vadd.f32 v40, v7;
	v11 =	vadd.bf16 v28, v36  }
0x49e: {  	v41 =	vld [tilespmem:s5+$0x165D0];
	v9 =	vand.u32 $0xFFFF0000, v9;
	v19 =	vadd.bf16 v32, v19;
	v17 =	vadd.bf16 v34, v17  }
0x49f: {  	v42 =	vld [tilespmem:s5+$0x165E0];
	v6 =	vadd.f32 v9, v6;
	v11 =	vadd.bf16 v33, v11  }
0x4a0: {  	v43 =	vld [tilespmem:s5+$0x16600];
	v14 =	vadd.bf16 v55, v19;
	v16 =	vadd.bf16 v58, v17  }
0x4a1: {  	v45 =	vld [tilespmem:s5+$0x16610];
	v12 =	vadd.bf16 v21, v12;
	v44 =	vadd.bf16 v56, v11  }
0x4a2: {  	v47 =	vld [tilespmem:s5+$0x16620];
	v14 =	vadd.bf16 v61, v14;
	v46 =	vadd.bf16 v35, v16  }
0x4a3: {  	v48 =	vld [tilespmem:s5+$0x16640];
	v12 =	vadd.bf16 v23, v12;
	v9 =	vadd.bf16 v62, v44  }
0x4a4: {  	v49 =	vld [tilespmem:s5+$0x16650];
	v14 =	vadd.bf16 v37, v14;
	v15 =	vadd.bf16 v39, v46  }
0x4a5: {  	v50 =	vld [tilespmem:s5+$0x16680];
	v12 =	vadd.bf16 v25, v12;
	v9 =	vadd.bf16 v38, v9  }
0x4a6: {  	v51 =	vld [tilespmem:s5+$0x16660];
	v14 =	vadd.bf16 v41, v14;
	v15 =	vadd.bf16 v43, v15  }
0x4a7: {  	v52 =	vld [tilespmem:s5+$0x16690];
	v12 =	vadd.bf16 v27, v12;
	v9 =	vadd.bf16 v42, v9  }
0x4a8: {  	v53 =	vld [tilespmem:s5+$0x16670];
	v11 =	vadd.bf16 v45, v14;
	v13 =	vadd.bf16 v48, v15  }
0x4a9: {  	v54 =	vld [tilespmem:s5+$0x166A0];
	v12 =	vadd.bf16 v29, v12;
	v9 =	vadd.bf16 v47, v9  }
0x4aa: {  	v55 =	vshll.u32 v10, $0x10;
	v11 =	vadd.bf16 v49, v11;
	v13 =	vadd.bf16 v50, v13  }
0x4ab: {  	v10 =	vand.u32 $0xFFFF0000, v10;
	v56 =	vld [tilespmem:s5+$0x166B0];
	v4 =	vadd.f32 v55, v4;
	v12 =	vadd.bf16 v31, v12  }
0x4ac: {  	v9 =	vadd.bf16 v51, v9;
	v11 =	vadd.bf16 v52, v11;
	v57 =	vshll.u32 v13, $0x10  }
0x4ad: {  	v12 =	vadd.bf16 v53, v12;
	v13 =	vand.u32 $0xFFFF0000, v13;
	v5 =	vadd.f32 v57, v5  }
0x4ae: {  	v9 =	vadd.bf16 v54, v9;
	v58 =	vshll.u32 v11, $0x10;
	v8 =	vadd.f32 v13, v8  }
0x4af: {  	v3 =	vadd.f32 v10, v3;
	v59 =	vand.u32 $0xFFFF0000, v11;
	v7 =	vadd.f32 v58, v7;
	[tilespmem:s12+$0x197C0] =	vst v5  }
0x4b0: {  	v60 =	vadd.bf16 v56, v12;
	v61 =	vshll.u32 v9, $0x10;
	v6 =	vadd.f32 v59, v6;
	[tilespmem:s12+$0x197D0] =	vst v8  }
0x4b1: {  	v62 =	vand.u32 $0xFFFF0000, v9;
	v4 =	vadd.f32 v61, v4;
	[tilespmem:s12+$0x197E0] =	vst v7  }
0x4b2: {  	s20 =	sand.u32 $0x7, s8;
	v63 =	vshll.u32 v60, $0x10;
	v3 =	vadd.f32 v62, v3;
	[tilespmem:s12+$0x197F0] =	vst v6  }
0x4b3: {  	p0 =	sne.s32 s20, $0x7;
	v2 =	vadd.f32 v63, v2;
	v5 =	vand.u32 $0xFFFF0000, v60;
	[tilespmem:s12+$0x19800] =	vst v4  }
0x4b4: {  	s5 =	sshll.u32 @!p0 s8, $0x7;
	[tilespmem:s12+$0x19810] =	vst v3;
	v1 =	vadd.f32 v5, v1  }
0x4b5: {  	s7 =	simm.s32 @!p0 $0x0;
	s8 =	sadd.s32 $0x1, s8;
	s5 =	sand.u32 @!p0 $0x1C00, s5;
	[tilespmem:s12+$0x19820] =	vst v2  }
0x4b6: {  	p1 =	sne.s32 s8, $0x40;
	s5 =	sadd.s32 @!p0 s5, s11;
	[tilespmem:s12+$0x19830] =	vst v1;
	s12 =	simm.s32 @!p0 $0x19640  }
0x4b7: {  	[hbm4b:s5+s7] =	stream.linear.scatter @!p0 [tilespmem:s12], [sflag:$0x4], $0x2000, $0x38;
	[tilespmem:$0x1B640] =	vst v63  }
.Ltmp8:
0x4b8: {  	_ = 	snop;
	(pc) =	sbr.rel @p1 .LBB2_2-.Ltmp8, $4  }
0x4b9: {  	s5 =	simm.s32 @!p0 $0x4  }
0x4ba: {  	_ =	swait.ge @!p0 [sflag:s5], $0x2000  }
0x4bb: {  	[sflag:s5] =	ssyncset.done @!p0 $0x0  }
0x4bc: {  	[sflag:s5] =	ssyncadd.s32 @!p0 $0xFFFFE000  }
0x4bd: {  	s7 =	rddreg [dreg:$0x8]  }
0x4be: {  	s5 =	rddreg [dreg:$0x7];
	s7 =	sadd.s32 $0x1, s7  }
0x4bf: {  	p0 =	sne.s32 s7, s5  }
.Ltmp9:
0x4c0: {  	_ = 	snop;
	(pc) =	sbr.rel @p0 .LBB2_1-.Ltmp9, $1  }
0x4c1: {  	_ =	sdelay $0x3  }
0x4c2: {  	_ =	sfence.sel $0x180000  }
0x4c3: {  	[bflag:$0x0] =	sbarrier.arrive $0xFFFF  }
0x4c4: {  	_ =	strace $0x90000047  }
0x4c5: {  	s0 =	stileid.u32;
	[bflag:$0x2] =	sbarrier.arrive $0xFFFF  }
0x4c6: {  	p0 =	sne.s32 s0, $0x0;
	s0 =	rddreg [dreg:$0x2]  }
0x4c7: {  	s0 =	sadd.s32 @!p0 $0x100000, s0  }
0x4c8: {  	[sflag:s0] =	ssyncadd.tile.s32 @!p0 $0x1;
	_ =	shalt  }
.Lfunc_end2:
_tile_overlayer_lowered:
.L_overlay_start_2:
0x4c9: {  	(tag) =	ssettag $0x2  }
0x4ca: {  	s0 =	rddreg [dreg:$0x0];
	s2 =	stileid.u32  }
0x4cb: {  	s1 =	rddreg [dreg:$0x1];
	p0 =	sne.s32 s2, $0x0  }
0x4cc: {  	s3 =	rddreg [dreg:$0x2];
	[bflag:$0x3] =	sbarrier.arrive $0xFFFF;
	s2 =	simm.s32 @!p0 $0x1C04  }
0x4cd: {  	[timem:s3], [sflag:s2] =	dma.local @!p0 [hbm:s0], s1  }
0x4ce: {  	s0 =	simm.s32 @!p0 $0x4  }
0x4cf: {  	_ =	swait.ge @!p0 [sflag:s0], s1  }
0x4d0: {  	s1 =	ssub.s32 @!p0 $0x0, s1;
	[sflag:s0] =	ssyncset.done @!p0 $0x0  }
0x4d1: {  	[sflag:s0] =	ssyncadd.s32 @!p0 s1  }
0x4d2: {  	[bflag:$0x3] =	sbarrier.arrive $0xFFFF  }
0x4d3: {  	_ =	shalt  }

</sc_bundles>
